<compile_context>
chip_gen: v7x
topology: tpu7x:2x2x1
jax: 0.10.2.dev20260603
libtpu: 0.0.44.dev20260713+nightly
codegen_flags: <defaults>
</compile_context>

<pallas_src>
import functools

import jax
import jax.numpy as jnp
from jax import lax
from jax.experimental import pallas as pl
from jax.experimental.pallas import tpu as pltpu
from jax.experimental.pallas import tpu_sc as plsc

N = 10000
E = 320000
D = 128
HEADS = 8
LANES = 16

N_PAD = 10240
E_TOT = E + N
NW = 32
B = 128
CHUNKS = -(-E_TOT // (NW * B))
E_PAD = CHUNKS * NW * B
EPT = CHUNKS * B
RPT = N_PAD // 16


def _tc_in_body(x_ref, w_ref, as_ref, ad_ref, h_ref, sa_ref, sd_ref):
    h = jnp.dot(x_ref[...], w_ref[...], preferred_element_type=jnp.float32)
    h_ref[...] = h
    sa_ref[...] = jnp.dot(h, as_ref[...], preferred_element_type=jnp.float32)
    sd_ref[...] = jnp.dot(h, ad_ref[...], preferred_element_type=jnp.float32)


def _tc_mid_body(o_ref, d_ref, b0_ref, w_ref, as_ref, ad_ref,
                 h_ref, sa_ref, sd_ref):
    osum = o_ref[0] + o_ref[1]
    den = d_ref[0] + d_ref[1]
    bn = den.shape[0]
    drep = jnp.broadcast_to(den[:, :HEADS, None], (bn, HEADS, LANES)).reshape(bn, D)
    hb = jnp.maximum(osum / (drep + 1e-16) + b0_ref[...], 0.0)
    h = jnp.dot(hb, w_ref[...], preferred_element_type=jnp.float32)
    h_ref[...] = h
    sa_ref[...] = jnp.dot(h, as_ref[...], preferred_element_type=jnp.float32)
    sd_ref[...] = jnp.dot(h, ad_ref[...], preferred_element_type=jnp.float32)


def _tc_out_body(o_ref, d_ref, b1_ref, wc_ref, bc_ref, out_ref):
    osum = o_ref[0] + o_ref[1]
    den = d_ref[0, :, 0:1] + d_ref[1, :, 0:1]
    hb = osum / (den + 1e-16) + b1_ref[...]
    out_ref[...] = jnp.dot(hb, wc_ref[...], preferred_element_type=jnp.float32) + bc_ref[...]


def _sc_score_body(src_hbm, dst_hbm, sa_hbm, sd_hbm,
                   score_hbm, den_hbm,
                   src_va, dst_va, sa_ra, sd_ra, sc_ra,
                   src_vb, dst_vb, sa_rb, sd_rb, sc_rb,
                   sem_aa, sem_ab, sem_ba, sem_bb,
                   den_sh):
    c = lax.axis_index("c")
    s = lax.axis_index("s")
    wid = c * 16 + s
    zv = jnp.zeros((LANES,), jnp.float32)

    def zrow(r, _):
        sc_ra[r, :] = zv
        return 0
    lax.fori_loop(0, B, zrow, 0)

    def zcopy(k, _):
        pltpu.sync_copy(sc_ra, den_sh.at[pl.ds(s * RPT + k * B, B)])
        return 0
    lax.fori_loop(0, RPT // B, zcopy, 0)
    plsc.subcore_barrier()

    def fire(base, src_v, dst_v, sa_r, sd_r, sem_a, sem_b):
        pltpu.sync_copy(src_hbm.at[pl.ds(base, B)], src_v)
        pltpu.sync_copy(dst_hbm.at[pl.ds(base, B)], dst_v)
        pltpu.async_copy(sa_hbm.at[src_v], sa_r, sem_a)
        pltpu.async_copy(sd_hbm.at[dst_v], sd_r, sem_b)

    def process(base, src_v, dst_v, sa_r, sd_r, sc_r, sem_a, sem_b):
        pltpu.make_async_copy(sa_hbm.at[src_v], sa_r, sem_a).wait()
        pltpu.make_async_copy(sd_hbm.at[dst_v], sd_r, sem_b).wait()
        def edge_body(e, _):
            sv = sa_r[e, :] + sd_r[e, :]
            sv = jnp.where(sv > 0.0, sv, 0.2 * sv)
            sc_r[e, :] = jnp.exp(sv)
            return 0
        lax.fori_loop(0, B, edge_body, 0)
        pltpu.sync_copy(sc_r, score_hbm.at[pl.ds(base, B)])
        pltpu.sync_copy(sc_r, den_sh.at[dst_v], add=True)

    fire(wid * EPT, src_va, dst_va, sa_ra, sd_ra, sem_aa, sem_ab)

    def pair_body(g, _):
        ba = wid * EPT + (2 * g) * B
        fire(ba + B, src_vb, dst_vb, sa_rb, sd_rb, sem_ba, sem_bb)
        process(ba, src_va, dst_va, sa_ra, sd_ra, sc_ra, sem_aa, sem_ab)
        fire(ba + 2 * B, src_va, dst_va, sa_ra, sd_ra, sem_aa, sem_ab)
        process(ba + B, src_vb, dst_vb, sa_rb, sd_rb, sc_rb, sem_ba, sem_bb)
        return 0
    lax.fori_loop(0, (CHUNKS - 1) // 2, pair_body, 0)
    process(wid * EPT + (CHUNKS - 1) * B, src_va, dst_va, sa_ra, sd_ra, sc_ra,
            sem_aa, sem_ab)
    plsc.subcore_barrier()

    pltpu.sync_copy(den_sh.at[pl.ds(s * RPT, RPT)], den_hbm.at[c, pl.ds(s * RPT, RPT)])


def _sc_agg_body(src_hbm, dst_hbm, score_hbm, h_hbm,
                 out_hbm,
                 src_va, dst_va, sc_ra, h_ra,
                 src_vb, dst_vb, sc_rb, h_rb,
                 sem_ha, sem_hb,
                 out_sh):
    c = lax.axis_index("c")
    s = lax.axis_index("s")
    wid = c * 16 + s
    zv = jnp.zeros((LANES,), jnp.float32)

    def zrow(r, _):
        for j in range(D // LANES):
            h_ra[r, pl.ds(j * LANES, LANES)] = zv
        return 0
    lax.fori_loop(0, B, zrow, 0)

    def zcopy(k, _):
        pltpu.sync_copy(h_ra, out_sh.at[pl.ds(s * RPT + k * B, B)])
        return 0
    lax.fori_loop(0, RPT // B, zcopy, 0)
    plsc.subcore_barrier()

    def fire(base, src_v, dst_v, h_r, sem_h):
        pltpu.sync_copy(src_hbm.at[pl.ds(base, B)], src_v)
        pltpu.sync_copy(dst_hbm.at[pl.ds(base, B)], dst_v)
        pltpu.async_copy(h_hbm.at[src_v], h_r, sem_h)

    def process(base, src_v, dst_v, sc_r, h_r, sem_h):
        pltpu.sync_copy(score_hbm.at[pl.ds(base, B)], sc_r)
        pltpu.make_async_copy(h_hbm.at[src_v], h_r, sem_h).wait()
        def scale_body(e, _):
            scv = sc_r[e, :]
            for j in range(HEADS):
                h_r[e, pl.ds(j * LANES, LANES)] = (
                    h_r[e, pl.ds(j * LANES, LANES)] * scv[j])
            return 0
        lax.fori_loop(0, B, scale_body, 0)
        pltpu.sync_copy(h_r, out_sh.at[dst_v], add=True)

    fire(wid * EPT, src_va, dst_va, h_ra, sem_ha)

    def pair_body(g, _):
        ba = wid * EPT + (2 * g) * B
        fire(ba + B, src_vb, dst_vb, h_rb, sem_hb)
        process(ba, src_va, dst_va, sc_ra, h_ra, sem_ha)
        fire(ba + 2 * B, src_va, dst_va, h_ra, sem_ha)
        process(ba + B, src_vb, dst_vb, sc_rb, h_rb, sem_hb)
        return 0
    lax.fori_loop(0, (CHUNKS - 1) // 2, pair_body, 0)
    process(wid * EPT + (CHUNKS - 1) * B, src_va, dst_va, sc_ra, h_ra, sem_ha)
    plsc.subcore_barrier()

    pltpu.sync_copy(out_sh.at[pl.ds(s * RPT, RPT)], out_hbm.at[c, pl.ds(s * RPT, RPT)])


@functools.cache
def _make_score_kernel():
  return pl.kernel(
    _sc_score_body,
    out_type=(jax.ShapeDtypeStruct((E_PAD, LANES), jnp.float32),
              jax.ShapeDtypeStruct((2, N_PAD, LANES), jnp.float32)),
    mesh=plsc.VectorSubcoreMesh(core_axis_name="c", subcore_axis_name="s",
                                num_cores=2, num_subcores=16),
    scratch_types=[
        pltpu.VMEM((B,), jnp.int32),
        pltpu.VMEM((B,), jnp.int32),
        pltpu.VMEM((B, LANES), jnp.float32),
        pltpu.VMEM((B, LANES), jnp.float32),
        pltpu.VMEM((B, LANES), jnp.float32),
        pltpu.VMEM((B,), jnp.int32),
        pltpu.VMEM((B,), jnp.int32),
        pltpu.VMEM((B, LANES), jnp.float32),
        pltpu.VMEM((B, LANES), jnp.float32),
        pltpu.VMEM((B, LANES), jnp.float32),
        pltpu.SemaphoreType.DMA,
        pltpu.SemaphoreType.DMA,
        pltpu.SemaphoreType.DMA,
        pltpu.SemaphoreType.DMA,
        pltpu.VMEM_SHARED((N_PAD, LANES), jnp.float32),
    ],
    compiler_params=pltpu.CompilerParams(use_tc_tiling_on_sc=False),
  )


@functools.cache
def _make_agg_kernel():
  return pl.kernel(
    _sc_agg_body,
    out_type=jax.ShapeDtypeStruct((2, N_PAD, D), jnp.float32),
    mesh=plsc.VectorSubcoreMesh(core_axis_name="c", subcore_axis_name="s",
                                num_cores=2, num_subcores=16),
    scratch_types=[
        pltpu.VMEM((B,), jnp.int32),
        pltpu.VMEM((B,), jnp.int32),
        pltpu.VMEM((B, LANES), jnp.float32),
        pltpu.VMEM((B, D), jnp.float32),
        pltpu.VMEM((B,), jnp.int32),
        pltpu.VMEM((B,), jnp.int32),
        pltpu.VMEM((B, LANES), jnp.float32),
        pltpu.VMEM((B, D), jnp.float32),
        pltpu.SemaphoreType.DMA,
        pltpu.SemaphoreType.DMA,
        pltpu.VMEM_SHARED((N_PAD, D), jnp.float32),
    ],
    compiler_params=pltpu.CompilerParams(use_tc_tiling_on_sc=False),
  )

BN = 512
_GRID = (N_PAD // BN,)


def _full(shape):
    return pl.BlockSpec(shape, lambda i: tuple(0 for _ in shape))


def _rows(shape):
    return pl.BlockSpec(shape, lambda i: (i,) + tuple(0 for _ in shape[1:]))


def _rows3(shape):
    return pl.BlockSpec(shape, lambda i: (0, i, 0))


_tc_in = pl.pallas_call(
    _tc_in_body,
    grid=_GRID,
    in_specs=[_rows((BN, D)), _full((D, D)), _full((D, LANES)), _full((D, LANES))],
    out_specs=[_rows((BN, D)), _rows((BN, LANES)), _rows((BN, LANES))],
    out_shape=[jax.ShapeDtypeStruct((N_PAD, D), jnp.float32),
               jax.ShapeDtypeStruct((N_PAD, LANES), jnp.float32),
               jax.ShapeDtypeStruct((N_PAD, LANES), jnp.float32)],
)

_tc_mid = pl.pallas_call(
    _tc_mid_body,
    grid=_GRID,
    in_specs=[_rows3((2, BN, D)), _rows3((2, BN, LANES)), _full((D,)),
              _full((D, D)), _full((D, LANES)), _full((D, LANES))],
    out_specs=[_rows((BN, D)), _rows((BN, LANES)), _rows((BN, LANES))],
    out_shape=[jax.ShapeDtypeStruct((N_PAD, D), jnp.float32),
               jax.ShapeDtypeStruct((N_PAD, LANES), jnp.float32),
               jax.ShapeDtypeStruct((N_PAD, LANES), jnp.float32)],
)

_tc_out = pl.pallas_call(
    _tc_out_body,
    grid=_GRID,
    in_specs=[_rows3((2, BN, D)), _rows3((2, BN, LANES)), _full((D,)),
              _full((D, D)), _full((D,))],
    out_specs=[_rows((BN, D))],
    out_shape=[jax.ShapeDtypeStruct((N_PAD, D), jnp.float32)],
)


def kernel(x, edge_index, W0, att_src0, att_dst0, b0, W1, att_src1, att_dst1, b1, Wc, bc):
    sl = jnp.arange(N, dtype=jnp.int32)
    src = jnp.concatenate([edge_index[0].astype(jnp.int32), sl,
                           jnp.zeros((E_PAD - E_TOT,), jnp.int32)])
    dst = jnp.concatenate([edge_index[1].astype(jnp.int32), sl,
                           jnp.full((E_PAD - E_TOT,), N, jnp.int32)])
    xp = jnp.pad(x.astype(jnp.float32), ((0, N_PAD - N), (0, 0)))

    def proj0(a):
        A = (a[:, :, None] * jnp.eye(HEADS, dtype=jnp.float32)[:, None, :]).reshape(D, HEADS)
        return jnp.pad(A, ((0, 0), (0, LANES - HEADS)))

    def proj1(a):
        return jnp.tile(a.reshape(D, 1), (1, LANES))

    score_kernel = _make_score_kernel()
    agg_kernel = _make_agg_kernel()
    h0, sa0, sd0 = _tc_in(xp, W0, proj0(att_src0), proj0(att_dst0))
    sc0, d0 = score_kernel(src, dst, sa0, sd0)
    o0 = agg_kernel(src, dst, sc0, h0)
    h1, sa1, sd1 = _tc_mid(o0, d0, b0, W1, proj1(att_src1), proj1(att_dst1))
    sc1, d1 = score_kernel(src, dst, sa1, sd1)
    o1 = agg_kernel(src, dst, sc1, h1)
    (outp,) = _tc_out(o1, d1, b1, Wc, bc)
    return outp[:N]

# --- scband reference (transcript-rebuilt; emitter-appended) ---
"""Pipeline reference for scband-fine-tuning-baseline-61787399520426 (READ-ONLY COPY).

The authoritative reference and input builder live on the scoring server;
editing this copy changes nothing except your own understanding.
"""

import jax, jax.numpy as jnp
import numpy as np

N = 10000
E = 320000
D_IN = 128
HID = 128
OUT = 128
HEADS = 8


def setup_inputs(seed: int = 0) -> dict:
    key = jax.random.key(seed)
    ks = jax.random.split(key, 12)
    x = jax.random.normal(ks[0], (N, D_IN), dtype=jnp.float32)
    edge_index = jax.random.randint(ks[1], (2, E), 0, N)
    oc0 = HID // HEADS
    W0 = jax.random.normal(ks[2], (D_IN, HEADS * oc0), dtype=jnp.float32) * (1.0 / np.sqrt(D_IN))
    att_src0 = jax.random.normal(ks[3], (HEADS, oc0), dtype=jnp.float32) * 0.1
    att_dst0 = jax.random.normal(ks[4], (HEADS, oc0), dtype=jnp.float32) * 0.1
    b0 = jnp.zeros((HID,), dtype=jnp.float32)
    W1 = jax.random.normal(ks[5], (HID, 1 * HID), dtype=jnp.float32) * (1.0 / np.sqrt(HID))
    att_src1 = jax.random.normal(ks[6], (1, HID), dtype=jnp.float32) * 0.1
    att_dst1 = jax.random.normal(ks[7], (1, HID), dtype=jnp.float32) * 0.1
    b1 = jnp.zeros((HID,), dtype=jnp.float32)
    Wc = jax.random.normal(ks[8], (HID, OUT), dtype=jnp.float32) * (1.0 / np.sqrt(HID))
    bc = jnp.zeros((OUT,), dtype=jnp.float32)
    return {"x": x, "edge_index": edge_index, "W0": W0, "att_src0": att_src0,
            "att_dst0": att_dst0, "b0": b0, "W1": W1, "att_src1": att_src1,
            "att_dst1": att_dst1, "b1": b1, "Wc": Wc, "bc": bc}


def _gat_layer(h_in, src, dst, W, a_s, a_d, b, heads, out_c, concat):
    # PyG-style GATConv (eval mode, self-loops already appended to src/dst)
    h = (h_in @ W).reshape(N, heads, out_c)
    alpha_src = (h * a_s[None, :, :]).sum(-1)  # [N, heads]
    alpha_dst = (h * a_d[None, :, :]).sum(-1)  # [N, heads]
    e = jax.nn.leaky_relu(alpha_src[src] + alpha_dst[dst], 0.2)  # [Etot, heads]
    emax = jax.ops.segment_max(e, dst, num_segments=N)
    e = jnp.exp(e - jax.lax.stop_gradient(emax)[dst])
    denom = jax.ops.segment_sum(e, dst, num_segments=N)
    alpha = e / (denom[dst] + 1e-16)
    msg = h[src] * alpha[:, :, None]
    out = jax.ops.segment_sum(msg, dst, num_segments=N)
    if concat:
        out = out.reshape(N, heads * out_c)
    else:
        out = out.mean(axis=1)
    return out + b


def reference(x, edge_index, W0, att_src0, att_dst0, b0, W1, att_src1, att_dst1, b1, Wc, bc):
    sl = jnp.arange(N, dtype=edge_index.dtype)
    src = jnp.concatenate([edge_index[0], sl])
    dst = jnp.concatenate([edge_index[1], sl])
    # encoder = TraditionalGNN(num_layers=2, GAT): GAT(concat 8 heads) -> relu -> GAT(1 head)
    h = _gat_layer(x, src, dst, W0, att_src0, att_dst0, b0, HEADS, HID // HEADS, True)
    h = jax.nn.relu(h)
    h = _gat_layer(h, src, dst, W1, att_src1, att_dst1, b1, 1, HID, False)
    # classification task head
    return h @ Wc + bc

if __name__ == "__main__":
    import jax
    _d = setup_inputs()
    print(jax.jit(kernel)(*tuple(_d.values())))

</pallas_src>

<mosaic_0001>
#map = affine_map<(d0, d1) -> (0)>
#map1 = affine_map<(d0, d1) -> (0, 0)>
#map2 = affine_map<(d0, d1) -> (0, 0, 0)>
module attributes {stable_mosaic.version = 14 : i64} {
  func.func @_sc_score_body(%arg0: i32, %arg1: i32, %arg2: memref<331776xi32, #tpu.memory_space<hbm>>, %arg3: memref<331776xi32, #tpu.memory_space<hbm>>, %arg4: memref<10240x16xf32, #tpu.memory_space<hbm>>, %arg5: memref<10240x16xf32, #tpu.memory_space<hbm>>, %arg6: memref<331776x16xf32, #tpu.memory_space<hbm>>, %arg7: memref<2x10240x16xf32, #tpu.memory_space<hbm>>, %arg8: memref<128xi32, #tpu.memory_space<vmem>>, %arg9: memref<128xi32, #tpu.memory_space<vmem>>, %arg10: memref<128x16xf32, #tpu.memory_space<vmem>>, %arg11: memref<128x16xf32, #tpu.memory_space<vmem>>, %arg12: memref<128x16xf32, #tpu.memory_space<vmem>>, %arg13: memref<128xi32, #tpu.memory_space<vmem>>, %arg14: memref<128xi32, #tpu.memory_space<vmem>>, %arg15: memref<128x16xf32, #tpu.memory_space<vmem>>, %arg16: memref<128x16xf32, #tpu.memory_space<vmem>>, %arg17: memref<128x16xf32, #tpu.memory_space<vmem>>, %arg18: memref<!tpu.dma_semaphore, #tpu.memory_space<semaphore_mem>>, %arg19: memref<!tpu.dma_semaphore, #tpu.memory_space<semaphore_mem>>, %arg20: memref<!tpu.dma_semaphore, #tpu.memory_space<semaphore_mem>>, %arg21: memref<!tpu.dma_semaphore, #tpu.memory_space<semaphore_mem>>, %arg22: memref<10240x16xf32, #tpu.memory_space<vmem_shared>>) attributes {dimension_semantics = [#tpu.dimension_semantics<core_parallel>, #tpu.dimension_semantics<subcore_parallel>], iteration_bounds = array<i64: 2, 16>, scalar_prefetch = 0 : i64, scratch_operands = 15 : i64, tpu.core_type = #tpu.core_type<sc_vector_subcore>, window_params = [{transform_indices = #map}, {transform_indices = #map}, {transform_indices = #map1}, {transform_indices = #map1}, {transform_indices = #map1}, {transform_indices = #map2}]} {
    %mul3A = arith.constant 16 : i32
    %mul3A_0 = arith.muli %arg0, %mul3A : i32
    %add3A = arith.addi %mul3A_0, %arg1 : i32
    %broadcast_in_dim3A = arith.constant 0.000000e+00 : f32
    %broadcast_in_dim3A_1 = vector.broadcast %broadcast_in_dim3A : f32 to vector<16xf32>
    %scan3A = arith.constant 0 : i32
    %scan3A_2 = arith.constant 0 : i32
    %scan3A_3 = arith.constant 128 : i32
    %scan3A_4 = arith.addi %scan3A_2, %scan3A_3 : i32
    %scan3A_5 = arith.constant 1 : i32
    %scan3A_6 = scf.for %scan3A_50 = %scan3A_2 to %scan3A_4 step %scan3A_5 iter_args(%scan3A_51 = %scan3A) -> (i32)  : i32 {
      %swap3A = arith.index_cast %scan3A_50 : i32 to index
      %swap3A_52 = arith.constant 0 : index
      %swap3A_53 = tpu.vector_load %arg12[%swap3A, %swap3A_52] {strides = array<i32>} : memref<128x16xf32, #tpu.memory_space<vmem>>, vector<1x16xf32>,
      %swap3A_54 = vector.shape_cast %swap3A_53 : vector<1x16xf32> to vector<16xf32>
      %swap3A_55 = vector.shape_cast %broadcast_in_dim3A_1 : vector<16xf32> to vector<1x16xf32>
      tpu.vector_store %arg12[%swap3A, %swap3A_52], %swap3A_55 {strides = array<i32>} : memref<128x16xf32, #tpu.memory_space<vmem>>, vector<1x16xf32>,
      %scan3A_56 = arith.constant 0 : i32
      scf.yield %scan3A_56 : i32
    }
    %scan3A_7 = arith.constant 128 : i32
    %scan3A_8 = arith.constant 0 : i32
    %scan3A_9 = arith.constant 0 : i32
    %scan3A_10 = arith.constant 5 : i32
    %scan3A_11 = arith.addi %scan3A_9, %scan3A_10 : i32
    %scan3A_12 = arith.constant 1 : i32
    %scan3A_13 = scf.for %scan3A_50 = %scan3A_9 to %scan3A_11 step %scan3A_12 iter_args(%scan3A_51 = %scan3A_8) -> (i32)  : i32 {
      %mul3A_52 = arith.constant 640 : i32
      %mul3A_53 = arith.muli %arg1, %mul3A_52 : i32
      %mul3A_54 = arith.constant 128 : i32
      %mul3A_55 = arith.muli %scan3A_50, %mul3A_54 : i32
      %add3A_56 = arith.addi %mul3A_53, %mul3A_55 : i32
      "tpu.region"() ({
        %run_scoped3A = tpu.sem_alloc : memref<!tpu.dma_semaphore, #tpu.memory_space<semaphore_mem>>
        %dma_start3A_58 = arith.constant 0 : i32
        %dma_start3A_59 = tpu.memref_slice %arg22[%add3A_56, %dma_start3A_58] : memref<10240x16xf32, #tpu.memory_space<vmem_shared>> -> memref<128x16xf32, #tpu.memory_space<vmem_shared>>
        %dma_start3A_60 = arith.constant 0 : i32
        %dma_start3A_61 = tpu.memref_slice %arg22[%add3A_56, %dma_start3A_60] : memref<10240x16xf32, #tpu.memory_space<vmem_shared>> -> memref<128x16xf32, #tpu.memory_space<vmem_shared>>
        tpu.enqueue_dma source(%arg12 : memref<128x16xf32, #tpu.memory_space<vmem>>) target(%dma_start3A_61 : memref<128x16xf32, #tpu.memory_space<vmem_shared>>) target_semaphore(%run_scoped3A : memref<!tpu.dma_semaphore, #tpu.memory_space<semaphore_mem>>)
        %dma_wait3A_62 = arith.constant 0 : i32
        %dma_wait3A_63 = tpu.memref_slice %arg22[%add3A_56, %dma_wait3A_62] : memref<10240x16xf32, #tpu.memory_space<vmem_shared>> -> memref<128x16xf32, #tpu.memory_space<vmem_shared>>
        %dma_wait3A_64 = arith.constant 0 : i32
        %dma_wait3A_65 = tpu.memref_slice %arg22[%add3A_56, %dma_wait3A_64] : memref<10240x16xf32, #tpu.memory_space<vmem_shared>> -> memref<128x16xf32, #tpu.memory_space<vmem_shared>>
        tpu.wait_dma2 semaphore(%run_scoped3A : memref<!tpu.dma_semaphore, #tpu.memory_space<semaphore_mem>>) src(%arg12 : memref<128x16xf32, #tpu.memory_space<vmem>>) dst(%dma_wait3A_65 : memref<128x16xf32, #tpu.memory_space<vmem_shared>>)
        tpu.yield
      }) : () -> ()
      %scan3A_57 = arith.constant 0 : i32
      scf.yield %scan3A_57 : i32
    }
    %scan3A_14 = arith.constant 5 : i32
    %barrier3A = arith.constant 0 : index
    tpu.barrier barrier_id(%barrier3A)
    %mul3A_15 = arith.constant 10368 : i32
    %mul3A_16 = arith.muli %add3A, %mul3A_15 : i32
    "tpu.region"() ({
      %run_scoped3A = tpu.sem_alloc : memref<!tpu.dma_semaphore, #tpu.memory_space<semaphore_mem>>
      %dma_start3A_50 = tpu.memref_slice %arg2[%mul3A_16] : memref<331776xi32, #tpu.memory_space<hbm>> -> memref<128xi32, #tpu.memory_space<hbm>>
      %dma_start3A_51 = tpu.memref_slice %arg2[%mul3A_16] : memref<331776xi32, #tpu.memory_space<hbm>> -> memref<128xi32, #tpu.memory_space<hbm>>
      tpu.enqueue_dma source(%dma_start3A_51 : memref<128xi32, #tpu.memory_space<hbm>>) target(%arg8 : memref<128xi32, #tpu.memory_space<vmem>>) target_semaphore(%run_scoped3A : memref<!tpu.dma_semaphore, #tpu.memory_space<semaphore_mem>>)
      %dma_wait3A_52 = tpu.memref_slice %arg2[%mul3A_16] : memref<331776xi32, #tpu.memory_space<hbm>> -> memref<128xi32, #tpu.memory_space<hbm>>
      %dma_wait3A_53 = tpu.memref_slice %arg2[%mul3A_16] : memref<331776xi32, #tpu.memory_space<hbm>> -> memref<128xi32, #tpu.memory_space<hbm>>
      tpu.wait_dma2 semaphore(%run_scoped3A : memref<!tpu.dma_semaphore, #tpu.memory_space<semaphore_mem>>) src(%dma_wait3A_53 : memref<128xi32, #tpu.memory_space<hbm>>) dst(%arg8 : memref<128xi32, #tpu.memory_space<vmem>>)
      tpu.yield
    }) : () -> ()
    "tpu.region"() ({
      %run_scoped3A = tpu.sem_alloc : memref<!tpu.dma_semaphore, #tpu.memory_space<semaphore_mem>>
      %dma_start3A_50 = tpu.memref_slice %arg3[%mul3A_16] : memref<331776xi32, #tpu.memory_space<hbm>> -> memref<128xi32, #tpu.memory_space<hbm>>
      %dma_start3A_51 = tpu.memref_slice %arg3[%mul3A_16] : memref<331776xi32, #tpu.memory_space<hbm>> -> memref<128xi32, #tpu.memory_space<hbm>>
      tpu.enqueue_dma source(%dma_start3A_51 : memref<128xi32, #tpu.memory_space<hbm>>) target(%arg9 : memref<128xi32, #tpu.memory_space<vmem>>) target_semaphore(%run_scoped3A : memref<!tpu.dma_semaphore, #tpu.memory_space<semaphore_mem>>)
      %dma_wait3A_52 = tpu.memref_slice %arg3[%mul3A_16] : memref<331776xi32, #tpu.memory_space<hbm>> -> memref<128xi32, #tpu.memory_space<hbm>>
      %dma_wait3A_53 = tpu.memref_slice %arg3[%mul3A_16] : memref<331776xi32, #tpu.memory_space<hbm>> -> memref<128xi32, #tpu.memory_space<hbm>>
      tpu.wait_dma2 semaphore(%run_scoped3A : memref<!tpu.dma_semaphore, #tpu.memory_space<semaphore_mem>>) src(%dma_wait3A_53 : memref<128xi32, #tpu.memory_space<hbm>>) dst(%arg9 : memref<128xi32, #tpu.memory_space<vmem>>)
      tpu.yield
    }) : () -> ()
    %dma_start3A = arith.constant 0 : i32
    %dma_start3A_17 = arith.constant 0 : i32
    %dma_start3A_18 = tpu.memref_slice %arg4[%dma_start3A, %dma_start3A_17] : memref<10240x16xf32, #tpu.memory_space<hbm>> -> memref<10240x16xf32, #tpu.memory_space<hbm>>
    tpu.enqueue_indirect_dma source(%dma_start3A_18 : memref<10240x16xf32, #tpu.memory_space<hbm>>) target(%arg10 : memref<128x16xf32, #tpu.memory_space<vmem>>) offsets(%arg8 : memref<128xi32, #tpu.memory_space<vmem>>) semaphore(%arg18 : memref<!tpu.dma_semaphore, #tpu.memory_space<semaphore_mem>>)
    %dma_start3A_19 = arith.constant 0 : i32
    %dma_start3A_20 = arith.constant 0 : i32
    %dma_start3A_21 = tpu.memref_slice %arg5[%dma_start3A_19, %dma_start3A_20] : memref<10240x16xf32, #tpu.memory_space<hbm>> -> memref<10240x16xf32, #tpu.memory_space<hbm>>
    tpu.enqueue_indirect_dma source(%dma_start3A_21 : memref<10240x16xf32, #tpu.memory_space<hbm>>) target(%arg11 : memref<128x16xf32, #tpu.memory_space<vmem>>) offsets(%arg9 : memref<128xi32, #tpu.memory_space<vmem>>) semaphore(%arg19 : memref<!tpu.dma_semaphore, #tpu.memory_space<semaphore_mem>>)
    %scan3A_22 = arith.constant 0 : i32
    %scan3A_23 = arith.constant 0 : i32
    %scan3A_24 = arith.constant 40 : i32
    %scan3A_25 = arith.addi %scan3A_23, %scan3A_24 : i32
    %scan3A_26 = arith.constant 1 : i32
    %scan3A_27 = scf.for %scan3A_50 = %scan3A_23 to %scan3A_25 step %scan3A_26 iter_args(%scan3A_51 = %scan3A_22) -> (i32)  : i32 {
      %mul3A_52 = arith.constant 10368 : i32
      %mul3A_53 = arith.muli %add3A, %mul3A_52 : i32
      %mul3A_54 = arith.constant 2 : i32
      %mul3A_55 = arith.muli %mul3A_54, %scan3A_50 : i32
      %mul3A_56 = arith.constant 128 : i32
      %mul3A_57 = arith.muli %mul3A_55, %mul3A_56 : i32
      %add3A_58 = arith.addi %mul3A_53, %mul3A_57 : i32
      %add3A_59 = arith.constant 128 : i32
      %add3A_60 = arith.addi %add3A_58, %add3A_59 : i32
      "tpu.region"() ({
        %run_scoped3A = tpu.sem_alloc : memref<!tpu.dma_semaphore, #tpu.memory_space<semaphore_mem>>
        %dma_start3A_104 = tpu.memref_slice %arg2[%add3A_60] : memref<331776xi32, #tpu.memory_space<hbm>> -> memref<128xi32, #tpu.memory_space<hbm>>
        %dma_start3A_105 = tpu.memref_slice %arg2[%add3A_60] : memref<331776xi32, #tpu.memory_space<hbm>> -> memref<128xi32, #tpu.memory_space<hbm>>
        tpu.enqueue_dma source(%dma_start3A_105 : memref<128xi32, #tpu.memory_space<hbm>>) target(%arg13 : memref<128xi32, #tpu.memory_space<vmem>>) target_semaphore(%run_scoped3A : memref<!tpu.dma_semaphore, #tpu.memory_space<semaphore_mem>>)
        %dma_wait3A_106 = tpu.memref_slice %arg2[%add3A_60] : memref<331776xi32, #tpu.memory_space<hbm>> -> memref<128xi32, #tpu.memory_space<hbm>>
        %dma_wait3A_107 = tpu.memref_slice %arg2[%add3A_60] : memref<331776xi32, #tpu.memory_space<hbm>> -> memref<128xi32, #tpu.memory_space<hbm>>
        tpu.wait_dma2 semaphore(%run_scoped3A : memref<!tpu.dma_semaphore, #tpu.memory_space<semaphore_mem>>) src(%dma_wait3A_107 : memref<128xi32, #tpu.memory_space<hbm>>) dst(%arg13 : memref<128xi32, #tpu.memory_space<vmem>>)
        tpu.yield
      }) : () -> ()
      "tpu.region"() ({
        %run_scoped3A = tpu.sem_alloc : memref<!tpu.dma_semaphore, #tpu.memory_space<semaphore_mem>>
        %dma_start3A_104 = tpu.memref_slice %arg3[%add3A_60] : memref<331776xi32, #tpu.memory_space<hbm>> -> memref<128xi32, #tpu.memory_space<hbm>>
        %dma_start3A_105 = tpu.memref_slice %arg3[%add3A_60] : memref<331776xi32, #tpu.memory_space<hbm>> -> memref<128xi32, #tpu.memory_space<hbm>>
        tpu.enqueue_dma source(%dma_start3A_105 : memref<128xi32, #tpu.memory_space<hbm>>) target(%arg14 : memref<128xi32, #tpu.memory_space<vmem>>) target_semaphore(%run_scoped3A : memref<!tpu.dma_semaphore, #tpu.memory_space<semaphore_mem>>)
        %dma_wait3A_106 = tpu.memref_slice %arg3[%add3A_60] : memref<331776xi32, #tpu.memory_space<hbm>> -> memref<128xi32, #tpu.memory_space<hbm>>
        %dma_wait3A_107 = tpu.memref_slice %arg3[%add3A_60] : memref<331776xi32, #tpu.memory_space<hbm>> -> memref<128xi32, #tpu.memory_space<hbm>>
        tpu.wait_dma2 semaphore(%run_scoped3A : memref<!tpu.dma_semaphore, #tpu.memory_space<semaphore_mem>>) src(%dma_wait3A_107 : memref<128xi32, #tpu.memory_space<hbm>>) dst(%arg14 : memref<128xi32, #tpu.memory_space<vmem>>)
        tpu.yield
      }) : () -> ()
      %dma_start3A_61 = arith.constant 0 : i32
      %dma_start3A_62 = arith.constant 0 : i32
      %dma_start3A_63 = tpu.memref_slice %arg4[%dma_start3A_61, %dma_start3A_62] : memref<10240x16xf32, #tpu.memory_space<hbm>> -> memref<10240x16xf32, #tpu.memory_space<hbm>>
      tpu.enqueue_indirect_dma source(%dma_start3A_63 : memref<10240x16xf32, #tpu.memory_space<hbm>>) target(%arg15 : memref<128x16xf32, #tpu.memory_space<vmem>>) offsets(%arg13 : memref<128xi32, #tpu.memory_space<vmem>>) semaphore(%arg20 : memref<!tpu.dma_semaphore, #tpu.memory_space<semaphore_mem>>)
      %dma_start3A_64 = arith.constant 0 : i32
      %dma_start3A_65 = arith.constant 0 : i32
      %dma_start3A_66 = tpu.memref_slice %arg5[%dma_start3A_64, %dma_start3A_65] : memref<10240x16xf32, #tpu.memory_space<hbm>> -> memref<10240x16xf32, #tpu.memory_space<hbm>>
      tpu.enqueue_indirect_dma source(%dma_start3A_66 : memref<10240x16xf32, #tpu.memory_space<hbm>>) target(%arg16 : memref<128x16xf32, #tpu.memory_space<vmem>>) offsets(%arg14 : memref<128xi32, #tpu.memory_space<vmem>>) semaphore(%arg21 : memref<!tpu.dma_semaphore, #tpu.memory_space<semaphore_mem>>)
      %dma_wait3A_67 = arith.constant 0 : i32
      %dma_wait3A_68 = arith.constant 0 : i32
      %dma_wait3A_69 = tpu.memref_slice %arg4[%dma_wait3A_67, %dma_wait3A_68] : memref<10240x16xf32, #tpu.memory_space<hbm>> -> memref<10240x16xf32, #tpu.memory_space<hbm>>
      tpu.wait_indirect_dma semaphore(%arg18 : memref<!tpu.dma_semaphore, #tpu.memory_space<semaphore_mem>>) src(%dma_wait3A_69 : memref<10240x16xf32, #tpu.memory_space<hbm>>) dst(%arg10 : memref<128x16xf32, #tpu.memory_space<vmem>>)
      %dma_wait3A_70 = arith.constant 0 : i32
      %dma_wait3A_71 = arith.constant 0 : i32
      %dma_wait3A_72 = tpu.memref_slice %arg5[%dma_wait3A_70, %dma_wait3A_71] : memref<10240x16xf32, #tpu.memory_space<hbm>> -> memref<10240x16xf32, #tpu.memory_space<hbm>>
      tpu.wait_indirect_dma semaphore(%arg19 : memref<!tpu.dma_semaphore, #tpu.memory_space<semaphore_mem>>) src(%dma_wait3A_72 : memref<10240x16xf32, #tpu.memory_space<hbm>>) dst(%arg11 : memref<128x16xf32, #tpu.memory_space<vmem>>)
      %scan3A_73 = arith.constant 0 : i32
      %scan3A_74 = arith.constant 0 : i32
      %scan3A_75 = arith.constant 128 : i32
      %scan3A_76 = arith.addi %scan3A_74, %scan3A_75 : i32
      %scan3A_77 = arith.constant 1 : i32
      %scan3A_78 = scf.for %scan3A_104 = %scan3A_74 to %scan3A_76 step %scan3A_77 iter_args(%scan3A_105 = %scan3A_73) -> (i32)  : i32 {
        %get3A = arith.index_cast %scan3A_104 : i32 to index
        %get3A_106 = arith.constant 0 : index
        %get3A_107 = tpu.vector_load %arg10[%get3A, %get3A_106] {strides = array<i32>} : memref<128x16xf32, #tpu.memory_space<vmem>>, vector<1x16xf32>,
        %get3A_108 = vector.shape_cast %get3A_107 : vector<1x16xf32> to vector<16xf32>
        %get3A_109 = arith.index_cast %scan3A_104 : i32 to index
        %get3A_110 = arith.constant 0 : index
        %get3A_111 = tpu.vector_load %arg11[%get3A_109, %get3A_110] {strides = array<i32>} : memref<128x16xf32, #tpu.memory_space<vmem>>, vector<1x16xf32>,
        %get3A_112 = vector.shape_cast %get3A_111 : vector<1x16xf32> to vector<16xf32>
        %add3A_113 = arith.addf %get3A_108, %get3A_112 : vector<16xf32>
        %gt3A = arith.constant 0.000000e+00 : f32
        %gt3A_114 = vector.broadcast %gt3A : f32 to vector<16xf32>
        %gt3A_115 = arith.cmpf ogt, %add3A_113, %gt3A_114 : vector<16xf32>
        %mul3A_116 = arith.constant 2.000000e-01 : f32
        %mul3A_117 = vector.broadcast %mul3A_116 : f32 to vector<16xf32>
        %mul3A_118 = arith.mulf %mul3A_117, %add3A_113 : vector<16xf32>
        %select_n3A = arith.select %gt3A_115, %add3A_113, %mul3A_118 : vector<16xi1>, vector<16xf32>
        %exp3A = math.exp %select_n3A : vector<16xf32>
        %swap3A = arith.index_cast %scan3A_104 : i32 to index
        %swap3A_119 = arith.constant 0 : index
        %swap3A_120 = tpu.vector_load %arg12[%swap3A, %swap3A_119] {strides = array<i32>} : memref<128x16xf32, #tpu.memory_space<vmem>>, vector<1x16xf32>,
        %swap3A_121 = vector.shape_cast %swap3A_120 : vector<1x16xf32> to vector<16xf32>
        %swap3A_122 = vector.shape_cast %exp3A : vector<16xf32> to vector<1x16xf32>
        tpu.vector_store %arg12[%swap3A, %swap3A_119], %swap3A_122 {strides = array<i32>} : memref<128x16xf32, #tpu.memory_space<vmem>>, vector<1x16xf32>,
        %scan3A_123 = arith.constant 0 : i32
        scf.yield %scan3A_123 : i32
      }
      %scan3A_79 = arith.constant 128 : i32
      "tpu.region"() ({
        %run_scoped3A = tpu.sem_alloc : memref<!tpu.dma_semaphore, #tpu.memory_space<semaphore_mem>>
        %dma_start3A_104 = arith.constant 0 : i32
        %dma_start3A_105 = tpu.memref_slice %arg6[%add3A_58, %dma_start3A_104] : memref<331776x16xf32, #tpu.memory_space<hbm>> -> memref<128x16xf32, #tpu.memory_space<hbm>>
        %dma_start3A_106 = arith.constant 0 : i32
        %dma_start3A_107 = tpu.memref_slice %arg6[%add3A_58, %dma_start3A_106] : memref<331776x16xf32, #tpu.memory_space<hbm>> -> memref<128x16xf32, #tpu.memory_space<hbm>>
        tpu.enqueue_dma source(%arg12 : memref<128x16xf32, #tpu.memory_space<vmem>>) target(%dma_start3A_107 : memref<128x16xf32, #tpu.memory_space<hbm>>) target_semaphore(%run_scoped3A : memref<!tpu.dma_semaphore, #tpu.memory_space<semaphore_mem>>)
        %dma_wait3A_108 = arith.constant 0 : i32
        %dma_wait3A_109 = tpu.memref_slice %arg6[%add3A_58, %dma_wait3A_108] : memref<331776x16xf32, #tpu.memory_space<hbm>> -> memref<128x16xf32, #tpu.memory_space<hbm>>
        %dma_wait3A_110 = arith.constant 0 : i32
        %dma_wait3A_111 = tpu.memref_slice %arg6[%add3A_58, %dma_wait3A_110] : memref<331776x16xf32, #tpu.memory_space<hbm>> -> memref<128x16xf32, #tpu.memory_space<hbm>>
        tpu.wait_dma2 semaphore(%run_scoped3A : memref<!tpu.dma_semaphore, #tpu.memory_space<semaphore_mem>>) src(%arg12 : memref<128x16xf32, #tpu.memory_space<vmem>>) dst(%dma_wait3A_111 : memref<128x16xf32, #tpu.memory_space<hbm>>)
        tpu.yield
      }) : () -> ()
      "tpu.region"() ({
        %run_scoped3A = tpu.sem_alloc : memref<!tpu.dma_semaphore, #tpu.memory_space<semaphore_mem>>
        %dma_start3A_104 = arith.constant 0 : i32
        %dma_start3A_105 = arith.constant 0 : i32
        %dma_start3A_106 = tpu.memref_slice %arg22[%dma_start3A_104, %dma_start3A_105] : memref<10240x16xf32, #tpu.memory_space<vmem_shared>> -> memref<10240x16xf32, #tpu.memory_space<vmem_shared>>
        tpu.enqueue_indirect_dma source(%arg12 : memref<128x16xf32, #tpu.memory_space<vmem>>) target(%dma_start3A_106 : memref<10240x16xf32, #tpu.memory_space<vmem_shared>>) offsets(%arg9 : memref<128xi32, #tpu.memory_space<vmem>>) semaphore(%run_scoped3A : memref<!tpu.dma_semaphore, #tpu.memory_space<semaphore_mem>>) {add = true}
        %dma_wait3A_107 = arith.constant 0 : i32
        %dma_wait3A_108 = arith.constant 0 : i32
        %dma_wait3A_109 = tpu.memref_slice %arg22[%dma_wait3A_107, %dma_wait3A_108] : memref<10240x16xf32, #tpu.memory_space<vmem_shared>> -> memref<10240x16xf32, #tpu.memory_space<vmem_shared>>
        tpu.wait_indirect_dma semaphore(%run_scoped3A : memref<!tpu.dma_semaphore, #tpu.memory_space<semaphore_mem>>) src(%arg12 : memref<128x16xf32, #tpu.memory_space<vmem>>) dst(%dma_wait3A_109 : memref<10240x16xf32, #tpu.memory_space<vmem_shared>>)
        tpu.yield
      }) : () -> ()
      %add3A_80 = arith.constant 256 : i32
      %add3A_81 = arith.addi %add3A_58, %add3A_80 : i32
      "tpu.region"() ({
        %run_scoped3A = tpu.sem_alloc : memref<!tpu.dma_semaphore, #tpu.memory_space<semaphore_mem>>
        %dma_start3A_104 = tpu.memref_slice %arg2[%add3A_81] : memref<331776xi32, #tpu.memory_space<hbm>> -> memref<128xi32, #tpu.memory_space<hbm>>
        %dma_start3A_105 = tpu.memref_slice %arg2[%add3A_81] : memref<331776xi32, #tpu.memory_space<hbm>> -> memref<128xi32, #tpu.memory_space<hbm>>
        tpu.enqueue_dma source(%dma_start3A_105 : memref<128xi32, #tpu.memory_space<hbm>>) target(%arg8 : memref<128xi32, #tpu.memory_space<vmem>>) target_semaphore(%run_scoped3A : memref<!tpu.dma_semaphore, #tpu.memory_space<semaphore_mem>>)
        %dma_wait3A_106 = tpu.memref_slice %arg2[%add3A_81] : memref<331776xi32, #tpu.memory_space<hbm>> -> memref<128xi32, #tpu.memory_space<hbm>>
        %dma_wait3A_107 = tpu.memref_slice %arg2[%add3A_81] : memref<331776xi32, #tpu.memory_space<hbm>> -> memref<128xi32, #tpu.memory_space<hbm>>
        tpu.wait_dma2 semaphore(%run_scoped3A : memref<!tpu.dma_semaphore, #tpu.memory_space<semaphore_mem>>) src(%dma_wait3A_107 : memref<128xi32, #tpu.memory_space<hbm>>) dst(%arg8 : memref<128xi32, #tpu.memory_space<vmem>>)
        tpu.yield
      }) : () -> ()
      "tpu.region"() ({
        %run_scoped3A = tpu.sem_alloc : memref<!tpu.dma_semaphore, #tpu.memory_space<semaphore_mem>>
        %dma_start3A_104 = tpu.memref_slice %arg3[%add3A_81] : memref<331776xi32, #tpu.memory_space<hbm>> -> memref<128xi32, #tpu.memory_space<hbm>>
        %dma_start3A_105 = tpu.memref_slice %arg3[%add3A_81] : memref<331776xi32, #tpu.memory_space<hbm>> -> memref<128xi32, #tpu.memory_space<hbm>>
        tpu.enqueue_dma source(%dma_start3A_105 : memref<128xi32, #tpu.memory_space<hbm>>) target(%arg9 : memref<128xi32, #tpu.memory_space<vmem>>) target_semaphore(%run_scoped3A : memref<!tpu.dma_semaphore, #tpu.memory_space<semaphore_mem>>)
        %dma_wait3A_106 = tpu.memref_slice %arg3[%add3A_81] : memref<331776xi32, #tpu.memory_space<hbm>> -> memref<128xi32, #tpu.memory_space<hbm>>
        %dma_wait3A_107 = tpu.memref_slice %arg3[%add3A_81] : memref<331776xi32, #tpu.memory_space<hbm>> -> memref<128xi32, #tpu.memory_space<hbm>>
        tpu.wait_dma2 semaphore(%run_scoped3A : memref<!tpu.dma_semaphore, #tpu.memory_space<semaphore_mem>>) src(%dma_wait3A_107 : memref<128xi32, #tpu.memory_space<hbm>>) dst(%arg9 : memref<128xi32, #tpu.memory_space<vmem>>)
        tpu.yield
      }) : () -> ()
      %dma_start3A_82 = arith.constant 0 : i32
      %dma_start3A_83 = arith.constant 0 : i32
      %dma_start3A_84 = tpu.memref_slice %arg4[%dma_start3A_82, %dma_start3A_83] : memref<10240x16xf32, #tpu.memory_space<hbm>> -> memref<10240x16xf32, #tpu.memory_space<hbm>>
      tpu.enqueue_indirect_dma source(%dma_start3A_84 : memref<10240x16xf32, #tpu.memory_space<hbm>>) target(%arg10 : memref<128x16xf32, #tpu.memory_space<vmem>>) offsets(%arg8 : memref<128xi32, #tpu.memory_space<vmem>>) semaphore(%arg18 : memref<!tpu.dma_semaphore, #tpu.memory_space<semaphore_mem>>)
      %dma_start3A_85 = arith.constant 0 : i32
      %dma_start3A_86 = arith.constant 0 : i32
      %dma_start3A_87 = tpu.memref_slice %arg5[%dma_start3A_85, %dma_start3A_86] : memref<10240x16xf32, #tpu.memory_space<hbm>> -> memref<10240x16xf32, #tpu.memory_space<hbm>>
      tpu.enqueue_indirect_dma source(%dma_start3A_87 : memref<10240x16xf32, #tpu.memory_space<hbm>>) target(%arg11 : memref<128x16xf32, #tpu.memory_space<vmem>>) offsets(%arg9 : memref<128xi32, #tpu.memory_space<vmem>>) semaphore(%arg19 : memref<!tpu.dma_semaphore, #tpu.memory_space<semaphore_mem>>)
      %add3A_88 = arith.constant 128 : i32
      %add3A_89 = arith.addi %add3A_58, %add3A_88 : i32
      %dma_wait3A_90 = arith.constant 0 : i32
      %dma_wait3A_91 = arith.constant 0 : i32
      %dma_wait3A_92 = tpu.memref_slice %arg4[%dma_wait3A_90, %dma_wait3A_91] : memref<10240x16xf32, #tpu.memory_space<hbm>> -> memref<10240x16xf32, #tpu.memory_space<hbm>>
      tpu.wait_indirect_dma semaphore(%arg20 : memref<!tpu.dma_semaphore, #tpu.memory_space<semaphore_mem>>) src(%dma_wait3A_92 : memref<10240x16xf32, #tpu.memory_space<hbm>>) dst(%arg15 : memref<128x16xf32, #tpu.memory_space<vmem>>)
      %dma_wait3A_93 = arith.constant 0 : i32
      %dma_wait3A_94 = arith.constant 0 : i32
      %dma_wait3A_95 = tpu.memref_slice %arg5[%dma_wait3A_93, %dma_wait3A_94] : memref<10240x16xf32, #tpu.memory_space<hbm>> -> memref<10240x16xf32, #tpu.memory_space<hbm>>
      tpu.wait_indirect_dma semaphore(%arg21 : memref<!tpu.dma_semaphore, #tpu.memory_space<semaphore_mem>>) src(%dma_wait3A_95 : memref<10240x16xf32, #tpu.memory_space<hbm>>) dst(%arg16 : memref<128x16xf32, #tpu.memory_space<vmem>>)
      %scan3A_96 = arith.constant 0 : i32
      %scan3A_97 = arith.constant 0 : i32
      %scan3A_98 = arith.constant 128 : i32
      %scan3A_99 = arith.addi %scan3A_97, %scan3A_98 : i32
      %scan3A_100 = arith.constant 1 : i32
      %scan3A_101 = scf.for %scan3A_104 = %scan3A_97 to %scan3A_99 step %scan3A_100 iter_args(%scan3A_105 = %scan3A_96) -> (i32)  : i32 {
        %get3A = arith.index_cast %scan3A_104 : i32 to index
        %get3A_106 = arith.constant 0 : index
        %get3A_107 = tpu.vector_load %arg15[%get3A, %get3A_106] {strides = array<i32>} : memref<128x16xf32, #tpu.memory_space<vmem>>, vector<1x16xf32>,
        %get3A_108 = vector.shape_cast %get3A_107 : vector<1x16xf32> to vector<16xf32>
        %get3A_109 = arith.index_cast %scan3A_104 : i32 to index
        %get3A_110 = arith.constant 0 : index
        %get3A_111 = tpu.vector_load %arg16[%get3A_109, %get3A_110] {strides = array<i32>} : memref<128x16xf32, #tpu.memory_space<vmem>>, vector<1x16xf32>,
        %get3A_112 = vector.shape_cast %get3A_111 : vector<1x16xf32> to vector<16xf32>
        %add3A_113 = arith.addf %get3A_108, %get3A_112 : vector<16xf32>
        %gt3A = arith.constant 0.000000e+00 : f32
        %gt3A_114 = vector.broadcast %gt3A : f32 to vector<16xf32>
        %gt3A_115 = arith.cmpf ogt, %add3A_113, %gt3A_114 : vector<16xf32>
        %mul3A_116 = arith.constant 2.000000e-01 : f32
        %mul3A_117 = vector.broadcast %mul3A_116 : f32 to vector<16xf32>
        %mul3A_118 = arith.mulf %mul3A_117, %add3A_113 : vector<16xf32>
        %select_n3A = arith.select %gt3A_115, %add3A_113, %mul3A_118 : vector<16xi1>, vector<16xf32>
        %exp3A = math.exp %select_n3A : vector<16xf32>
        %swap3A = arith.index_cast %scan3A_104 : i32 to index
        %swap3A_119 = arith.constant 0 : index
        %swap3A_120 = tpu.vector_load %arg17[%swap3A, %swap3A_119] {strides = array<i32>} : memref<128x16xf32, #tpu.memory_space<vmem>>, vector<1x16xf32>,
        %swap3A_121 = vector.shape_cast %swap3A_120 : vector<1x16xf32> to vector<16xf32>
        %swap3A_122 = vector.shape_cast %exp3A : vector<16xf32> to vector<1x16xf32>
        tpu.vector_store %arg17[%swap3A, %swap3A_119], %swap3A_122 {strides = array<i32>} : memref<128x16xf32, #tpu.memory_space<vmem>>, vector<1x16xf32>,
        %scan3A_123 = arith.constant 0 : i32
        scf.yield %scan3A_123 : i32
      }
      %scan3A_102 = arith.constant 128 : i32
      "tpu.region"() ({
        %run_scoped3A = tpu.sem_alloc : memref<!tpu.dma_semaphore, #tpu.memory_space<semaphore_mem>>
        %dma_start3A_104 = arith.constant 0 : i32
        %dma_start3A_105 = tpu.memref_slice %arg6[%add3A_89, %dma_start3A_104] : memref<331776x16xf32, #tpu.memory_space<hbm>> -> memref<128x16xf32, #tpu.memory_space<hbm>>
        %dma_start3A_106 = arith.constant 0 : i32
        %dma_start3A_107 = tpu.memref_slice %arg6[%add3A_89, %dma_start3A_106] : memref<331776x16xf32, #tpu.memory_space<hbm>> -> memref<128x16xf32, #tpu.memory_space<hbm>>
        tpu.enqueue_dma source(%arg17 : memref<128x16xf32, #tpu.memory_space<vmem>>) target(%dma_start3A_107 : memref<128x16xf32, #tpu.memory_space<hbm>>) target_semaphore(%run_scoped3A : memref<!tpu.dma_semaphore, #tpu.memory_space<semaphore_mem>>)
        %dma_wait3A_108 = arith.constant 0 : i32
        %dma_wait3A_109 = tpu.memref_slice %arg6[%add3A_89, %dma_wait3A_108] : memref<331776x16xf32, #tpu.memory_space<hbm>> -> memref<128x16xf32, #tpu.memory_space<hbm>>
        %dma_wait3A_110 = arith.constant 0 : i32
        %dma_wait3A_111 = tpu.memref_slice %arg6[%add3A_89, %dma_wait3A_110] : memref<331776x16xf32, #tpu.memory_space<hbm>> -> memref<128x16xf32, #tpu.memory_space<hbm>>
        tpu.wait_dma2 semaphore(%run_scoped3A : memref<!tpu.dma_semaphore, #tpu.memory_space<semaphore_mem>>) src(%arg17 : memref<128x16xf32, #tpu.memory_space<vmem>>) dst(%dma_wait3A_111 : memref<128x16xf32, #tpu.memory_space<hbm>>)
        tpu.yield
      }) : () -> ()
      "tpu.region"() ({
        %run_scoped3A = tpu.sem_alloc : memref<!tpu.dma_semaphore, #tpu.memory_space<semaphore_mem>>
        %dma_start3A_104 = arith.constant 0 : i32
        %dma_start3A_105 = arith.constant 0 : i32
        %dma_start3A_106 = tpu.memref_slice %arg22[%dma_start3A_104, %dma_start3A_105] : memref<10240x16xf32, #tpu.memory_space<vmem_shared>> -> memref<10240x16xf32, #tpu.memory_space<vmem_shared>>
        tpu.enqueue_indirect_dma source(%arg17 : memref<128x16xf32, #tpu.memory_space<vmem>>) target(%dma_start3A_106 : memref<10240x16xf32, #tpu.memory_space<vmem_shared>>) offsets(%arg14 : memref<128xi32, #tpu.memory_space<vmem>>) semaphore(%run_scoped3A : memref<!tpu.dma_semaphore, #tpu.memory_space<semaphore_mem>>) {add = true}
        %dma_wait3A_107 = arith.constant 0 : i32
        %dma_wait3A_108 = arith.constant 0 : i32
        %dma_wait3A_109 = tpu.memref_slice %arg22[%dma_wait3A_107, %dma_wait3A_108] : memref<10240x16xf32, #tpu.memory_space<vmem_shared>> -> memref<10240x16xf32, #tpu.memory_space<vmem_shared>>
        tpu.wait_indirect_dma semaphore(%run_scoped3A : memref<!tpu.dma_semaphore, #tpu.memory_space<semaphore_mem>>) src(%arg17 : memref<128x16xf32, #tpu.memory_space<vmem>>) dst(%dma_wait3A_109 : memref<10240x16xf32, #tpu.memory_space<vmem_shared>>)
        tpu.yield
      }) : () -> ()
      %scan3A_103 = arith.constant 0 : i32
      scf.yield %scan3A_103 : i32
    }
    %scan3A_28 = arith.constant 40 : i32
    %mul3A_29 = arith.constant 10368 : i32
    %mul3A_30 = arith.muli %add3A, %mul3A_29 : i32
    %add3A_31 = arith.constant 10240 : i32
    %add3A_32 = arith.addi %mul3A_30, %add3A_31 : i32
    %dma_wait3A = arith.constant 0 : i32
    %dma_wait3A_33 = arith.constant 0 : i32
    %dma_wait3A_34 = tpu.memref_slice %arg4[%dma_wait3A, %dma_wait3A_33] : memref<10240x16xf32, #tpu.memory_space<hbm>> -> memref<10240x16xf32, #tpu.memory_space<hbm>>
    tpu.wait_indirect_dma semaphore(%arg18 : memref<!tpu.dma_semaphore, #tpu.memory_space<semaphore_mem>>) src(%dma_wait3A_34 : memref<10240x16xf32, #tpu.memory_space<hbm>>) dst(%arg10 : memref<128x16xf32, #tpu.memory_space<vmem>>)
    %dma_wait3A_35 = arith.constant 0 : i32
    %dma_wait3A_36 = arith.constant 0 : i32
    %dma_wait3A_37 = tpu.memref_slice %arg5[%dma_wait3A_35, %dma_wait3A_36] : memref<10240x16xf32, #tpu.memory_space<hbm>> -> memref<10240x16xf32, #tpu.memory_space<hbm>>
    tpu.wait_indirect_dma semaphore(%arg19 : memref<!tpu.dma_semaphore, #tpu.memory_space<semaphore_mem>>) src(%dma_wait3A_37 : memref<10240x16xf32, #tpu.memory_space<hbm>>) dst(%arg11 : memref<128x16xf32, #tpu.memory_space<vmem>>)
    %scan3A_38 = arith.constant 0 : i32
    %scan3A_39 = arith.constant 0 : i32
    %scan3A_40 = arith.constant 128 : i32
    %scan3A_41 = arith.addi %scan3A_39, %scan3A_40 : i32
    %scan3A_42 = arith.constant 1 : i32
    %scan3A_43 = scf.for %scan3A_50 = %scan3A_39 to %scan3A_41 step %scan3A_42 iter_args(%scan3A_51 = %scan3A_38) -> (i32)  : i32 {
      %get3A = arith.index_cast %scan3A_50 : i32 to index
      %get3A_52 = arith.constant 0 : index
      %get3A_53 = tpu.vector_load %arg10[%get3A, %get3A_52] {strides = array<i32>} : memref<128x16xf32, #tpu.memory_space<vmem>>, vector<1x16xf32>,
      %get3A_54 = vector.shape_cast %get3A_53 : vector<1x16xf32> to vector<16xf32>
      %get3A_55 = arith.index_cast %scan3A_50 : i32 to index
      %get3A_56 = arith.constant 0 : index
      %get3A_57 = tpu.vector_load %arg11[%get3A_55, %get3A_56] {strides = array<i32>} : memref<128x16xf32, #tpu.memory_space<vmem>>, vector<1x16xf32>,
      %get3A_58 = vector.shape_cast %get3A_57 : vector<1x16xf32> to vector<16xf32>
      %add3A_59 = arith.addf %get3A_54, %get3A_58 : vector<16xf32>
      %gt3A = arith.constant 0.000000e+00 : f32
      %gt3A_60 = vector.broadcast %gt3A : f32 to vector<16xf32>
      %gt3A_61 = arith.cmpf ogt, %add3A_59, %gt3A_60 : vector<16xf32>
      %mul3A_62 = arith.constant 2.000000e-01 : f32
      %mul3A_63 = vector.broadcast %mul3A_62 : f32 to vector<16xf32>
      %mul3A_64 = arith.mulf %mul3A_63, %add3A_59 : vector<16xf32>
      %select_n3A = arith.select %gt3A_61, %add3A_59, %mul3A_64 : vector<16xi1>, vector<16xf32>
      %exp3A = math.exp %select_n3A : vector<16xf32>
      %swap3A = arith.index_cast %scan3A_50 : i32 to index
      %swap3A_65 = arith.constant 0 : index
      %swap3A_66 = tpu.vector_load %arg12[%swap3A, %swap3A_65] {strides = array<i32>} : memref<128x16xf32, #tpu.memory_space<vmem>>, vector<1x16xf32>,
      %swap3A_67 = vector.shape_cast %swap3A_66 : vector<1x16xf32> to vector<16xf32>
      %swap3A_68 = vector.shape_cast %exp3A : vector<16xf32> to vector<1x16xf32>
      tpu.vector_store %arg12[%swap3A, %swap3A_65], %swap3A_68 {strides = array<i32>} : memref<128x16xf32, #tpu.memory_space<vmem>>, vector<1x16xf32>,
      %scan3A_69 = arith.constant 0 : i32
      scf.yield %scan3A_69 : i32
    }
    %scan3A_44 = arith.constant 128 : i32
    "tpu.region"() ({
      %run_scoped3A = tpu.sem_alloc : memref<!tpu.dma_semaphore, #tpu.memory_space<semaphore_mem>>
      %dma_start3A_50 = arith.constant 0 : i32
      %dma_start3A_51 = tpu.memref_slice %arg6[%add3A_32, %dma_start3A_50] : memref<331776x16xf32, #tpu.memory_space<hbm>> -> memref<128x16xf32, #tpu.memory_space<hbm>>
      %dma_start3A_52 = arith.constant 0 : i32
      %dma_start3A_53 = tpu.memref_slice %arg6[%add3A_32, %dma_start3A_52] : memref<331776x16xf32, #tpu.memory_space<hbm>> -> memref<128x16xf32, #tpu.memory_space<hbm>>
      tpu.enqueue_dma source(%arg12 : memref<128x16xf32, #tpu.memory_space<vmem>>) target(%dma_start3A_53 : memref<128x16xf32, #tpu.memory_space<hbm>>) target_semaphore(%run_scoped3A : memref<!tpu.dma_semaphore, #tpu.memory_space<semaphore_mem>>)
      %dma_wait3A_54 = arith.constant 0 : i32
      %dma_wait3A_55 = tpu.memref_slice %arg6[%add3A_32, %dma_wait3A_54] : memref<331776x16xf32, #tpu.memory_space<hbm>> -> memref<128x16xf32, #tpu.memory_space<hbm>>
      %dma_wait3A_56 = arith.constant 0 : i32
      %dma_wait3A_57 = tpu.memref_slice %arg6[%add3A_32, %dma_wait3A_56] : memref<331776x16xf32, #tpu.memory_space<hbm>> -> memref<128x16xf32, #tpu.memory_space<hbm>>
      tpu.wait_dma2 semaphore(%run_scoped3A : memref<!tpu.dma_semaphore, #tpu.memory_space<semaphore_mem>>) src(%arg12 : memref<128x16xf32, #tpu.memory_space<vmem>>) dst(%dma_wait3A_57 : memref<128x16xf32, #tpu.memory_space<hbm>>)
      tpu.yield
    }) : () -> ()
    "tpu.region"() ({
      %run_scoped3A = tpu.sem_alloc : memref<!tpu.dma_semaphore, #tpu.memory_space<semaphore_mem>>
      %dma_start3A_50 = arith.constant 0 : i32
      %dma_start3A_51 = arith.constant 0 : i32
      %dma_start3A_52 = tpu.memref_slice %arg22[%dma_start3A_50, %dma_start3A_51] : memref<10240x16xf32, #tpu.memory_space<vmem_shared>> -> memref<10240x16xf32, #tpu.memory_space<vmem_shared>>
      tpu.enqueue_indirect_dma source(%arg12 : memref<128x16xf32, #tpu.memory_space<vmem>>) target(%dma_start3A_52 : memref<10240x16xf32, #tpu.memory_space<vmem_shared>>) offsets(%arg9 : memref<128xi32, #tpu.memory_space<vmem>>) semaphore(%run_scoped3A : memref<!tpu.dma_semaphore, #tpu.memory_space<semaphore_mem>>) {add = true}
      %dma_wait3A_53 = arith.constant 0 : i32
      %dma_wait3A_54 = arith.constant 0 : i32
      %dma_wait3A_55 = tpu.memref_slice %arg22[%dma_wait3A_53, %dma_wait3A_54] : memref<10240x16xf32, #tpu.memory_space<vmem_shared>> -> memref<10240x16xf32, #tpu.memory_space<vmem_shared>>
      tpu.wait_indirect_dma semaphore(%run_scoped3A : memref<!tpu.dma_semaphore, #tpu.memory_space<semaphore_mem>>) src(%arg12 : memref<128x16xf32, #tpu.memory_space<vmem>>) dst(%dma_wait3A_55 : memref<10240x16xf32, #tpu.memory_space<vmem_shared>>)
      tpu.yield
    }) : () -> ()
    %barrier3A_45 = arith.constant 0 : index
    tpu.barrier barrier_id(%barrier3A_45)
    %mul3A_46 = arith.constant 640 : i32
    %mul3A_47 = arith.muli %arg1, %mul3A_46 : i32
    %mul3A_48 = arith.constant 640 : i32
    %mul3A_49 = arith.muli %arg1, %mul3A_48 : i32
    "tpu.region"() ({
      %run_scoped3A = tpu.sem_alloc : memref<!tpu.dma_semaphore, #tpu.memory_space<semaphore_mem>>
      %dma_start3A_50 = arith.constant 0 : i32
      %dma_start3A_51 = tpu.memref_slice %arg7[%arg0, %mul3A_49, %dma_start3A_50] : memref<2x10240x16xf32, #tpu.memory_space<hbm>> -> memref<1x640x16xf32, #tpu.memory_space<hbm>>
      %dma_start3A_52 = tpu.memref_squeeze %dma_start3A_51 : memref<1x640x16xf32, #tpu.memory_space<hbm>> -> memref<640x16xf32, #tpu.memory_space<hbm>>
      %dma_start3A_53 = arith.constant 0 : i32
      %dma_start3A_54 = tpu.memref_slice %arg22[%mul3A_47, %dma_start3A_53] : memref<10240x16xf32, #tpu.memory_space<vmem_shared>> -> memref<640x16xf32, #tpu.memory_space<vmem_shared>>
      tpu.enqueue_dma source(%dma_start3A_54 : memref<640x16xf32, #tpu.memory_space<vmem_shared>>) target(%dma_start3A_52 : memref<640x16xf32, #tpu.memory_space<hbm>>) target_semaphore(%run_scoped3A : memref<!tpu.dma_semaphore, #tpu.memory_space<semaphore_mem>>)
      %dma_wait3A_55 = arith.constant 0 : i32
      %dma_wait3A_56 = tpu.memref_slice %arg7[%arg0, %mul3A_49, %dma_wait3A_55] : memref<2x10240x16xf32, #tpu.memory_space<hbm>> -> memref<1x640x16xf32, #tpu.memory_space<hbm>>
      %dma_wait3A_57 = tpu.memref_squeeze %dma_wait3A_56 : memref<1x640x16xf32, #tpu.memory_space<hbm>> -> memref<640x16xf32, #tpu.memory_space<hbm>>
      %dma_wait3A_58 = arith.constant 0 : i32
      %dma_wait3A_59 = tpu.memref_slice %arg22[%mul3A_47, %dma_wait3A_58] : memref<10240x16xf32, #tpu.memory_space<vmem_shared>> -> memref<640x16xf32, #tpu.memory_space<vmem_shared>>
      tpu.wait_dma2 semaphore(%run_scoped3A : memref<!tpu.dma_semaphore, #tpu.memory_space<semaphore_mem>>) src(%dma_wait3A_59 : memref<640x16xf32, #tpu.memory_space<vmem_shared>>) dst(%dma_wait3A_57 : memref<640x16xf32, #tpu.memory_space<hbm>>)
      tpu.yield
    }) : () -> ()
    return
  }
}

#map = affine_map<(d0, d1) -> (0)>
#map1 = affine_map<(d0, d1) -> (0, 0)>
#map2 = affine_map<(d0, d1) -> (0, 0, 0)>
module attributes {stable_mosaic.version = 14 : i64} {
  func.func @_sc_agg_body(%arg0: i32, %arg1: i32, %arg2: memref<331776xi32, #tpu.memory_space<hbm>>, %arg3: memref<331776xi32, #tpu.memory_space<hbm>>, %arg4: memref<331776x16xf32, #tpu.memory_space<hbm>>, %arg5: memref<10240x128xf32, #tpu.memory_space<hbm>>, %arg6: memref<2x10240x128xf32, #tpu.memory_space<hbm>>, %arg7: memref<128xi32, #tpu.memory_space<vmem>>, %arg8: memref<128xi32, #tpu.memory_space<vmem>>, %arg9: memref<128x16xf32, #tpu.memory_space<vmem>>, %arg10: memref<128x128xf32, #tpu.memory_space<vmem>>, %arg11: memref<128xi32, #tpu.memory_space<vmem>>, %arg12: memref<128xi32, #tpu.memory_space<vmem>>, %arg13: memref<128x16xf32, #tpu.memory_space<vmem>>, %arg14: memref<128x128xf32, #tpu.memory_space<vmem>>, %arg15: memref<!tpu.dma_semaphore, #tpu.memory_space<semaphore_mem>>, %arg16: memref<!tpu.dma_semaphore, #tpu.memory_space<semaphore_mem>>, %arg17: memref<10240x128xf32, #tpu.memory_space<vmem_shared>>) attributes {dimension_semantics = [#tpu.dimension_semantics<core_parallel>, #tpu.dimension_semantics<subcore_parallel>], iteration_bounds = array<i64: 2, 16>, scalar_prefetch = 0 : i64, scratch_operands = 11 : i64, tpu.core_type = #tpu.core_type<sc_vector_subcore>, window_params = [{transform_indices = #map}, {transform_indices = #map}, {transform_indices = #map1}, {transform_indices = #map1}, {transform_indices = #map2}]} {
    %mul3A = arith.constant 16 : i32
    %mul3A_0 = arith.muli %arg0, %mul3A : i32
    %add3A = arith.addi %mul3A_0, %arg1 : i32
    %broadcast_in_dim3A = arith.constant 0.000000e+00 : f32
    %broadcast_in_dim3A_1 = vector.broadcast %broadcast_in_dim3A : f32 to vector<16xf32>
    %scan3A = arith.constant 0 : i32
    %scan3A_2 = arith.constant 0 : i32
    %scan3A_3 = arith.constant 128 : i32
    %scan3A_4 = arith.addi %scan3A_2, %scan3A_3 : i32
    %scan3A_5 = arith.constant 1 : i32
    %scan3A_6 = scf.for %scan3A_44 = %scan3A_2 to %scan3A_4 step %scan3A_5 iter_args(%scan3A_45 = %scan3A) -> (i32)  : i32 {
      %swap3A = arith.index_cast %scan3A_44 : i32 to index
      %swap3A_46 = arith.constant 0 : index
      %swap3A_47 = tpu.vector_load %arg10[%swap3A, %swap3A_46] {strides = array<i32>} : memref<128x128xf32, #tpu.memory_space<vmem>>, vector<1x16xf32>,
      %swap3A_48 = vector.shape_cast %swap3A_47 : vector<1x16xf32> to vector<16xf32>
      %swap3A_49 = vector.shape_cast %broadcast_in_dim3A_1 : vector<16xf32> to vector<1x16xf32>
      tpu.vector_store %arg10[%swap3A, %swap3A_46], %swap3A_49 {strides = array<i32>} : memref<128x128xf32, #tpu.memory_space<vmem>>, vector<1x16xf32>,
      %swap3A_50 = arith.index_cast %scan3A_44 : i32 to index
      %swap3A_51 = arith.constant 16 : index
      %swap3A_52 = tpu.vector_load %arg10[%swap3A_50, %swap3A_51] {strides = array<i32>} : memref<128x128xf32, #tpu.memory_space<vmem>>, vector<1x16xf32>,
      %swap3A_53 = vector.shape_cast %swap3A_52 : vector<1x16xf32> to vector<16xf32>
      %swap3A_54 = vector.shape_cast %broadcast_in_dim3A_1 : vector<16xf32> to vector<1x16xf32>
      tpu.vector_store %arg10[%swap3A_50, %swap3A_51], %swap3A_54 {strides = array<i32>} : memref<128x128xf32, #tpu.memory_space<vmem>>, vector<1x16xf32>,
      %swap3A_55 = arith.index_cast %scan3A_44 : i32 to index
      %swap3A_56 = arith.constant 32 : index
      %swap3A_57 = tpu.vector_load %arg10[%swap3A_55, %swap3A_56] {strides = array<i32>} : memref<128x128xf32, #tpu.memory_space<vmem>>, vector<1x16xf32>,
      %swap3A_58 = vector.shape_cast %swap3A_57 : vector<1x16xf32> to vector<16xf32>
      %swap3A_59 = vector.shape_cast %broadcast_in_dim3A_1 : vector<16xf32> to vector<1x16xf32>
      tpu.vector_store %arg10[%swap3A_55, %swap3A_56], %swap3A_59 {strides = array<i32>} : memref<128x128xf32, #tpu.memory_space<vmem>>, vector<1x16xf32>,
      %swap3A_60 = arith.index_cast %scan3A_44 : i32 to index
      %swap3A_61 = arith.constant 48 : index
      %swap3A_62 = tpu.vector_load %arg10[%swap3A_60, %swap3A_61] {strides = array<i32>} : memref<128x128xf32, #tpu.memory_space<vmem>>, vector<1x16xf32>,
      %swap3A_63 = vector.shape_cast %swap3A_62 : vector<1x16xf32> to vector<16xf32>
      %swap3A_64 = vector.shape_cast %broadcast_in_dim3A_1 : vector<16xf32> to vector<1x16xf32>
      tpu.vector_store %arg10[%swap3A_60, %swap3A_61], %swap3A_64 {strides = array<i32>} : memref<128x128xf32, #tpu.memory_space<vmem>>, vector<1x16xf32>,
      %swap3A_65 = arith.index_cast %scan3A_44 : i32 to index
      %swap3A_66 = arith.constant 64 : index
      %swap3A_67 = tpu.vector_load %arg10[%swap3A_65, %swap3A_66] {strides = array<i32>} : memref<128x128xf32, #tpu.memory_space<vmem>>, vector<1x16xf32>,
      %swap3A_68 = vector.shape_cast %swap3A_67 : vector<1x16xf32> to vector<16xf32>
      %swap3A_69 = vector.shape_cast %broadcast_in_dim3A_1 : vector<16xf32> to vector<1x16xf32>
      tpu.vector_store %arg10[%swap3A_65, %swap3A_66], %swap3A_69 {strides = array<i32>} : memref<128x128xf32, #tpu.memory_space<vmem>>, vector<1x16xf32>,
      %swap3A_70 = arith.index_cast %scan3A_44 : i32 to index
      %swap3A_71 = arith.constant 80 : index
      %swap3A_72 = tpu.vector_load %arg10[%swap3A_70, %swap3A_71] {strides = array<i32>} : memref<128x128xf32, #tpu.memory_space<vmem>>, vector<1x16xf32>,
      %swap3A_73 = vector.shape_cast %swap3A_72 : vector<1x16xf32> to vector<16xf32>
      %swap3A_74 = vector.shape_cast %broadcast_in_dim3A_1 : vector<16xf32> to vector<1x16xf32>
      tpu.vector_store %arg10[%swap3A_70, %swap3A_71], %swap3A_74 {strides = array<i32>} : memref<128x128xf32, #tpu.memory_space<vmem>>, vector<1x16xf32>,
      %swap3A_75 = arith.index_cast %scan3A_44 : i32 to index
      %swap3A_76 = arith.constant 96 : index
      %swap3A_77 = tpu.vector_load %arg10[%swap3A_75, %swap3A_76] {strides = array<i32>} : memref<128x128xf32, #tpu.memory_space<vmem>>, vector<1x16xf32>,
      %swap3A_78 = vector.shape_cast %swap3A_77 : vector<1x16xf32> to vector<16xf32>
      %swap3A_79 = vector.shape_cast %broadcast_in_dim3A_1 : vector<16xf32> to vector<1x16xf32>
      tpu.vector_store %arg10[%swap3A_75, %swap3A_76], %swap3A_79 {strides = array<i32>} : memref<128x128xf32, #tpu.memory_space<vmem>>, vector<1x16xf32>,
      %swap3A_80 = arith.index_cast %scan3A_44 : i32 to index
      %swap3A_81 = arith.constant 112 : index
      %swap3A_82 = tpu.vector_load %arg10[%swap3A_80, %swap3A_81] {strides = array<i32>} : memref<128x128xf32, #tpu.memory_space<vmem>>, vector<1x16xf32>,
      %swap3A_83 = vector.shape_cast %swap3A_82 : vector<1x16xf32> to vector<16xf32>
      %swap3A_84 = vector.shape_cast %broadcast_in_dim3A_1 : vector<16xf32> to vector<1x16xf32>
      tpu.vector_store %arg10[%swap3A_80, %swap3A_81], %swap3A_84 {strides = array<i32>} : memref<128x128xf32, #tpu.memory_space<vmem>>, vector<1x16xf32>,
      %scan3A_85 = arith.constant 0 : i32
      scf.yield %scan3A_85 : i32
    }
    %scan3A_7 = arith.constant 128 : i32
    %scan3A_8 = arith.constant 0 : i32
    %scan3A_9 = arith.constant 0 : i32
    %scan3A_10 = arith.constant 5 : i32
    %scan3A_11 = arith.addi %scan3A_9, %scan3A_10 : i32
    %scan3A_12 = arith.constant 1 : i32
    %scan3A_13 = scf.for %scan3A_44 = %scan3A_9 to %scan3A_11 step %scan3A_12 iter_args(%scan3A_45 = %scan3A_8) -> (i32)  : i32 {
      %mul3A_46 = arith.constant 640 : i32
      %mul3A_47 = arith.muli %arg1, %mul3A_46 : i32
      %mul3A_48 = arith.constant 128 : i32
      %mul3A_49 = arith.muli %scan3A_44, %mul3A_48 : i32
      %add3A_50 = arith.addi %mul3A_47, %mul3A_49 : i32
      "tpu.region"() ({
        %run_scoped3A = tpu.sem_alloc : memref<!tpu.dma_semaphore, #tpu.memory_space<semaphore_mem>>
        %dma_start3A_52 = arith.constant 0 : i32
        %dma_start3A_53 = tpu.memref_slice %arg17[%add3A_50, %dma_start3A_52] : memref<10240x128xf32, #tpu.memory_space<vmem_shared>> -> memref<128x128xf32, #tpu.memory_space<vmem_shared>>
        %dma_start3A_54 = arith.constant 0 : i32
        %dma_start3A_55 = tpu.memref_slice %arg17[%add3A_50, %dma_start3A_54] : memref<10240x128xf32, #tpu.memory_space<vmem_shared>> -> memref<128x128xf32, #tpu.memory_space<vmem_shared>>
        tpu.enqueue_dma source(%arg10 : memref<128x128xf32, #tpu.memory_space<vmem>>) target(%dma_start3A_55 : memref<128x128xf32, #tpu.memory_space<vmem_shared>>) target_semaphore(%run_scoped3A : memref<!tpu.dma_semaphore, #tpu.memory_space<semaphore_mem>>)
        %dma_wait3A_56 = arith.constant 0 : i32
        %dma_wait3A_57 = tpu.memref_slice %arg17[%add3A_50, %dma_wait3A_56] : memref<10240x128xf32, #tpu.memory_space<vmem_shared>> -> memref<128x128xf32, #tpu.memory_space<vmem_shared>>
        %dma_wait3A_58 = arith.constant 0 : i32
        %dma_wait3A_59 = tpu.memref_slice %arg17[%add3A_50, %dma_wait3A_58] : memref<10240x128xf32, #tpu.memory_space<vmem_shared>> -> memref<128x128xf32, #tpu.memory_space<vmem_shared>>
        tpu.wait_dma2 semaphore(%run_scoped3A : memref<!tpu.dma_semaphore, #tpu.memory_space<semaphore_mem>>) src(%arg10 : memref<128x128xf32, #tpu.memory_space<vmem>>) dst(%dma_wait3A_59 : memref<128x128xf32, #tpu.memory_space<vmem_shared>>)
        tpu.yield
      }) : () -> ()
      %scan3A_51 = arith.constant 0 : i32
      scf.yield %scan3A_51 : i32
    }
    %scan3A_14 = arith.constant 5 : i32
    %barrier3A = arith.constant 0 : index
    tpu.barrier barrier_id(%barrier3A)
    %mul3A_15 = arith.constant 10368 : i32
    %mul3A_16 = arith.muli %add3A, %mul3A_15 : i32
    "tpu.region"() ({
      %run_scoped3A = tpu.sem_alloc : memref<!tpu.dma_semaphore, #tpu.memory_space<semaphore_mem>>
      %dma_start3A_44 = tpu.memref_slice %arg2[%mul3A_16] : memref<331776xi32, #tpu.memory_space<hbm>> -> memref<128xi32, #tpu.memory_space<hbm>>
      %dma_start3A_45 = tpu.memref_slice %arg2[%mul3A_16] : memref<331776xi32, #tpu.memory_space<hbm>> -> memref<128xi32, #tpu.memory_space<hbm>>
      tpu.enqueue_dma source(%dma_start3A_45 : memref<128xi32, #tpu.memory_space<hbm>>) target(%arg7 : memref<128xi32, #tpu.memory_space<vmem>>) target_semaphore(%run_scoped3A : memref<!tpu.dma_semaphore, #tpu.memory_space<semaphore_mem>>)
      %dma_wait3A_46 = tpu.memref_slice %arg2[%mul3A_16] : memref<331776xi32, #tpu.memory_space<hbm>> -> memref<128xi32, #tpu.memory_space<hbm>>
      %dma_wait3A_47 = tpu.memref_slice %arg2[%mul3A_16] : memref<331776xi32, #tpu.memory_space<hbm>> -> memref<128xi32, #tpu.memory_space<hbm>>
      tpu.wait_dma2 semaphore(%run_scoped3A : memref<!tpu.dma_semaphore, #tpu.memory_space<semaphore_mem>>) src(%dma_wait3A_47 : memref<128xi32, #tpu.memory_space<hbm>>) dst(%arg7 : memref<128xi32, #tpu.memory_space<vmem>>)
      tpu.yield
    }) : () -> ()
    "tpu.region"() ({
      %run_scoped3A = tpu.sem_alloc : memref<!tpu.dma_semaphore, #tpu.memory_space<semaphore_mem>>
      %dma_start3A_44 = tpu.memref_slice %arg3[%mul3A_16] : memref<331776xi32, #tpu.memory_space<hbm>> -> memref<128xi32, #tpu.memory_space<hbm>>
      %dma_start3A_45 = tpu.memref_slice %arg3[%mul3A_16] : memref<331776xi32, #tpu.memory_space<hbm>> -> memref<128xi32, #tpu.memory_space<hbm>>
      tpu.enqueue_dma source(%dma_start3A_45 : memref<128xi32, #tpu.memory_space<hbm>>) target(%arg8 : memref<128xi32, #tpu.memory_space<vmem>>) target_semaphore(%run_scoped3A : memref<!tpu.dma_semaphore, #tpu.memory_space<semaphore_mem>>)
      %dma_wait3A_46 = tpu.memref_slice %arg3[%mul3A_16] : memref<331776xi32, #tpu.memory_space<hbm>> -> memref<128xi32, #tpu.memory_space<hbm>>
      %dma_wait3A_47 = tpu.memref_slice %arg3[%mul3A_16] : memref<331776xi32, #tpu.memory_space<hbm>> -> memref<128xi32, #tpu.memory_space<hbm>>
      tpu.wait_dma2 semaphore(%run_scoped3A : memref<!tpu.dma_semaphore, #tpu.memory_space<semaphore_mem>>) src(%dma_wait3A_47 : memref<128xi32, #tpu.memory_space<hbm>>) dst(%arg8 : memref<128xi32, #tpu.memory_space<vmem>>)
      tpu.yield
    }) : () -> ()
    %dma_start3A = arith.constant 0 : i32
    %dma_start3A_17 = arith.constant 0 : i32
    %dma_start3A_18 = tpu.memref_slice %arg5[%dma_start3A, %dma_start3A_17] : memref<10240x128xf32, #tpu.memory_space<hbm>> -> memref<10240x128xf32, #tpu.memory_space<hbm>>
    tpu.enqueue_indirect_dma source(%dma_start3A_18 : memref<10240x128xf32, #tpu.memory_space<hbm>>) target(%arg10 : memref<128x128xf32, #tpu.memory_space<vmem>>) offsets(%arg7 : memref<128xi32, #tpu.memory_space<vmem>>) semaphore(%arg15 : memref<!tpu.dma_semaphore, #tpu.memory_space<semaphore_mem>>)
    %scan3A_19 = arith.constant 0 : i32
    %scan3A_20 = arith.constant 0 : i32
    %scan3A_21 = arith.constant 40 : i32
    %scan3A_22 = arith.addi %scan3A_20, %scan3A_21 : i32
    %scan3A_23 = arith.constant 1 : i32
    %scan3A_24 = scf.for %scan3A_44 = %scan3A_20 to %scan3A_22 step %scan3A_23 iter_args(%scan3A_45 = %scan3A_19) -> (i32)  : i32 {
      %mul3A_46 = arith.constant 10368 : i32
      %mul3A_47 = arith.muli %add3A, %mul3A_46 : i32
      %mul3A_48 = arith.constant 2 : i32
      %mul3A_49 = arith.muli %mul3A_48, %scan3A_44 : i32
      %mul3A_50 = arith.constant 128 : i32
      %mul3A_51 = arith.muli %mul3A_49, %mul3A_50 : i32
      %add3A_52 = arith.addi %mul3A_47, %mul3A_51 : i32
      %add3A_53 = arith.constant 128 : i32
      %add3A_54 = arith.addi %add3A_52, %add3A_53 : i32
      "tpu.region"() ({
        %run_scoped3A = tpu.sem_alloc : memref<!tpu.dma_semaphore, #tpu.memory_space<semaphore_mem>>
        %dma_start3A_86 = tpu.memref_slice %arg2[%add3A_54] : memref<331776xi32, #tpu.memory_space<hbm>> -> memref<128xi32, #tpu.memory_space<hbm>>
        %dma_start3A_87 = tpu.memref_slice %arg2[%add3A_54] : memref<331776xi32, #tpu.memory_space<hbm>> -> memref<128xi32, #tpu.memory_space<hbm>>
        tpu.enqueue_dma source(%dma_start3A_87 : memref<128xi32, #tpu.memory_space<hbm>>) target(%arg11 : memref<128xi32, #tpu.memory_space<vmem>>) target_semaphore(%run_scoped3A : memref<!tpu.dma_semaphore, #tpu.memory_space<semaphore_mem>>)
        %dma_wait3A_88 = tpu.memref_slice %arg2[%add3A_54] : memref<331776xi32, #tpu.memory_space<hbm>> -> memref<128xi32, #tpu.memory_space<hbm>>
        %dma_wait3A_89 = tpu.memref_slice %arg2[%add3A_54] : memref<331776xi32, #tpu.memory_space<hbm>> -> memref<128xi32, #tpu.memory_space<hbm>>
        tpu.wait_dma2 semaphore(%run_scoped3A : memref<!tpu.dma_semaphore, #tpu.memory_space<semaphore_mem>>) src(%dma_wait3A_89 : memref<128xi32, #tpu.memory_space<hbm>>) dst(%arg11 : memref<128xi32, #tpu.memory_space<vmem>>)
        tpu.yield
      }) : () -> ()
      "tpu.region"() ({
        %run_scoped3A = tpu.sem_alloc : memref<!tpu.dma_semaphore, #tpu.memory_space<semaphore_mem>>
        %dma_start3A_86 = tpu.memref_slice %arg3[%add3A_54] : memref<331776xi32, #tpu.memory_space<hbm>> -> memref<128xi32, #tpu.memory_space<hbm>>
        %dma_start3A_87 = tpu.memref_slice %arg3[%add3A_54] : memref<331776xi32, #tpu.memory_space<hbm>> -> memref<128xi32, #tpu.memory_space<hbm>>
        tpu.enqueue_dma source(%dma_start3A_87 : memref<128xi32, #tpu.memory_space<hbm>>) target(%arg12 : memref<128xi32, #tpu.memory_space<vmem>>) target_semaphore(%run_scoped3A : memref<!tpu.dma_semaphore, #tpu.memory_space<semaphore_mem>>)
        %dma_wait3A_88 = tpu.memref_slice %arg3[%add3A_54] : memref<331776xi32, #tpu.memory_space<hbm>> -> memref<128xi32, #tpu.memory_space<hbm>>
        %dma_wait3A_89 = tpu.memref_slice %arg3[%add3A_54] : memref<331776xi32, #tpu.memory_space<hbm>> -> memref<128xi32, #tpu.memory_space<hbm>>
        tpu.wait_dma2 semaphore(%run_scoped3A : memref<!tpu.dma_semaphore, #tpu.memory_space<semaphore_mem>>) src(%dma_wait3A_89 : memref<128xi32, #tpu.memory_space<hbm>>) dst(%arg12 : memref<128xi32, #tpu.memory_space<vmem>>)
        tpu.yield
      }) : () -> ()
      %dma_start3A_55 = arith.constant 0 : i32
      %dma_start3A_56 = arith.constant 0 : i32
      %dma_start3A_57 = tpu.memref_slice %arg5[%dma_start3A_55, %dma_start3A_56] : memref<10240x128xf32, #tpu.memory_space<hbm>> -> memref<10240x128xf32, #tpu.memory_space<hbm>>
      tpu.enqueue_indirect_dma source(%dma_start3A_57 : memref<10240x128xf32, #tpu.memory_space<hbm>>) target(%arg14 : memref<128x128xf32, #tpu.memory_space<vmem>>) offsets(%arg11 : memref<128xi32, #tpu.memory_space<vmem>>) semaphore(%arg16 : memref<!tpu.dma_semaphore, #tpu.memory_space<semaphore_mem>>)
      "tpu.region"() ({
        %run_scoped3A = tpu.sem_alloc : memref<!tpu.dma_semaphore, #tpu.memory_space<semaphore_mem>>
        %dma_start3A_86 = arith.constant 0 : i32
        %dma_start3A_87 = tpu.memref_slice %arg4[%add3A_52, %dma_start3A_86] : memref<331776x16xf32, #tpu.memory_space<hbm>> -> memref<128x16xf32, #tpu.memory_space<hbm>>
        %dma_start3A_88 = arith.constant 0 : i32
        %dma_start3A_89 = tpu.memref_slice %arg4[%add3A_52, %dma_start3A_88] : memref<331776x16xf32, #tpu.memory_space<hbm>> -> memref<128x16xf32, #tpu.memory_space<hbm>>
        tpu.enqueue_dma source(%dma_start3A_89 : memref<128x16xf32, #tpu.memory_space<hbm>>) target(%arg9 : memref<128x16xf32, #tpu.memory_space<vmem>>) target_semaphore(%run_scoped3A : memref<!tpu.dma_semaphore, #tpu.memory_space<semaphore_mem>>)
        %dma_wait3A_90 = arith.constant 0 : i32
        %dma_wait3A_91 = tpu.memref_slice %arg4[%add3A_52, %dma_wait3A_90] : memref<331776x16xf32, #tpu.memory_space<hbm>> -> memref<128x16xf32, #tpu.memory_space<hbm>>
        %dma_wait3A_92 = arith.constant 0 : i32
        %dma_wait3A_93 = tpu.memref_slice %arg4[%add3A_52, %dma_wait3A_92] : memref<331776x16xf32, #tpu.memory_space<hbm>> -> memref<128x16xf32, #tpu.memory_space<hbm>>
        tpu.wait_dma2 semaphore(%run_scoped3A : memref<!tpu.dma_semaphore, #tpu.memory_space<semaphore_mem>>) src(%dma_wait3A_93 : memref<128x16xf32, #tpu.memory_space<hbm>>) dst(%arg9 : memref<128x16xf32, #tpu.memory_space<vmem>>)
        tpu.yield
      }) : () -> ()
      %dma_wait3A_58 = arith.constant 0 : i32
      %dma_wait3A_59 = arith.constant 0 : i32
      %dma_wait3A_60 = tpu.memref_slice %arg5[%dma_wait3A_58, %dma_wait3A_59] : memref<10240x128xf32, #tpu.memory_space<hbm>> -> memref<10240x128xf32, #tpu.memory_space<hbm>>
      tpu.wait_indirect_dma semaphore(%arg15 : memref<!tpu.dma_semaphore, #tpu.memory_space<semaphore_mem>>) src(%dma_wait3A_60 : memref<10240x128xf32, #tpu.memory_space<hbm>>) dst(%arg10 : memref<128x128xf32, #tpu.memory_space<vmem>>)
      %scan3A_61 = arith.constant 0 : i32
      %scan3A_62 = arith.constant 0 : i32
      %scan3A_63 = arith.constant 128 : i32
      %scan3A_64 = arith.addi %scan3A_62, %scan3A_63 : i32
      %scan3A_65 = arith.constant 1 : i32
      %scan3A_66 = scf.for %scan3A_86 = %scan3A_62 to %scan3A_64 step %scan3A_65 iter_args(%scan3A_87 = %scan3A_61) -> (i32)  : i32 {
        %get3A = arith.index_cast %scan3A_86 : i32 to index
        %get3A_88 = arith.constant 0 : index
        %get3A_89 = tpu.vector_load %arg9[%get3A, %get3A_88] {strides = array<i32>} : memref<128x16xf32, #tpu.memory_space<vmem>>, vector<1x16xf32>,
        %get3A_90 = vector.shape_cast %get3A_89 : vector<1x16xf32> to vector<16xf32>
        %get3A_91 = arith.index_cast %scan3A_86 : i32 to index
        %get3A_92 = arith.constant 0 : index
        %get3A_93 = tpu.vector_load %arg10[%get3A_91, %get3A_92] {strides = array<i32>} : memref<128x128xf32, #tpu.memory_space<vmem>>, vector<1x16xf32>,
        %get3A_94 = vector.shape_cast %get3A_93 : vector<1x16xf32> to vector<16xf32>
        %slice3A = vector.extract_strided_slice %get3A_90 {offsets = [0], sizes = [1], strides = [1]} : vector<16xf32> to vector<1xf32>
        %squeeze3A = vector.extract %slice3A[0] : f32 from vector<1xf32>
        %mul3A_95 = vector.broadcast %squeeze3A : f32 to vector<16xf32>
        %mul3A_96 = arith.mulf %get3A_94, %mul3A_95 : vector<16xf32>
        %swap3A = arith.index_cast %scan3A_86 : i32 to index
        %swap3A_97 = arith.constant 0 : index
        %swap3A_98 = tpu.vector_load %arg10[%swap3A, %swap3A_97] {strides = array<i32>} : memref<128x128xf32, #tpu.memory_space<vmem>>, vector<1x16xf32>,
        %swap3A_99 = vector.shape_cast %swap3A_98 : vector<1x16xf32> to vector<16xf32>
        %swap3A_100 = vector.shape_cast %mul3A_96 : vector<16xf32> to vector<1x16xf32>
        tpu.vector_store %arg10[%swap3A, %swap3A_97], %swap3A_100 {strides = array<i32>} : memref<128x128xf32, #tpu.memory_space<vmem>>, vector<1x16xf32>,
        %get3A_101 = arith.index_cast %scan3A_86 : i32 to index
        %get3A_102 = arith.constant 16 : index
        %get3A_103 = tpu.vector_load %arg10[%get3A_101, %get3A_102] {strides = array<i32>} : memref<128x128xf32, #tpu.memory_space<vmem>>, vector<1x16xf32>,
        %get3A_104 = vector.shape_cast %get3A_103 : vector<1x16xf32> to vector<16xf32>
        %slice3A_105 = vector.extract_strided_slice %get3A_90 {offsets = [1], sizes = [1], strides = [1]} : vector<16xf32> to vector<1xf32>
        %squeeze3A_106 = vector.extract %slice3A_105[0] : f32 from vector<1xf32>
        %mul3A_107 = vector.broadcast %squeeze3A_106 : f32 to vector<16xf32>
        %mul3A_108 = arith.mulf %get3A_104, %mul3A_107 : vector<16xf32>
        %swap3A_109 = arith.index_cast %scan3A_86 : i32 to index
        %swap3A_110 = arith.constant 16 : index
        %swap3A_111 = tpu.vector_load %arg10[%swap3A_109, %swap3A_110] {strides = array<i32>} : memref<128x128xf32, #tpu.memory_space<vmem>>, vector<1x16xf32>,
        %swap3A_112 = vector.shape_cast %swap3A_111 : vector<1x16xf32> to vector<16xf32>
        %swap3A_113 = vector.shape_cast %mul3A_108 : vector<16xf32> to vector<1x16xf32>
        tpu.vector_store %arg10[%swap3A_109, %swap3A_110], %swap3A_113 {strides = array<i32>} : memref<128x128xf32, #tpu.memory_space<vmem>>, vector<1x16xf32>,
        %get3A_114 = arith.index_cast %scan3A_86 : i32 to index
        %get3A_115 = arith.constant 32 : index
        %get3A_116 = tpu.vector_load %arg10[%get3A_114, %get3A_115] {strides = array<i32>} : memref<128x128xf32, #tpu.memory_space<vmem>>, vector<1x16xf32>,
        %get3A_117 = vector.shape_cast %get3A_116 : vector<1x16xf32> to vector<16xf32>
        %slice3A_118 = vector.extract_strided_slice %get3A_90 {offsets = [2], sizes = [1], strides = [1]} : vector<16xf32> to vector<1xf32>
        %squeeze3A_119 = vector.extract %slice3A_118[0] : f32 from vector<1xf32>
        %mul3A_120 = vector.broadcast %squeeze3A_119 : f32 to vector<16xf32>
        %mul3A_121 = arith.mulf %get3A_117, %mul3A_120 : vector<16xf32>
        %swap3A_122 = arith.index_cast %scan3A_86 : i32 to index
        %swap3A_123 = arith.constant 32 : index
        %swap3A_124 = tpu.vector_load %arg10[%swap3A_122, %swap3A_123] {strides = array<i32>} : memref<128x128xf32, #tpu.memory_space<vmem>>, vector<1x16xf32>,
        %swap3A_125 = vector.shape_cast %swap3A_124 : vector<1x16xf32> to vector<16xf32>
        %swap3A_126 = vector.shape_cast %mul3A_121 : vector<16xf32> to vector<1x16xf32>
        tpu.vector_store %arg10[%swap3A_122, %swap3A_123], %swap3A_126 {strides = array<i32>} : memref<128x128xf32, #tpu.memory_space<vmem>>, vector<1x16xf32>,
        %get3A_127 = arith.index_cast %scan3A_86 : i32 to index
        %get3A_128 = arith.constant 48 : index
        %get3A_129 = tpu.vector_load %arg10[%get3A_127, %get3A_128] {strides = array<i32>} : memref<128x128xf32, #tpu.memory_space<vmem>>, vector<1x16xf32>,
        %get3A_130 = vector.shape_cast %get3A_129 : vector<1x16xf32> to vector<16xf32>
        %slice3A_131 = vector.extract_strided_slice %get3A_90 {offsets = [3], sizes = [1], strides = [1]} : vector<16xf32> to vector<1xf32>
        %squeeze3A_132 = vector.extract %slice3A_131[0] : f32 from vector<1xf32>
        %mul3A_133 = vector.broadcast %squeeze3A_132 : f32 to vector<16xf32>
        %mul3A_134 = arith.mulf %get3A_130, %mul3A_133 : vector<16xf32>
        %swap3A_135 = arith.index_cast %scan3A_86 : i32 to index
        %swap3A_136 = arith.constant 48 : index
        %swap3A_137 = tpu.vector_load %arg10[%swap3A_135, %swap3A_136] {strides = array<i32>} : memref<128x128xf32, #tpu.memory_space<vmem>>, vector<1x16xf32>,
        %swap3A_138 = vector.shape_cast %swap3A_137 : vector<1x16xf32> to vector<16xf32>
        %swap3A_139 = vector.shape_cast %mul3A_134 : vector<16xf32> to vector<1x16xf32>
        tpu.vector_store %arg10[%swap3A_135, %swap3A_136], %swap3A_139 {strides = array<i32>} : memref<128x128xf32, #tpu.memory_space<vmem>>, vector<1x16xf32>,
        %get3A_140 = arith.index_cast %scan3A_86 : i32 to index
        %get3A_141 = arith.constant 64 : index
        %get3A_142 = tpu.vector_load %arg10[%get3A_140, %get3A_141] {strides = array<i32>} : memref<128x128xf32, #tpu.memory_space<vmem>>, vector<1x16xf32>,
        %get3A_143 = vector.shape_cast %get3A_142 : vector<1x16xf32> to vector<16xf32>
        %slice3A_144 = vector.extract_strided_slice %get3A_90 {offsets = [4], sizes = [1], strides = [1]} : vector<16xf32> to vector<1xf32>
        %squeeze3A_145 = vector.extract %slice3A_144[0] : f32 from vector<1xf32>
        %mul3A_146 = vector.broadcast %squeeze3A_145 : f32 to vector<16xf32>
        %mul3A_147 = arith.mulf %get3A_143, %mul3A_146 : vector<16xf32>
        %swap3A_148 = arith.index_cast %scan3A_86 : i32 to index
        %swap3A_149 = arith.constant 64 : index
        %swap3A_150 = tpu.vector_load %arg10[%swap3A_148, %swap3A_149] {strides = array<i32>} : memref<128x128xf32, #tpu.memory_space<vmem>>, vector<1x16xf32>,
        %swap3A_151 = vector.shape_cast %swap3A_150 : vector<1x16xf32> to vector<16xf32>
        %swap3A_152 = vector.shape_cast %mul3A_147 : vector<16xf32> to vector<1x16xf32>
        tpu.vector_store %arg10[%swap3A_148, %swap3A_149], %swap3A_152 {strides = array<i32>} : memref<128x128xf32, #tpu.memory_space<vmem>>, vector<1x16xf32>,
        %get3A_153 = arith.index_cast %scan3A_86 : i32 to index
        %get3A_154 = arith.constant 80 : index
        %get3A_155 = tpu.vector_load %arg10[%get3A_153, %get3A_154] {strides = array<i32>} : memref<128x128xf32, #tpu.memory_space<vmem>>, vector<1x16xf32>,
        %get3A_156 = vector.shape_cast %get3A_155 : vector<1x16xf32> to vector<16xf32>
        %slice3A_157 = vector.extract_strided_slice %get3A_90 {offsets = [5], sizes = [1], strides = [1]} : vector<16xf32> to vector<1xf32>
        %squeeze3A_158 = vector.extract %slice3A_157[0] : f32 from vector<1xf32>
        %mul3A_159 = vector.broadcast %squeeze3A_158 : f32 to vector<16xf32>
        %mul3A_160 = arith.mulf %get3A_156, %mul3A_159 : vector<16xf32>
        %swap3A_161 = arith.index_cast %scan3A_86 : i32 to index
        %swap3A_162 = arith.constant 80 : index
        %swap3A_163 = tpu.vector_load %arg10[%swap3A_161, %swap3A_162] {strides = array<i32>} : memref<128x128xf32, #tpu.memory_space<vmem>>, vector<1x16xf32>,
        %swap3A_164 = vector.shape_cast %swap3A_163 : vector<1x16xf32> to vector<16xf32>
        %swap3A_165 = vector.shape_cast %mul3A_160 : vector<16xf32> to vector<1x16xf32>
        tpu.vector_store %arg10[%swap3A_161, %swap3A_162], %swap3A_165 {strides = array<i32>} : memref<128x128xf32, #tpu.memory_space<vmem>>, vector<1x16xf32>,
        %get3A_166 = arith.index_cast %scan3A_86 : i32 to index
        %get3A_167 = arith.constant 96 : index
        %get3A_168 = tpu.vector_load %arg10[%get3A_166, %get3A_167] {strides = array<i32>} : memref<128x128xf32, #tpu.memory_space<vmem>>, vector<1x16xf32>,
        %get3A_169 = vector.shape_cast %get3A_168 : vector<1x16xf32> to vector<16xf32>
        %slice3A_170 = vector.extract_strided_slice %get3A_90 {offsets = [6], sizes = [1], strides = [1]} : vector<16xf32> to vector<1xf32>
        %squeeze3A_171 = vector.extract %slice3A_170[0] : f32 from vector<1xf32>
        %mul3A_172 = vector.broadcast %squeeze3A_171 : f32 to vector<16xf32>
        %mul3A_173 = arith.mulf %get3A_169, %mul3A_172 : vector<16xf32>
        %swap3A_174 = arith.index_cast %scan3A_86 : i32 to index
        %swap3A_175 = arith.constant 96 : index
        %swap3A_176 = tpu.vector_load %arg10[%swap3A_174, %swap3A_175] {strides = array<i32>} : memref<128x128xf32, #tpu.memory_space<vmem>>, vector<1x16xf32>,
        %swap3A_177 = vector.shape_cast %swap3A_176 : vector<1x16xf32> to vector<16xf32>
        %swap3A_178 = vector.shape_cast %mul3A_173 : vector<16xf32> to vector<1x16xf32>
        tpu.vector_store %arg10[%swap3A_174, %swap3A_175], %swap3A_178 {strides = array<i32>} : memref<128x128xf32, #tpu.memory_space<vmem>>, vector<1x16xf32>,
        %get3A_179 = arith.index_cast %scan3A_86 : i32 to index
        %get3A_180 = arith.constant 112 : index
        %get3A_181 = tpu.vector_load %arg10[%get3A_179, %get3A_180] {strides = array<i32>} : memref<128x128xf32, #tpu.memory_space<vmem>>, vector<1x16xf32>,
        %get3A_182 = vector.shape_cast %get3A_181 : vector<1x16xf32> to vector<16xf32>
        %slice3A_183 = vector.extract_strided_slice %get3A_90 {offsets = [7], sizes = [1], strides = [1]} : vector<16xf32> to vector<1xf32>
        %squeeze3A_184 = vector.extract %slice3A_183[0] : f32 from vector<1xf32>
        %mul3A_185 = vector.broadcast %squeeze3A_184 : f32 to vector<16xf32>
        %mul3A_186 = arith.mulf %get3A_182, %mul3A_185 : vector<16xf32>
        %swap3A_187 = arith.index_cast %scan3A_86 : i32 to index
        %swap3A_188 = arith.constant 112 : index
        %swap3A_189 = tpu.vector_load %arg10[%swap3A_187, %swap3A_188] {strides = array<i32>} : memref<128x128xf32, #tpu.memory_space<vmem>>, vector<1x16xf32>,
        %swap3A_190 = vector.shape_cast %swap3A_189 : vector<1x16xf32> to vector<16xf32>
        %swap3A_191 = vector.shape_cast %mul3A_186 : vector<16xf32> to vector<1x16xf32>
        tpu.vector_store %arg10[%swap3A_187, %swap3A_188], %swap3A_191 {strides = array<i32>} : memref<128x128xf32, #tpu.memory_space<vmem>>, vector<1x16xf32>,
        %scan3A_192 = arith.constant 0 : i32
        scf.yield %scan3A_192 : i32
      }
      %scan3A_67 = arith.constant 128 : i32
      "tpu.region"() ({
        %run_scoped3A = tpu.sem_alloc : memref<!tpu.dma_semaphore, #tpu.memory_space<semaphore_mem>>
        %dma_start3A_86 = arith.constant 0 : i32
        %dma_start3A_87 = arith.constant 0 : i32
        %dma_start3A_88 = tpu.memref_slice %arg17[%dma_start3A_86, %dma_start3A_87] : memref<10240x128xf32, #tpu.memory_space<vmem_shared>> -> memref<10240x128xf32, #tpu.memory_space<vmem_shared>>
        tpu.enqueue_indirect_dma source(%arg10 : memref<128x128xf32, #tpu.memory_space<vmem>>) target(%dma_start3A_88 : memref<10240x128xf32, #tpu.memory_space<vmem_shared>>) offsets(%arg8 : memref<128xi32, #tpu.memory_space<vmem>>) semaphore(%run_scoped3A : memref<!tpu.dma_semaphore, #tpu.memory_space<semaphore_mem>>) {add = true}
        %dma_wait3A_89 = arith.constant 0 : i32
        %dma_wait3A_90 = arith.constant 0 : i32
        %dma_wait3A_91 = tpu.memref_slice %arg17[%dma_wait3A_89, %dma_wait3A_90] : memref<10240x128xf32, #tpu.memory_space<vmem_shared>> -> memref<10240x128xf32, #tpu.memory_space<vmem_shared>>
        tpu.wait_indirect_dma semaphore(%run_scoped3A : memref<!tpu.dma_semaphore, #tpu.memory_space<semaphore_mem>>) src(%arg10 : memref<128x128xf32, #tpu.memory_space<vmem>>) dst(%dma_wait3A_91 : memref<10240x128xf32, #tpu.memory_space<vmem_shared>>)
        tpu.yield
      }) : () -> ()
      %add3A_68 = arith.constant 256 : i32
      %add3A_69 = arith.addi %add3A_52, %add3A_68 : i32
      "tpu.region"() ({
        %run_scoped3A = tpu.sem_alloc : memref<!tpu.dma_semaphore, #tpu.memory_space<semaphore_mem>>
        %dma_start3A_86 = tpu.memref_slice %arg2[%add3A_69] : memref<331776xi32, #tpu.memory_space<hbm>> -> memref<128xi32, #tpu.memory_space<hbm>>
        %dma_start3A_87 = tpu.memref_slice %arg2[%add3A_69] : memref<331776xi32, #tpu.memory_space<hbm>> -> memref<128xi32, #tpu.memory_space<hbm>>
        tpu.enqueue_dma source(%dma_start3A_87 : memref<128xi32, #tpu.memory_space<hbm>>) target(%arg7 : memref<128xi32, #tpu.memory_space<vmem>>) target_semaphore(%run_scoped3A : memref<!tpu.dma_semaphore, #tpu.memory_space<semaphore_mem>>)
        %dma_wait3A_88 = tpu.memref_slice %arg2[%add3A_69] : memref<331776xi32, #tpu.memory_space<hbm>> -> memref<128xi32, #tpu.memory_space<hbm>>
        %dma_wait3A_89 = tpu.memref_slice %arg2[%add3A_69] : memref<331776xi32, #tpu.memory_space<hbm>> -> memref<128xi32, #tpu.memory_space<hbm>>
        tpu.wait_dma2 semaphore(%run_scoped3A : memref<!tpu.dma_semaphore, #tpu.memory_space<semaphore_mem>>) src(%dma_wait3A_89 : memref<128xi32, #tpu.memory_space<hbm>>) dst(%arg7 : memref<128xi32, #tpu.memory_space<vmem>>)
        tpu.yield
      }) : () -> ()
      "tpu.region"() ({
        %run_scoped3A = tpu.sem_alloc : memref<!tpu.dma_semaphore, #tpu.memory_space<semaphore_mem>>
        %dma_start3A_86 = tpu.memref_slice %arg3[%add3A_69] : memref<331776xi32, #tpu.memory_space<hbm>> -> memref<128xi32, #tpu.memory_space<hbm>>
        %dma_start3A_87 = tpu.memref_slice %arg3[%add3A_69] : memref<331776xi32, #tpu.memory_space<hbm>> -> memref<128xi32, #tpu.memory_space<hbm>>
        tpu.enqueue_dma source(%dma_start3A_87 : memref<128xi32, #tpu.memory_space<hbm>>) target(%arg8 : memref<128xi32, #tpu.memory_space<vmem>>) target_semaphore(%run_scoped3A : memref<!tpu.dma_semaphore, #tpu.memory_space<semaphore_mem>>)
        %dma_wait3A_88 = tpu.memref_slice %arg3[%add3A_69] : memref<331776xi32, #tpu.memory_space<hbm>> -> memref<128xi32, #tpu.memory_space<hbm>>
        %dma_wait3A_89 = tpu.memref_slice %arg3[%add3A_69] : memref<331776xi32, #tpu.memory_space<hbm>> -> memref<128xi32, #tpu.memory_space<hbm>>
        tpu.wait_dma2 semaphore(%run_scoped3A : memref<!tpu.dma_semaphore, #tpu.memory_space<semaphore_mem>>) src(%dma_wait3A_89 : memref<128xi32, #tpu.memory_space<hbm>>) dst(%arg8 : memref<128xi32, #tpu.memory_space<vmem>>)
        tpu.yield
      }) : () -> ()
      %dma_start3A_70 = arith.constant 0 : i32
      %dma_start3A_71 = arith.constant 0 : i32
      %dma_start3A_72 = tpu.memref_slice %arg5[%dma_start3A_70, %dma_start3A_71] : memref<10240x128xf32, #tpu.memory_space<hbm>> -> memref<10240x128xf32, #tpu.memory_space<hbm>>
      tpu.enqueue_indirect_dma source(%dma_start3A_72 : memref<10240x128xf32, #tpu.memory_space<hbm>>) target(%arg10 : memref<128x128xf32, #tpu.memory_space<vmem>>) offsets(%arg7 : memref<128xi32, #tpu.memory_space<vmem>>) semaphore(%arg15 : memref<!tpu.dma_semaphore, #tpu.memory_space<semaphore_mem>>)
      %add3A_73 = arith.constant 128 : i32
      %add3A_74 = arith.addi %add3A_52, %add3A_73 : i32
      "tpu.region"() ({
        %run_scoped3A = tpu.sem_alloc : memref<!tpu.dma_semaphore, #tpu.memory_space<semaphore_mem>>
        %dma_start3A_86 = arith.constant 0 : i32
        %dma_start3A_87 = tpu.memref_slice %arg4[%add3A_74, %dma_start3A_86] : memref<331776x16xf32, #tpu.memory_space<hbm>> -> memref<128x16xf32, #tpu.memory_space<hbm>>
        %dma_start3A_88 = arith.constant 0 : i32
        %dma_start3A_89 = tpu.memref_slice %arg4[%add3A_74, %dma_start3A_88] : memref<331776x16xf32, #tpu.memory_space<hbm>> -> memref<128x16xf32, #tpu.memory_space<hbm>>
        tpu.enqueue_dma source(%dma_start3A_89 : memref<128x16xf32, #tpu.memory_space<hbm>>) target(%arg13 : memref<128x16xf32, #tpu.memory_space<vmem>>) target_semaphore(%run_scoped3A : memref<!tpu.dma_semaphore, #tpu.memory_space<semaphore_mem>>)
        %dma_wait3A_90 = arith.constant 0 : i32
        %dma_wait3A_91 = tpu.memref_slice %arg4[%add3A_74, %dma_wait3A_90] : memref<331776x16xf32, #tpu.memory_space<hbm>> -> memref<128x16xf32, #tpu.memory_space<hbm>>
        %dma_wait3A_92 = arith.constant 0 : i32
        %dma_wait3A_93 = tpu.memref_slice %arg4[%add3A_74, %dma_wait3A_92] : memref<331776x16xf32, #tpu.memory_space<hbm>> -> memref<128x16xf32, #tpu.memory_space<hbm>>
        tpu.wait_dma2 semaphore(%run_scoped3A : memref<!tpu.dma_semaphore, #tpu.memory_space<semaphore_mem>>) src(%dma_wait3A_93 : memref<128x16xf32, #tpu.memory_space<hbm>>) dst(%arg13 : memref<128x16xf32, #tpu.memory_space<vmem>>)
        tpu.yield
      }) : () -> ()
      %dma_wait3A_75 = arith.constant 0 : i32
      %dma_wait3A_76 = arith.constant 0 : i32
      %dma_wait3A_77 = tpu.memref_slice %arg5[%dma_wait3A_75, %dma_wait3A_76] : memref<10240x128xf32, #tpu.memory_space<hbm>> -> memref<10240x128xf32, #tpu.memory_space<hbm>>
      tpu.wait_indirect_dma semaphore(%arg16 : memref<!tpu.dma_semaphore, #tpu.memory_space<semaphore_mem>>) src(%dma_wait3A_77 : memref<10240x128xf32, #tpu.memory_space<hbm>>) dst(%arg14 : memref<128x128xf32, #tpu.memory_space<vmem>>)
      %scan3A_78 = arith.constant 0 : i32
      %scan3A_79 = arith.constant 0 : i32
      %scan3A_80 = arith.constant 128 : i32
      %scan3A_81 = arith.addi %scan3A_79, %scan3A_80 : i32
      %scan3A_82 = arith.constant 1 : i32
      %scan3A_83 = scf.for %scan3A_86 = %scan3A_79 to %scan3A_81 step %scan3A_82 iter_args(%scan3A_87 = %scan3A_78) -> (i32)  : i32 {
        %get3A = arith.index_cast %scan3A_86 : i32 to index
        %get3A_88 = arith.constant 0 : index
        %get3A_89 = tpu.vector_load %arg13[%get3A, %get3A_88] {strides = array<i32>} : memref<128x16xf32, #tpu.memory_space<vmem>>, vector<1x16xf32>,
        %get3A_90 = vector.shape_cast %get3A_89 : vector<1x16xf32> to vector<16xf32>
        %get3A_91 = arith.index_cast %scan3A_86 : i32 to index
        %get3A_92 = arith.constant 0 : index
        %get3A_93 = tpu.vector_load %arg14[%get3A_91, %get3A_92] {strides = array<i32>} : memref<128x128xf32, #tpu.memory_space<vmem>>, vector<1x16xf32>,
        %get3A_94 = vector.shape_cast %get3A_93 : vector<1x16xf32> to vector<16xf32>
        %slice3A = vector.extract_strided_slice %get3A_90 {offsets = [0], sizes = [1], strides = [1]} : vector<16xf32> to vector<1xf32>
        %squeeze3A = vector.extract %slice3A[0] : f32 from vector<1xf32>
        %mul3A_95 = vector.broadcast %squeeze3A : f32 to vector<16xf32>
        %mul3A_96 = arith.mulf %get3A_94, %mul3A_95 : vector<16xf32>
        %swap3A = arith.index_cast %scan3A_86 : i32 to index
        %swap3A_97 = arith.constant 0 : index
        %swap3A_98 = tpu.vector_load %arg14[%swap3A, %swap3A_97] {strides = array<i32>} : memref<128x128xf32, #tpu.memory_space<vmem>>, vector<1x16xf32>,
        %swap3A_99 = vector.shape_cast %swap3A_98 : vector<1x16xf32> to vector<16xf32>
        %swap3A_100 = vector.shape_cast %mul3A_96 : vector<16xf32> to vector<1x16xf32>
        tpu.vector_store %arg14[%swap3A, %swap3A_97], %swap3A_100 {strides = array<i32>} : memref<128x128xf32, #tpu.memory_space<vmem>>, vector<1x16xf32>,
        %get3A_101 = arith.index_cast %scan3A_86 : i32 to index
        %get3A_102 = arith.constant 16 : index
        %get3A_103 = tpu.vector_load %arg14[%get3A_101, %get3A_102] {strides = array<i32>} : memref<128x128xf32, #tpu.memory_space<vmem>>, vector<1x16xf32>,
        %get3A_104 = vector.shape_cast %get3A_103 : vector<1x16xf32> to vector<16xf32>
        %slice3A_105 = vector.extract_strided_slice %get3A_90 {offsets = [1], sizes = [1], strides = [1]} : vector<16xf32> to vector<1xf32>
        %squeeze3A_106 = vector.extract %slice3A_105[0] : f32 from vector<1xf32>
        %mul3A_107 = vector.broadcast %squeeze3A_106 : f32 to vector<16xf32>
        %mul3A_108 = arith.mulf %get3A_104, %mul3A_107 : vector<16xf32>
        %swap3A_109 = arith.index_cast %scan3A_86 : i32 to index
        %swap3A_110 = arith.constant 16 : index
        %swap3A_111 = tpu.vector_load %arg14[%swap3A_109, %swap3A_110] {strides = array<i32>} : memref<128x128xf32, #tpu.memory_space<vmem>>, vector<1x16xf32>,
        %swap3A_112 = vector.shape_cast %swap3A_111 : vector<1x16xf32> to vector<16xf32>
        %swap3A_113 = vector.shape_cast %mul3A_108 : vector<16xf32> to vector<1x16xf32>
        tpu.vector_store %arg14[%swap3A_109, %swap3A_110], %swap3A_113 {strides = array<i32>} : memref<128x128xf32, #tpu.memory_space<vmem>>, vector<1x16xf32>,
        %get3A_114 = arith.index_cast %scan3A_86 : i32 to index
        %get3A_115 = arith.constant 32 : index
        %get3A_116 = tpu.vector_load %arg14[%get3A_114, %get3A_115] {strides = array<i32>} : memref<128x128xf32, #tpu.memory_space<vmem>>, vector<1x16xf32>,
        %get3A_117 = vector.shape_cast %get3A_116 : vector<1x16xf32> to vector<16xf32>
        %slice3A_118 = vector.extract_strided_slice %get3A_90 {offsets = [2], sizes = [1], strides = [1]} : vector<16xf32> to vector<1xf32>
        %squeeze3A_119 = vector.extract %slice3A_118[0] : f32 from vector<1xf32>
        %mul3A_120 = vector.broadcast %squeeze3A_119 : f32 to vector<16xf32>
        %mul3A_121 = arith.mulf %get3A_117, %mul3A_120 : vector<16xf32>
        %swap3A_122 = arith.index_cast %scan3A_86 : i32 to index
        %swap3A_123 = arith.constant 32 : index
        %swap3A_124 = tpu.vector_load %arg14[%swap3A_122, %swap3A_123] {strides = array<i32>} : memref<128x128xf32, #tpu.memory_space<vmem>>, vector<1x16xf32>,
        %swap3A_125 = vector.shape_cast %swap3A_124 : vector<1x16xf32> to vector<16xf32>
        %swap3A_126 = vector.shape_cast %mul3A_121 : vector<16xf32> to vector<1x16xf32>
        tpu.vector_store %arg14[%swap3A_122, %swap3A_123], %swap3A_126 {strides = array<i32>} : memref<128x128xf32, #tpu.memory_space<vmem>>, vector<1x16xf32>,
        %get3A_127 = arith.index_cast %scan3A_86 : i32 to index
        %get3A_128 = arith.constant 48 : index
        %get3A_129 = tpu.vector_load %arg14[%get3A_127, %get3A_128] {strides = array<i32>} : memref<128x128xf32, #tpu.memory_space<vmem>>, vector<1x16xf32>,
        %get3A_130 = vector.shape_cast %get3A_129 : vector<1x16xf32> to vector<16xf32>
        %slice3A_131 = vector.extract_strided_slice %get3A_90 {offsets = [3], sizes = [1], strides = [1]} : vector<16xf32> to vector<1xf32>
        %squeeze3A_132 = vector.extract %slice3A_131[0] : f32 from vector<1xf32>
        %mul3A_133 = vector.broadcast %squeeze3A_132 : f32 to vector<16xf32>
        %mul3A_134 = arith.mulf %get3A_130, %mul3A_133 : vector<16xf32>
        %swap3A_135 = arith.index_cast %scan3A_86 : i32 to index
        %swap3A_136 = arith.constant 48 : index
        %swap3A_137 = tpu.vector_load %arg14[%swap3A_135, %swap3A_136] {strides = array<i32>} : memref<128x128xf32, #tpu.memory_space<vmem>>, vector<1x16xf32>,
        %swap3A_138 = vector.shape_cast %swap3A_137 : vector<1x16xf32> to vector<16xf32>
        %swap3A_139 = vector.shape_cast %mul3A_134 : vector<16xf32> to vector<1x16xf32>
        tpu.vector_store %arg14[%swap3A_135, %swap3A_136], %swap3A_139 {strides = array<i32>} : memref<128x128xf32, #tpu.memory_space<vmem>>, vector<1x16xf32>,
        %get3A_140 = arith.index_cast %scan3A_86 : i32 to index
        %get3A_141 = arith.constant 64 : index
        %get3A_142 = tpu.vector_load %arg14[%get3A_140, %get3A_141] {strides = array<i32>} : memref<128x128xf32, #tpu.memory_space<vmem>>, vector<1x16xf32>,
        %get3A_143 = vector.shape_cast %get3A_142 : vector<1x16xf32> to vector<16xf32>
        %slice3A_144 = vector.extract_strided_slice %get3A_90 {offsets = [4], sizes = [1], strides = [1]} : vector<16xf32> to vector<1xf32>
        %squeeze3A_145 = vector.extract %slice3A_144[0] : f32 from vector<1xf32>
        %mul3A_146 = vector.broadcast %squeeze3A_145 : f32 to vector<16xf32>
        %mul3A_147 = arith.mulf %get3A_143, %mul3A_146 : vector<16xf32>
        %swap3A_148 = arith.index_cast %scan3A_86 : i32 to index
        %swap3A_149 = arith.constant 64 : index
        %swap3A_150 = tpu.vector_load %arg14[%swap3A_148, %swap3A_149] {strides = array<i32>} : memref<128x128xf32, #tpu.memory_space<vmem>>, vector<1x16xf32>,
        %swap3A_151 = vector.shape_cast %swap3A_150 : vector<1x16xf32> to vector<16xf32>
        %swap3A_152 = vector.shape_cast %mul3A_147 : vector<16xf32> to vector<1x16xf32>
        tpu.vector_store %arg14[%swap3A_148, %swap3A_149], %swap3A_152 {strides = array<i32>} : memref<128x128xf32, #tpu.memory_space<vmem>>, vector<1x16xf32>,
        %get3A_153 = arith.index_cast %scan3A_86 : i32 to index
        %get3A_154 = arith.constant 80 : index
        %get3A_155 = tpu.vector_load %arg14[%get3A_153, %get3A_154] {strides = array<i32>} : memref<128x128xf32, #tpu.memory_space<vmem>>, vector<1x16xf32>,
        %get3A_156 = vector.shape_cast %get3A_155 : vector<1x16xf32> to vector<16xf32>
        %slice3A_157 = vector.extract_strided_slice %get3A_90 {offsets = [5], sizes = [1], strides = [1]} : vector<16xf32> to vector<1xf32>
        %squeeze3A_158 = vector.extract %slice3A_157[0] : f32 from vector<1xf32>
        %mul3A_159 = vector.broadcast %squeeze3A_158 : f32 to vector<16xf32>
        %mul3A_160 = arith.mulf %get3A_156, %mul3A_159 : vector<16xf32>
        %swap3A_161 = arith.index_cast %scan3A_86 : i32 to index
        %swap3A_162 = arith.constant 80 : index
        %swap3A_163 = tpu.vector_load %arg14[%swap3A_161, %swap3A_162] {strides = array<i32>} : memref<128x128xf32, #tpu.memory_space<vmem>>, vector<1x16xf32>,
        %swap3A_164 = vector.shape_cast %swap3A_163 : vector<1x16xf32> to vector<16xf32>
        %swap3A_165 = vector.shape_cast %mul3A_160 : vector<16xf32> to vector<1x16xf32>
        tpu.vector_store %arg14[%swap3A_161, %swap3A_162], %swap3A_165 {strides = array<i32>} : memref<128x128xf32, #tpu.memory_space<vmem>>, vector<1x16xf32>,
        %get3A_166 = arith.index_cast %scan3A_86 : i32 to index
        %get3A_167 = arith.constant 96 : index
        %get3A_168 = tpu.vector_load %arg14[%get3A_166, %get3A_167] {strides = array<i32>} : memref<128x128xf32, #tpu.memory_space<vmem>>, vector<1x16xf32>,
        %get3A_169 = vector.shape_cast %get3A_168 : vector<1x16xf32> to vector<16xf32>
        %slice3A_170 = vector.extract_strided_slice %get3A_90 {offsets = [6], sizes = [1], strides = [1]} : vector<16xf32> to vector<1xf32>
        %squeeze3A_171 = vector.extract %slice3A_170[0] : f32 from vector<1xf32>
        %mul3A_172 = vector.broadcast %squeeze3A_171 : f32 to vector<16xf32>
        %mul3A_173 = arith.mulf %get3A_169, %mul3A_172 : vector<16xf32>
        %swap3A_174 = arith.index_cast %scan3A_86 : i32 to index
        %swap3A_175 = arith.constant 96 : index
        %swap3A_176 = tpu.vector_load %arg14[%swap3A_174, %swap3A_175] {strides = array<i32>} : memref<128x128xf32, #tpu.memory_space<vmem>>, vector<1x16xf32>,
        %swap3A_177 = vector.shape_cast %swap3A_176 : vector<1x16xf32> to vector<16xf32>
        %swap3A_178 = vector.shape_cast %mul3A_173 : vector<16xf32> to vector<1x16xf32>
        tpu.vector_store %arg14[%swap3A_174, %swap3A_175], %swap3A_178 {strides = array<i32>} : memref<128x128xf32, #tpu.memory_space<vmem>>, vector<1x16xf32>,
        %get3A_179 = arith.index_cast %scan3A_86 : i32 to index
        %get3A_180 = arith.constant 112 : index
        %get3A_181 = tpu.vector_load %arg14[%get3A_179, %get3A_180] {strides = array<i32>} : memref<128x128xf32, #tpu.memory_space<vmem>>, vector<1x16xf32>,
        %get3A_182 = vector.shape_cast %get3A_181 : vector<1x16xf32> to vector<16xf32>
        %slice3A_183 = vector.extract_strided_slice %get3A_90 {offsets = [7], sizes = [1], strides = [1]} : vector<16xf32> to vector<1xf32>
        %squeeze3A_184 = vector.extract %slice3A_183[0] : f32 from vector<1xf32>
        %mul3A_185 = vector.broadcast %squeeze3A_184 : f32 to vector<16xf32>
        %mul3A_186 = arith.mulf %get3A_182, %mul3A_185 : vector<16xf32>
        %swap3A_187 = arith.index_cast %scan3A_86 : i32 to index
        %swap3A_188 = arith.constant 112 : index
        %swap3A_189 = tpu.vector_load %arg14[%swap3A_187, %swap3A_188] {strides = array<i32>} : memref<128x128xf32, #tpu.memory_space<vmem>>, vector<1x16xf32>,
        %swap3A_190 = vector.shape_cast %swap3A_189 : vector<1x16xf32> to vector<16xf32>
        %swap3A_191 = vector.shape_cast %mul3A_186 : vector<16xf32> to vector<1x16xf32>
        tpu.vector_store %arg14[%swap3A_187, %swap3A_188], %swap3A_191 {strides = array<i32>} : memref<128x128xf32, #tpu.memory_space<vmem>>, vector<1x16xf32>,
        %scan3A_192 = arith.constant 0 : i32
        scf.yield %scan3A_192 : i32
      }
      %scan3A_84 = arith.constant 128 : i32
      "tpu.region"() ({
        %run_scoped3A = tpu.sem_alloc : memref<!tpu.dma_semaphore, #tpu.memory_space<semaphore_mem>>
        %dma_start3A_86 = arith.constant 0 : i32
        %dma_start3A_87 = arith.constant 0 : i32
        %dma_start3A_88 = tpu.memref_slice %arg17[%dma_start3A_86, %dma_start3A_87] : memref<10240x128xf32, #tpu.memory_space<vmem_shared>> -> memref<10240x128xf32, #tpu.memory_space<vmem_shared>>
        tpu.enqueue_indirect_dma source(%arg14 : memref<128x128xf32, #tpu.memory_space<vmem>>) target(%dma_start3A_88 : memref<10240x128xf32, #tpu.memory_space<vmem_shared>>) offsets(%arg12 : memref<128xi32, #tpu.memory_space<vmem>>) semaphore(%run_scoped3A : memref<!tpu.dma_semaphore, #tpu.memory_space<semaphore_mem>>) {add = true}
        %dma_wait3A_89 = arith.constant 0 : i32
        %dma_wait3A_90 = arith.constant 0 : i32
        %dma_wait3A_91 = tpu.memref_slice %arg17[%dma_wait3A_89, %dma_wait3A_90] : memref<10240x128xf32, #tpu.memory_space<vmem_shared>> -> memref<10240x128xf32, #tpu.memory_space<vmem_shared>>
        tpu.wait_indirect_dma semaphore(%run_scoped3A : memref<!tpu.dma_semaphore, #tpu.memory_space<semaphore_mem>>) src(%arg14 : memref<128x128xf32, #tpu.memory_space<vmem>>) dst(%dma_wait3A_91 : memref<10240x128xf32, #tpu.memory_space<vmem_shared>>)
        tpu.yield
      }) : () -> ()
      %scan3A_85 = arith.constant 0 : i32
      scf.yield %scan3A_85 : i32
    }
    %scan3A_25 = arith.constant 40 : i32
    %mul3A_26 = arith.constant 10368 : i32
    %mul3A_27 = arith.muli %add3A, %mul3A_26 : i32
    %add3A_28 = arith.constant 10240 : i32
    %add3A_29 = arith.addi %mul3A_27, %add3A_28 : i32
    "tpu.region"() ({
      %run_scoped3A = tpu.sem_alloc : memref<!tpu.dma_semaphore, #tpu.memory_space<semaphore_mem>>
      %dma_start3A_44 = arith.constant 0 : i32
      %dma_start3A_45 = tpu.memref_slice %arg4[%add3A_29, %dma_start3A_44] : memref<331776x16xf32, #tpu.memory_space<hbm>> -> memref<128x16xf32, #tpu.memory_space<hbm>>
      %dma_start3A_46 = arith.constant 0 : i32
      %dma_start3A_47 = tpu.memref_slice %arg4[%add3A_29, %dma_start3A_46] : memref<331776x16xf32, #tpu.memory_space<hbm>> -> memref<128x16xf32, #tpu.memory_space<hbm>>
      tpu.enqueue_dma source(%dma_start3A_47 : memref<128x16xf32, #tpu.memory_space<hbm>>) target(%arg9 : memref<128x16xf32, #tpu.memory_space<vmem>>) target_semaphore(%run_scoped3A : memref<!tpu.dma_semaphore, #tpu.memory_space<semaphore_mem>>)
      %dma_wait3A_48 = arith.constant 0 : i32
      %dma_wait3A_49 = tpu.memref_slice %arg4[%add3A_29, %dma_wait3A_48] : memref<331776x16xf32, #tpu.memory_space<hbm>> -> memref<128x16xf32, #tpu.memory_space<hbm>>
      %dma_wait3A_50 = arith.constant 0 : i32
      %dma_wait3A_51 = tpu.memref_slice %arg4[%add3A_29, %dma_wait3A_50] : memref<331776x16xf32, #tpu.memory_space<hbm>> -> memref<128x16xf32, #tpu.memory_space<hbm>>
      tpu.wait_dma2 semaphore(%run_scoped3A : memref<!tpu.dma_semaphore, #tpu.memory_space<semaphore_mem>>) src(%dma_wait3A_51 : memref<128x16xf32, #tpu.memory_space<hbm>>) dst(%arg9 : memref<128x16xf32, #tpu.memory_space<vmem>>)
      tpu.yield
    }) : () -> ()
    %dma_wait3A = arith.constant 0 : i32
    %dma_wait3A_30 = arith.constant 0 : i32
    %dma_wait3A_31 = tpu.memref_slice %arg5[%dma_wait3A, %dma_wait3A_30] : memref<10240x128xf32, #tpu.memory_space<hbm>> -> memref<10240x128xf32, #tpu.memory_space<hbm>>
    tpu.wait_indirect_dma semaphore(%arg15 : memref<!tpu.dma_semaphore, #tpu.memory_space<semaphore_mem>>) src(%dma_wait3A_31 : memref<10240x128xf32, #tpu.memory_space<hbm>>) dst(%arg10 : memref<128x128xf32, #tpu.memory_space<vmem>>)
    %scan3A_32 = arith.constant 0 : i32
    %scan3A_33 = arith.constant 0 : i32
    %scan3A_34 = arith.constant 128 : i32
    %scan3A_35 = arith.addi %scan3A_33, %scan3A_34 : i32
    %scan3A_36 = arith.constant 1 : i32
    %scan3A_37 = scf.for %scan3A_44 = %scan3A_33 to %scan3A_35 step %scan3A_36 iter_args(%scan3A_45 = %scan3A_32) -> (i32)  : i32 {
      %get3A = arith.index_cast %scan3A_44 : i32 to index
      %get3A_46 = arith.constant 0 : index
      %get3A_47 = tpu.vector_load %arg9[%get3A, %get3A_46] {strides = array<i32>} : memref<128x16xf32, #tpu.memory_space<vmem>>, vector<1x16xf32>,
      %get3A_48 = vector.shape_cast %get3A_47 : vector<1x16xf32> to vector<16xf32>
      %get3A_49 = arith.index_cast %scan3A_44 : i32 to index
      %get3A_50 = arith.constant 0 : index
      %get3A_51 = tpu.vector_load %arg10[%get3A_49, %get3A_50] {strides = array<i32>} : memref<128x128xf32, #tpu.memory_space<vmem>>, vector<1x16xf32>,
      %get3A_52 = vector.shape_cast %get3A_51 : vector<1x16xf32> to vector<16xf32>
      %slice3A = vector.extract_strided_slice %get3A_48 {offsets = [0], sizes = [1], strides = [1]} : vector<16xf32> to vector<1xf32>
      %squeeze3A = vector.extract %slice3A[0] : f32 from vector<1xf32>
      %mul3A_53 = vector.broadcast %squeeze3A : f32 to vector<16xf32>
      %mul3A_54 = arith.mulf %get3A_52, %mul3A_53 : vector<16xf32>
      %swap3A = arith.index_cast %scan3A_44 : i32 to index
      %swap3A_55 = arith.constant 0 : index
      %swap3A_56 = tpu.vector_load %arg10[%swap3A, %swap3A_55] {strides = array<i32>} : memref<128x128xf32, #tpu.memory_space<vmem>>, vector<1x16xf32>,
      %swap3A_57 = vector.shape_cast %swap3A_56 : vector<1x16xf32> to vector<16xf32>
      %swap3A_58 = vector.shape_cast %mul3A_54 : vector<16xf32> to vector<1x16xf32>
      tpu.vector_store %arg10[%swap3A, %swap3A_55], %swap3A_58 {strides = array<i32>} : memref<128x128xf32, #tpu.memory_space<vmem>>, vector<1x16xf32>,
      %get3A_59 = arith.index_cast %scan3A_44 : i32 to index
      %get3A_60 = arith.constant 16 : index
      %get3A_61 = tpu.vector_load %arg10[%get3A_59, %get3A_60] {strides = array<i32>} : memref<128x128xf32, #tpu.memory_space<vmem>>, vector<1x16xf32>,
      %get3A_62 = vector.shape_cast %get3A_61 : vector<1x16xf32> to vector<16xf32>
      %slice3A_63 = vector.extract_strided_slice %get3A_48 {offsets = [1], sizes = [1], strides = [1]} : vector<16xf32> to vector<1xf32>
      %squeeze3A_64 = vector.extract %slice3A_63[0] : f32 from vector<1xf32>
      %mul3A_65 = vector.broadcast %squeeze3A_64 : f32 to vector<16xf32>
      %mul3A_66 = arith.mulf %get3A_62, %mul3A_65 : vector<16xf32>
      %swap3A_67 = arith.index_cast %scan3A_44 : i32 to index
      %swap3A_68 = arith.constant 16 : index
      %swap3A_69 = tpu.vector_load %arg10[%swap3A_67, %swap3A_68] {strides = array<i32>} : memref<128x128xf32, #tpu.memory_space<vmem>>, vector<1x16xf32>,
      %swap3A_70 = vector.shape_cast %swap3A_69 : vector<1x16xf32> to vector<16xf32>
      %swap3A_71 = vector.shape_cast %mul3A_66 : vector<16xf32> to vector<1x16xf32>
      tpu.vector_store %arg10[%swap3A_67, %swap3A_68], %swap3A_71 {strides = array<i32>} : memref<128x128xf32, #tpu.memory_space<vmem>>, vector<1x16xf32>,
      %get3A_72 = arith.index_cast %scan3A_44 : i32 to index
      %get3A_73 = arith.constant 32 : index
      %get3A_74 = tpu.vector_load %arg10[%get3A_72, %get3A_73] {strides = array<i32>} : memref<128x128xf32, #tpu.memory_space<vmem>>, vector<1x16xf32>,
      %get3A_75 = vector.shape_cast %get3A_74 : vector<1x16xf32> to vector<16xf32>
      %slice3A_76 = vector.extract_strided_slice %get3A_48 {offsets = [2], sizes = [1], strides = [1]} : vector<16xf32> to vector<1xf32>
      %squeeze3A_77 = vector.extract %slice3A_76[0] : f32 from vector<1xf32>
      %mul3A_78 = vector.broadcast %squeeze3A_77 : f32 to vector<16xf32>
      %mul3A_79 = arith.mulf %get3A_75, %mul3A_78 : vector<16xf32>
      %swap3A_80 = arith.index_cast %scan3A_44 : i32 to index
      %swap3A_81 = arith.constant 32 : index
      %swap3A_82 = tpu.vector_load %arg10[%swap3A_80, %swap3A_81] {strides = array<i32>} : memref<128x128xf32, #tpu.memory_space<vmem>>, vector<1x16xf32>,
      %swap3A_83 = vector.shape_cast %swap3A_82 : vector<1x16xf32> to vector<16xf32>
      %swap3A_84 = vector.shape_cast %mul3A_79 : vector<16xf32> to vector<1x16xf32>
      tpu.vector_store %arg10[%swap3A_80, %swap3A_81], %swap3A_84 {strides = array<i32>} : memref<128x128xf32, #tpu.memory_space<vmem>>, vector<1x16xf32>,
      %get3A_85 = arith.index_cast %scan3A_44 : i32 to index
      %get3A_86 = arith.constant 48 : index
      %get3A_87 = tpu.vector_load %arg10[%get3A_85, %get3A_86] {strides = array<i32>} : memref<128x128xf32, #tpu.memory_space<vmem>>, vector<1x16xf32>,
      %get3A_88 = vector.shape_cast %get3A_87 : vector<1x16xf32> to vector<16xf32>
      %slice3A_89 = vector.extract_strided_slice %get3A_48 {offsets = [3], sizes = [1], strides = [1]} : vector<16xf32> to vector<1xf32>
      %squeeze3A_90 = vector.extract %slice3A_89[0] : f32 from vector<1xf32>
      %mul3A_91 = vector.broadcast %squeeze3A_90 : f32 to vector<16xf32>
      %mul3A_92 = arith.mulf %get3A_88, %mul3A_91 : vector<16xf32>
      %swap3A_93 = arith.index_cast %scan3A_44 : i32 to index
      %swap3A_94 = arith.constant 48 : index
      %swap3A_95 = tpu.vector_load %arg10[%swap3A_93, %swap3A_94] {strides = array<i32>} : memref<128x128xf32, #tpu.memory_space<vmem>>, vector<1x16xf32>,
      %swap3A_96 = vector.shape_cast %swap3A_95 : vector<1x16xf32> to vector<16xf32>
      %swap3A_97 = vector.shape_cast %mul3A_92 : vector<16xf32> to vector<1x16xf32>
      tpu.vector_store %arg10[%swap3A_93, %swap3A_94], %swap3A_97 {strides = array<i32>} : memref<128x128xf32, #tpu.memory_space<vmem>>, vector<1x16xf32>,
      %get3A_98 = arith.index_cast %scan3A_44 : i32 to index
      %get3A_99 = arith.constant 64 : index
      %get3A_100 = tpu.vector_load %arg10[%get3A_98, %get3A_99] {strides = array<i32>} : memref<128x128xf32, #tpu.memory_space<vmem>>, vector<1x16xf32>,
      %get3A_101 = vector.shape_cast %get3A_100 : vector<1x16xf32> to vector<16xf32>
      %slice3A_102 = vector.extract_strided_slice %get3A_48 {offsets = [4], sizes = [1], strides = [1]} : vector<16xf32> to vector<1xf32>
      %squeeze3A_103 = vector.extract %slice3A_102[0] : f32 from vector<1xf32>
      %mul3A_104 = vector.broadcast %squeeze3A_103 : f32 to vector<16xf32>
      %mul3A_105 = arith.mulf %get3A_101, %mul3A_104 : vector<16xf32>
      %swap3A_106 = arith.index_cast %scan3A_44 : i32 to index
      %swap3A_107 = arith.constant 64 : index
      %swap3A_108 = tpu.vector_load %arg10[%swap3A_106, %swap3A_107] {strides = array<i32>} : memref<128x128xf32, #tpu.memory_space<vmem>>, vector<1x16xf32>,
      %swap3A_109 = vector.shape_cast %swap3A_108 : vector<1x16xf32> to vector<16xf32>
      %swap3A_110 = vector.shape_cast %mul3A_105 : vector<16xf32> to vector<1x16xf32>
      tpu.vector_store %arg10[%swap3A_106, %swap3A_107], %swap3A_110 {strides = array<i32>} : memref<128x128xf32, #tpu.memory_space<vmem>>, vector<1x16xf32>,
      %get3A_111 = arith.index_cast %scan3A_44 : i32 to index
      %get3A_112 = arith.constant 80 : index
      %get3A_113 = tpu.vector_load %arg10[%get3A_111, %get3A_112] {strides = array<i32>} : memref<128x128xf32, #tpu.memory_space<vmem>>, vector<1x16xf32>,
      %get3A_114 = vector.shape_cast %get3A_113 : vector<1x16xf32> to vector<16xf32>
      %slice3A_115 = vector.extract_strided_slice %get3A_48 {offsets = [5], sizes = [1], strides = [1]} : vector<16xf32> to vector<1xf32>
      %squeeze3A_116 = vector.extract %slice3A_115[0] : f32 from vector<1xf32>
      %mul3A_117 = vector.broadcast %squeeze3A_116 : f32 to vector<16xf32>
      %mul3A_118 = arith.mulf %get3A_114, %mul3A_117 : vector<16xf32>
      %swap3A_119 = arith.index_cast %scan3A_44 : i32 to index
      %swap3A_120 = arith.constant 80 : index
      %swap3A_121 = tpu.vector_load %arg10[%swap3A_119, %swap3A_120] {strides = array<i32>} : memref<128x128xf32, #tpu.memory_space<vmem>>, vector<1x16xf32>,
      %swap3A_122 = vector.shape_cast %swap3A_121 : vector<1x16xf32> to vector<16xf32>
      %swap3A_123 = vector.shape_cast %mul3A_118 : vector<16xf32> to vector<1x16xf32>
      tpu.vector_store %arg10[%swap3A_119, %swap3A_120], %swap3A_123 {strides = array<i32>} : memref<128x128xf32, #tpu.memory_space<vmem>>, vector<1x16xf32>,
      %get3A_124 = arith.index_cast %scan3A_44 : i32 to index
      %get3A_125 = arith.constant 96 : index
      %get3A_126 = tpu.vector_load %arg10[%get3A_124, %get3A_125] {strides = array<i32>} : memref<128x128xf32, #tpu.memory_space<vmem>>, vector<1x16xf32>,
      %get3A_127 = vector.shape_cast %get3A_126 : vector<1x16xf32> to vector<16xf32>
      %slice3A_128 = vector.extract_strided_slice %get3A_48 {offsets = [6], sizes = [1], strides = [1]} : vector<16xf32> to vector<1xf32>
      %squeeze3A_129 = vector.extract %slice3A_128[0] : f32 from vector<1xf32>
      %mul3A_130 = vector.broadcast %squeeze3A_129 : f32 to vector<16xf32>
      %mul3A_131 = arith.mulf %get3A_127, %mul3A_130 : vector<16xf32>
      %swap3A_132 = arith.index_cast %scan3A_44 : i32 to index
      %swap3A_133 = arith.constant 96 : index
      %swap3A_134 = tpu.vector_load %arg10[%swap3A_132, %swap3A_133] {strides = array<i32>} : memref<128x128xf32, #tpu.memory_space<vmem>>, vector<1x16xf32>,
      %swap3A_135 = vector.shape_cast %swap3A_134 : vector<1x16xf32> to vector<16xf32>
      %swap3A_136 = vector.shape_cast %mul3A_131 : vector<16xf32> to vector<1x16xf32>
      tpu.vector_store %arg10[%swap3A_132, %swap3A_133], %swap3A_136 {strides = array<i32>} : memref<128x128xf32, #tpu.memory_space<vmem>>, vector<1x16xf32>,
      %get3A_137 = arith.index_cast %scan3A_44 : i32 to index
      %get3A_138 = arith.constant 112 : index
      %get3A_139 = tpu.vector_load %arg10[%get3A_137, %get3A_138] {strides = array<i32>} : memref<128x128xf32, #tpu.memory_space<vmem>>, vector<1x16xf32>,
      %get3A_140 = vector.shape_cast %get3A_139 : vector<1x16xf32> to vector<16xf32>
      %slice3A_141 = vector.extract_strided_slice %get3A_48 {offsets = [7], sizes = [1], strides = [1]} : vector<16xf32> to vector<1xf32>
      %squeeze3A_142 = vector.extract %slice3A_141[0] : f32 from vector<1xf32>
      %mul3A_143 = vector.broadcast %squeeze3A_142 : f32 to vector<16xf32>
      %mul3A_144 = arith.mulf %get3A_140, %mul3A_143 : vector<16xf32>
      %swap3A_145 = arith.index_cast %scan3A_44 : i32 to index
      %swap3A_146 = arith.constant 112 : index
      %swap3A_147 = tpu.vector_load %arg10[%swap3A_145, %swap3A_146] {strides = array<i32>} : memref<128x128xf32, #tpu.memory_space<vmem>>, vector<1x16xf32>,
      %swap3A_148 = vector.shape_cast %swap3A_147 : vector<1x16xf32> to vector<16xf32>
      %swap3A_149 = vector.shape_cast %mul3A_144 : vector<16xf32> to vector<1x16xf32>
      tpu.vector_store %arg10[%swap3A_145, %swap3A_146], %swap3A_149 {strides = array<i32>} : memref<128x128xf32, #tpu.memory_space<vmem>>, vector<1x16xf32>,
      %scan3A_150 = arith.constant 0 : i32
      scf.yield %scan3A_150 : i32
    }
    %scan3A_38 = arith.constant 128 : i32
    "tpu.region"() ({
      %run_scoped3A = tpu.sem_alloc : memref<!tpu.dma_semaphore, #tpu.memory_space<semaphore_mem>>
      %dma_start3A_44 = arith.constant 0 : i32
      %dma_start3A_45 = arith.constant 0 : i32
      %dma_start3A_46 = tpu.memref_slice %arg17[%dma_start3A_44, %dma_start3A_45] : memref<10240x128xf32, #tpu.memory_space<vmem_shared>> -> memref<10240x128xf32, #tpu.memory_space<vmem_shared>>
      tpu.enqueue_indirect_dma source(%arg10 : memref<128x128xf32, #tpu.memory_space<vmem>>) target(%dma_start3A_46 : memref<10240x128xf32, #tpu.memory_space<vmem_shared>>) offsets(%arg8 : memref<128xi32, #tpu.memory_space<vmem>>) semaphore(%run_scoped3A : memref<!tpu.dma_semaphore, #tpu.memory_space<semaphore_mem>>) {add = true}
      %dma_wait3A_47 = arith.constant 0 : i32
      %dma_wait3A_48 = arith.constant 0 : i32
      %dma_wait3A_49 = tpu.memref_slice %arg17[%dma_wait3A_47, %dma_wait3A_48] : memref<10240x128xf32, #tpu.memory_space<vmem_shared>> -> memref<10240x128xf32, #tpu.memory_space<vmem_shared>>
      tpu.wait_indirect_dma semaphore(%run_scoped3A : memref<!tpu.dma_semaphore, #tpu.memory_space<semaphore_mem>>) src(%arg10 : memref<128x128xf32, #tpu.memory_space<vmem>>) dst(%dma_wait3A_49 : memref<10240x128xf32, #tpu.memory_space<vmem_shared>>)
      tpu.yield
    }) : () -> ()
    %barrier3A_39 = arith.constant 0 : index
    tpu.barrier barrier_id(%barrier3A_39)
    %mul3A_40 = arith.constant 640 : i32
    %mul3A_41 = arith.muli %arg1, %mul3A_40 : i32
    %mul3A_42 = arith.constant 640 : i32
    %mul3A_43 = arith.muli %arg1, %mul3A_42 : i32
    "tpu.region"() ({
      %run_scoped3A = tpu.sem_alloc : memref<!tpu.dma_semaphore, #tpu.memory_space<semaphore_mem>>
      %dma_start3A_44 = arith.constant 0 : i32
      %dma_start3A_45 = tpu.memref_slice %arg6[%arg0, %mul3A_43, %dma_start3A_44] : memref<2x10240x128xf32, #tpu.memory_space<hbm>> -> memref<1x640x128xf32, #tpu.memory_space<hbm>>
      %dma_start3A_46 = tpu.memref_squeeze %dma_start3A_45 : memref<1x640x128xf32, #tpu.memory_space<hbm>> -> memref<640x128xf32, #tpu.memory_space<hbm>>
      %dma_start3A_47 = arith.constant 0 : i32
      %dma_start3A_48 = tpu.memref_slice %arg17[%mul3A_41, %dma_start3A_47] : memref<10240x128xf32, #tpu.memory_space<vmem_shared>> -> memref<640x128xf32, #tpu.memory_space<vmem_shared>>
      tpu.enqueue_dma source(%dma_start3A_48 : memref<640x128xf32, #tpu.memory_space<vmem_shared>>) target(%dma_start3A_46 : memref<640x128xf32, #tpu.memory_space<hbm>>) target_semaphore(%run_scoped3A : memref<!tpu.dma_semaphore, #tpu.memory_space<semaphore_mem>>)
      %dma_wait3A_49 = arith.constant 0 : i32
      %dma_wait3A_50 = tpu.memref_slice %arg6[%arg0, %mul3A_43, %dma_wait3A_49] : memref<2x10240x128xf32, #tpu.memory_space<hbm>> -> memref<1x640x128xf32, #tpu.memory_space<hbm>>
      %dma_wait3A_51 = tpu.memref_squeeze %dma_wait3A_50 : memref<1x640x128xf32, #tpu.memory_space<hbm>> -> memref<640x128xf32, #tpu.memory_space<hbm>>
      %dma_wait3A_52 = arith.constant 0 : i32
      %dma_wait3A_53 = tpu.memref_slice %arg17[%mul3A_41, %dma_wait3A_52] : memref<10240x128xf32, #tpu.memory_space<vmem_shared>> -> memref<640x128xf32, #tpu.memory_space<vmem_shared>>
      tpu.wait_dma2 semaphore(%run_scoped3A : memref<!tpu.dma_semaphore, #tpu.memory_space<semaphore_mem>>) src(%dma_wait3A_53 : memref<640x128xf32, #tpu.memory_space<vmem_shared>>) dst(%dma_wait3A_51 : memref<640x128xf32, #tpu.memory_space<hbm>>)
      tpu.yield
    }) : () -> ()
    return
  }
}

#map = affine_map<(d0, d1) -> (0)>
#map1 = affine_map<(d0, d1) -> (0, 0)>
#map2 = affine_map<(d0, d1) -> (0, 0, 0)>
module attributes {stable_mosaic.version = 14 : i64} {
  func.func @_sc_agg_body(%arg0: i32, %arg1: i32, %arg2: memref<331776xi32, #tpu.memory_space<hbm>>, %arg3: memref<331776xi32, #tpu.memory_space<hbm>>, %arg4: memref<331776x16xf32, #tpu.memory_space<hbm>>, %arg5: memref<10240x128xf32, #tpu.memory_space<hbm>>, %arg6: memref<2x10240x128xf32, #tpu.memory_space<hbm>>, %arg7: memref<128xi32, #tpu.memory_space<vmem>>, %arg8: memref<128xi32, #tpu.memory_space<vmem>>, %arg9: memref<128x16xf32, #tpu.memory_space<vmem>>, %arg10: memref<128x128xf32, #tpu.memory_space<vmem>>, %arg11: memref<128xi32, #tpu.memory_space<vmem>>, %arg12: memref<128xi32, #tpu.memory_space<vmem>>, %arg13: memref<128x16xf32, #tpu.memory_space<vmem>>, %arg14: memref<128x128xf32, #tpu.memory_space<vmem>>, %arg15: memref<!tpu.dma_semaphore, #tpu.memory_space<semaphore_mem>>, %arg16: memref<!tpu.dma_semaphore, #tpu.memory_space<semaphore_mem>>, %arg17: memref<10240x128xf32, #tpu.memory_space<vmem_shared>>) attributes {dimension_semantics = [#tpu.dimension_semantics<core_parallel>, #tpu.dimension_semantics<subcore_parallel>], iteration_bounds = array<i64: 2, 16>, scalar_prefetch = 0 : i64, scratch_operands = 11 : i64, tpu.core_type = #tpu.core_type<sc_vector_subcore>, window_params = [{transform_indices = #map}, {transform_indices = #map}, {transform_indices = #map1}, {transform_indices = #map1}, {transform_indices = #map2}]} {
    %mul3A = arith.constant 16 : i32
    %mul3A_0 = arith.muli %arg0, %mul3A : i32
    %add3A = arith.addi %mul3A_0, %arg1 : i32
    %broadcast_in_dim3A = arith.constant 0.000000e+00 : f32
    %broadcast_in_dim3A_1 = vector.broadcast %broadcast_in_dim3A : f32 to vector<16xf32>
    %scan3A = arith.constant 0 : i32
    %scan3A_2 = arith.constant 0 : i32
    %scan3A_3 = arith.constant 128 : i32
    %scan3A_4 = arith.addi %scan3A_2, %scan3A_3 : i32
    %scan3A_5 = arith.constant 1 : i32
    %scan3A_6 = scf.for %scan3A_44 = %scan3A_2 to %scan3A_4 step %scan3A_5 iter_args(%scan3A_45 = %scan3A) -> (i32)  : i32 {
      %swap3A = arith.index_cast %scan3A_44 : i32 to index
      %swap3A_46 = arith.constant 0 : index
      %swap3A_47 = tpu.vector_load %arg10[%swap3A, %swap3A_46] {strides = array<i32>} : memref<128x128xf32, #tpu.memory_space<vmem>>, vector<1x16xf32>,
      %swap3A_48 = vector.shape_cast %swap3A_47 : vector<1x16xf32> to vector<16xf32>
      %swap3A_49 = vector.shape_cast %broadcast_in_dim3A_1 : vector<16xf32> to vector<1x16xf32>
      tpu.vector_store %arg10[%swap3A, %swap3A_46], %swap3A_49 {strides = array<i32>} : memref<128x128xf32, #tpu.memory_space<vmem>>, vector<1x16xf32>,
      %swap3A_50 = arith.index_cast %scan3A_44 : i32 to index
      %swap3A_51 = arith.constant 16 : index
      %swap3A_52 = tpu.vector_load %arg10[%swap3A_50, %swap3A_51] {strides = array<i32>} : memref<128x128xf32, #tpu.memory_space<vmem>>, vector<1x16xf32>,
      %swap3A_53 = vector.shape_cast %swap3A_52 : vector<1x16xf32> to vector<16xf32>
      %swap3A_54 = vector.shape_cast %broadcast_in_dim3A_1 : vector<16xf32> to vector<1x16xf32>
      tpu.vector_store %arg10[%swap3A_50, %swap3A_51], %swap3A_54 {strides = array<i32>} : memref<128x128xf32, #tpu.memory_space<vmem>>, vector<1x16xf32>,
      %swap3A_55 = arith.index_cast %scan3A_44 : i32 to index
      %swap3A_56 = arith.constant 32 : index
      %swap3A_57 = tpu.vector_load %arg10[%swap3A_55, %swap3A_56] {strides = array<i32>} : memref<128x128xf32, #tpu.memory_space<vmem>>, vector<1x16xf32>,
      %swap3A_58 = vector.shape_cast %swap3A_57 : vector<1x16xf32> to vector<16xf32>
      %swap3A_59 = vector.shape_cast %broadcast_in_dim3A_1 : vector<16xf32> to vector<1x16xf32>
      tpu.vector_store %arg10[%swap3A_55, %swap3A_56], %swap3A_59 {strides = array<i32>} : memref<128x128xf32, #tpu.memory_space<vmem>>, vector<1x16xf32>,
      %swap3A_60 = arith.index_cast %scan3A_44 : i32 to index
      %swap3A_61 = arith.constant 48 : index
      %swap3A_62 = tpu.vector_load %arg10[%swap3A_60, %swap3A_61] {strides = array<i32>} : memref<128x128xf32, #tpu.memory_space<vmem>>, vector<1x16xf32>,
      %swap3A_63 = vector.shape_cast %swap3A_62 : vector<1x16xf32> to vector<16xf32>
      %swap3A_64 = vector.shape_cast %broadcast_in_dim3A_1 : vector<16xf32> to vector<1x16xf32>
      tpu.vector_store %arg10[%swap3A_60, %swap3A_61], %swap3A_64 {strides = array<i32>} : memref<128x128xf32, #tpu.memory_space<vmem>>, vector<1x16xf32>,
      %swap3A_65 = arith.index_cast %scan3A_44 : i32 to index
      %swap3A_66 = arith.constant 64 : index
      %swap3A_67 = tpu.vector_load %arg10[%swap3A_65, %swap3A_66] {strides = array<i32>} : memref<128x128xf32, #tpu.memory_space<vmem>>, vector<1x16xf32>,
      %swap3A_68 = vector.shape_cast %swap3A_67 : vector<1x16xf32> to vector<16xf32>
      %swap3A_69 = vector.shape_cast %broadcast_in_dim3A_1 : vector<16xf32> to vector<1x16xf32>
      tpu.vector_store %arg10[%swap3A_65, %swap3A_66], %swap3A_69 {strides = array<i32>} : memref<128x128xf32, #tpu.memory_space<vmem>>, vector<1x16xf32>,
      %swap3A_70 = arith.index_cast %scan3A_44 : i32 to index
      %swap3A_71 = arith.constant 80 : index
      %swap3A_72 = tpu.vector_load %arg10[%swap3A_70, %swap3A_71] {strides = array<i32>} : memref<128x128xf32, #tpu.memory_space<vmem>>, vector<1x16xf32>,
      %swap3A_73 = vector.shape_cast %swap3A_72 : vector<1x16xf32> to vector<16xf32>
      %swap3A_74 = vector.shape_cast %broadcast_in_dim3A_1 : vector<16xf32> to vector<1x16xf32>
      tpu.vector_store %arg10[%swap3A_70, %swap3A_71], %swap3A_74 {strides = array<i32>} : memref<128x128xf32, #tpu.memory_space<vmem>>, vector<1x16xf32>,
      %swap3A_75 = arith.index_cast %scan3A_44 : i32 to index
      %swap3A_76 = arith.constant 96 : index
      %swap3A_77 = tpu.vector_load %arg10[%swap3A_75, %swap3A_76] {strides = array<i32>} : memref<128x128xf32, #tpu.memory_space<vmem>>, vector<1x16xf32>,
      %swap3A_78 = vector.shape_cast %swap3A_77 : vector<1x16xf32> to vector<16xf32>
      %swap3A_79 = vector.shape_cast %broadcast_in_dim3A_1 : vector<16xf32> to vector<1x16xf32>
      tpu.vector_store %arg10[%swap3A_75, %swap3A_76], %swap3A_79 {strides = array<i32>} : memref<128x128xf32, #tpu.memory_space<vmem>>, vector<1x16xf32>,
      %swap3A_80 = arith.index_cast %scan3A_44 : i32 to index
      %swap3A_81 = arith.constant 112 : index
      %swap3A_82 = tpu.vector_load %arg10[%swap3A_80, %swap3A_81] {strides = array<i32>} : memref<128x128xf32, #tpu.memory_space<vmem>>, vector<1x16xf32>,
      %swap3A_83 = vector.shape_cast %swap3A_82 : vector<1x16xf32> to vector<16xf32>
      %swap3A_84 = vector.shape_cast %broadcast_in_dim3A_1 : vector<16xf32> to vector<1x16xf32>
      tpu.vector_store %arg10[%swap3A_80, %swap3A_81], %swap3A_84 {strides = array<i32>} : memref<128x128xf32, #tpu.memory_space<vmem>>, vector<1x16xf32>,
      %scan3A_85 = arith.constant 0 : i32
      scf.yield %scan3A_85 : i32
    }
    %scan3A_7 = arith.constant 128 : i32
    %scan3A_8 = arith.constant 0 : i32
    %scan3A_9 = arith.constant 0 : i32
    %scan3A_10 = arith.constant 5 : i32
    %scan3A_11 = arith.addi %scan3A_9, %scan3A_10 : i32
    %scan3A_12 = arith.constant 1 : i32
    %scan3A_13 = scf.for %scan3A_44 = %scan3A_9 to %scan3A_11 step %scan3A_12 iter_args(%scan3A_45 = %scan3A_8) -> (i32)  : i32 {
      %mul3A_46 = arith.constant 640 : i32
      %mul3A_47 = arith.muli %arg1, %mul3A_46 : i32
      %mul3A_48 = arith.constant 128 : i32
      %mul3A_49 = arith.muli %scan3A_44, %mul3A_48 : i32
      %add3A_50 = arith.addi %mul3A_47, %mul3A_49 : i32
      "tpu.region"() ({
        %run_scoped3A = tpu.sem_alloc : memref<!tpu.dma_semaphore, #tpu.memory_space<semaphore_mem>>
        %dma_start3A_52 = arith.constant 0 : i32
        %dma_start3A_53 = tpu.memref_slice %arg17[%add3A_50, %dma_start3A_52] : memref<10240x128xf32, #tpu.memory_space<vmem_shared>> -> memref<128x128xf32, #tpu.memory_space<vmem_shared>>
        %dma_start3A_54 = arith.constant 0 : i32
        %dma_start3A_55 = tpu.memref_slice %arg17[%add3A_50, %dma_start3A_54] : memref<10240x128xf32, #tpu.memory_space<vmem_shared>> -> memref<128x128xf32, #tpu.memory_space<vmem_shared>>
        tpu.enqueue_dma source(%arg10 : memref<128x128xf32, #tpu.memory_space<vmem>>) target(%dma_start3A_55 : memref<128x128xf32, #tpu.memory_space<vmem_shared>>) target_semaphore(%run_scoped3A : memref<!tpu.dma_semaphore, #tpu.memory_space<semaphore_mem>>)
        %dma_wait3A_56 = arith.constant 0 : i32
        %dma_wait3A_57 = tpu.memref_slice %arg17[%add3A_50, %dma_wait3A_56] : memref<10240x128xf32, #tpu.memory_space<vmem_shared>> -> memref<128x128xf32, #tpu.memory_space<vmem_shared>>
        %dma_wait3A_58 = arith.constant 0 : i32
        %dma_wait3A_59 = tpu.memref_slice %arg17[%add3A_50, %dma_wait3A_58] : memref<10240x128xf32, #tpu.memory_space<vmem_shared>> -> memref<128x128xf32, #tpu.memory_space<vmem_shared>>
        tpu.wait_dma2 semaphore(%run_scoped3A : memref<!tpu.dma_semaphore, #tpu.memory_space<semaphore_mem>>) src(%arg10 : memref<128x128xf32, #tpu.memory_space<vmem>>) dst(%dma_wait3A_59 : memref<128x128xf32, #tpu.memory_space<vmem_shared>>)
        tpu.yield
      }) : () -> ()
      %scan3A_51 = arith.constant 0 : i32
      scf.yield %scan3A_51 : i32
    }
    %scan3A_14 = arith.constant 5 : i32
    %barrier3A = arith.constant 0 : index
    tpu.barrier barrier_id(%barrier3A)
    %mul3A_15 = arith.constant 10368 : i32
    %mul3A_16 = arith.muli %add3A, %mul3A_15 : i32
    "tpu.region"() ({
      %run_scoped3A = tpu.sem_alloc : memref<!tpu.dma_semaphore, #tpu.memory_space<semaphore_mem>>
      %dma_start3A_44 = tpu.memref_slice %arg2[%mul3A_16] : memref<331776xi32, #tpu.memory_space<hbm>> -> memref<128xi32, #tpu.memory_space<hbm>>
      %dma_start3A_45 = tpu.memref_slice %arg2[%mul3A_16] : memref<331776xi32, #tpu.memory_space<hbm>> -> memref<128xi32, #tpu.memory_space<hbm>>
      tpu.enqueue_dma source(%dma_start3A_45 : memref<128xi32, #tpu.memory_space<hbm>>) target(%arg7 : memref<128xi32, #tpu.memory_space<vmem>>) target_semaphore(%run_scoped3A : memref<!tpu.dma_semaphore, #tpu.memory_space<semaphore_mem>>)
      %dma_wait3A_46 = tpu.memref_slice %arg2[%mul3A_16] : memref<331776xi32, #tpu.memory_space<hbm>> -> memref<128xi32, #tpu.memory_space<hbm>>
      %dma_wait3A_47 = tpu.memref_slice %arg2[%mul3A_16] : memref<331776xi32, #tpu.memory_space<hbm>> -> memref<128xi32, #tpu.memory_space<hbm>>
      tpu.wait_dma2 semaphore(%run_scoped3A : memref<!tpu.dma_semaphore, #tpu.memory_space<semaphore_mem>>) src(%dma_wait3A_47 : memref<128xi32, #tpu.memory_space<hbm>>) dst(%arg7 : memref<128xi32, #tpu.memory_space<vmem>>)
      tpu.yield
    }) : () -> ()
    "tpu.region"() ({
      %run_scoped3A = tpu.sem_alloc : memref<!tpu.dma_semaphore, #tpu.memory_space<semaphore_mem>>
      %dma_start3A_44 = tpu.memref_slice %arg3[%mul3A_16] : memref<331776xi32, #tpu.memory_space<hbm>> -> memref<128xi32, #tpu.memory_space<hbm>>
      %dma_start3A_45 = tpu.memref_slice %arg3[%mul3A_16] : memref<331776xi32, #tpu.memory_space<hbm>> -> memref<128xi32, #tpu.memory_space<hbm>>
      tpu.enqueue_dma source(%dma_start3A_45 : memref<128xi32, #tpu.memory_space<hbm>>) target(%arg8 : memref<128xi32, #tpu.memory_space<vmem>>) target_semaphore(%run_scoped3A : memref<!tpu.dma_semaphore, #tpu.memory_space<semaphore_mem>>)
      %dma_wait3A_46 = tpu.memref_slice %arg3[%mul3A_16] : memref<331776xi32, #tpu.memory_space<hbm>> -> memref<128xi32, #tpu.memory_space<hbm>>
      %dma_wait3A_47 = tpu.memref_slice %arg3[%mul3A_16] : memref<331776xi32, #tpu.memory_space<hbm>> -> memref<128xi32, #tpu.memory_space<hbm>>
      tpu.wait_dma2 semaphore(%run_scoped3A : memref<!tpu.dma_semaphore, #tpu.memory_space<semaphore_mem>>) src(%dma_wait3A_47 : memref<128xi32, #tpu.memory_space<hbm>>) dst(%arg8 : memref<128xi32, #tpu.memory_space<vmem>>)
      tpu.yield
    }) : () -> ()
    %dma_start3A = arith.constant 0 : i32
    %dma_start3A_17 = arith.constant 0 : i32
    %dma_start3A_18 = tpu.memref_slice %arg5[%dma_start3A, %dma_start3A_17] : memref<10240x128xf32, #tpu.memory_space<hbm>> -> memref<10240x128xf32, #tpu.memory_space<hbm>>
    tpu.enqueue_indirect_dma source(%dma_start3A_18 : memref<10240x128xf32, #tpu.memory_space<hbm>>) target(%arg10 : memref<128x128xf32, #tpu.memory_space<vmem>>) offsets(%arg7 : memref<128xi32, #tpu.memory_space<vmem>>) semaphore(%arg15 : memref<!tpu.dma_semaphore, #tpu.memory_space<semaphore_mem>>)
    %scan3A_19 = arith.constant 0 : i32
    %scan3A_20 = arith.constant 0 : i32
    %scan3A_21 = arith.constant 40 : i32
    %scan3A_22 = arith.addi %scan3A_20, %scan3A_21 : i32
    %scan3A_23 = arith.constant 1 : i32
    %scan3A_24 = scf.for %scan3A_44 = %scan3A_20 to %scan3A_22 step %scan3A_23 iter_args(%scan3A_45 = %scan3A_19) -> (i32)  : i32 {
      %mul3A_46 = arith.constant 10368 : i32
      %mul3A_47 = arith.muli %add3A, %mul3A_46 : i32
      %mul3A_48 = arith.constant 2 : i32
      %mul3A_49 = arith.muli %mul3A_48, %scan3A_44 : i32
      %mul3A_50 = arith.constant 128 : i32
      %mul3A_51 = arith.muli %mul3A_49, %mul3A_50 : i32
      %add3A_52 = arith.addi %mul3A_47, %mul3A_51 : i32
      %add3A_53 = arith.constant 128 : i32
      %add3A_54 = arith.addi %add3A_52, %add3A_53 : i32
      "tpu.region"() ({
        %run_scoped3A = tpu.sem_alloc : memref<!tpu.dma_semaphore, #tpu.memory_space<semaphore_mem>>
        %dma_start3A_86 = tpu.memref_slice %arg2[%add3A_54] : memref<331776xi32, #tpu.memory_space<hbm>> -> memref<128xi32, #tpu.memory_space<hbm>>
        %dma_start3A_87 = tpu.memref_slice %arg2[%add3A_54] : memref<331776xi32, #tpu.memory_space<hbm>> -> memref<128xi32, #tpu.memory_space<hbm>>
        tpu.enqueue_dma source(%dma_start3A_87 : memref<128xi32, #tpu.memory_space<hbm>>) target(%arg11 : memref<128xi32, #tpu.memory_space<vmem>>) target_semaphore(%run_scoped3A : memref<!tpu.dma_semaphore, #tpu.memory_space<semaphore_mem>>)
        %dma_wait3A_88 = tpu.memref_slice %arg2[%add3A_54] : memref<331776xi32, #tpu.memory_space<hbm>> -> memref<128xi32, #tpu.memory_space<hbm>>
        %dma_wait3A_89 = tpu.memref_slice %arg2[%add3A_54] : memref<331776xi32, #tpu.memory_space<hbm>> -> memref<128xi32, #tpu.memory_space<hbm>>
        tpu.wait_dma2 semaphore(%run_scoped3A : memref<!tpu.dma_semaphore, #tpu.memory_space<semaphore_mem>>) src(%dma_wait3A_89 : memref<128xi32, #tpu.memory_space<hbm>>) dst(%arg11 : memref<128xi32, #tpu.memory_space<vmem>>)
        tpu.yield
      }) : () -> ()
      "tpu.region"() ({
        %run_scoped3A = tpu.sem_alloc : memref<!tpu.dma_semaphore, #tpu.memory_space<semaphore_mem>>
        %dma_start3A_86 = tpu.memref_slice %arg3[%add3A_54] : memref<331776xi32, #tpu.memory_space<hbm>> -> memref<128xi32, #tpu.memory_space<hbm>>
        %dma_start3A_87 = tpu.memref_slice %arg3[%add3A_54] : memref<331776xi32, #tpu.memory_space<hbm>> -> memref<128xi32, #tpu.memory_space<hbm>>
        tpu.enqueue_dma source(%dma_start3A_87 : memref<128xi32, #tpu.memory_space<hbm>>) target(%arg12 : memref<128xi32, #tpu.memory_space<vmem>>) target_semaphore(%run_scoped3A : memref<!tpu.dma_semaphore, #tpu.memory_space<semaphore_mem>>)
        %dma_wait3A_88 = tpu.memref_slice %arg3[%add3A_54] : memref<331776xi32, #tpu.memory_space<hbm>> -> memref<128xi32, #tpu.memory_space<hbm>>
        %dma_wait3A_89 = tpu.memref_slice %arg3[%add3A_54] : memref<331776xi32, #tpu.memory_space<hbm>> -> memref<128xi32, #tpu.memory_space<hbm>>
        tpu.wait_dma2 semaphore(%run_scoped3A : memref<!tpu.dma_semaphore, #tpu.memory_space<semaphore_mem>>) src(%dma_wait3A_89 : memref<128xi32, #tpu.memory_space<hbm>>) dst(%arg12 : memref<128xi32, #tpu.memory_space<vmem>>)
        tpu.yield
      }) : () -> ()
      %dma_start3A_55 = arith.constant 0 : i32
      %dma_start3A_56 = arith.constant 0 : i32
      %dma_start3A_57 = tpu.memref_slice %arg5[%dma_start3A_55, %dma_start3A_56] : memref<10240x128xf32, #tpu.memory_space<hbm>> -> memref<10240x128xf32, #tpu.memory_space<hbm>>
      tpu.enqueue_indirect_dma source(%dma_start3A_57 : memref<10240x128xf32, #tpu.memory_space<hbm>>) target(%arg14 : memref<128x128xf32, #tpu.memory_space<vmem>>) offsets(%arg11 : memref<128xi32, #tpu.memory_space<vmem>>) semaphore(%arg16 : memref<!tpu.dma_semaphore, #tpu.memory_space<semaphore_mem>>)
      "tpu.region"() ({
        %run_scoped3A = tpu.sem_alloc : memref<!tpu.dma_semaphore, #tpu.memory_space<semaphore_mem>>
        %dma_start3A_86 = arith.constant 0 : i32
        %dma_start3A_87 = tpu.memref_slice %arg4[%add3A_52, %dma_start3A_86] : memref<331776x16xf32, #tpu.memory_space<hbm>> -> memref<128x16xf32, #tpu.memory_space<hbm>>
        %dma_start3A_88 = arith.constant 0 : i32
        %dma_start3A_89 = tpu.memref_slice %arg4[%add3A_52, %dma_start3A_88] : memref<331776x16xf32, #tpu.memory_space<hbm>> -> memref<128x16xf32, #tpu.memory_space<hbm>>
        tpu.enqueue_dma source(%dma_start3A_89 : memref<128x16xf32, #tpu.memory_space<hbm>>) target(%arg9 : memref<128x16xf32, #tpu.memory_space<vmem>>) target_semaphore(%run_scoped3A : memref<!tpu.dma_semaphore, #tpu.memory_space<semaphore_mem>>)
        %dma_wait3A_90 = arith.constant 0 : i32
        %dma_wait3A_91 = tpu.memref_slice %arg4[%add3A_52, %dma_wait3A_90] : memref<331776x16xf32, #tpu.memory_space<hbm>> -> memref<128x16xf32, #tpu.memory_space<hbm>>
        %dma_wait3A_92 = arith.constant 0 : i32
        %dma_wait3A_93 = tpu.memref_slice %arg4[%add3A_52, %dma_wait3A_92] : memref<331776x16xf32, #tpu.memory_space<hbm>> -> memref<128x16xf32, #tpu.memory_space<hbm>>
        tpu.wait_dma2 semaphore(%run_scoped3A : memref<!tpu.dma_semaphore, #tpu.memory_space<semaphore_mem>>) src(%dma_wait3A_93 : memref<128x16xf32, #tpu.memory_space<hbm>>) dst(%arg9 : memref<128x16xf32, #tpu.memory_space<vmem>>)
        tpu.yield
      }) : () -> ()
      %dma_wait3A_58 = arith.constant 0 : i32
      %dma_wait3A_59 = arith.constant 0 : i32
      %dma_wait3A_60 = tpu.memref_slice %arg5[%dma_wait3A_58, %dma_wait3A_59] : memref<10240x128xf32, #tpu.memory_space<hbm>> -> memref<10240x128xf32, #tpu.memory_space<hbm>>
      tpu.wait_indirect_dma semaphore(%arg15 : memref<!tpu.dma_semaphore, #tpu.memory_space<semaphore_mem>>) src(%dma_wait3A_60 : memref<10240x128xf32, #tpu.memory_space<hbm>>) dst(%arg10 : memref<128x128xf32, #tpu.memory_space<vmem>>)
      %scan3A_61 = arith.constant 0 : i32
      %scan3A_62 = arith.constant 0 : i32
      %scan3A_63 = arith.constant 128 : i32
      %scan3A_64 = arith.addi %scan3A_62, %scan3A_63 : i32
      %scan3A_65 = arith.constant 1 : i32
      %scan3A_66 = scf.for %scan3A_86 = %scan3A_62 to %scan3A_64 step %scan3A_65 iter_args(%scan3A_87 = %scan3A_61) -> (i32)  : i32 {
        %get3A = arith.index_cast %scan3A_86 : i32 to index
        %get3A_88 = arith.constant 0 : index
        %get3A_89 = tpu.vector_load %arg9[%get3A, %get3A_88] {strides = array<i32>} : memref<128x16xf32, #tpu.memory_space<vmem>>, vector<1x16xf32>,
        %get3A_90 = vector.shape_cast %get3A_89 : vector<1x16xf32> to vector<16xf32>
        %get3A_91 = arith.index_cast %scan3A_86 : i32 to index
        %get3A_92 = arith.constant 0 : index
        %get3A_93 = tpu.vector_load %arg10[%get3A_91, %get3A_92] {strides = array<i32>} : memref<128x128xf32, #tpu.memory_space<vmem>>, vector<1x16xf32>,
        %get3A_94 = vector.shape_cast %get3A_93 : vector<1x16xf32> to vector<16xf32>
        %slice3A = vector.extract_strided_slice %get3A_90 {offsets = [0], sizes = [1], strides = [1]} : vector<16xf32> to vector<1xf32>
        %squeeze3A = vector.extract %slice3A[0] : f32 from vector<1xf32>
        %mul3A_95 = vector.broadcast %squeeze3A : f32 to vector<16xf32>
        %mul3A_96 = arith.mulf %get3A_94, %mul3A_95 : vector<16xf32>
        %swap3A = arith.index_cast %scan3A_86 : i32 to index
        %swap3A_97 = arith.constant 0 : index
        %swap3A_98 = tpu.vector_load %arg10[%swap3A, %swap3A_97] {strides = array<i32>} : memref<128x128xf32, #tpu.memory_space<vmem>>, vector<1x16xf32>,
        %swap3A_99 = vector.shape_cast %swap3A_98 : vector<1x16xf32> to vector<16xf32>
        %swap3A_100 = vector.shape_cast %mul3A_96 : vector<16xf32> to vector<1x16xf32>
        tpu.vector_store %arg10[%swap3A, %swap3A_97], %swap3A_100 {strides = array<i32>} : memref<128x128xf32, #tpu.memory_space<vmem>>, vector<1x16xf32>,
        %get3A_101 = arith.index_cast %scan3A_86 : i32 to index
        %get3A_102 = arith.constant 16 : index
        %get3A_103 = tpu.vector_load %arg10[%get3A_101, %get3A_102] {strides = array<i32>} : memref<128x128xf32, #tpu.memory_space<vmem>>, vector<1x16xf32>,
        %get3A_104 = vector.shape_cast %get3A_103 : vector<1x16xf32> to vector<16xf32>
        %slice3A_105 = vector.extract_strided_slice %get3A_90 {offsets = [1], sizes = [1], strides = [1]} : vector<16xf32> to vector<1xf32>
        %squeeze3A_106 = vector.extract %slice3A_105[0] : f32 from vector<1xf32>
        %mul3A_107 = vector.broadcast %squeeze3A_106 : f32 to vector<16xf32>
        %mul3A_108 = arith.mulf %get3A_104, %mul3A_107 : vector<16xf32>
        %swap3A_109 = arith.index_cast %scan3A_86 : i32 to index
        %swap3A_110 = arith.constant 16 : index
        %swap3A_111 = tpu.vector_load %arg10[%swap3A_109, %swap3A_110] {strides = array<i32>} : memref<128x128xf32, #tpu.memory_space<vmem>>, vector<1x16xf32>,
        %swap3A_112 = vector.shape_cast %swap3A_111 : vector<1x16xf32> to vector<16xf32>
        %swap3A_113 = vector.shape_cast %mul3A_108 : vector<16xf32> to vector<1x16xf32>
        tpu.vector_store %arg10[%swap3A_109, %swap3A_110], %swap3A_113 {strides = array<i32>} : memref<128x128xf32, #tpu.memory_space<vmem>>, vector<1x16xf32>,
        %get3A_114 = arith.index_cast %scan3A_86 : i32 to index
        %get3A_115 = arith.constant 32 : index
        %get3A_116 = tpu.vector_load %arg10[%get3A_114, %get3A_115] {strides = array<i32>} : memref<128x128xf32, #tpu.memory_space<vmem>>, vector<1x16xf32>,
        %get3A_117 = vector.shape_cast %get3A_116 : vector<1x16xf32> to vector<16xf32>
        %slice3A_118 = vector.extract_strided_slice %get3A_90 {offsets = [2], sizes = [1], strides = [1]} : vector<16xf32> to vector<1xf32>
        %squeeze3A_119 = vector.extract %slice3A_118[0] : f32 from vector<1xf32>
        %mul3A_120 = vector.broadcast %squeeze3A_119 : f32 to vector<16xf32>
        %mul3A_121 = arith.mulf %get3A_117, %mul3A_120 : vector<16xf32>
        %swap3A_122 = arith.index_cast %scan3A_86 : i32 to index
        %swap3A_123 = arith.constant 32 : index
        %swap3A_124 = tpu.vector_load %arg10[%swap3A_122, %swap3A_123] {strides = array<i32>} : memref<128x128xf32, #tpu.memory_space<vmem>>, vector<1x16xf32>,
        %swap3A_125 = vector.shape_cast %swap3A_124 : vector<1x16xf32> to vector<16xf32>
        %swap3A_126 = vector.shape_cast %mul3A_121 : vector<16xf32> to vector<1x16xf32>
        tpu.vector_store %arg10[%swap3A_122, %swap3A_123], %swap3A_126 {strides = array<i32>} : memref<128x128xf32, #tpu.memory_space<vmem>>, vector<1x16xf32>,
        %get3A_127 = arith.index_cast %scan3A_86 : i32 to index
        %get3A_128 = arith.constant 48 : index
        %get3A_129 = tpu.vector_load %arg10[%get3A_127, %get3A_128] {strides = array<i32>} : memref<128x128xf32, #tpu.memory_space<vmem>>, vector<1x16xf32>,
        %get3A_130 = vector.shape_cast %get3A_129 : vector<1x16xf32> to vector<16xf32>
        %slice3A_131 = vector.extract_strided_slice %get3A_90 {offsets = [3], sizes = [1], strides = [1]} : vector<16xf32> to vector<1xf32>
        %squeeze3A_132 = vector.extract %slice3A_131[0] : f32 from vector<1xf32>
        %mul3A_133 = vector.broadcast %squeeze3A_132 : f32 to vector<16xf32>
        %mul3A_134 = arith.mulf %get3A_130, %mul3A_133 : vector<16xf32>
        %swap3A_135 = arith.index_cast %scan3A_86 : i32 to index
        %swap3A_136 = arith.constant 48 : index
        %swap3A_137 = tpu.vector_load %arg10[%swap3A_135, %swap3A_136] {strides = array<i32>} : memref<128x128xf32, #tpu.memory_space<vmem>>, vector<1x16xf32>,
        %swap3A_138 = vector.shape_cast %swap3A_137 : vector<1x16xf32> to vector<16xf32>
        %swap3A_139 = vector.shape_cast %mul3A_134 : vector<16xf32> to vector<1x16xf32>
        tpu.vector_store %arg10[%swap3A_135, %swap3A_136], %swap3A_139 {strides = array<i32>} : memref<128x128xf32, #tpu.memory_space<vmem>>, vector<1x16xf32>,
        %get3A_140 = arith.index_cast %scan3A_86 : i32 to index
        %get3A_141 = arith.constant 64 : index
        %get3A_142 = tpu.vector_load %arg10[%get3A_140, %get3A_141] {strides = array<i32>} : memref<128x128xf32, #tpu.memory_space<vmem>>, vector<1x16xf32>,
        %get3A_143 = vector.shape_cast %get3A_142 : vector<1x16xf32> to vector<16xf32>
        %slice3A_144 = vector.extract_strided_slice %get3A_90 {offsets = [4], sizes = [1], strides = [1]} : vector<16xf32> to vector<1xf32>
        %squeeze3A_145 = vector.extract %slice3A_144[0] : f32 from vector<1xf32>
        %mul3A_146 = vector.broadcast %squeeze3A_145 : f32 to vector<16xf32>
        %mul3A_147 = arith.mulf %get3A_143, %mul3A_146 : vector<16xf32>
        %swap3A_148 = arith.index_cast %scan3A_86 : i32 to index
        %swap3A_149 = arith.constant 64 : index
        %swap3A_150 = tpu.vector_load %arg10[%swap3A_148, %swap3A_149] {strides = array<i32>} : memref<128x128xf32, #tpu.memory_space<vmem>>, vector<1x16xf32>,
        %swap3A_151 = vector.shape_cast %swap3A_150 : vector<1x16xf32> to vector<16xf32>
        %swap3A_152 = vector.shape_cast %mul3A_147 : vector<16xf32> to vector<1x16xf32>
        tpu.vector_store %arg10[%swap3A_148, %swap3A_149], %swap3A_152 {strides = array<i32>} : memref<128x128xf32, #tpu.memory_space<vmem>>, vector<1x16xf32>,
        %get3A_153 = arith.index_cast %scan3A_86 : i32 to index
        %get3A_154 = arith.constant 80 : index
        %get3A_155 = tpu.vector_load %arg10[%get3A_153, %get3A_154] {strides = array<i32>} : memref<128x128xf32, #tpu.memory_space<vmem>>, vector<1x16xf32>,
        %get3A_156 = vector.shape_cast %get3A_155 : vector<1x16xf32> to vector<16xf32>
        %slice3A_157 = vector.extract_strided_slice %get3A_90 {offsets = [5], sizes = [1], strides = [1]} : vector<16xf32> to vector<1xf32>
        %squeeze3A_158 = vector.extract %slice3A_157[0] : f32 from vector<1xf32>
        %mul3A_159 = vector.broadcast %squeeze3A_158 : f32 to vector<16xf32>
        %mul3A_160 = arith.mulf %get3A_156, %mul3A_159 : vector<16xf32>
        %swap3A_161 = arith.index_cast %scan3A_86 : i32 to index
        %swap3A_162 = arith.constant 80 : index
        %swap3A_163 = tpu.vector_load %arg10[%swap3A_161, %swap3A_162] {strides = array<i32>} : memref<128x128xf32, #tpu.memory_space<vmem>>, vector<1x16xf32>,
        %swap3A_164 = vector.shape_cast %swap3A_163 : vector<1x16xf32> to vector<16xf32>
        %swap3A_165 = vector.shape_cast %mul3A_160 : vector<16xf32> to vector<1x16xf32>
        tpu.vector_store %arg10[%swap3A_161, %swap3A_162], %swap3A_165 {strides = array<i32>} : memref<128x128xf32, #tpu.memory_space<vmem>>, vector<1x16xf32>,
        %get3A_166 = arith.index_cast %scan3A_86 : i32 to index
        %get3A_167 = arith.constant 96 : index
        %get3A_168 = tpu.vector_load %arg10[%get3A_166, %get3A_167] {strides = array<i32>} : memref<128x128xf32, #tpu.memory_space<vmem>>, vector<1x16xf32>,
        %get3A_169 = vector.shape_cast %get3A_168 : vector<1x16xf32> to vector<16xf32>
        %slice3A_170 = vector.extract_strided_slice %get3A_90 {offsets = [6], sizes = [1], strides = [1]} : vector<16xf32> to vector<1xf32>
        %squeeze3A_171 = vector.extract %slice3A_170[0] : f32 from vector<1xf32>
        %mul3A_172 = vector.broadcast %squeeze3A_171 : f32 to vector<16xf32>
        %mul3A_173 = arith.mulf %get3A_169, %mul3A_172 : vector<16xf32>
        %swap3A_174 = arith.index_cast %scan3A_86 : i32 to index
        %swap3A_175 = arith.constant 96 : index
        %swap3A_176 = tpu.vector_load %arg10[%swap3A_174, %swap3A_175] {strides = array<i32>} : memref<128x128xf32, #tpu.memory_space<vmem>>, vector<1x16xf32>,
        %swap3A_177 = vector.shape_cast %swap3A_176 : vector<1x16xf32> to vector<16xf32>
        %swap3A_178 = vector.shape_cast %mul3A_173 : vector<16xf32> to vector<1x16xf32>
        tpu.vector_store %arg10[%swap3A_174, %swap3A_175], %swap3A_178 {strides = array<i32>} : memref<128x128xf32, #tpu.memory_space<vmem>>, vector<1x16xf32>,
        %get3A_179 = arith.index_cast %scan3A_86 : i32 to index
        %get3A_180 = arith.constant 112 : index
        %get3A_181 = tpu.vector_load %arg10[%get3A_179, %get3A_180] {strides = array<i32>} : memref<128x128xf32, #tpu.memory_space<vmem>>, vector<1x16xf32>,
        %get3A_182 = vector.shape_cast %get3A_181 : vector<1x16xf32> to vector<16xf32>
        %slice3A_183 = vector.extract_strided_slice %get3A_90 {offsets = [7], sizes = [1], strides = [1]} : vector<16xf32> to vector<1xf32>
        %squeeze3A_184 = vector.extract %slice3A_183[0] : f32 from vector<1xf32>
        %mul3A_185 = vector.broadcast %squeeze3A_184 : f32 to vector<16xf32>
        %mul3A_186 = arith.mulf %get3A_182, %mul3A_185 : vector<16xf32>
        %swap3A_187 = arith.index_cast %scan3A_86 : i32 to index
        %swap3A_188 = arith.constant 112 : index
        %swap3A_189 = tpu.vector_load %arg10[%swap3A_187, %swap3A_188] {strides = array<i32>} : memref<128x128xf32, #tpu.memory_space<vmem>>, vector<1x16xf32>,
        %swap3A_190 = vector.shape_cast %swap3A_189 : vector<1x16xf32> to vector<16xf32>
        %swap3A_191 = vector.shape_cast %mul3A_186 : vector<16xf32> to vector<1x16xf32>
        tpu.vector_store %arg10[%swap3A_187, %swap3A_188], %swap3A_191 {strides = array<i32>} : memref<128x128xf32, #tpu.memory_space<vmem>>, vector<1x16xf32>,
        %scan3A_192 = arith.constant 0 : i32
        scf.yield %scan3A_192 : i32
      }
      %scan3A_67 = arith.constant 128 : i32
      "tpu.region"() ({
        %run_scoped3A = tpu.sem_alloc : memref<!tpu.dma_semaphore, #tpu.memory_space<semaphore_mem>>
        %dma_start3A_86 = arith.constant 0 : i32
        %dma_start3A_87 = arith.constant 0 : i32
        %dma_start3A_88 = tpu.memref_slice %arg17[%dma_start3A_86, %dma_start3A_87] : memref<10240x128xf32, #tpu.memory_space<vmem_shared>> -> memref<10240x128xf32, #tpu.memory_space<vmem_shared>>
        tpu.enqueue_indirect_dma source(%arg10 : memref<128x128xf32, #tpu.memory_space<vmem>>) target(%dma_start3A_88 : memref<10240x128xf32, #tpu.memory_space<vmem_shared>>) offsets(%arg8 : memref<128xi32, #tpu.memory_space<vmem>>) semaphore(%run_scoped3A : memref<!tpu.dma_semaphore, #tpu.memory_space<semaphore_mem>>) {add = true}
        %dma_wait3A_89 = arith.constant 0 : i32
        %dma_wait3A_90 = arith.constant 0 : i32
        %dma_wait3A_91 = tpu.memref_slice %arg17[%dma_wait3A_89, %dma_wait3A_90] : memref<10240x128xf32, #tpu.memory_space<vmem_shared>> -> memref<10240x128xf32, #tpu.memory_space<vmem_shared>>
        tpu.wait_indirect_dma semaphore(%run_scoped3A : memref<!tpu.dma_semaphore, #tpu.memory_space<semaphore_mem>>) src(%arg10 : memref<128x128xf32, #tpu.memory_space<vmem>>) dst(%dma_wait3A_91 : memref<10240x128xf32, #tpu.memory_space<vmem_shared>>)
        tpu.yield
      }) : () -> ()
      %add3A_68 = arith.constant 256 : i32
      %add3A_69 = arith.addi %add3A_52, %add3A_68 : i32
      "tpu.region"() ({
        %run_scoped3A = tpu.sem_alloc : memref<!tpu.dma_semaphore, #tpu.memory_space<semaphore_mem>>
        %dma_start3A_86 = tpu.memref_slice %arg2[%add3A_69] : memref<331776xi32, #tpu.memory_space<hbm>> -> memref<128xi32, #tpu.memory_space<hbm>>
        %dma_start3A_87 = tpu.memref_slice %arg2[%add3A_69] : memref<331776xi32, #tpu.memory_space<hbm>> -> memref<128xi32, #tpu.memory_space<hbm>>
        tpu.enqueue_dma source(%dma_start3A_87 : memref<128xi32, #tpu.memory_space<hbm>>) target(%arg7 : memref<128xi32, #tpu.memory_space<vmem>>) target_semaphore(%run_scoped3A : memref<!tpu.dma_semaphore, #tpu.memory_space<semaphore_mem>>)
        %dma_wait3A_88 = tpu.memref_slice %arg2[%add3A_69] : memref<331776xi32, #tpu.memory_space<hbm>> -> memref<128xi32, #tpu.memory_space<hbm>>
        %dma_wait3A_89 = tpu.memref_slice %arg2[%add3A_69] : memref<331776xi32, #tpu.memory_space<hbm>> -> memref<128xi32, #tpu.memory_space<hbm>>
        tpu.wait_dma2 semaphore(%run_scoped3A : memref<!tpu.dma_semaphore, #tpu.memory_space<semaphore_mem>>) src(%dma_wait3A_89 : memref<128xi32, #tpu.memory_space<hbm>>) dst(%arg7 : memref<128xi32, #tpu.memory_space<vmem>>)
        tpu.yield
      }) : () -> ()
      "tpu.region"() ({
        %run_scoped3A = tpu.sem_alloc : memref<!tpu.dma_semaphore, #tpu.memory_space<semaphore_mem>>
        %dma_start3A_86 = tpu.memref_slice %arg3[%add3A_69] : memref<331776xi32, #tpu.memory_space<hbm>> -> memref<128xi32, #tpu.memory_space<hbm>>
        %dma_start3A_87 = tpu.memref_slice %arg3[%add3A_69] : memref<331776xi32, #tpu.memory_space<hbm>> -> memref<128xi32, #tpu.memory_space<hbm>>
        tpu.enqueue_dma source(%dma_start3A_87 : memref<128xi32, #tpu.memory_space<hbm>>) target(%arg8 : memref<128xi32, #tpu.memory_space<vmem>>) target_semaphore(%run_scoped3A : memref<!tpu.dma_semaphore, #tpu.memory_space<semaphore_mem>>)
        %dma_wait3A_88 = tpu.memref_slice %arg3[%add3A_69] : memref<331776xi32, #tpu.memory_space<hbm>> -> memref<128xi32, #tpu.memory_space<hbm>>
        %dma_wait3A_89 = tpu.memref_slice %arg3[%add3A_69] : memref<331776xi32, #tpu.memory_space<hbm>> -> memref<128xi32, #tpu.memory_space<hbm>>
        tpu.wait_dma2 semaphore(%run_scoped3A : memref<!tpu.dma_semaphore, #tpu.memory_space<semaphore_mem>>) src(%dma_wait3A_89 : memref<128xi32, #tpu.memory_space<hbm>>) dst(%arg8 : memref<128xi32, #tpu.memory_space<vmem>>)
        tpu.yield
      }) : () -> ()
      %dma_start3A_70 = arith.constant 0 : i32
      %dma_start3A_71 = arith.constant 0 : i32
      %dma_start3A_72 = tpu.memref_slice %arg5[%dma_start3A_70, %dma_start3A_71] : memref<10240x128xf32, #tpu.memory_space<hbm>> -> memref<10240x128xf32, #tpu.memory_space<hbm>>
      tpu.enqueue_indirect_dma source(%dma_start3A_72 : memref<10240x128xf32, #tpu.memory_space<hbm>>) target(%arg10 : memref<128x128xf32, #tpu.memory_space<vmem>>) offsets(%arg7 : memref<128xi32, #tpu.memory_space<vmem>>) semaphore(%arg15 : memref<!tpu.dma_semaphore, #tpu.memory_space<semaphore_mem>>)
      %add3A_73 = arith.constant 128 : i32
      %add3A_74 = arith.addi %add3A_52, %add3A_73 : i32
      "tpu.region"() ({
        %run_scoped3A = tpu.sem_alloc : memref<!tpu.dma_semaphore, #tpu.memory_space<semaphore_mem>>
        %dma_start3A_86 = arith.constant 0 : i32
        %dma_start3A_87 = tpu.memref_slice %arg4[%add3A_74, %dma_start3A_86] : memref<331776x16xf32, #tpu.memory_space<hbm>> -> memref<128x16xf32, #tpu.memory_space<hbm>>
        %dma_start3A_88 = arith.constant 0 : i32
        %dma_start3A_89 = tpu.memref_slice %arg4[%add3A_74, %dma_start3A_88] : memref<331776x16xf32, #tpu.memory_space<hbm>> -> memref<128x16xf32, #tpu.memory_space<hbm>>
        tpu.enqueue_dma source(%dma_start3A_89 : memref<128x16xf32, #tpu.memory_space<hbm>>) target(%arg13 : memref<128x16xf32, #tpu.memory_space<vmem>>) target_semaphore(%run_scoped3A : memref<!tpu.dma_semaphore, #tpu.memory_space<semaphore_mem>>)
        %dma_wait3A_90 = arith.constant 0 : i32
        %dma_wait3A_91 = tpu.memref_slice %arg4[%add3A_74, %dma_wait3A_90] : memref<331776x16xf32, #tpu.memory_space<hbm>> -> memref<128x16xf32, #tpu.memory_space<hbm>>
        %dma_wait3A_92 = arith.constant 0 : i32
        %dma_wait3A_93 = tpu.memref_slice %arg4[%add3A_74, %dma_wait3A_92] : memref<331776x16xf32, #tpu.memory_space<hbm>> -> memref<128x16xf32, #tpu.memory_space<hbm>>
        tpu.wait_dma2 semaphore(%run_scoped3A : memref<!tpu.dma_semaphore, #tpu.memory_space<semaphore_mem>>) src(%dma_wait3A_93 : memref<128x16xf32, #tpu.memory_space<hbm>>) dst(%arg13 : memref<128x16xf32, #tpu.memory_space<vmem>>)
        tpu.yield
      }) : () -> ()
      %dma_wait3A_75 = arith.constant 0 : i32
      %dma_wait3A_76 = arith.constant 0 : i32
      %dma_wait3A_77 = tpu.memref_slice %arg5[%dma_wait3A_75, %dma_wait3A_76] : memref<10240x128xf32, #tpu.memory_space<hbm>> -> memref<10240x128xf32, #tpu.memory_space<hbm>>
      tpu.wait_indirect_dma semaphore(%arg16 : memref<!tpu.dma_semaphore, #tpu.memory_space<semaphore_mem>>) src(%dma_wait3A_77 : memref<10240x128xf32, #tpu.memory_space<hbm>>) dst(%arg14 : memref<128x128xf32, #tpu.memory_space<vmem>>)
      %scan3A_78 = arith.constant 0 : i32
      %scan3A_79 = arith.constant 0 : i32
      %scan3A_80 = arith.constant 128 : i32
      %scan3A_81 = arith.addi %scan3A_79, %scan3A_80 : i32
      %scan3A_82 = arith.constant 1 : i32
      %scan3A_83 = scf.for %scan3A_86 = %scan3A_79 to %scan3A_81 step %scan3A_82 iter_args(%scan3A_87 = %scan3A_78) -> (i32)  : i32 {
        %get3A = arith.index_cast %scan3A_86 : i32 to index
        %get3A_88 = arith.constant 0 : index
        %get3A_89 = tpu.vector_load %arg13[%get3A, %get3A_88] {strides = array<i32>} : memref<128x16xf32, #tpu.memory_space<vmem>>, vector<1x16xf32>,
        %get3A_90 = vector.shape_cast %get3A_89 : vector<1x16xf32> to vector<16xf32>
        %get3A_91 = arith.index_cast %scan3A_86 : i32 to index
        %get3A_92 = arith.constant 0 : index
        %get3A_93 = tpu.vector_load %arg14[%get3A_91, %get3A_92] {strides = array<i32>} : memref<128x128xf32, #tpu.memory_space<vmem>>, vector<1x16xf32>,
        %get3A_94 = vector.shape_cast %get3A_93 : vector<1x16xf32> to vector<16xf32>
        %slice3A = vector.extract_strided_slice %get3A_90 {offsets = [0], sizes = [1], strides = [1]} : vector<16xf32> to vector<1xf32>
        %squeeze3A = vector.extract %slice3A[0] : f32 from vector<1xf32>
        %mul3A_95 = vector.broadcast %squeeze3A : f32 to vector<16xf32>
        %mul3A_96 = arith.mulf %get3A_94, %mul3A_95 : vector<16xf32>
        %swap3A = arith.index_cast %scan3A_86 : i32 to index
        %swap3A_97 = arith.constant 0 : index
        %swap3A_98 = tpu.vector_load %arg14[%swap3A, %swap3A_97] {strides = array<i32>} : memref<128x128xf32, #tpu.memory_space<vmem>>, vector<1x16xf32>,
        %swap3A_99 = vector.shape_cast %swap3A_98 : vector<1x16xf32> to vector<16xf32>
        %swap3A_100 = vector.shape_cast %mul3A_96 : vector<16xf32> to vector<1x16xf32>
        tpu.vector_store %arg14[%swap3A, %swap3A_97], %swap3A_100 {strides = array<i32>} : memref<128x128xf32, #tpu.memory_space<vmem>>, vector<1x16xf32>,
        %get3A_101 = arith.index_cast %scan3A_86 : i32 to index
        %get3A_102 = arith.constant 16 : index
        %get3A_103 = tpu.vector_load %arg14[%get3A_101, %get3A_102] {strides = array<i32>} : memref<128x128xf32, #tpu.memory_space<vmem>>, vector<1x16xf32>,
        %get3A_104 = vector.shape_cast %get3A_103 : vector<1x16xf32> to vector<16xf32>
        %slice3A_105 = vector.extract_strided_slice %get3A_90 {offsets = [1], sizes = [1], strides = [1]} : vector<16xf32> to vector<1xf32>
        %squeeze3A_106 = vector.extract %slice3A_105[0] : f32 from vector<1xf32>
        %mul3A_107 = vector.broadcast %squeeze3A_106 : f32 to vector<16xf32>
        %mul3A_108 = arith.mulf %get3A_104, %mul3A_107 : vector<16xf32>
        %swap3A_109 = arith.index_cast %scan3A_86 : i32 to index
        %swap3A_110 = arith.constant 16 : index
        %swap3A_111 = tpu.vector_load %arg14[%swap3A_109, %swap3A_110] {strides = array<i32>} : memref<128x128xf32, #tpu.memory_space<vmem>>, vector<1x16xf32>,
        %swap3A_112 = vector.shape_cast %swap3A_111 : vector<1x16xf32> to vector<16xf32>
        %swap3A_113 = vector.shape_cast %mul3A_108 : vector<16xf32> to vector<1x16xf32>
        tpu.vector_store %arg14[%swap3A_109, %swap3A_110], %swap3A_113 {strides = array<i32>} : memref<128x128xf32, #tpu.memory_space<vmem>>, vector<1x16xf32>,
        %get3A_114 = arith.index_cast %scan3A_86 : i32 to index
        %get3A_115 = arith.constant 32 : index
        %get3A_116 = tpu.vector_load %arg14[%get3A_114, %get3A_115] {strides = array<i32>} : memref<128x128xf32, #tpu.memory_space<vmem>>, vector<1x16xf32>,
        %get3A_117 = vector.shape_cast %get3A_116 : vector<1x16xf32> to vector<16xf32>
        %slice3A_118 = vector.extract_strided_slice %get3A_90 {offsets = [2], sizes = [1], strides = [1]} : vector<16xf32> to vector<1xf32>
        %squeeze3A_119 = vector.extract %slice3A_118[0] : f32 from vector<1xf32>
        %mul3A_120 = vector.broadcast %squeeze3A_119 : f32 to vector<16xf32>
        %mul3A_121 = arith.mulf %get3A_117, %mul3A_120 : vector<16xf32>
        %swap3A_122 = arith.index_cast %scan3A_86 : i32 to index
        %swap3A_123 = arith.constant 32 : index
        %swap3A_124 = tpu.vector_load %arg14[%swap3A_122, %swap3A_123] {strides = array<i32>} : memref<128x128xf32, #tpu.memory_space<vmem>>, vector<1x16xf32>,
        %swap3A_125 = vector.shape_cast %swap3A_124 : vector<1x16xf32> to vector<16xf32>
        %swap3A_126 = vector.shape_cast %mul3A_121 : vector<16xf32> to vector<1x16xf32>
        tpu.vector_store %arg14[%swap3A_122, %swap3A_123], %swap3A_126 {strides = array<i32>} : memref<128x128xf32, #tpu.memory_space<vmem>>, vector<1x16xf32>,
        %get3A_127 = arith.index_cast %scan3A_86 : i32 to index
        %get3A_128 = arith.constant 48 : index
        %get3A_129 = tpu.vector_load %arg14[%get3A_127, %get3A_128] {strides = array<i32>} : memref<128x128xf32, #tpu.memory_space<vmem>>, vector<1x16xf32>,
        %get3A_130 = vector.shape_cast %get3A_129 : vector<1x16xf32> to vector<16xf32>
        %slice3A_131 = vector.extract_strided_slice %get3A_90 {offsets = [3], sizes = [1], strides = [1]} : vector<16xf32> to vector<1xf32>
        %squeeze3A_132 = vector.extract %slice3A_131[0] : f32 from vector<1xf32>
        %mul3A_133 = vector.broadcast %squeeze3A_132 : f32 to vector<16xf32>
        %mul3A_134 = arith.mulf %get3A_130, %mul3A_133 : vector<16xf32>
        %swap3A_135 = arith.index_cast %scan3A_86 : i32 to index
        %swap3A_136 = arith.constant 48 : index
        %swap3A_137 = tpu.vector_load %arg14[%swap3A_135, %swap3A_136] {strides = array<i32>} : memref<128x128xf32, #tpu.memory_space<vmem>>, vector<1x16xf32>,
        %swap3A_138 = vector.shape_cast %swap3A_137 : vector<1x16xf32> to vector<16xf32>
        %swap3A_139 = vector.shape_cast %mul3A_134 : vector<16xf32> to vector<1x16xf32>
        tpu.vector_store %arg14[%swap3A_135, %swap3A_136], %swap3A_139 {strides = array<i32>} : memref<128x128xf32, #tpu.memory_space<vmem>>, vector<1x16xf32>,
        %get3A_140 = arith.index_cast %scan3A_86 : i32 to index
        %get3A_141 = arith.constant 64 : index
        %get3A_142 = tpu.vector_load %arg14[%get3A_140, %get3A_141] {strides = array<i32>} : memref<128x128xf32, #tpu.memory_space<vmem>>, vector<1x16xf32>,
        %get3A_143 = vector.shape_cast %get3A_142 : vector<1x16xf32> to vector<16xf32>
        %slice3A_144 = vector.extract_strided_slice %get3A_90 {offsets = [4], sizes = [1], strides = [1]} : vector<16xf32> to vector<1xf32>
        %squeeze3A_145 = vector.extract %slice3A_144[0] : f32 from vector<1xf32>
        %mul3A_146 = vector.broadcast %squeeze3A_145 : f32 to vector<16xf32>
        %mul3A_147 = arith.mulf %get3A_143, %mul3A_146 : vector<16xf32>
        %swap3A_148 = arith.index_cast %scan3A_86 : i32 to index
        %swap3A_149 = arith.constant 64 : index
        %swap3A_150 = tpu.vector_load %arg14[%swap3A_148, %swap3A_149] {strides = array<i32>} : memref<128x128xf32, #tpu.memory_space<vmem>>, vector<1x16xf32>,
        %swap3A_151 = vector.shape_cast %swap3A_150 : vector<1x16xf32> to vector<16xf32>
        %swap3A_152 = vector.shape_cast %mul3A_147 : vector<16xf32> to vector<1x16xf32>
        tpu.vector_store %arg14[%swap3A_148, %swap3A_149], %swap3A_152 {strides = array<i32>} : memref<128x128xf32, #tpu.memory_space<vmem>>, vector<1x16xf32>,
        %get3A_153 = arith.index_cast %scan3A_86 : i32 to index
        %get3A_154 = arith.constant 80 : index
        %get3A_155 = tpu.vector_load %arg14[%get3A_153, %get3A_154] {strides = array<i32>} : memref<128x128xf32, #tpu.memory_space<vmem>>, vector<1x16xf32>,
        %get3A_156 = vector.shape_cast %get3A_155 : vector<1x16xf32> to vector<16xf32>
        %slice3A_157 = vector.extract_strided_slice %get3A_90 {offsets = [5], sizes = [1], strides = [1]} : vector<16xf32> to vector<1xf32>
        %squeeze3A_158 = vector.extract %slice3A_157[0] : f32 from vector<1xf32>
        %mul3A_159 = vector.broadcast %squeeze3A_158 : f32 to vector<16xf32>
        %mul3A_160 = arith.mulf %get3A_156, %mul3A_159 : vector<16xf32>
        %swap3A_161 = arith.index_cast %scan3A_86 : i32 to index
        %swap3A_162 = arith.constant 80 : index
        %swap3A_163 = tpu.vector_load %arg14[%swap3A_161, %swap3A_162] {strides = array<i32>} : memref<128x128xf32, #tpu.memory_space<vmem>>, vector<1x16xf32>,
        %swap3A_164 = vector.shape_cast %swap3A_163 : vector<1x16xf32> to vector<16xf32>
        %swap3A_165 = vector.shape_cast %mul3A_160 : vector<16xf32> to vector<1x16xf32>
        tpu.vector_store %arg14[%swap3A_161, %swap3A_162], %swap3A_165 {strides = array<i32>} : memref<128x128xf32, #tpu.memory_space<vmem>>, vector<1x16xf32>,
        %get3A_166 = arith.index_cast %scan3A_86 : i32 to index
        %get3A_167 = arith.constant 96 : index
        %get3A_168 = tpu.vector_load %arg14[%get3A_166, %get3A_167] {strides = array<i32>} : memref<128x128xf32, #tpu.memory_space<vmem>>, vector<1x16xf32>,
        %get3A_169 = vector.shape_cast %get3A_168 : vector<1x16xf32> to vector<16xf32>
        %slice3A_170 = vector.extract_strided_slice %get3A_90 {offsets = [6], sizes = [1], strides = [1]} : vector<16xf32> to vector<1xf32>
        %squeeze3A_171 = vector.extract %slice3A_170[0] : f32 from vector<1xf32>
        %mul3A_172 = vector.broadcast %squeeze3A_171 : f32 to vector<16xf32>
        %mul3A_173 = arith.mulf %get3A_169, %mul3A_172 : vector<16xf32>
        %swap3A_174 = arith.index_cast %scan3A_86 : i32 to index
        %swap3A_175 = arith.constant 96 : index
        %swap3A_176 = tpu.vector_load %arg14[%swap3A_174, %swap3A_175] {strides = array<i32>} : memref<128x128xf32, #tpu.memory_space<vmem>>, vector<1x16xf32>,
        %swap3A_177 = vector.shape_cast %swap3A_176 : vector<1x16xf32> to vector<16xf32>
        %swap3A_178 = vector.shape_cast %mul3A_173 : vector<16xf32> to vector<1x16xf32>
        tpu.vector_store %arg14[%swap3A_174, %swap3A_175], %swap3A_178 {strides = array<i32>} : memref<128x128xf32, #tpu.memory_space<vmem>>, vector<1x16xf32>,
        %get3A_179 = arith.index_cast %scan3A_86 : i32 to index
        %get3A_180 = arith.constant 112 : index
        %get3A_181 = tpu.vector_load %arg14[%get3A_179, %get3A_180] {strides = array<i32>} : memref<128x128xf32, #tpu.memory_space<vmem>>, vector<1x16xf32>,
        %get3A_182 = vector.shape_cast %get3A_181 : vector<1x16xf32> to vector<16xf32>
        %slice3A_183 = vector.extract_strided_slice %get3A_90 {offsets = [7], sizes = [1], strides = [1]} : vector<16xf32> to vector<1xf32>
        %squeeze3A_184 = vector.extract %slice3A_183[0] : f32 from vector<1xf32>
        %mul3A_185 = vector.broadcast %squeeze3A_184 : f32 to vector<16xf32>
        %mul3A_186 = arith.mulf %get3A_182, %mul3A_185 : vector<16xf32>
        %swap3A_187 = arith.index_cast %scan3A_86 : i32 to index
        %swap3A_188 = arith.constant 112 : index
        %swap3A_189 = tpu.vector_load %arg14[%swap3A_187, %swap3A_188] {strides = array<i32>} : memref<128x128xf32, #tpu.memory_space<vmem>>, vector<1x16xf32>,
        %swap3A_190 = vector.shape_cast %swap3A_189 : vector<1x16xf32> to vector<16xf32>
        %swap3A_191 = vector.shape_cast %mul3A_186 : vector<16xf32> to vector<1x16xf32>
        tpu.vector_store %arg14[%swap3A_187, %swap3A_188], %swap3A_191 {strides = array<i32>} : memref<128x128xf32, #tpu.memory_space<vmem>>, vector<1x16xf32>,
        %scan3A_192 = arith.constant 0 : i32
        scf.yield %scan3A_192 : i32
      }
      %scan3A_84 = arith.constant 128 : i32
      "tpu.region"() ({
        %run_scoped3A = tpu.sem_alloc : memref<!tpu.dma_semaphore, #tpu.memory_space<semaphore_mem>>
        %dma_start3A_86 = arith.constant 0 : i32
        %dma_start3A_87 = arith.constant 0 : i32
        %dma_start3A_88 = tpu.memref_slice %arg17[%dma_start3A_86, %dma_start3A_87] : memref<10240x128xf32, #tpu.memory_space<vmem_shared>> -> memref<10240x128xf32, #tpu.memory_space<vmem_shared>>
        tpu.enqueue_indirect_dma source(%arg14 : memref<128x128xf32, #tpu.memory_space<vmem>>) target(%dma_start3A_88 : memref<10240x128xf32, #tpu.memory_space<vmem_shared>>) offsets(%arg12 : memref<128xi32, #tpu.memory_space<vmem>>) semaphore(%run_scoped3A : memref<!tpu.dma_semaphore, #tpu.memory_space<semaphore_mem>>) {add = true}
        %dma_wait3A_89 = arith.constant 0 : i32
        %dma_wait3A_90 = arith.constant 0 : i32
        %dma_wait3A_91 = tpu.memref_slice %arg17[%dma_wait3A_89, %dma_wait3A_90] : memref<10240x128xf32, #tpu.memory_space<vmem_shared>> -> memref<10240x128xf32, #tpu.memory_space<vmem_shared>>
        tpu.wait_indirect_dma semaphore(%run_scoped3A : memref<!tpu.dma_semaphore, #tpu.memory_space<semaphore_mem>>) src(%arg14 : memref<128x128xf32, #tpu.memory_space<vmem>>) dst(%dma_wait3A_91 : memref<10240x128xf32, #tpu.memory_space<vmem_shared>>)
        tpu.yield
      }) : () -> ()
      %scan3A_85 = arith.constant 0 : i32
      scf.yield %scan3A_85 : i32
    }
    %scan3A_25 = arith.constant 40 : i32
    %mul3A_26 = arith.constant 10368 : i32
    %mul3A_27 = arith.muli %add3A, %mul3A_26 : i32
    %add3A_28 = arith.constant 10240 : i32
    %add3A_29 = arith.addi %mul3A_27, %add3A_28 : i32
    "tpu.region"() ({
      %run_scoped3A = tpu.sem_alloc : memref<!tpu.dma_semaphore, #tpu.memory_space<semaphore_mem>>
      %dma_start3A_44 = arith.constant 0 : i32
      %dma_start3A_45 = tpu.memref_slice %arg4[%add3A_29, %dma_start3A_44] : memref<331776x16xf32, #tpu.memory_space<hbm>> -> memref<128x16xf32, #tpu.memory_space<hbm>>
      %dma_start3A_46 = arith.constant 0 : i32
      %dma_start3A_47 = tpu.memref_slice %arg4[%add3A_29, %dma_start3A_46] : memref<331776x16xf32, #tpu.memory_space<hbm>> -> memref<128x16xf32, #tpu.memory_space<hbm>>
      tpu.enqueue_dma source(%dma_start3A_47 : memref<128x16xf32, #tpu.memory_space<hbm>>) target(%arg9 : memref<128x16xf32, #tpu.memory_space<vmem>>) target_semaphore(%run_scoped3A : memref<!tpu.dma_semaphore, #tpu.memory_space<semaphore_mem>>)
      %dma_wait3A_48 = arith.constant 0 : i32
      %dma_wait3A_49 = tpu.memref_slice %arg4[%add3A_29, %dma_wait3A_48] : memref<331776x16xf32, #tpu.memory_space<hbm>> -> memref<128x16xf32, #tpu.memory_space<hbm>>
      %dma_wait3A_50 = arith.constant 0 : i32
      %dma_wait3A_51 = tpu.memref_slice %arg4[%add3A_29, %dma_wait3A_50] : memref<331776x16xf32, #tpu.memory_space<hbm>> -> memref<128x16xf32, #tpu.memory_space<hbm>>
      tpu.wait_dma2 semaphore(%run_scoped3A : memref<!tpu.dma_semaphore, #tpu.memory_space<semaphore_mem>>) src(%dma_wait3A_51 : memref<128x16xf32, #tpu.memory_space<hbm>>) dst(%arg9 : memref<128x16xf32, #tpu.memory_space<vmem>>)
      tpu.yield
    }) : () -> ()
    %dma_wait3A = arith.constant 0 : i32
    %dma_wait3A_30 = arith.constant 0 : i32
    %dma_wait3A_31 = tpu.memref_slice %arg5[%dma_wait3A, %dma_wait3A_30] : memref<10240x128xf32, #tpu.memory_space<hbm>> -> memref<10240x128xf32, #tpu.memory_space<hbm>>
    tpu.wait_indirect_dma semaphore(%arg15 : memref<!tpu.dma_semaphore, #tpu.memory_space<semaphore_mem>>) src(%dma_wait3A_31 : memref<10240x128xf32, #tpu.memory_space<hbm>>) dst(%arg10 : memref<128x128xf32, #tpu.memory_space<vmem>>)
    %scan3A_32 = arith.constant 0 : i32
    %scan3A_33 = arith.constant 0 : i32
    %scan3A_34 = arith.constant 128 : i32
    %scan3A_35 = arith.addi %scan3A_33, %scan3A_34 : i32
    %scan3A_36 = arith.constant 1 : i32
    %scan3A_37 = scf.for %scan3A_44 = %scan3A_33 to %scan3A_35 step %scan3A_36 iter_args(%scan3A_45 = %scan3A_32) -> (i32)  : i32 {
      %get3A = arith.index_cast %scan3A_44 : i32 to index
      %get3A_46 = arith.constant 0 : index
      %get3A_47 = tpu.vector_load %arg9[%get3A, %get3A_46] {strides = array<i32>} : memref<128x16xf32, #tpu.memory_space<vmem>>, vector<1x16xf32>,
      %get3A_48 = vector.shape_cast %get3A_47 : vector<1x16xf32> to vector<16xf32>
      %get3A_49 = arith.index_cast %scan3A_44 : i32 to index
      %get3A_50 = arith.constant 0 : index
      %get3A_51 = tpu.vector_load %arg10[%get3A_49, %get3A_50] {strides = array<i32>} : memref<128x128xf32, #tpu.memory_space<vmem>>, vector<1x16xf32>,
      %get3A_52 = vector.shape_cast %get3A_51 : vector<1x16xf32> to vector<16xf32>
      %slice3A = vector.extract_strided_slice %get3A_48 {offsets = [0], sizes = [1], strides = [1]} : vector<16xf32> to vector<1xf32>
      %squeeze3A = vector.extract %slice3A[0] : f32 from vector<1xf32>
      %mul3A_53 = vector.broadcast %squeeze3A : f32 to vector<16xf32>
      %mul3A_54 = arith.mulf %get3A_52, %mul3A_53 : vector<16xf32>
      %swap3A = arith.index_cast %scan3A_44 : i32 to index
      %swap3A_55 = arith.constant 0 : index
      %swap3A_56 = tpu.vector_load %arg10[%swap3A, %swap3A_55] {strides = array<i32>} : memref<128x128xf32, #tpu.memory_space<vmem>>, vector<1x16xf32>,
      %swap3A_57 = vector.shape_cast %swap3A_56 : vector<1x16xf32> to vector<16xf32>
      %swap3A_58 = vector.shape_cast %mul3A_54 : vector<16xf32> to vector<1x16xf32>
      tpu.vector_store %arg10[%swap3A, %swap3A_55], %swap3A_58 {strides = array<i32>} : memref<128x128xf32, #tpu.memory_space<vmem>>, vector<1x16xf32>,
      %get3A_59 = arith.index_cast %scan3A_44 : i32 to index
      %get3A_60 = arith.constant 16 : index
      %get3A_61 = tpu.vector_load %arg10[%get3A_59, %get3A_60] {strides = array<i32>} : memref<128x128xf32, #tpu.memory_space<vmem>>, vector<1x16xf32>,
      %get3A_62 = vector.shape_cast %get3A_61 : vector<1x16xf32> to vector<16xf32>
      %slice3A_63 = vector.extract_strided_slice %get3A_48 {offsets = [1], sizes = [1], strides = [1]} : vector<16xf32> to vector<1xf32>
      %squeeze3A_64 = vector.extract %slice3A_63[0] : f32 from vector<1xf32>
      %mul3A_65 = vector.broadcast %squeeze3A_64 : f32 to vector<16xf32>
      %mul3A_66 = arith.mulf %get3A_62, %mul3A_65 : vector<16xf32>
      %swap3A_67 = arith.index_cast %scan3A_44 : i32 to index
      %swap3A_68 = arith.constant 16 : index
      %swap3A_69 = tpu.vector_load %arg10[%swap3A_67, %swap3A_68] {strides = array<i32>} : memref<128x128xf32, #tpu.memory_space<vmem>>, vector<1x16xf32>,
      %swap3A_70 = vector.shape_cast %swap3A_69 : vector<1x16xf32> to vector<16xf32>
      %swap3A_71 = vector.shape_cast %mul3A_66 : vector<16xf32> to vector<1x16xf32>
      tpu.vector_store %arg10[%swap3A_67, %swap3A_68], %swap3A_71 {strides = array<i32>} : memref<128x128xf32, #tpu.memory_space<vmem>>, vector<1x16xf32>,
      %get3A_72 = arith.index_cast %scan3A_44 : i32 to index
      %get3A_73 = arith.constant 32 : index
      %get3A_74 = tpu.vector_load %arg10[%get3A_72, %get3A_73] {strides = array<i32>} : memref<128x128xf32, #tpu.memory_space<vmem>>, vector<1x16xf32>,
      %get3A_75 = vector.shape_cast %get3A_74 : vector<1x16xf32> to vector<16xf32>
      %slice3A_76 = vector.extract_strided_slice %get3A_48 {offsets = [2], sizes = [1], strides = [1]} : vector<16xf32> to vector<1xf32>
      %squeeze3A_77 = vector.extract %slice3A_76[0] : f32 from vector<1xf32>
      %mul3A_78 = vector.broadcast %squeeze3A_77 : f32 to vector<16xf32>
      %mul3A_79 = arith.mulf %get3A_75, %mul3A_78 : vector<16xf32>
      %swap3A_80 = arith.index_cast %scan3A_44 : i32 to index
      %swap3A_81 = arith.constant 32 : index
      %swap3A_82 = tpu.vector_load %arg10[%swap3A_80, %swap3A_81] {strides = array<i32>} : memref<128x128xf32, #tpu.memory_space<vmem>>, vector<1x16xf32>,
      %swap3A_83 = vector.shape_cast %swap3A_82 : vector<1x16xf32> to vector<16xf32>
      %swap3A_84 = vector.shape_cast %mul3A_79 : vector<16xf32> to vector<1x16xf32>
      tpu.vector_store %arg10[%swap3A_80, %swap3A_81], %swap3A_84 {strides = array<i32>} : memref<128x128xf32, #tpu.memory_space<vmem>>, vector<1x16xf32>,
      %get3A_85 = arith.index_cast %scan3A_44 : i32 to index
      %get3A_86 = arith.constant 48 : index
      %get3A_87 = tpu.vector_load %arg10[%get3A_85, %get3A_86] {strides = array<i32>} : memref<128x128xf32, #tpu.memory_space<vmem>>, vector<1x16xf32>,
      %get3A_88 = vector.shape_cast %get3A_87 : vector<1x16xf32> to vector<16xf32>
      %slice3A_89 = vector.extract_strided_slice %get3A_48 {offsets = [3], sizes = [1], strides = [1]} : vector<16xf32> to vector<1xf32>
      %squeeze3A_90 = vector.extract %slice3A_89[0] : f32 from vector<1xf32>
      %mul3A_91 = vector.broadcast %squeeze3A_90 : f32 to vector<16xf32>
      %mul3A_92 = arith.mulf %get3A_88, %mul3A_91 : vector<16xf32>
      %swap3A_93 = arith.index_cast %scan3A_44 : i32 to index
      %swap3A_94 = arith.constant 48 : index
      %swap3A_95 = tpu.vector_load %arg10[%swap3A_93, %swap3A_94] {strides = array<i32>} : memref<128x128xf32, #tpu.memory_space<vmem>>, vector<1x16xf32>,
      %swap3A_96 = vector.shape_cast %swap3A_95 : vector<1x16xf32> to vector<16xf32>
      %swap3A_97 = vector.shape_cast %mul3A_92 : vector<16xf32> to vector<1x16xf32>
      tpu.vector_store %arg10[%swap3A_93, %swap3A_94], %swap3A_97 {strides = array<i32>} : memref<128x128xf32, #tpu.memory_space<vmem>>, vector<1x16xf32>,
      %get3A_98 = arith.index_cast %scan3A_44 : i32 to index
      %get3A_99 = arith.constant 64 : index
      %get3A_100 = tpu.vector_load %arg10[%get3A_98, %get3A_99] {strides = array<i32>} : memref<128x128xf32, #tpu.memory_space<vmem>>, vector<1x16xf32>,
      %get3A_101 = vector.shape_cast %get3A_100 : vector<1x16xf32> to vector<16xf32>
      %slice3A_102 = vector.extract_strided_slice %get3A_48 {offsets = [4], sizes = [1], strides = [1]} : vector<16xf32> to vector<1xf32>
      %squeeze3A_103 = vector.extract %slice3A_102[0] : f32 from vector<1xf32>
      %mul3A_104 = vector.broadcast %squeeze3A_103 : f32 to vector<16xf32>
      %mul3A_105 = arith.mulf %get3A_101, %mul3A_104 : vector<16xf32>
      %swap3A_106 = arith.index_cast %scan3A_44 : i32 to index
      %swap3A_107 = arith.constant 64 : index
      %swap3A_108 = tpu.vector_load %arg10[%swap3A_106, %swap3A_107] {strides = array<i32>} : memref<128x128xf32, #tpu.memory_space<vmem>>, vector<1x16xf32>,
      %swap3A_109 = vector.shape_cast %swap3A_108 : vector<1x16xf32> to vector<16xf32>
      %swap3A_110 = vector.shape_cast %mul3A_105 : vector<16xf32> to vector<1x16xf32>
      tpu.vector_store %arg10[%swap3A_106, %swap3A_107], %swap3A_110 {strides = array<i32>} : memref<128x128xf32, #tpu.memory_space<vmem>>, vector<1x16xf32>,
      %get3A_111 = arith.index_cast %scan3A_44 : i32 to index
      %get3A_112 = arith.constant 80 : index
      %get3A_113 = tpu.vector_load %arg10[%get3A_111, %get3A_112] {strides = array<i32>} : memref<128x128xf32, #tpu.memory_space<vmem>>, vector<1x16xf32>,
      %get3A_114 = vector.shape_cast %get3A_113 : vector<1x16xf32> to vector<16xf32>
      %slice3A_115 = vector.extract_strided_slice %get3A_48 {offsets = [5], sizes = [1], strides = [1]} : vector<16xf32> to vector<1xf32>
      %squeeze3A_116 = vector.extract %slice3A_115[0] : f32 from vector<1xf32>
      %mul3A_117 = vector.broadcast %squeeze3A_116 : f32 to vector<16xf32>
      %mul3A_118 = arith.mulf %get3A_114, %mul3A_117 : vector<16xf32>
      %swap3A_119 = arith.index_cast %scan3A_44 : i32 to index
      %swap3A_120 = arith.constant 80 : index
      %swap3A_121 = tpu.vector_load %arg10[%swap3A_119, %swap3A_120] {strides = array<i32>} : memref<128x128xf32, #tpu.memory_space<vmem>>, vector<1x16xf32>,
      %swap3A_122 = vector.shape_cast %swap3A_121 : vector<1x16xf32> to vector<16xf32>
      %swap3A_123 = vector.shape_cast %mul3A_118 : vector<16xf32> to vector<1x16xf32>
      tpu.vector_store %arg10[%swap3A_119, %swap3A_120], %swap3A_123 {strides = array<i32>} : memref<128x128xf32, #tpu.memory_space<vmem>>, vector<1x16xf32>,
      %get3A_124 = arith.index_cast %scan3A_44 : i32 to index
      %get3A_125 = arith.constant 96 : index
      %get3A_126 = tpu.vector_load %arg10[%get3A_124, %get3A_125] {strides = array<i32>} : memref<128x128xf32, #tpu.memory_space<vmem>>, vector<1x16xf32>,
      %get3A_127 = vector.shape_cast %get3A_126 : vector<1x16xf32> to vector<16xf32>
      %slice3A_128 = vector.extract_strided_slice %get3A_48 {offsets = [6], sizes = [1], strides = [1]} : vector<16xf32> to vector<1xf32>
      %squeeze3A_129 = vector.extract %slice3A_128[0] : f32 from vector<1xf32>
      %mul3A_130 = vector.broadcast %squeeze3A_129 : f32 to vector<16xf32>
      %mul3A_131 = arith.mulf %get3A_127, %mul3A_130 : vector<16xf32>
      %swap3A_132 = arith.index_cast %scan3A_44 : i32 to index
      %swap3A_133 = arith.constant 96 : index
      %swap3A_134 = tpu.vector_load %arg10[%swap3A_132, %swap3A_133] {strides = array<i32>} : memref<128x128xf32, #tpu.memory_space<vmem>>, vector<1x16xf32>,
      %swap3A_135 = vector.shape_cast %swap3A_134 : vector<1x16xf32> to vector<16xf32>
      %swap3A_136 = vector.shape_cast %mul3A_131 : vector<16xf32> to vector<1x16xf32>
      tpu.vector_store %arg10[%swap3A_132, %swap3A_133], %swap3A_136 {strides = array<i32>} : memref<128x128xf32, #tpu.memory_space<vmem>>, vector<1x16xf32>,
      %get3A_137 = arith.index_cast %scan3A_44 : i32 to index
      %get3A_138 = arith.constant 112 : index
      %get3A_139 = tpu.vector_load %arg10[%get3A_137, %get3A_138] {strides = array<i32>} : memref<128x128xf32, #tpu.memory_space<vmem>>, vector<1x16xf32>,
      %get3A_140 = vector.shape_cast %get3A_139 : vector<1x16xf32> to vector<16xf32>
      %slice3A_141 = vector.extract_strided_slice %get3A_48 {offsets = [7], sizes = [1], strides = [1]} : vector<16xf32> to vector<1xf32>
      %squeeze3A_142 = vector.extract %slice3A_141[0] : f32 from vector<1xf32>
      %mul3A_143 = vector.broadcast %squeeze3A_142 : f32 to vector<16xf32>
      %mul3A_144 = arith.mulf %get3A_140, %mul3A_143 : vector<16xf32>
      %swap3A_145 = arith.index_cast %scan3A_44 : i32 to index
      %swap3A_146 = arith.constant 112 : index
      %swap3A_147 = tpu.vector_load %arg10[%swap3A_145, %swap3A_146] {strides = array<i32>} : memref<128x128xf32, #tpu.memory_space<vmem>>, vector<1x16xf32>,
      %swap3A_148 = vector.shape_cast %swap3A_147 : vector<1x16xf32> to vector<16xf32>
      %swap3A_149 = vector.shape_cast %mul3A_144 : vector<16xf32> to vector<1x16xf32>
      tpu.vector_store %arg10[%swap3A_145, %swap3A_146], %swap3A_149 {strides = array<i32>} : memref<128x128xf32, #tpu.memory_space<vmem>>, vector<1x16xf32>,
      %scan3A_150 = arith.constant 0 : i32
      scf.yield %scan3A_150 : i32
    }
    %scan3A_38 = arith.constant 128 : i32
    "tpu.region"() ({
      %run_scoped3A = tpu.sem_alloc : memref<!tpu.dma_semaphore, #tpu.memory_space<semaphore_mem>>
      %dma_start3A_44 = arith.constant 0 : i32
      %dma_start3A_45 = arith.constant 0 : i32
      %dma_start3A_46 = tpu.memref_slice %arg17[%dma_start3A_44, %dma_start3A_45] : memref<10240x128xf32, #tpu.memory_space<vmem_shared>> -> memref<10240x128xf32, #tpu.memory_space<vmem_shared>>
      tpu.enqueue_indirect_dma source(%arg10 : memref<128x128xf32, #tpu.memory_space<vmem>>) target(%dma_start3A_46 : memref<10240x128xf32, #tpu.memory_space<vmem_shared>>) offsets(%arg8 : memref<128xi32, #tpu.memory_space<vmem>>) semaphore(%run_scoped3A : memref<!tpu.dma_semaphore, #tpu.memory_space<semaphore_mem>>) {add = true}
      %dma_wait3A_47 = arith.constant 0 : i32
      %dma_wait3A_48 = arith.constant 0 : i32
      %dma_wait3A_49 = tpu.memref_slice %arg17[%dma_wait3A_47, %dma_wait3A_48] : memref<10240x128xf32, #tpu.memory_space<vmem_shared>> -> memref<10240x128xf32, #tpu.memory_space<vmem_shared>>
      tpu.wait_indirect_dma semaphore(%run_scoped3A : memref<!tpu.dma_semaphore, #tpu.memory_space<semaphore_mem>>) src(%arg10 : memref<128x128xf32, #tpu.memory_space<vmem>>) dst(%dma_wait3A_49 : memref<10240x128xf32, #tpu.memory_space<vmem_shared>>)
      tpu.yield
    }) : () -> ()
    %barrier3A_39 = arith.constant 0 : index
    tpu.barrier barrier_id(%barrier3A_39)
    %mul3A_40 = arith.constant 640 : i32
    %mul3A_41 = arith.muli %arg1, %mul3A_40 : i32
    %mul3A_42 = arith.constant 640 : i32
    %mul3A_43 = arith.muli %arg1, %mul3A_42 : i32
    "tpu.region"() ({
      %run_scoped3A = tpu.sem_alloc : memref<!tpu.dma_semaphore, #tpu.memory_space<semaphore_mem>>
      %dma_start3A_44 = arith.constant 0 : i32
      %dma_start3A_45 = tpu.memref_slice %arg6[%arg0, %mul3A_43, %dma_start3A_44] : memref<2x10240x128xf32, #tpu.memory_space<hbm>> -> memref<1x640x128xf32, #tpu.memory_space<hbm>>
      %dma_start3A_46 = tpu.memref_squeeze %dma_start3A_45 : memref<1x640x128xf32, #tpu.memory_space<hbm>> -> memref<640x128xf32, #tpu.memory_space<hbm>>
      %dma_start3A_47 = arith.constant 0 : i32
      %dma_start3A_48 = tpu.memref_slice %arg17[%mul3A_41, %dma_start3A_47] : memref<10240x128xf32, #tpu.memory_space<vmem_shared>> -> memref<640x128xf32, #tpu.memory_space<vmem_shared>>
      tpu.enqueue_dma source(%dma_start3A_48 : memref<640x128xf32, #tpu.memory_space<vmem_shared>>) target(%dma_start3A_46 : memref<640x128xf32, #tpu.memory_space<hbm>>) target_semaphore(%run_scoped3A : memref<!tpu.dma_semaphore, #tpu.memory_space<semaphore_mem>>)
      %dma_wait3A_49 = arith.constant 0 : i32
      %dma_wait3A_50 = tpu.memref_slice %arg6[%arg0, %mul3A_43, %dma_wait3A_49] : memref<2x10240x128xf32, #tpu.memory_space<hbm>> -> memref<1x640x128xf32, #tpu.memory_space<hbm>>
      %dma_wait3A_51 = tpu.memref_squeeze %dma_wait3A_50 : memref<1x640x128xf32, #tpu.memory_space<hbm>> -> memref<640x128xf32, #tpu.memory_space<hbm>>
      %dma_wait3A_52 = arith.constant 0 : i32
      %dma_wait3A_53 = tpu.memref_slice %arg17[%mul3A_41, %dma_wait3A_52] : memref<10240x128xf32, #tpu.memory_space<vmem_shared>> -> memref<640x128xf32, #tpu.memory_space<vmem_shared>>
      tpu.wait_dma2 semaphore(%run_scoped3A : memref<!tpu.dma_semaphore, #tpu.memory_space<semaphore_mem>>) src(%dma_wait3A_53 : memref<640x128xf32, #tpu.memory_space<vmem_shared>>) dst(%dma_wait3A_51 : memref<640x128xf32, #tpu.memory_space<hbm>>)
      tpu.yield
    }) : () -> ()
    return
  }
}

#map = affine_map<(d0, d1) -> (0)>
#map1 = affine_map<(d0, d1) -> (0, 0)>
#map2 = affine_map<(d0, d1) -> (0, 0, 0)>
module attributes {stable_mosaic.version = 14 : i64} {
  func.func @_sc_score_body(%arg0: i32, %arg1: i32, %arg2: memref<331776xi32, #tpu.memory_space<hbm>>, %arg3: memref<331776xi32, #tpu.memory_space<hbm>>, %arg4: memref<10240x16xf32, #tpu.memory_space<hbm>>, %arg5: memref<10240x16xf32, #tpu.memory_space<hbm>>, %arg6: memref<331776x16xf32, #tpu.memory_space<hbm>>, %arg7: memref<2x10240x16xf32, #tpu.memory_space<hbm>>, %arg8: memref<128xi32, #tpu.memory_space<vmem>>, %arg9: memref<128xi32, #tpu.memory_space<vmem>>, %arg10: memref<128x16xf32, #tpu.memory_space<vmem>>, %arg11: memref<128x16xf32, #tpu.memory_space<vmem>>, %arg12: memref<128x16xf32, #tpu.memory_space<vmem>>, %arg13: memref<128xi32, #tpu.memory_space<vmem>>, %arg14: memref<128xi32, #tpu.memory_space<vmem>>, %arg15: memref<128x16xf32, #tpu.memory_space<vmem>>, %arg16: memref<128x16xf32, #tpu.memory_space<vmem>>, %arg17: memref<128x16xf32, #tpu.memory_space<vmem>>, %arg18: memref<!tpu.dma_semaphore, #tpu.memory_space<semaphore_mem>>, %arg19: memref<!tpu.dma_semaphore, #tpu.memory_space<semaphore_mem>>, %arg20: memref<!tpu.dma_semaphore, #tpu.memory_space<semaphore_mem>>, %arg21: memref<!tpu.dma_semaphore, #tpu.memory_space<semaphore_mem>>, %arg22: memref<10240x16xf32, #tpu.memory_space<vmem_shared>>) attributes {dimension_semantics = [#tpu.dimension_semantics<core_parallel>, #tpu.dimension_semantics<subcore_parallel>], iteration_bounds = array<i64: 2, 16>, scalar_prefetch = 0 : i64, scratch_operands = 15 : i64, tpu.core_type = #tpu.core_type<sc_vector_subcore>, window_params = [{transform_indices = #map}, {transform_indices = #map}, {transform_indices = #map1}, {transform_indices = #map1}, {transform_indices = #map1}, {transform_indices = #map2}]} {
    %mul3A = arith.constant 16 : i32
    %mul3A_0 = arith.muli %arg0, %mul3A : i32
    %add3A = arith.addi %mul3A_0, %arg1 : i32
    %broadcast_in_dim3A = arith.constant 0.000000e+00 : f32
    %broadcast_in_dim3A_1 = vector.broadcast %broadcast_in_dim3A : f32 to vector<16xf32>
    %scan3A = arith.constant 0 : i32
    %scan3A_2 = arith.constant 0 : i32
    %scan3A_3 = arith.constant 128 : i32
    %scan3A_4 = arith.addi %scan3A_2, %scan3A_3 : i32
    %scan3A_5 = arith.constant 1 : i32
    %scan3A_6 = scf.for %scan3A_50 = %scan3A_2 to %scan3A_4 step %scan3A_5 iter_args(%scan3A_51 = %scan3A) -> (i32)  : i32 {
      %swap3A = arith.index_cast %scan3A_50 : i32 to index
      %swap3A_52 = arith.constant 0 : index
      %swap3A_53 = tpu.vector_load %arg12[%swap3A, %swap3A_52] {strides = array<i32>} : memref<128x16xf32, #tpu.memory_space<vmem>>, vector<1x16xf32>,
      %swap3A_54 = vector.shape_cast %swap3A_53 : vector<1x16xf32> to vector<16xf32>
      %swap3A_55 = vector.shape_cast %broadcast_in_dim3A_1 : vector<16xf32> to vector<1x16xf32>
      tpu.vector_store %arg12[%swap3A, %swap3A_52], %swap3A_55 {strides = array<i32>} : memref<128x16xf32, #tpu.memory_space<vmem>>, vector<1x16xf32>,
      %scan3A_56 = arith.constant 0 : i32
      scf.yield %scan3A_56 : i32
    }
    %scan3A_7 = arith.constant 128 : i32
    %scan3A_8 = arith.constant 0 : i32
    %scan3A_9 = arith.constant 0 : i32
    %scan3A_10 = arith.constant 5 : i32
    %scan3A_11 = arith.addi %scan3A_9, %scan3A_10 : i32
    %scan3A_12 = arith.constant 1 : i32
    %scan3A_13 = scf.for %scan3A_50 = %scan3A_9 to %scan3A_11 step %scan3A_12 iter_args(%scan3A_51 = %scan3A_8) -> (i32)  : i32 {
      %mul3A_52 = arith.constant 640 : i32
      %mul3A_53 = arith.muli %arg1, %mul3A_52 : i32
      %mul3A_54 = arith.constant 128 : i32
      %mul3A_55 = arith.muli %scan3A_50, %mul3A_54 : i32
      %add3A_56 = arith.addi %mul3A_53, %mul3A_55 : i32
      "tpu.region"() ({
        %run_scoped3A = tpu.sem_alloc : memref<!tpu.dma_semaphore, #tpu.memory_space<semaphore_mem>>
        %dma_start3A_58 = arith.constant 0 : i32
        %dma_start3A_59 = tpu.memref_slice %arg22[%add3A_56, %dma_start3A_58] : memref<10240x16xf32, #tpu.memory_space<vmem_shared>> -> memref<128x16xf32, #tpu.memory_space<vmem_shared>>
        %dma_start3A_60 = arith.constant 0 : i32
        %dma_start3A_61 = tpu.memref_slice %arg22[%add3A_56, %dma_start3A_60] : memref<10240x16xf32, #tpu.memory_space<vmem_shared>> -> memref<128x16xf32, #tpu.memory_space<vmem_shared>>
        tpu.enqueue_dma source(%arg12 : memref<128x16xf32, #tpu.memory_space<vmem>>) target(%dma_start3A_61 : memref<128x16xf32, #tpu.memory_space<vmem_shared>>) target_semaphore(%run_scoped3A : memref<!tpu.dma_semaphore, #tpu.memory_space<semaphore_mem>>)
        %dma_wait3A_62 = arith.constant 0 : i32
        %dma_wait3A_63 = tpu.memref_slice %arg22[%add3A_56, %dma_wait3A_62] : memref<10240x16xf32, #tpu.memory_space<vmem_shared>> -> memref<128x16xf32, #tpu.memory_space<vmem_shared>>
        %dma_wait3A_64 = arith.constant 0 : i32
        %dma_wait3A_65 = tpu.memref_slice %arg22[%add3A_56, %dma_wait3A_64] : memref<10240x16xf32, #tpu.memory_space<vmem_shared>> -> memref<128x16xf32, #tpu.memory_space<vmem_shared>>
        tpu.wait_dma2 semaphore(%run_scoped3A : memref<!tpu.dma_semaphore, #tpu.memory_space<semaphore_mem>>) src(%arg12 : memref<128x16xf32, #tpu.memory_space<vmem>>) dst(%dma_wait3A_65 : memref<128x16xf32, #tpu.memory_space<vmem_shared>>)
        tpu.yield
      }) : () -> ()
      %scan3A_57 = arith.constant 0 : i32
      scf.yield %scan3A_57 : i32
    }
    %scan3A_14 = arith.constant 5 : i32
    %barrier3A = arith.constant 0 : index
    tpu.barrier barrier_id(%barrier3A)
    %mul3A_15 = arith.constant 10368 : i32
    %mul3A_16 = arith.muli %add3A, %mul3A_15 : i32
    "tpu.region"() ({
      %run_scoped3A = tpu.sem_alloc : memref<!tpu.dma_semaphore, #tpu.memory_space<semaphore_mem>>
      %dma_start3A_50 = tpu.memref_slice %arg2[%mul3A_16] : memref<331776xi32, #tpu.memory_space<hbm>> -> memref<128xi32, #tpu.memory_space<hbm>>
      %dma_start3A_51 = tpu.memref_slice %arg2[%mul3A_16] : memref<331776xi32, #tpu.memory_space<hbm>> -> memref<128xi32, #tpu.memory_space<hbm>>
      tpu.enqueue_dma source(%dma_start3A_51 : memref<128xi32, #tpu.memory_space<hbm>>) target(%arg8 : memref<128xi32, #tpu.memory_space<vmem>>) target_semaphore(%run_scoped3A : memref<!tpu.dma_semaphore, #tpu.memory_space<semaphore_mem>>)
      %dma_wait3A_52 = tpu.memref_slice %arg2[%mul3A_16] : memref<331776xi32, #tpu.memory_space<hbm>> -> memref<128xi32, #tpu.memory_space<hbm>>
      %dma_wait3A_53 = tpu.memref_slice %arg2[%mul3A_16] : memref<331776xi32, #tpu.memory_space<hbm>> -> memref<128xi32, #tpu.memory_space<hbm>>
      tpu.wait_dma2 semaphore(%run_scoped3A : memref<!tpu.dma_semaphore, #tpu.memory_space<semaphore_mem>>) src(%dma_wait3A_53 : memref<128xi32, #tpu.memory_space<hbm>>) dst(%arg8 : memref<128xi32, #tpu.memory_space<vmem>>)
      tpu.yield
    }) : () -> ()
    "tpu.region"() ({
      %run_scoped3A = tpu.sem_alloc : memref<!tpu.dma_semaphore, #tpu.memory_space<semaphore_mem>>
      %dma_start3A_50 = tpu.memref_slice %arg3[%mul3A_16] : memref<331776xi32, #tpu.memory_space<hbm>> -> memref<128xi32, #tpu.memory_space<hbm>>
      %dma_start3A_51 = tpu.memref_slice %arg3[%mul3A_16] : memref<331776xi32, #tpu.memory_space<hbm>> -> memref<128xi32, #tpu.memory_space<hbm>>
      tpu.enqueue_dma source(%dma_start3A_51 : memref<128xi32, #tpu.memory_space<hbm>>) target(%arg9 : memref<128xi32, #tpu.memory_space<vmem>>) target_semaphore(%run_scoped3A : memref<!tpu.dma_semaphore, #tpu.memory_space<semaphore_mem>>)
      %dma_wait3A_52 = tpu.memref_slice %arg3[%mul3A_16] : memref<331776xi32, #tpu.memory_space<hbm>> -> memref<128xi32, #tpu.memory_space<hbm>>
      %dma_wait3A_53 = tpu.memref_slice %arg3[%mul3A_16] : memref<331776xi32, #tpu.memory_space<hbm>> -> memref<128xi32, #tpu.memory_space<hbm>>
      tpu.wait_dma2 semaphore(%run_scoped3A : memref<!tpu.dma_semaphore, #tpu.memory_space<semaphore_mem>>) src(%dma_wait3A_53 : memref<128xi32, #tpu.memory_space<hbm>>) dst(%arg9 : memref<128xi32, #tpu.memory_space<vmem>>)
      tpu.yield
    }) : () -> ()
    %dma_start3A = arith.constant 0 : i32
    %dma_start3A_17 = arith.constant 0 : i32
    %dma_start3A_18 = tpu.memref_slice %arg4[%dma_start3A, %dma_start3A_17] : memref<10240x16xf32, #tpu.memory_space<hbm>> -> memref<10240x16xf32, #tpu.memory_space<hbm>>
    tpu.enqueue_indirect_dma source(%dma_start3A_18 : memref<10240x16xf32, #tpu.memory_space<hbm>>) target(%arg10 : memref<128x16xf32, #tpu.memory_space<vmem>>) offsets(%arg8 : memref<128xi32, #tpu.memory_space<vmem>>) semaphore(%arg18 : memref<!tpu.dma_semaphore, #tpu.memory_space<semaphore_mem>>)
    %dma_start3A_19 = arith.constant 0 : i32
    %dma_start3A_20 = arith.constant 0 : i32
    %dma_start3A_21 = tpu.memref_slice %arg5[%dma_start3A_19, %dma_start3A_20] : memref<10240x16xf32, #tpu.memory_space<hbm>> -> memref<10240x16xf32, #tpu.memory_space<hbm>>
    tpu.enqueue_indirect_dma source(%dma_start3A_21 : memref<10240x16xf32, #tpu.memory_space<hbm>>) target(%arg11 : memref<128x16xf32, #tpu.memory_space<vmem>>) offsets(%arg9 : memref<128xi32, #tpu.memory_space<vmem>>) semaphore(%arg19 : memref<!tpu.dma_semaphore, #tpu.memory_space<semaphore_mem>>)
    %scan3A_22 = arith.constant 0 : i32
    %scan3A_23 = arith.constant 0 : i32
    %scan3A_24 = arith.constant 40 : i32
    %scan3A_25 = arith.addi %scan3A_23, %scan3A_24 : i32
    %scan3A_26 = arith.constant 1 : i32
    %scan3A_27 = scf.for %scan3A_50 = %scan3A_23 to %scan3A_25 step %scan3A_26 iter_args(%scan3A_51 = %scan3A_22) -> (i32)  : i32 {
      %mul3A_52 = arith.constant 10368 : i32
      %mul3A_53 = arith.muli %add3A, %mul3A_52 : i32
      %mul3A_54 = arith.constant 2 : i32
      %mul3A_55 = arith.muli %mul3A_54, %scan3A_50 : i32
      %mul3A_56 = arith.constant 128 : i32
      %mul3A_57 = arith.muli %mul3A_55, %mul3A_56 : i32
      %add3A_58 = arith.addi %mul3A_53, %mul3A_57 : i32
      %add3A_59 = arith.constant 128 : i32
      %add3A_60 = arith.addi %add3A_58, %add3A_59 : i32
      "tpu.region"() ({
        %run_scoped3A = tpu.sem_alloc : memref<!tpu.dma_semaphore, #tpu.memory_space<semaphore_mem>>
        %dma_start3A_104 = tpu.memref_slice %arg2[%add3A_60] : memref<331776xi32, #tpu.memory_space<hbm>> -> memref<128xi32, #tpu.memory_space<hbm>>
        %dma_start3A_105 = tpu.memref_slice %arg2[%add3A_60] : memref<331776xi32, #tpu.memory_space<hbm>> -> memref<128xi32, #tpu.memory_space<hbm>>
        tpu.enqueue_dma source(%dma_start3A_105 : memref<128xi32, #tpu.memory_space<hbm>>) target(%arg13 : memref<128xi32, #tpu.memory_space<vmem>>) target_semaphore(%run_scoped3A : memref<!tpu.dma_semaphore, #tpu.memory_space<semaphore_mem>>)
        %dma_wait3A_106 = tpu.memref_slice %arg2[%add3A_60] : memref<331776xi32, #tpu.memory_space<hbm>> -> memref<128xi32, #tpu.memory_space<hbm>>
        %dma_wait3A_107 = tpu.memref_slice %arg2[%add3A_60] : memref<331776xi32, #tpu.memory_space<hbm>> -> memref<128xi32, #tpu.memory_space<hbm>>
        tpu.wait_dma2 semaphore(%run_scoped3A : memref<!tpu.dma_semaphore, #tpu.memory_space<semaphore_mem>>) src(%dma_wait3A_107 : memref<128xi32, #tpu.memory_space<hbm>>) dst(%arg13 : memref<128xi32, #tpu.memory_space<vmem>>)
        tpu.yield
      }) : () -> ()
      "tpu.region"() ({
        %run_scoped3A = tpu.sem_alloc : memref<!tpu.dma_semaphore, #tpu.memory_space<semaphore_mem>>
        %dma_start3A_104 = tpu.memref_slice %arg3[%add3A_60] : memref<331776xi32, #tpu.memory_space<hbm>> -> memref<128xi32, #tpu.memory_space<hbm>>
        %dma_start3A_105 = tpu.memref_slice %arg3[%add3A_60] : memref<331776xi32, #tpu.memory_space<hbm>> -> memref<128xi32, #tpu.memory_space<hbm>>
        tpu.enqueue_dma source(%dma_start3A_105 : memref<128xi32, #tpu.memory_space<hbm>>) target(%arg14 : memref<128xi32, #tpu.memory_space<vmem>>) target_semaphore(%run_scoped3A : memref<!tpu.dma_semaphore, #tpu.memory_space<semaphore_mem>>)
        %dma_wait3A_106 = tpu.memref_slice %arg3[%add3A_60] : memref<331776xi32, #tpu.memory_space<hbm>> -> memref<128xi32, #tpu.memory_space<hbm>>
        %dma_wait3A_107 = tpu.memref_slice %arg3[%add3A_60] : memref<331776xi32, #tpu.memory_space<hbm>> -> memref<128xi32, #tpu.memory_space<hbm>>
        tpu.wait_dma2 semaphore(%run_scoped3A : memref<!tpu.dma_semaphore, #tpu.memory_space<semaphore_mem>>) src(%dma_wait3A_107 : memref<128xi32, #tpu.memory_space<hbm>>) dst(%arg14 : memref<128xi32, #tpu.memory_space<vmem>>)
        tpu.yield
      }) : () -> ()
      %dma_start3A_61 = arith.constant 0 : i32
      %dma_start3A_62 = arith.constant 0 : i32
      %dma_start3A_63 = tpu.memref_slice %arg4[%dma_start3A_61, %dma_start3A_62] : memref<10240x16xf32, #tpu.memory_space<hbm>> -> memref<10240x16xf32, #tpu.memory_space<hbm>>
      tpu.enqueue_indirect_dma source(%dma_start3A_63 : memref<10240x16xf32, #tpu.memory_space<hbm>>) target(%arg15 : memref<128x16xf32, #tpu.memory_space<vmem>>) offsets(%arg13 : memref<128xi32, #tpu.memory_space<vmem>>) semaphore(%arg20 : memref<!tpu.dma_semaphore, #tpu.memory_space<semaphore_mem>>)
      %dma_start3A_64 = arith.constant 0 : i32
      %dma_start3A_65 = arith.constant 0 : i32
      %dma_start3A_66 = tpu.memref_slice %arg5[%dma_start3A_64, %dma_start3A_65] : memref<10240x16xf32, #tpu.memory_space<hbm>> -> memref<10240x16xf32, #tpu.memory_space<hbm>>
      tpu.enqueue_indirect_dma source(%dma_start3A_66 : memref<10240x16xf32, #tpu.memory_space<hbm>>) target(%arg16 : memref<128x16xf32, #tpu.memory_space<vmem>>) offsets(%arg14 : memref<128xi32, #tpu.memory_space<vmem>>) semaphore(%arg21 : memref<!tpu.dma_semaphore, #tpu.memory_space<semaphore_mem>>)
      %dma_wait3A_67 = arith.constant 0 : i32
      %dma_wait3A_68 = arith.constant 0 : i32
      %dma_wait3A_69 = tpu.memref_slice %arg4[%dma_wait3A_67, %dma_wait3A_68] : memref<10240x16xf32, #tpu.memory_space<hbm>> -> memref<10240x16xf32, #tpu.memory_space<hbm>>
      tpu.wait_indirect_dma semaphore(%arg18 : memref<!tpu.dma_semaphore, #tpu.memory_space<semaphore_mem>>) src(%dma_wait3A_69 : memref<10240x16xf32, #tpu.memory_space<hbm>>) dst(%arg10 : memref<128x16xf32, #tpu.memory_space<vmem>>)
      %dma_wait3A_70 = arith.constant 0 : i32
      %dma_wait3A_71 = arith.constant 0 : i32
      %dma_wait3A_72 = tpu.memref_slice %arg5[%dma_wait3A_70, %dma_wait3A_71] : memref<10240x16xf32, #tpu.memory_space<hbm>> -> memref<10240x16xf32, #tpu.memory_space<hbm>>
      tpu.wait_indirect_dma semaphore(%arg19 : memref<!tpu.dma_semaphore, #tpu.memory_space<semaphore_mem>>) src(%dma_wait3A_72 : memref<10240x16xf32, #tpu.memory_space<hbm>>) dst(%arg11 : memref<128x16xf32, #tpu.memory_space<vmem>>)
      %scan3A_73 = arith.constant 0 : i32
      %scan3A_74 = arith.constant 0 : i32
      %scan3A_75 = arith.constant 128 : i32
      %scan3A_76 = arith.addi %scan3A_74, %scan3A_75 : i32
      %scan3A_77 = arith.constant 1 : i32
      %scan3A_78 = scf.for %scan3A_104 = %scan3A_74 to %scan3A_76 step %scan3A_77 iter_args(%scan3A_105 = %scan3A_73) -> (i32)  : i32 {
        %get3A = arith.index_cast %scan3A_104 : i32 to index
        %get3A_106 = arith.constant 0 : index
        %get3A_107 = tpu.vector_load %arg10[%get3A, %get3A_106] {strides = array<i32>} : memref<128x16xf32, #tpu.memory_space<vmem>>, vector<1x16xf32>,
        %get3A_108 = vector.shape_cast %get3A_107 : vector<1x16xf32> to vector<16xf32>
        %get3A_109 = arith.index_cast %scan3A_104 : i32 to index
        %get3A_110 = arith.constant 0 : index
        %get3A_111 = tpu.vector_load %arg11[%get3A_109, %get3A_110] {strides = array<i32>} : memref<128x16xf32, #tpu.memory_space<vmem>>, vector<1x16xf32>,
        %get3A_112 = vector.shape_cast %get3A_111 : vector<1x16xf32> to vector<16xf32>
        %add3A_113 = arith.addf %get3A_108, %get3A_112 : vector<16xf32>
        %gt3A = arith.constant 0.000000e+00 : f32
        %gt3A_114 = vector.broadcast %gt3A : f32 to vector<16xf32>
        %gt3A_115 = arith.cmpf ogt, %add3A_113, %gt3A_114 : vector<16xf32>
        %mul3A_116 = arith.constant 2.000000e-01 : f32
        %mul3A_117 = vector.broadcast %mul3A_116 : f32 to vector<16xf32>
        %mul3A_118 = arith.mulf %mul3A_117, %add3A_113 : vector<16xf32>
        %select_n3A = arith.select %gt3A_115, %add3A_113, %mul3A_118 : vector<16xi1>, vector<16xf32>
        %exp3A = math.exp %select_n3A : vector<16xf32>
        %swap3A = arith.index_cast %scan3A_104 : i32 to index
        %swap3A_119 = arith.constant 0 : index
        %swap3A_120 = tpu.vector_load %arg12[%swap3A, %swap3A_119] {strides = array<i32>} : memref<128x16xf32, #tpu.memory_space<vmem>>, vector<1x16xf32>,
        %swap3A_121 = vector.shape_cast %swap3A_120 : vector<1x16xf32> to vector<16xf32>
        %swap3A_122 = vector.shape_cast %exp3A : vector<16xf32> to vector<1x16xf32>
        tpu.vector_store %arg12[%swap3A, %swap3A_119], %swap3A_122 {strides = array<i32>} : memref<128x16xf32, #tpu.memory_space<vmem>>, vector<1x16xf32>,
        %scan3A_123 = arith.constant 0 : i32
        scf.yield %scan3A_123 : i32
      }
      %scan3A_79 = arith.constant 128 : i32
      "tpu.region"() ({
        %run_scoped3A = tpu.sem_alloc : memref<!tpu.dma_semaphore, #tpu.memory_space<semaphore_mem>>
        %dma_start3A_104 = arith.constant 0 : i32
        %dma_start3A_105 = tpu.memref_slice %arg6[%add3A_58, %dma_start3A_104] : memref<331776x16xf32, #tpu.memory_space<hbm>> -> memref<128x16xf32, #tpu.memory_space<hbm>>
        %dma_start3A_106 = arith.constant 0 : i32
        %dma_start3A_107 = tpu.memref_slice %arg6[%add3A_58, %dma_start3A_106] : memref<331776x16xf32, #tpu.memory_space<hbm>> -> memref<128x16xf32, #tpu.memory_space<hbm>>
        tpu.enqueue_dma source(%arg12 : memref<128x16xf32, #tpu.memory_space<vmem>>) target(%dma_start3A_107 : memref<128x16xf32, #tpu.memory_space<hbm>>) target_semaphore(%run_scoped3A : memref<!tpu.dma_semaphore, #tpu.memory_space<semaphore_mem>>)
        %dma_wait3A_108 = arith.constant 0 : i32
        %dma_wait3A_109 = tpu.memref_slice %arg6[%add3A_58, %dma_wait3A_108] : memref<331776x16xf32, #tpu.memory_space<hbm>> -> memref<128x16xf32, #tpu.memory_space<hbm>>
        %dma_wait3A_110 = arith.constant 0 : i32
        %dma_wait3A_111 = tpu.memref_slice %arg6[%add3A_58, %dma_wait3A_110] : memref<331776x16xf32, #tpu.memory_space<hbm>> -> memref<128x16xf32, #tpu.memory_space<hbm>>
        tpu.wait_dma2 semaphore(%run_scoped3A : memref<!tpu.dma_semaphore, #tpu.memory_space<semaphore_mem>>) src(%arg12 : memref<128x16xf32, #tpu.memory_space<vmem>>) dst(%dma_wait3A_111 : memref<128x16xf32, #tpu.memory_space<hbm>>)
        tpu.yield
      }) : () -> ()
      "tpu.region"() ({
        %run_scoped3A = tpu.sem_alloc : memref<!tpu.dma_semaphore, #tpu.memory_space<semaphore_mem>>
        %dma_start3A_104 = arith.constant 0 : i32
        %dma_start3A_105 = arith.constant 0 : i32
        %dma_start3A_106 = tpu.memref_slice %arg22[%dma_start3A_104, %dma_start3A_105] : memref<10240x16xf32, #tpu.memory_space<vmem_shared>> -> memref<10240x16xf32, #tpu.memory_space<vmem_shared>>
        tpu.enqueue_indirect_dma source(%arg12 : memref<128x16xf32, #tpu.memory_space<vmem>>) target(%dma_start3A_106 : memref<10240x16xf32, #tpu.memory_space<vmem_shared>>) offsets(%arg9 : memref<128xi32, #tpu.memory_space<vmem>>) semaphore(%run_scoped3A : memref<!tpu.dma_semaphore, #tpu.memory_space<semaphore_mem>>) {add = true}
        %dma_wait3A_107 = arith.constant 0 : i32
        %dma_wait3A_108 = arith.constant 0 : i32
        %dma_wait3A_109 = tpu.memref_slice %arg22[%dma_wait3A_107, %dma_wait3A_108] : memref<10240x16xf32, #tpu.memory_space<vmem_shared>> -> memref<10240x16xf32, #tpu.memory_space<vmem_shared>>
        tpu.wait_indirect_dma semaphore(%run_scoped3A : memref<!tpu.dma_semaphore, #tpu.memory_space<semaphore_mem>>) src(%arg12 : memref<128x16xf32, #tpu.memory_space<vmem>>) dst(%dma_wait3A_109 : memref<10240x16xf32, #tpu.memory_space<vmem_shared>>)
        tpu.yield
      }) : () -> ()
      %add3A_80 = arith.constant 256 : i32
      %add3A_81 = arith.addi %add3A_58, %add3A_80 : i32
      "tpu.region"() ({
        %run_scoped3A = tpu.sem_alloc : memref<!tpu.dma_semaphore, #tpu.memory_space<semaphore_mem>>
        %dma_start3A_104 = tpu.memref_slice %arg2[%add3A_81] : memref<331776xi32, #tpu.memory_space<hbm>> -> memref<128xi32, #tpu.memory_space<hbm>>
        %dma_start3A_105 = tpu.memref_slice %arg2[%add3A_81] : memref<331776xi32, #tpu.memory_space<hbm>> -> memref<128xi32, #tpu.memory_space<hbm>>
        tpu.enqueue_dma source(%dma_start3A_105 : memref<128xi32, #tpu.memory_space<hbm>>) target(%arg8 : memref<128xi32, #tpu.memory_space<vmem>>) target_semaphore(%run_scoped3A : memref<!tpu.dma_semaphore, #tpu.memory_space<semaphore_mem>>)
        %dma_wait3A_106 = tpu.memref_slice %arg2[%add3A_81] : memref<331776xi32, #tpu.memory_space<hbm>> -> memref<128xi32, #tpu.memory_space<hbm>>
        %dma_wait3A_107 = tpu.memref_slice %arg2[%add3A_81] : memref<331776xi32, #tpu.memory_space<hbm>> -> memref<128xi32, #tpu.memory_space<hbm>>
        tpu.wait_dma2 semaphore(%run_scoped3A : memref<!tpu.dma_semaphore, #tpu.memory_space<semaphore_mem>>) src(%dma_wait3A_107 : memref<128xi32, #tpu.memory_space<hbm>>) dst(%arg8 : memref<128xi32, #tpu.memory_space<vmem>>)
        tpu.yield
      }) : () -> ()
      "tpu.region"() ({
        %run_scoped3A = tpu.sem_alloc : memref<!tpu.dma_semaphore, #tpu.memory_space<semaphore_mem>>
        %dma_start3A_104 = tpu.memref_slice %arg3[%add3A_81] : memref<331776xi32, #tpu.memory_space<hbm>> -> memref<128xi32, #tpu.memory_space<hbm>>
        %dma_start3A_105 = tpu.memref_slice %arg3[%add3A_81] : memref<331776xi32, #tpu.memory_space<hbm>> -> memref<128xi32, #tpu.memory_space<hbm>>
        tpu.enqueue_dma source(%dma_start3A_105 : memref<128xi32, #tpu.memory_space<hbm>>) target(%arg9 : memref<128xi32, #tpu.memory_space<vmem>>) target_semaphore(%run_scoped3A : memref<!tpu.dma_semaphore, #tpu.memory_space<semaphore_mem>>)
        %dma_wait3A_106 = tpu.memref_slice %arg3[%add3A_81] : memref<331776xi32, #tpu.memory_space<hbm>> -> memref<128xi32, #tpu.memory_space<hbm>>
        %dma_wait3A_107 = tpu.memref_slice %arg3[%add3A_81] : memref<331776xi32, #tpu.memory_space<hbm>> -> memref<128xi32, #tpu.memory_space<hbm>>
        tpu.wait_dma2 semaphore(%run_scoped3A : memref<!tpu.dma_semaphore, #tpu.memory_space<semaphore_mem>>) src(%dma_wait3A_107 : memref<128xi32, #tpu.memory_space<hbm>>) dst(%arg9 : memref<128xi32, #tpu.memory_space<vmem>>)
        tpu.yield
      }) : () -> ()
      %dma_start3A_82 = arith.constant 0 : i32
      %dma_start3A_83 = arith.constant 0 : i32
      %dma_start3A_84 = tpu.memref_slice %arg4[%dma_start3A_82, %dma_start3A_83] : memref<10240x16xf32, #tpu.memory_space<hbm>> -> memref<10240x16xf32, #tpu.memory_space<hbm>>
      tpu.enqueue_indirect_dma source(%dma_start3A_84 : memref<10240x16xf32, #tpu.memory_space<hbm>>) target(%arg10 : memref<128x16xf32, #tpu.memory_space<vmem>>) offsets(%arg8 : memref<128xi32, #tpu.memory_space<vmem>>) semaphore(%arg18 : memref<!tpu.dma_semaphore, #tpu.memory_space<semaphore_mem>>)
      %dma_start3A_85 = arith.constant 0 : i32
      %dma_start3A_86 = arith.constant 0 : i32
      %dma_start3A_87 = tpu.memref_slice %arg5[%dma_start3A_85, %dma_start3A_86] : memref<10240x16xf32, #tpu.memory_space<hbm>> -> memref<10240x16xf32, #tpu.memory_space<hbm>>
      tpu.enqueue_indirect_dma source(%dma_start3A_87 : memref<10240x16xf32, #tpu.memory_space<hbm>>) target(%arg11 : memref<128x16xf32, #tpu.memory_space<vmem>>) offsets(%arg9 : memref<128xi32, #tpu.memory_space<vmem>>) semaphore(%arg19 : memref<!tpu.dma_semaphore, #tpu.memory_space<semaphore_mem>>)
      %add3A_88 = arith.constant 128 : i32
      %add3A_89 = arith.addi %add3A_58, %add3A_88 : i32
      %dma_wait3A_90 = arith.constant 0 : i32
      %dma_wait3A_91 = arith.constant 0 : i32
      %dma_wait3A_92 = tpu.memref_slice %arg4[%dma_wait3A_90, %dma_wait3A_91] : memref<10240x16xf32, #tpu.memory_space<hbm>> -> memref<10240x16xf32, #tpu.memory_space<hbm>>
      tpu.wait_indirect_dma semaphore(%arg20 : memref<!tpu.dma_semaphore, #tpu.memory_space<semaphore_mem>>) src(%dma_wait3A_92 : memref<10240x16xf32, #tpu.memory_space<hbm>>) dst(%arg15 : memref<128x16xf32, #tpu.memory_space<vmem>>)
      %dma_wait3A_93 = arith.constant 0 : i32
      %dma_wait3A_94 = arith.constant 0 : i32
      %dma_wait3A_95 = tpu.memref_slice %arg5[%dma_wait3A_93, %dma_wait3A_94] : memref<10240x16xf32, #tpu.memory_space<hbm>> -> memref<10240x16xf32, #tpu.memory_space<hbm>>
      tpu.wait_indirect_dma semaphore(%arg21 : memref<!tpu.dma_semaphore, #tpu.memory_space<semaphore_mem>>) src(%dma_wait3A_95 : memref<10240x16xf32, #tpu.memory_space<hbm>>) dst(%arg16 : memref<128x16xf32, #tpu.memory_space<vmem>>)
      %scan3A_96 = arith.constant 0 : i32
      %scan3A_97 = arith.constant 0 : i32
      %scan3A_98 = arith.constant 128 : i32
      %scan3A_99 = arith.addi %scan3A_97, %scan3A_98 : i32
      %scan3A_100 = arith.constant 1 : i32
      %scan3A_101 = scf.for %scan3A_104 = %scan3A_97 to %scan3A_99 step %scan3A_100 iter_args(%scan3A_105 = %scan3A_96) -> (i32)  : i32 {
        %get3A = arith.index_cast %scan3A_104 : i32 to index
        %get3A_106 = arith.constant 0 : index
        %get3A_107 = tpu.vector_load %arg15[%get3A, %get3A_106] {strides = array<i32>} : memref<128x16xf32, #tpu.memory_space<vmem>>, vector<1x16xf32>,
        %get3A_108 = vector.shape_cast %get3A_107 : vector<1x16xf32> to vector<16xf32>
        %get3A_109 = arith.index_cast %scan3A_104 : i32 to index
        %get3A_110 = arith.constant 0 : index
        %get3A_111 = tpu.vector_load %arg16[%get3A_109, %get3A_110] {strides = array<i32>} : memref<128x16xf32, #tpu.memory_space<vmem>>, vector<1x16xf32>,
        %get3A_112 = vector.shape_cast %get3A_111 : vector<1x16xf32> to vector<16xf32>
        %add3A_113 = arith.addf %get3A_108, %get3A_112 : vector<16xf32>
        %gt3A = arith.constant 0.000000e+00 : f32
        %gt3A_114 = vector.broadcast %gt3A : f32 to vector<16xf32>
        %gt3A_115 = arith.cmpf ogt, %add3A_113, %gt3A_114 : vector<16xf32>
        %mul3A_116 = arith.constant 2.000000e-01 : f32
        %mul3A_117 = vector.broadcast %mul3A_116 : f32 to vector<16xf32>
        %mul3A_118 = arith.mulf %mul3A_117, %add3A_113 : vector<16xf32>
        %select_n3A = arith.select %gt3A_115, %add3A_113, %mul3A_118 : vector<16xi1>, vector<16xf32>
        %exp3A = math.exp %select_n3A : vector<16xf32>
        %swap3A = arith.index_cast %scan3A_104 : i32 to index
        %swap3A_119 = arith.constant 0 : index
        %swap3A_120 = tpu.vector_load %arg17[%swap3A, %swap3A_119] {strides = array<i32>} : memref<128x16xf32, #tpu.memory_space<vmem>>, vector<1x16xf32>,
        %swap3A_121 = vector.shape_cast %swap3A_120 : vector<1x16xf32> to vector<16xf32>
        %swap3A_122 = vector.shape_cast %exp3A : vector<16xf32> to vector<1x16xf32>
        tpu.vector_store %arg17[%swap3A, %swap3A_119], %swap3A_122 {strides = array<i32>} : memref<128x16xf32, #tpu.memory_space<vmem>>, vector<1x16xf32>,
        %scan3A_123 = arith.constant 0 : i32
        scf.yield %scan3A_123 : i32
      }
      %scan3A_102 = arith.constant 128 : i32
      "tpu.region"() ({
        %run_scoped3A = tpu.sem_alloc : memref<!tpu.dma_semaphore, #tpu.memory_space<semaphore_mem>>
        %dma_start3A_104 = arith.constant 0 : i32
        %dma_start3A_105 = tpu.memref_slice %arg6[%add3A_89, %dma_start3A_104] : memref<331776x16xf32, #tpu.memory_space<hbm>> -> memref<128x16xf32, #tpu.memory_space<hbm>>
        %dma_start3A_106 = arith.constant 0 : i32
        %dma_start3A_107 = tpu.memref_slice %arg6[%add3A_89, %dma_start3A_106] : memref<331776x16xf32, #tpu.memory_space<hbm>> -> memref<128x16xf32, #tpu.memory_space<hbm>>
        tpu.enqueue_dma source(%arg17 : memref<128x16xf32, #tpu.memory_space<vmem>>) target(%dma_start3A_107 : memref<128x16xf32, #tpu.memory_space<hbm>>) target_semaphore(%run_scoped3A : memref<!tpu.dma_semaphore, #tpu.memory_space<semaphore_mem>>)
        %dma_wait3A_108 = arith.constant 0 : i32
        %dma_wait3A_109 = tpu.memref_slice %arg6[%add3A_89, %dma_wait3A_108] : memref<331776x16xf32, #tpu.memory_space<hbm>> -> memref<128x16xf32, #tpu.memory_space<hbm>>
        %dma_wait3A_110 = arith.constant 0 : i32
        %dma_wait3A_111 = tpu.memref_slice %arg6[%add3A_89, %dma_wait3A_110] : memref<331776x16xf32, #tpu.memory_space<hbm>> -> memref<128x16xf32, #tpu.memory_space<hbm>>
        tpu.wait_dma2 semaphore(%run_scoped3A : memref<!tpu.dma_semaphore, #tpu.memory_space<semaphore_mem>>) src(%arg17 : memref<128x16xf32, #tpu.memory_space<vmem>>) dst(%dma_wait3A_111 : memref<128x16xf32, #tpu.memory_space<hbm>>)
        tpu.yield
      }) : () -> ()
      "tpu.region"() ({
        %run_scoped3A = tpu.sem_alloc : memref<!tpu.dma_semaphore, #tpu.memory_space<semaphore_mem>>
        %dma_start3A_104 = arith.constant 0 : i32
        %dma_start3A_105 = arith.constant 0 : i32
        %dma_start3A_106 = tpu.memref_slice %arg22[%dma_start3A_104, %dma_start3A_105] : memref<10240x16xf32, #tpu.memory_space<vmem_shared>> -> memref<10240x16xf32, #tpu.memory_space<vmem_shared>>
        tpu.enqueue_indirect_dma source(%arg17 : memref<128x16xf32, #tpu.memory_space<vmem>>) target(%dma_start3A_106 : memref<10240x16xf32, #tpu.memory_space<vmem_shared>>) offsets(%arg14 : memref<128xi32, #tpu.memory_space<vmem>>) semaphore(%run_scoped3A : memref<!tpu.dma_semaphore, #tpu.memory_space<semaphore_mem>>) {add = true}
        %dma_wait3A_107 = arith.constant 0 : i32
        %dma_wait3A_108 = arith.constant 0 : i32
        %dma_wait3A_109 = tpu.memref_slice %arg22[%dma_wait3A_107, %dma_wait3A_108] : memref<10240x16xf32, #tpu.memory_space<vmem_shared>> -> memref<10240x16xf32, #tpu.memory_space<vmem_shared>>
        tpu.wait_indirect_dma semaphore(%run_scoped3A : memref<!tpu.dma_semaphore, #tpu.memory_space<semaphore_mem>>) src(%arg17 : memref<128x16xf32, #tpu.memory_space<vmem>>) dst(%dma_wait3A_109 : memref<10240x16xf32, #tpu.memory_space<vmem_shared>>)
        tpu.yield
      }) : () -> ()
      %scan3A_103 = arith.constant 0 : i32
      scf.yield %scan3A_103 : i32
    }
    %scan3A_28 = arith.constant 40 : i32
    %mul3A_29 = arith.constant 10368 : i32
    %mul3A_30 = arith.muli %add3A, %mul3A_29 : i32
    %add3A_31 = arith.constant 10240 : i32
    %add3A_32 = arith.addi %mul3A_30, %add3A_31 : i32
    %dma_wait3A = arith.constant 0 : i32
    %dma_wait3A_33 = arith.constant 0 : i32
    %dma_wait3A_34 = tpu.memref_slice %arg4[%dma_wait3A, %dma_wait3A_33] : memref<10240x16xf32, #tpu.memory_space<hbm>> -> memref<10240x16xf32, #tpu.memory_space<hbm>>
    tpu.wait_indirect_dma semaphore(%arg18 : memref<!tpu.dma_semaphore, #tpu.memory_space<semaphore_mem>>) src(%dma_wait3A_34 : memref<10240x16xf32, #tpu.memory_space<hbm>>) dst(%arg10 : memref<128x16xf32, #tpu.memory_space<vmem>>)
    %dma_wait3A_35 = arith.constant 0 : i32
    %dma_wait3A_36 = arith.constant 0 : i32
    %dma_wait3A_37 = tpu.memref_slice %arg5[%dma_wait3A_35, %dma_wait3A_36] : memref<10240x16xf32, #tpu.memory_space<hbm>> -> memref<10240x16xf32, #tpu.memory_space<hbm>>
    tpu.wait_indirect_dma semaphore(%arg19 : memref<!tpu.dma_semaphore, #tpu.memory_space<semaphore_mem>>) src(%dma_wait3A_37 : memref<10240x16xf32, #tpu.memory_space<hbm>>) dst(%arg11 : memref<128x16xf32, #tpu.memory_space<vmem>>)
    %scan3A_38 = arith.constant 0 : i32
    %scan3A_39 = arith.constant 0 : i32
    %scan3A_40 = arith.constant 128 : i32
    %scan3A_41 = arith.addi %scan3A_39, %scan3A_40 : i32
    %scan3A_42 = arith.constant 1 : i32
    %scan3A_43 = scf.for %scan3A_50 = %scan3A_39 to %scan3A_41 step %scan3A_42 iter_args(%scan3A_51 = %scan3A_38) -> (i32)  : i32 {
      %get3A = arith.index_cast %scan3A_50 : i32 to index
      %get3A_52 = arith.constant 0 : index
      %get3A_53 = tpu.vector_load %arg10[%get3A, %get3A_52] {strides = array<i32>} : memref<128x16xf32, #tpu.memory_space<vmem>>, vector<1x16xf32>,
      %get3A_54 = vector.shape_cast %get3A_53 : vector<1x16xf32> to vector<16xf32>
      %get3A_55 = arith.index_cast %scan3A_50 : i32 to index
      %get3A_56 = arith.constant 0 : index
      %get3A_57 = tpu.vector_load %arg11[%get3A_55, %get3A_56] {strides = array<i32>} : memref<128x16xf32, #tpu.memory_space<vmem>>, vector<1x16xf32>,
      %get3A_58 = vector.shape_cast %get3A_57 : vector<1x16xf32> to vector<16xf32>
      %add3A_59 = arith.addf %get3A_54, %get3A_58 : vector<16xf32>
      %gt3A = arith.constant 0.000000e+00 : f32
      %gt3A_60 = vector.broadcast %gt3A : f32 to vector<16xf32>
      %gt3A_61 = arith.cmpf ogt, %add3A_59, %gt3A_60 : vector<16xf32>
      %mul3A_62 = arith.constant 2.000000e-01 : f32
      %mul3A_63 = vector.broadcast %mul3A_62 : f32 to vector<16xf32>
      %mul3A_64 = arith.mulf %mul3A_63, %add3A_59 : vector<16xf32>
      %select_n3A = arith.select %gt3A_61, %add3A_59, %mul3A_64 : vector<16xi1>, vector<16xf32>
      %exp3A = math.exp %select_n3A : vector<16xf32>
      %swap3A = arith.index_cast %scan3A_50 : i32 to index
      %swap3A_65 = arith.constant 0 : index
      %swap3A_66 = tpu.vector_load %arg12[%swap3A, %swap3A_65] {strides = array<i32>} : memref<128x16xf32, #tpu.memory_space<vmem>>, vector<1x16xf32>,
      %swap3A_67 = vector.shape_cast %swap3A_66 : vector<1x16xf32> to vector<16xf32>
      %swap3A_68 = vector.shape_cast %exp3A : vector<16xf32> to vector<1x16xf32>
      tpu.vector_store %arg12[%swap3A, %swap3A_65], %swap3A_68 {strides = array<i32>} : memref<128x16xf32, #tpu.memory_space<vmem>>, vector<1x16xf32>,
      %scan3A_69 = arith.constant 0 : i32
      scf.yield %scan3A_69 : i32
    }
    %scan3A_44 = arith.constant 128 : i32
    "tpu.region"() ({
      %run_scoped3A = tpu.sem_alloc : memref<!tpu.dma_semaphore, #tpu.memory_space<semaphore_mem>>
      %dma_start3A_50 = arith.constant 0 : i32
      %dma_start3A_51 = tpu.memref_slice %arg6[%add3A_32, %dma_start3A_50] : memref<331776x16xf32, #tpu.memory_space<hbm>> -> memref<128x16xf32, #tpu.memory_space<hbm>>
      %dma_start3A_52 = arith.constant 0 : i32
      %dma_start3A_53 = tpu.memref_slice %arg6[%add3A_32, %dma_start3A_52] : memref<331776x16xf32, #tpu.memory_space<hbm>> -> memref<128x16xf32, #tpu.memory_space<hbm>>
      tpu.enqueue_dma source(%arg12 : memref<128x16xf32, #tpu.memory_space<vmem>>) target(%dma_start3A_53 : memref<128x16xf32, #tpu.memory_space<hbm>>) target_semaphore(%run_scoped3A : memref<!tpu.dma_semaphore, #tpu.memory_space<semaphore_mem>>)
      %dma_wait3A_54 = arith.constant 0 : i32
      %dma_wait3A_55 = tpu.memref_slice %arg6[%add3A_32, %dma_wait3A_54] : memref<331776x16xf32, #tpu.memory_space<hbm>> -> memref<128x16xf32, #tpu.memory_space<hbm>>
      %dma_wait3A_56 = arith.constant 0 : i32
      %dma_wait3A_57 = tpu.memref_slice %arg6[%add3A_32, %dma_wait3A_56] : memref<331776x16xf32, #tpu.memory_space<hbm>> -> memref<128x16xf32, #tpu.memory_space<hbm>>
      tpu.wait_dma2 semaphore(%run_scoped3A : memref<!tpu.dma_semaphore, #tpu.memory_space<semaphore_mem>>) src(%arg12 : memref<128x16xf32, #tpu.memory_space<vmem>>) dst(%dma_wait3A_57 : memref<128x16xf32, #tpu.memory_space<hbm>>)
      tpu.yield
    }) : () -> ()
    "tpu.region"() ({
      %run_scoped3A = tpu.sem_alloc : memref<!tpu.dma_semaphore, #tpu.memory_space<semaphore_mem>>
      %dma_start3A_50 = arith.constant 0 : i32
      %dma_start3A_51 = arith.constant 0 : i32
      %dma_start3A_52 = tpu.memref_slice %arg22[%dma_start3A_50, %dma_start3A_51] : memref<10240x16xf32, #tpu.memory_space<vmem_shared>> -> memref<10240x16xf32, #tpu.memory_space<vmem_shared>>
      tpu.enqueue_indirect_dma source(%arg12 : memref<128x16xf32, #tpu.memory_space<vmem>>) target(%dma_start3A_52 : memref<10240x16xf32, #tpu.memory_space<vmem_shared>>) offsets(%arg9 : memref<128xi32, #tpu.memory_space<vmem>>) semaphore(%run_scoped3A : memref<!tpu.dma_semaphore, #tpu.memory_space<semaphore_mem>>) {add = true}
      %dma_wait3A_53 = arith.constant 0 : i32
      %dma_wait3A_54 = arith.constant 0 : i32
      %dma_wait3A_55 = tpu.memref_slice %arg22[%dma_wait3A_53, %dma_wait3A_54] : memref<10240x16xf32, #tpu.memory_space<vmem_shared>> -> memref<10240x16xf32, #tpu.memory_space<vmem_shared>>
      tpu.wait_indirect_dma semaphore(%run_scoped3A : memref<!tpu.dma_semaphore, #tpu.memory_space<semaphore_mem>>) src(%arg12 : memref<128x16xf32, #tpu.memory_space<vmem>>) dst(%dma_wait3A_55 : memref<10240x16xf32, #tpu.memory_space<vmem_shared>>)
      tpu.yield
    }) : () -> ()
    %barrier3A_45 = arith.constant 0 : index
    tpu.barrier barrier_id(%barrier3A_45)
    %mul3A_46 = arith.constant 640 : i32
    %mul3A_47 = arith.muli %arg1, %mul3A_46 : i32
    %mul3A_48 = arith.constant 640 : i32
    %mul3A_49 = arith.muli %arg1, %mul3A_48 : i32
    "tpu.region"() ({
      %run_scoped3A = tpu.sem_alloc : memref<!tpu.dma_semaphore, #tpu.memory_space<semaphore_mem>>
      %dma_start3A_50 = arith.constant 0 : i32
      %dma_start3A_51 = tpu.memref_slice %arg7[%arg0, %mul3A_49, %dma_start3A_50] : memref<2x10240x16xf32, #tpu.memory_space<hbm>> -> memref<1x640x16xf32, #tpu.memory_space<hbm>>
      %dma_start3A_52 = tpu.memref_squeeze %dma_start3A_51 : memref<1x640x16xf32, #tpu.memory_space<hbm>> -> memref<640x16xf32, #tpu.memory_space<hbm>>
      %dma_start3A_53 = arith.constant 0 : i32
      %dma_start3A_54 = tpu.memref_slice %arg22[%mul3A_47, %dma_start3A_53] : memref<10240x16xf32, #tpu.memory_space<vmem_shared>> -> memref<640x16xf32, #tpu.memory_space<vmem_shared>>
      tpu.enqueue_dma source(%dma_start3A_54 : memref<640x16xf32, #tpu.memory_space<vmem_shared>>) target(%dma_start3A_52 : memref<640x16xf32, #tpu.memory_space<hbm>>) target_semaphore(%run_scoped3A : memref<!tpu.dma_semaphore, #tpu.memory_space<semaphore_mem>>)
      %dma_wait3A_55 = arith.constant 0 : i32
      %dma_wait3A_56 = tpu.memref_slice %arg7[%arg0, %mul3A_49, %dma_wait3A_55] : memref<2x10240x16xf32, #tpu.memory_space<hbm>> -> memref<1x640x16xf32, #tpu.memory_space<hbm>>
      %dma_wait3A_57 = tpu.memref_squeeze %dma_wait3A_56 : memref<1x640x16xf32, #tpu.memory_space<hbm>> -> memref<640x16xf32, #tpu.memory_space<hbm>>
      %dma_wait3A_58 = arith.constant 0 : i32
      %dma_wait3A_59 = tpu.memref_slice %arg22[%mul3A_47, %dma_wait3A_58] : memref<10240x16xf32, #tpu.memory_space<vmem_shared>> -> memref<640x16xf32, #tpu.memory_space<vmem_shared>>
      tpu.wait_dma2 semaphore(%run_scoped3A : memref<!tpu.dma_semaphore, #tpu.memory_space<semaphore_mem>>) src(%dma_wait3A_59 : memref<640x16xf32, #tpu.memory_space<vmem_shared>>) dst(%dma_wait3A_57 : memref<640x16xf32, #tpu.memory_space<hbm>>)
      tpu.yield
    }) : () -> ()
    return
  }
}

module attributes {stable_mosaic.version = 14 : i64} {
  func.func @_tc_in_body(%arg0: i32, %arg1: memref<512x128xf32, #tpu.memory_space<vmem>>, %arg2: memref<128x128xf32, #tpu.memory_space<vmem>>, %arg3: memref<128x16xf32, #tpu.memory_space<vmem>>, %arg4: memref<128x16xf32, #tpu.memory_space<vmem>>, %arg5: memref<512x128xf32, #tpu.memory_space<vmem>>, %arg6: memref<512x16xf32, #tpu.memory_space<vmem>>, %arg7: memref<512x16xf32, #tpu.memory_space<vmem>>) attributes {dimension_semantics = [#tpu.dimension_semantics<arbitrary>], iteration_bounds = array<i64: 20>, scalar_prefetch = 0 : i64, scratch_operands = 0 : i64, tpu.core_type = #tpu.core_type<tc>, window_params = [{transform_indices = @transform_0, window_bounds = array<i64: 512, 128>}, {pipeline_mode = #tpu.pipeline_mode<synchronous>, transform_indices = @transform_1, window_bounds = array<i64: 128, 128>}, {pipeline_mode = #tpu.pipeline_mode<synchronous>, transform_indices = @transform_2, window_bounds = array<i64: 128, 16>}, {pipeline_mode = #tpu.pipeline_mode<synchronous>, transform_indices = @transform_3, window_bounds = array<i64: 128, 16>}, {transform_indices = @transform_4, window_bounds = array<i64: 512, 128>}, {transform_indices = @transform_5, window_bounds = array<i64: 512, 16>}, {transform_indices = @transform_6, window_bounds = array<i64: 512, 16>}]} {
    %get3A = arith.constant 0 : index
    %get3A_0 = arith.constant 0 : index
    %get3A_1 = vector.load %arg1[%get3A, %get3A_0] : memref<512x128xf32, #tpu.memory_space<vmem>>, vector<512x128xf32>
    %get3A_2 = arith.constant 0 : index
    %get3A_3 = arith.constant 0 : index
    %get3A_4 = vector.load %arg2[%get3A_2, %get3A_3] : memref<128x128xf32, #tpu.memory_space<vmem>>, vector<128x128xf32>
    %dot_general3A = arith.constant dense<0.000000e+00> : vector<512x128xf32>
    %dot_general3A_5 = tpu.matmul %get3A_1, %get3A_4, %dot_general3A {dimension_numbers = #tpu.dot_dimension_numbers<[1], [0], [0], [1], [0, 0, 1, 1], [], []>, transpose_lhs_hint = false} : vector<512x128xf32>, vector<128x128xf32>, vector<512x128xf32> -> vector<512x128xf32>
    %swap3A = arith.constant 0 : index
    %swap3A_6 = arith.constant 0 : index
    %swap3A_7 = vector.load %arg5[%swap3A, %swap3A_6] : memref<512x128xf32, #tpu.memory_space<vmem>>, vector<512x128xf32>
    tpu.vector_store %arg5[%swap3A, %swap3A_6], %dot_general3A_5 {strides = array<i32>} : memref<512x128xf32, #tpu.memory_space<vmem>>, vector<512x128xf32>,
    %get3A_8 = arith.constant 0 : index
    %get3A_9 = arith.constant 0 : index
    %get3A_10 = vector.load %arg3[%get3A_8, %get3A_9] : memref<128x16xf32, #tpu.memory_space<vmem>>, vector<128x16xf32>
    %dot_general3A_11 = arith.constant dense<0.000000e+00> : vector<512x16xf32>
    %dot_general3A_12 = tpu.matmul %dot_general3A_5, %get3A_10, %dot_general3A_11 {dimension_numbers = #tpu.dot_dimension_numbers<[1], [0], [0], [1], [0, 0, 1, 1], [], []>, transpose_lhs_hint = false} : vector<512x128xf32>, vector<128x16xf32>, vector<512x16xf32> -> vector<512x16xf32>
    %swap3A_13 = arith.constant 0 : index
    %swap3A_14 = arith.constant 0 : index
    %swap3A_15 = vector.load %arg6[%swap3A_13, %swap3A_14] : memref<512x16xf32, #tpu.memory_space<vmem>>, vector<512x16xf32>
    tpu.vector_store %arg6[%swap3A_13, %swap3A_14], %dot_general3A_12 {strides = array<i32>} : memref<512x16xf32, #tpu.memory_space<vmem>>, vector<512x16xf32>,
    %get3A_16 = arith.constant 0 : index
    %get3A_17 = arith.constant 0 : index
    %get3A_18 = vector.load %arg4[%get3A_16, %get3A_17] : memref<128x16xf32, #tpu.memory_space<vmem>>, vector<128x16xf32>
    %dot_general3A_19 = arith.constant dense<0.000000e+00> : vector<512x16xf32>
    %dot_general3A_20 = tpu.matmul %dot_general3A_5, %get3A_18, %dot_general3A_19 {dimension_numbers = #tpu.dot_dimension_numbers<[1], [0], [0], [1], [0, 0, 1, 1], [], []>, transpose_lhs_hint = false} : vector<512x128xf32>, vector<128x16xf32>, vector<512x16xf32> -> vector<512x16xf32>
    %swap3A_21 = arith.constant 0 : index
    %swap3A_22 = arith.constant 0 : index
    %swap3A_23 = vector.load %arg7[%swap3A_21, %swap3A_22] : memref<512x16xf32, #tpu.memory_space<vmem>>, vector<512x16xf32>
    tpu.vector_store %arg7[%swap3A_21, %swap3A_22], %dot_general3A_20 {strides = array<i32>} : memref<512x16xf32, #tpu.memory_space<vmem>>, vector<512x16xf32>,
    return
  }
  func.func @transform_0(%arg0: i32) -> (i32, i32) {
    %c0_i32 = arith.constant 0 : i32
    %c0_i32_0 = arith.constant 0 : i32
    return %arg0, %c0_i32 : i32, i32
  }
  func.func @transform_1(%arg0: i32) -> (i32, i32) {
    %c0_i32 = arith.constant 0 : i32
    %c0_i32_0 = arith.constant 0 : i32
    %c0_i32_1 = arith.constant 0 : i32
    return %c0_i32, %c0_i32_0 : i32, i32
  }
  func.func @transform_2(%arg0: i32) -> (i32, i32) {
    %c0_i32 = arith.constant 0 : i32
    %c0_i32_0 = arith.constant 0 : i32
    %c0_i32_1 = arith.constant 0 : i32
    return %c0_i32, %c0_i32_0 : i32, i32
  }
  func.func @transform_3(%arg0: i32) -> (i32, i32) {
    %c0_i32 = arith.constant 0 : i32
    %c0_i32_0 = arith.constant 0 : i32
    %c0_i32_1 = arith.constant 0 : i32
    return %c0_i32, %c0_i32_0 : i32, i32
  }
  func.func @transform_4(%arg0: i32) -> (i32, i32) {
    %c0_i32 = arith.constant 0 : i32
    %c0_i32_0 = arith.constant 0 : i32
    return %arg0, %c0_i32 : i32, i32
  }
  func.func @transform_5(%arg0: i32) -> (i32, i32) {
    %c0_i32 = arith.constant 0 : i32
    %c0_i32_0 = arith.constant 0 : i32
    return %arg0, %c0_i32 : i32, i32
  }
  func.func @transform_6(%arg0: i32) -> (i32, i32) {
    %c0_i32 = arith.constant 0 : i32
    %c0_i32_0 = arith.constant 0 : i32
    return %arg0, %c0_i32 : i32, i32
  }
}

module attributes {stable_mosaic.version = 14 : i64} {
  func.func @_tc_mid_body(%arg0: i32, %arg1: memref<2x512x128xf32, #tpu.memory_space<vmem>>, %arg2: memref<2x512x16xf32, #tpu.memory_space<vmem>>, %arg3: memref<128xf32, #tpu.memory_space<vmem>>, %arg4: memref<128x128xf32, #tpu.memory_space<vmem>>, %arg5: memref<128x16xf32, #tpu.memory_space<vmem>>, %arg6: memref<128x16xf32, #tpu.memory_space<vmem>>, %arg7: memref<512x128xf32, #tpu.memory_space<vmem>>, %arg8: memref<512x16xf32, #tpu.memory_space<vmem>>, %arg9: memref<512x16xf32, #tpu.memory_space<vmem>>) attributes {dimension_semantics = [#tpu.dimension_semantics<arbitrary>], iteration_bounds = array<i64: 20>, scalar_prefetch = 0 : i64, scratch_operands = 0 : i64, tpu.core_type = #tpu.core_type<tc>, window_params = [{transform_indices = @transform_0, window_bounds = array<i64: 2, 512, 128>}, {transform_indices = @transform_1, window_bounds = array<i64: 2, 512, 16>}, {pipeline_mode = #tpu.pipeline_mode<synchronous>, transform_indices = @transform_2, window_bounds = array<i64: 128>}, {pipeline_mode = #tpu.pipeline_mode<synchronous>, transform_indices = @transform_3, window_bounds = array<i64: 128, 128>}, {pipeline_mode = #tpu.pipeline_mode<synchronous>, transform_indices = @transform_4, window_bounds = array<i64: 128, 16>}, {pipeline_mode = #tpu.pipeline_mode<synchronous>, transform_indices = @transform_5, window_bounds = array<i64: 128, 16>}, {transform_indices = @transform_6, window_bounds = array<i64: 512, 128>}, {transform_indices = @transform_7, window_bounds = array<i64: 512, 16>}, {transform_indices = @transform_8, window_bounds = array<i64: 512, 16>}]} {
    %get3A = arith.constant 0 : index
    %get3A_0 = arith.constant 0 : index
    %get3A_1 = arith.constant 0 : index
    %get3A_2 = vector.load %arg1[%get3A, %get3A_0, %get3A_1] : memref<2x512x128xf32, #tpu.memory_space<vmem>>, vector<1x512x128xf32>
    %get3A_3 = vector.shape_cast %get3A_2 : vector<1x512x128xf32> to vector<512x128xf32>
    %get3A_4 = arith.constant 1 : index
    %get3A_5 = arith.constant 0 : index
    %get3A_6 = arith.constant 0 : index
    %get3A_7 = vector.load %arg1[%get3A_4, %get3A_5, %get3A_6] : memref<2x512x128xf32, #tpu.memory_space<vmem>>, vector<1x512x128xf32>
    %get3A_8 = vector.shape_cast %get3A_7 : vector<1x512x128xf32> to vector<512x128xf32>
    %add3A = arith.addf %get3A_3, %get3A_8 : vector<512x128xf32>
    %get3A_9 = arith.constant 0 : index
    %get3A_10 = arith.constant 0 : index
    %get3A_11 = arith.constant 0 : index
    %get3A_12 = vector.load %arg2[%get3A_9, %get3A_10, %get3A_11] : memref<2x512x16xf32, #tpu.memory_space<vmem>>, vector<1x512x16xf32>
    %get3A_13 = vector.shape_cast %get3A_12 : vector<1x512x16xf32> to vector<512x16xf32>
    %get3A_14 = arith.constant 1 : index
    %get3A_15 = arith.constant 0 : index
    %get3A_16 = arith.constant 0 : index
    %get3A_17 = vector.load %arg2[%get3A_14, %get3A_15, %get3A_16] : memref<2x512x16xf32, #tpu.memory_space<vmem>>, vector<1x512x16xf32>
    %get3A_18 = vector.shape_cast %get3A_17 : vector<1x512x16xf32> to vector<512x16xf32>
    %add3A_19 = arith.addf %get3A_13, %get3A_18 : vector<512x16xf32>
    %slice3A = vector.extract_strided_slice %add3A_19 {offsets = [0, 0], sizes = [512, 8], strides = [1, 1]} : vector<512x16xf32> to vector<512x8xf32>
    %broadcast_in_dim3A = vector.shape_cast %slice3A : vector<512x8xf32> to vector<512x8x1xf32>
    %broadcast_in_dim3A_20 = vector.shape_cast %broadcast_in_dim3A : vector<512x8x1xf32> to vector<512x8x1xf32>
    %broadcast_in_dim3A_21 = vector.broadcast %broadcast_in_dim3A_20 : vector<512x8x1xf32> to vector<512x8x16xf32>
    %reshape3A = vector.shape_cast %broadcast_in_dim3A_21 : vector<512x8x16xf32> to vector<512x128xf32>
    %add3A_22 = arith.constant 1.000000e-16 : f32
    %add3A_23 = vector.broadcast %add3A_22 : f32 to vector<512x128xf32>
    %add3A_24 = arith.addf %reshape3A, %add3A_23 : vector<512x128xf32>
    %div3A = arith.divf %add3A, %add3A_24 : vector<512x128xf32>
    %get3A_25 = arith.constant 0 : index
    %get3A_26 = vector.load %arg3[%get3A_25] : memref<128xf32, #tpu.memory_space<vmem>>, vector<128xf32>
    %broadcast_in_dim3A_27 = vector.shape_cast %get3A_26 : vector<128xf32> to vector<1x128xf32>
    %add3A_28 = vector.broadcast %broadcast_in_dim3A_27 : vector<1x128xf32> to vector<512x128xf32>
    %add3A_29 = arith.addf %div3A, %add3A_28 : vector<512x128xf32>
    %max3A = arith.constant 0.000000e+00 : f32
    %max3A_30 = vector.broadcast %max3A : f32 to vector<512x128xf32>
    %max3A_31 = arith.maximumf %add3A_29, %max3A_30 : vector<512x128xf32>
    %get3A_32 = arith.constant 0 : index
    %get3A_33 = arith.constant 0 : index
    %get3A_34 = vector.load %arg4[%get3A_32, %get3A_33] : memref<128x128xf32, #tpu.memory_space<vmem>>, vector<128x128xf32>
    %dot_general3A = arith.constant dense<0.000000e+00> : vector<512x128xf32>
    %dot_general3A_35 = tpu.matmul %max3A_31, %get3A_34, %dot_general3A {dimension_numbers = #tpu.dot_dimension_numbers<[1], [0], [0], [1], [0, 0, 1, 1], [], []>, transpose_lhs_hint = false} : vector<512x128xf32>, vector<128x128xf32>, vector<512x128xf32> -> vector<512x128xf32>
    %swap3A = arith.constant 0 : index
    %swap3A_36 = arith.constant 0 : index
    %swap3A_37 = vector.load %arg7[%swap3A, %swap3A_36] : memref<512x128xf32, #tpu.memory_space<vmem>>, vector<512x128xf32>
    tpu.vector_store %arg7[%swap3A, %swap3A_36], %dot_general3A_35 {strides = array<i32>} : memref<512x128xf32, #tpu.memory_space<vmem>>, vector<512x128xf32>,
    %get3A_38 = arith.constant 0 : index
    %get3A_39 = arith.constant 0 : index
    %get3A_40 = vector.load %arg5[%get3A_38, %get3A_39] : memref<128x16xf32, #tpu.memory_space<vmem>>, vector<128x16xf32>
    %dot_general3A_41 = arith.constant dense<0.000000e+00> : vector<512x16xf32>
    %dot_general3A_42 = tpu.matmul %dot_general3A_35, %get3A_40, %dot_general3A_41 {dimension_numbers = #tpu.dot_dimension_numbers<[1], [0], [0], [1], [0, 0, 1, 1], [], []>, transpose_lhs_hint = false} : vector<512x128xf32>, vector<128x16xf32>, vector<512x16xf32> -> vector<512x16xf32>
    %swap3A_43 = arith.constant 0 : index
    %swap3A_44 = arith.constant 0 : index
    %swap3A_45 = vector.load %arg8[%swap3A_43, %swap3A_44] : memref<512x16xf32, #tpu.memory_space<vmem>>, vector<512x16xf32>
    tpu.vector_store %arg8[%swap3A_43, %swap3A_44], %dot_general3A_42 {strides = array<i32>} : memref<512x16xf32, #tpu.memory_space<vmem>>, vector<512x16xf32>,
    %get3A_46 = arith.constant 0 : index
    %get3A_47 = arith.constant 0 : index
    %get3A_48 = vector.load %arg6[%get3A_46, %get3A_47] : memref<128x16xf32, #tpu.memory_space<vmem>>, vector<128x16xf32>
    %dot_general3A_49 = arith.constant dense<0.000000e+00> : vector<512x16xf32>
    %dot_general3A_50 = tpu.matmul %dot_general3A_35, %get3A_48, %dot_general3A_49 {dimension_numbers = #tpu.dot_dimension_numbers<[1], [0], [0], [1], [0, 0, 1, 1], [], []>, transpose_lhs_hint = false} : vector<512x128xf32>, vector<128x16xf32>, vector<512x16xf32> -> vector<512x16xf32>
    %swap3A_51 = arith.constant 0 : index
    %swap3A_52 = arith.constant 0 : index
    %swap3A_53 = vector.load %arg9[%swap3A_51, %swap3A_52] : memref<512x16xf32, #tpu.memory_space<vmem>>, vector<512x16xf32>
    tpu.vector_store %arg9[%swap3A_51, %swap3A_52], %dot_general3A_50 {strides = array<i32>} : memref<512x16xf32, #tpu.memory_space<vmem>>, vector<512x16xf32>,
    return
  }
  func.func @transform_0(%arg0: i32) -> (i32, i32, i32) {
    %c0_i32 = arith.constant 0 : i32
    %c0_i32_0 = arith.constant 0 : i32
    %c0_i32_1 = arith.constant 0 : i32
    return %c0_i32, %arg0, %c0_i32_0 : i32, i32, i32
  }
  func.func @transform_1(%arg0: i32) -> (i32, i32, i32) {
    %c0_i32 = arith.constant 0 : i32
    %c0_i32_0 = arith.constant 0 : i32
    %c0_i32_1 = arith.constant 0 : i32
    return %c0_i32, %arg0, %c0_i32_0 : i32, i32, i32
  }
  func.func @transform_2(%arg0: i32) -> i32 {
    %c0_i32 = arith.constant 0 : i32
    %c0_i32_0 = arith.constant 0 : i32
    return %c0_i32 : i32
  }
  func.func @transform_3(%arg0: i32) -> (i32, i32) {
    %c0_i32 = arith.constant 0 : i32
    %c0_i32_0 = arith.constant 0 : i32
    %c0_i32_1 = arith.constant 0 : i32
    return %c0_i32, %c0_i32_0 : i32, i32
  }
  func.func @transform_4(%arg0: i32) -> (i32, i32) {
    %c0_i32 = arith.constant 0 : i32
    %c0_i32_0 = arith.constant 0 : i32
    %c0_i32_1 = arith.constant 0 : i32
    return %c0_i32, %c0_i32_0 : i32, i32
  }
  func.func @transform_5(%arg0: i32) -> (i32, i32) {
    %c0_i32 = arith.constant 0 : i32
    %c0_i32_0 = arith.constant 0 : i32
    %c0_i32_1 = arith.constant 0 : i32
    return %c0_i32, %c0_i32_0 : i32, i32
  }
  func.func @transform_6(%arg0: i32) -> (i32, i32) {
    %c0_i32 = arith.constant 0 : i32
    %c0_i32_0 = arith.constant 0 : i32
    return %arg0, %c0_i32 : i32, i32
  }
  func.func @transform_7(%arg0: i32) -> (i32, i32) {
    %c0_i32 = arith.constant 0 : i32
    %c0_i32_0 = arith.constant 0 : i32
    return %arg0, %c0_i32 : i32, i32
  }
  func.func @transform_8(%arg0: i32) -> (i32, i32) {
    %c0_i32 = arith.constant 0 : i32
    %c0_i32_0 = arith.constant 0 : i32
    return %arg0, %c0_i32 : i32, i32
  }
}

module attributes {stable_mosaic.version = 14 : i64} {
  func.func @_tc_out_body(%arg0: i32, %arg1: memref<2x512x128xf32, #tpu.memory_space<vmem>>, %arg2: memref<2x512x16xf32, #tpu.memory_space<vmem>>, %arg3: memref<128xf32, #tpu.memory_space<vmem>>, %arg4: memref<128x128xf32, #tpu.memory_space<vmem>>, %arg5: memref<128xf32, #tpu.memory_space<vmem>>, %arg6: memref<512x128xf32, #tpu.memory_space<vmem>>) attributes {dimension_semantics = [#tpu.dimension_semantics<arbitrary>], iteration_bounds = array<i64: 20>, scalar_prefetch = 0 : i64, scratch_operands = 0 : i64, tpu.core_type = #tpu.core_type<tc>, window_params = [{transform_indices = @transform_0, window_bounds = array<i64: 2, 512, 128>}, {transform_indices = @transform_1, window_bounds = array<i64: 2, 512, 16>}, {pipeline_mode = #tpu.pipeline_mode<synchronous>, transform_indices = @transform_2, window_bounds = array<i64: 128>}, {pipeline_mode = #tpu.pipeline_mode<synchronous>, transform_indices = @transform_3, window_bounds = array<i64: 128, 128>}, {pipeline_mode = #tpu.pipeline_mode<synchronous>, transform_indices = @transform_4, window_bounds = array<i64: 128>}, {transform_indices = @transform_5, window_bounds = array<i64: 512, 128>}]} {
    %get3A = arith.constant 0 : index
    %get3A_0 = arith.constant 0 : index
    %get3A_1 = arith.constant 0 : index
    %get3A_2 = vector.load %arg1[%get3A, %get3A_0, %get3A_1] : memref<2x512x128xf32, #tpu.memory_space<vmem>>, vector<1x512x128xf32>
    %get3A_3 = vector.shape_cast %get3A_2 : vector<1x512x128xf32> to vector<512x128xf32>
    %get3A_4 = arith.constant 1 : index
    %get3A_5 = arith.constant 0 : index
    %get3A_6 = arith.constant 0 : index
    %get3A_7 = vector.load %arg1[%get3A_4, %get3A_5, %get3A_6] : memref<2x512x128xf32, #tpu.memory_space<vmem>>, vector<1x512x128xf32>
    %get3A_8 = vector.shape_cast %get3A_7 : vector<1x512x128xf32> to vector<512x128xf32>
    %add3A = arith.addf %get3A_3, %get3A_8 : vector<512x128xf32>
    %get3A_9 = arith.constant 0 : index
    %get3A_10 = arith.constant 0 : index
    %get3A_11 = arith.constant 0 : index
    %get3A_12 = vector.load %arg2[%get3A_9, %get3A_10, %get3A_11] : memref<2x512x16xf32, #tpu.memory_space<vmem>>, vector<1x512x1xf32>
    %get3A_13 = vector.shape_cast %get3A_12 : vector<1x512x1xf32> to vector<512x1xf32>
    %get3A_14 = arith.constant 1 : index
    %get3A_15 = arith.constant 0 : index
    %get3A_16 = arith.constant 0 : index
    %get3A_17 = vector.load %arg2[%get3A_14, %get3A_15, %get3A_16] : memref<2x512x16xf32, #tpu.memory_space<vmem>>, vector<1x512x1xf32>
    %get3A_18 = vector.shape_cast %get3A_17 : vector<1x512x1xf32> to vector<512x1xf32>
    %add3A_19 = arith.addf %get3A_13, %get3A_18 : vector<512x1xf32>
    %add3A_20 = arith.constant 1.000000e-16 : f32
    %add3A_21 = vector.broadcast %add3A_20 : f32 to vector<512x1xf32>
    %add3A_22 = arith.addf %add3A_19, %add3A_21 : vector<512x1xf32>
    %div3A = vector.broadcast %add3A_22 : vector<512x1xf32> to vector<512x128xf32>
    %div3A_23 = arith.divf %add3A, %div3A : vector<512x128xf32>
    %get3A_24 = arith.constant 0 : index
    %get3A_25 = vector.load %arg3[%get3A_24] : memref<128xf32, #tpu.memory_space<vmem>>, vector<128xf32>
    %broadcast_in_dim3A = vector.shape_cast %get3A_25 : vector<128xf32> to vector<1x128xf32>
    %add3A_26 = vector.broadcast %broadcast_in_dim3A : vector<1x128xf32> to vector<512x128xf32>
    %add3A_27 = arith.addf %div3A_23, %add3A_26 : vector<512x128xf32>
    %get3A_28 = arith.constant 0 : index
    %get3A_29 = arith.constant 0 : index
    %get3A_30 = vector.load %arg4[%get3A_28, %get3A_29] : memref<128x128xf32, #tpu.memory_space<vmem>>, vector<128x128xf32>
    %dot_general3A = arith.constant dense<0.000000e+00> : vector<512x128xf32>
    %dot_general3A_31 = tpu.matmul %add3A_27, %get3A_30, %dot_general3A {dimension_numbers = #tpu.dot_dimension_numbers<[1], [0], [0], [1], [0, 0, 1, 1], [], []>, transpose_lhs_hint = false} : vector<512x128xf32>, vector<128x128xf32>, vector<512x128xf32> -> vector<512x128xf32>
    %get3A_32 = arith.constant 0 : index
    %get3A_33 = vector.load %arg5[%get3A_32] : memref<128xf32, #tpu.memory_space<vmem>>, vector<128xf32>
    %broadcast_in_dim3A_34 = vector.shape_cast %get3A_33 : vector<128xf32> to vector<1x128xf32>
    %add3A_35 = vector.broadcast %broadcast_in_dim3A_34 : vector<1x128xf32> to vector<512x128xf32>
    %add3A_36 = arith.addf %dot_general3A_31, %add3A_35 : vector<512x128xf32>
    %swap3A = arith.constant 0 : index
    %swap3A_37 = arith.constant 0 : index
    %swap3A_38 = vector.load %arg6[%swap3A, %swap3A_37] : memref<512x128xf32, #tpu.memory_space<vmem>>, vector<512x128xf32>
    tpu.vector_store %arg6[%swap3A, %swap3A_37], %add3A_36 {strides = array<i32>} : memref<512x128xf32, #tpu.memory_space<vmem>>, vector<512x128xf32>,
    return
  }
  func.func @transform_0(%arg0: i32) -> (i32, i32, i32) {
    %c0_i32 = arith.constant 0 : i32
    %c0_i32_0 = arith.constant 0 : i32
    %c0_i32_1 = arith.constant 0 : i32
    return %c0_i32, %arg0, %c0_i32_0 : i32, i32, i32
  }
  func.func @transform_1(%arg0: i32) -> (i32, i32, i32) {
    %c0_i32 = arith.constant 0 : i32
    %c0_i32_0 = arith.constant 0 : i32
    %c0_i32_1 = arith.constant 0 : i32
    return %c0_i32, %arg0, %c0_i32_0 : i32, i32, i32
  }
  func.func @transform_2(%arg0: i32) -> i32 {
    %c0_i32 = arith.constant 0 : i32
    %c0_i32_0 = arith.constant 0 : i32
    return %c0_i32 : i32
  }
  func.func @transform_3(%arg0: i32) -> (i32, i32) {
    %c0_i32 = arith.constant 0 : i32
    %c0_i32_0 = arith.constant 0 : i32
    %c0_i32_1 = arith.constant 0 : i32
    return %c0_i32, %c0_i32_0 : i32, i32
  }
  func.func @transform_4(%arg0: i32) -> i32 {
    %c0_i32 = arith.constant 0 : i32
    %c0_i32_0 = arith.constant 0 : i32
    return %c0_i32 : i32
  }
  func.func @transform_5(%arg0: i32) -> (i32, i32) {
    %c0_i32 = arith.constant 0 : i32
    %c0_i32_0 = arith.constant 0 : i32
    return %arg0, %c0_i32 : i32, i32
  }
}

</mosaic_0001>

<sc_bundles>
// kernel: kernel.12.cloned.1.call-start
scs
__scs_entry_jumppad:
0x0: {  	(pc) =	sbr.rel $0x88, $3  }
0x1: {  	(tag) =	ssettag $0x0;
	lr =	simm.s32 $0x1  }
0x2: {  	[smem:$0x3F95] =	sst lr;
	_ =	strace $0xD0000000  }
0x3: {  	_ = 	snop  }
0x4: {  	_ = 	snop  }
0x5: {  	_ = 	snop  }
0x6: {  	_ = 	snop  }
0x7: {  	_ = 	snop  }
__scs_overlays_trampoline_lowered:
0x8: {  	[smem:$0x3FA4] =	sst s0  }
0x9: {  	[smem:$0x3FA5] =	sst s1  }
0xa: {  	[smem:$0x3FA6] =	sst s2  }
0xb: {  	[smem:$0x3FA7] =	sst s3  }
0xc: {  	[smem:$0x3FA8] =	sst s4  }
0xd: {  	[smem:$0x3FA9] =	sst s5  }
0xe: {  	[smem:$0x3FAA] =	sst s6  }
0xf: {  	[smem:$0x3FAB] =	sst s7  }
0x10: {  	[smem:$0x3FAC] =	sst s8  }
0x11: {  	[smem:$0x3FAD] =	sst s9;
	s0 =	simm.s32 @!p0 $0x0  }
0x12: {  	s1 =	sld [smem:$0x3F93];
	s0 =	simm.s32 @p0 $0x1  }
0x13: {  	[smem:$0x3FAE] =	sst s0;
	s0 =	simm.s32 @!p1 $0x0  }
0x14: {  	s2 =	sld [smem:$0x3F92];
	s0 =	simm.s32 @p1 $0x1  }
0x15: {  	[smem:$0x3FAF] =	sst s0;
	s0 =	simm.s32 @!p2 $0x0  }
0x16: {  	s3 =	sld [smem:$0x3FDB];
	s0 =	simm.s32 @p2 $0x1  }
0x17: {  	s4 =	simm.s32 $0x1BF5;
	[smem:$0x3FB1] =	sst s0  }
0x18: {  	s0 =	sld [smem:$0x3F94];
	_ =	swait.ge [sflag:s4], $0x0  }
0x19: {  	s7 =	sld [smem:$0x3F95]  }
0x1a: {  	s8 =	sadd.s32 $0xFFFFE003, lr  }
0x1b: {  	s9 =	sadd.s32 $0xFFFFFEF7, lr;
	s5 =	simm.s32 $0xFFFFFFFF;
	p2 =	slt.u32 s8, $0xFFFFF086  }
0x1c: {  	p1 =	slt.u32 s9, $0xF7A;
	s5 =	simm.s32 @!p2 $0x0  }
0x1d: {  	s5 =	simm.s32 @p1 $0x1;
	p0 =	seq.s32 s7, s2  }
0x1e: {  	s7 =	smul.u32 @!p0 $0xF7A, s2;
	p2 =	seq.s32 @!p0 s5, $0x0  }
0x1f: {  	s9 =	smul.u32 $0xF7A, s1;
	s8 =	simm.s32 @!p0 $0x1BF5;
	p2 =	por !p2, p0  }
0x20: {  	[sflag:s8] =	ssyncset.s32 @!p0 $0xFFFFF086;
	s6 =	sadd.s32 @!p0 s3, s7;
	s7 =	simm.s32 @!p0 $0x108  }
0x21: {  	s3 =	sadd.s32 s3, s9;
	s6 =	sadd.s32 @!p0 $0x88, s6;
	s7 =	simm.s32 @p2 $0x1082  }
0x22: {  	[simem:s7], [sflag:s8] =	dma.local @!p0 [hbm:s6], $0xF7A  }
0x23: {  	s9 =	sor.u32 $0xD0000000, s2;
	s6 =	simm.s32 $0x108;
	_ =	swait.ge @!p0 [sflag:s8], $0x0  }
0x24: {  	s3 =	sadd.s32 $0x88, s3;
	s6 =	simm.s32 @!p1 $0x1082;
	[sflag:s4] =	ssyncset.s32 $0xFFFFF086  }
0x25: {  	[simem:s6], [sflag:s4] =	dma.local [hbm:s3], $0xF7A  }
0x26: {  	[smem:$0x3F95] =	sst s1;
	(tag) =	ssettag s2;
	_ =	strace s9  }
0x27: {  	s1 =	sld [smem:$0x3FA5]  }
0x28: {  	s2 =	sld [smem:$0x3FA6]  }
0x29: {  	s4 =	sld [smem:$0x3FA8]  }
0x2a: {  	p0 =	seq.s32 s5, $0x0;
	s5 =	sld [smem:$0x3FA9]  }
0x2b: {  	s6 =	sld [smem:$0x3FAA]  }
0x2c: {  	s7 =	sld [smem:$0x3FAB]  }
0x2d: {  	s3 =	simm.s32 $0x108;
	s8 =	sld [smem:$0x3FAC]  }
0x2e: {  	s3 =	simm.s32 @!p0 $0x1082;
	s9 =	sld [smem:$0x3FAD]  }
0x2f: {  	lr =	sadd.s32 s0, s3;
	s0 =	sld [smem:$0x3FA4]  }
0x30: {  	s3 =	sld [smem:$0x3FA7]  }
0x31: {  	[smem:$0x3FB0] =	sst s10  }
0x32: {  	s10 =	sld [smem:$0x3FAE];
	_ =	sdelay $0x3  }
0x33: {  	p0 =	seq.s32 s10, $0x1;
	s10 =	sld [smem:$0x3FB0];
	_ =	sdelay $0x3  }
0x34: {  	[smem:$0x3FB0] =	sst s10  }
0x35: {  	s10 =	sld [smem:$0x3FAF];
	_ =	sdelay $0x3  }
0x36: {  	p1 =	seq.s32 s10, $0x1;
	s10 =	sld [smem:$0x3FB0];
	_ =	sdelay $0x3  }
0x37: {  	[smem:$0x3FB0] =	sst s10  }
0x38: {  	s10 =	sld [smem:$0x3FB1]  }
0x39: {  	_ = 	snop;
	(pc) =	sbr.ind lr, $3  }
0x3a: {  	_ = 	snop  }
0x3b: {  	_ = 	snop  }
0x3c: {  	p2 =	seq.s32 s10, $0x1;
	s10 =	sld [smem:$0x3FB0]  }
0x3d: {  	_ =	shalt  }
0x3e: {  	_ =	shalt  }
0x3f: {  	_ =	shalt  }
0x40: {  	_ =	shalt  }
0x41: {  	_ =	shalt  }
0x42: {  	_ =	shalt  }
0x43: {  	_ =	shalt  }
0x44: {  	_ =	shalt  }
0x45: {  	_ =	shalt  }
0x46: {  	_ =	shalt  }
0x47: {  	_ =	shalt  }
0x48: {  	_ =	shalt  }
0x49: {  	_ =	shalt  }
0x4a: {  	_ =	shalt  }
0x4b: {  	_ =	shalt  }
0x4c: {  	_ =	shalt  }
0x4d: {  	_ =	shalt  }
0x4e: {  	_ =	shalt  }
0x4f: {  	_ =	shalt  }
0x50: {  	_ =	shalt  }
0x51: {  	_ =	shalt  }
0x52: {  	_ =	shalt  }
0x53: {  	_ =	shalt  }
0x54: {  	_ =	shalt  }
0x55: {  	_ =	shalt  }
0x56: {  	_ =	shalt  }
0x57: {  	_ =	shalt  }
0x58: {  	_ =	shalt  }
0x59: {  	_ =	shalt  }
0x5a: {  	_ =	shalt  }
0x5b: {  	_ =	shalt  }
0x5c: {  	_ =	shalt  }
0x5d: {  	_ =	shalt  }
0x5e: {  	_ =	shalt  }
0x5f: {  	_ =	shalt  }
0x60: {  	_ =	shalt  }
0x61: {  	_ =	shalt  }
0x62: {  	_ =	shalt  }
0x63: {  	_ =	shalt  }
0x64: {  	_ =	shalt  }
0x65: {  	_ =	shalt  }
0x66: {  	_ =	shalt  }
0x67: {  	_ =	shalt  }
0x68: {  	_ =	shalt  }
0x69: {  	_ =	shalt  }
0x6a: {  	_ =	shalt  }
0x6b: {  	_ =	shalt  }
0x6c: {  	_ =	shalt  }
0x6d: {  	_ =	shalt  }
0x6e: {  	_ =	shalt  }
0x6f: {  	_ =	shalt  }
0x70: {  	_ =	shalt  }
0x71: {  	_ =	shalt  }
0x72: {  	_ =	shalt  }
0x73: {  	_ =	shalt  }
0x74: {  	_ =	shalt  }
0x75: {  	_ =	shalt  }
0x76: {  	_ =	shalt  }
0x77: {  	_ =	shalt  }
0x78: {  	_ =	shalt  }
0x79: {  	_ =	shalt  }
0x7a: {  	_ =	shalt  }
0x7b: {  	_ =	shalt  }
0x7c: {  	_ =	shalt  }
0x7d: {  	_ =	shalt  }
0x7e: {  	_ =	shalt  }
0x7f: {  	_ =	shalt  }
0x80: {  	_ =	shalt  }
0x81: {  	_ =	shalt  }
0x82: {  	_ =	shalt  }
0x83: {  	_ =	shalt  }
0x84: {  	_ =	shalt  }
0x85: {  	_ =	shalt  }
0x86: {  	_ =	shalt  }
0x87: {  	_ =	shalt  }
.Lfunc_end0:
.L_simem_size_0:
called_computation.1_lowered:
.L_overlay_start_0:
0x88: {  	s2 =	sld [smem:$0x3FD9]  }
0x89: {  	s3 =	sld [smem:$0x3FFE];
	_ =	sdelay $0x1  }
0x8a: {  	s1 =	srdreg.scid  }
0x8b: {  	s0 =	sand.u32 $0x1, s1  }
0x8c: {  	s17 =	sshll.u32 s0, $0xA;
	s2 =	sadd.s32 s3, s2  }
0x8d: {  	s2 =	sadd.s32 s2, s17  }
0x8e: {  	[smem:$0x3FBC] =	sst s2  }
0x8f: {  	_ = 	snop  }
0x90: {  	s2 =	sld [smem:$0x3FD0];
	(tm) =	ssettm $0x1  }
0x91: {  	s18 =	sld [smem:$0x3FFB];
	_ =	sdelay $0x3  }
0x92: {  	_ =	strace s18  }
0x93: {  	s3 =	sld [smem:$0x3FFC];
	_ =	sdelay $0x3  }
0x94: {  	_ =	strace s3  }
0x95: {  	s3 =	sld [smem:$0x3FFD];
	_ =	sdelay $0x3  }
0x96: {  	_ =	strace s3  }
0x97: {  	_ =	strace $0x8FFFFFFF  }
0x98: {  	s19 =	sld [smem:$0x3FDB];
	_ =	sdelay $0x1  }
0x99: {  	s4 =	simm.s32 $_scs_section_size  }
0x9a: {  	s5 =	simm.s32 $_size__tile_overlayer_lowered;
	s6 =	simm.s32 $_tile_overlayer_lowered  }
0x9b: {  	s22 =	simm.s32 $0x1BFF;
	s21 =	sshll.u32 s6, $0x1;
	s3 =	sadd.s32 s4, s19  }
0x9c: {  	s7 =	simm.s32 $0x0;
	s20 =	sshll.u32 s5, $0x1;
	s5 =	sadd.s32 s21, s3  }
0x9d: {  	[timem:s7], [sflag:s22] =	dma.local [hbm:s5], s20  }
0x9e: {  	_ =	swait.ge [sflag:s22], s20  }
0x9f: {  	s4 =	ssub.s32 $0x0, s20;
	[sflag:s22] =	ssyncset.done $0x0  }
0xa0: {  	[sflag:s22] =	ssyncadd.s32 s4;
	_ =	sdelay $0x1  }
0xa1: {  	s23 =	simm.s32 $0x1B8B  }
0xa2: {  	_ =	swait.ge [sflag:s23], $0x1  }
0xa3: {  	[sflag:s23] =	ssyncset.done $0x0  }
0xa4: {  	s25 =	simm.s32 $0x1B8E;
	s24 =	sld [smem:$0x3FFE];
	[sflag:s23] =	ssyncadd.s32 $0xFFFFFFFF  }
0xa5: {  	s26 =	simm.s32 $execute0_lowered;
	[smem:$0x3FD2] =	sst s25  }
0xa6: {  	s5 =	sshll.u32 s26, $0x1;
	_ =	strace $0x80000049;
	[dreg:$0x1] =	wrdreg $0xFFFFFFFF  }
0xa7: {  	s28 =	simm.s32 $_size_execute0_lowered;
	s3 =	sadd.s32 s3, s5;
	[dreg:$0x0] =	wrdreg $0x0  }
0xa8: {  	s5 =	sshll.u32 s28, $0x1;
	[dreg:$0x2] =	wrdreg s3  }
0xa9: {  	[dreg:$0x3] =	wrdreg s5  }
0xaa: {  	[dreg:$0x4] =	wrdreg $0xC0  }
0xab: {  	_ =	task [dreg:s7], $0x5FFFF  }
0xac: {  	[dreg:$0x1] =	wrdreg $0xFFFFFFFF  }
0xad: {  	[dreg:$0x0] =	wrdreg $0x60  }
0xae: {  	[dreg:$0x2] =	wrdreg s2  }
0xaf: {  	[dreg:$0x3] =	wrdreg s24  }
0xb0: {  	[dreg:$0x4] =	wrdreg $0x92000  }
0xb1: {  	[dreg:$0x5] =	wrdreg $0x9  }
0xb2: {  	_ =	task.clear_ibuf [dreg:s7], $0x6FFFF;
	_ =	strace $0x90000049  }
0xb3: {  	s29 =	simm.s32 $0x9;
	_ =	strace $0x8000004B  }
0xb4: {  	_ =	swait.ge [sflag:s29], $0x1  }
0xb5: {  	[sflag:s29] =	ssyncadd.s32 $0xFFFFFFFF  }
0xb6: {  	_ =	strace $0x9000004B  }
0xb7: {  	_ =	sfence  }
0xb8: {  	s30 =	sld [smem:$0x0];
	_ =	sdelay $0x2  }
0xb9: {  	s31 =	sshll.u32 s1, $0xD;
	s1 =	sshrl.u32 s1, $0x2  }
0xba: {  	s3 =	sand.u32 $0x4000, s31;
	s1 =	sadd.s32 s1, s30  }
0xbb: {  	s0 =	sor.u32 s3, s0;
	s1 =	sshll.u32 s1, $0x11  }
0xbc: {  	s0 =	sor.u32 s1, s0  }
0xbd: {  	s0 =	sadd.s32 $0x8F2B, s0  }
0xbe: {  	[sflag:s0] =	ssyncadd.remote.s32 $0x1  }
0xbf: {  	_ =	sfence.sel $0xFFFF  }
0xc0: {  	[dreg:$0x0] =	wrdreg $0xFFFFFFFF;
	(pc) =	sbr.abs _section_cstart, $3  }
0xc1: {  	[dreg:$0x1] =	wrdreg $0xFFFFFFFF  }
0xc2: {  	_ =	task.clear_ibuf [dreg:s7], $0x2FFFF;
	_ =	strace $0x9FFFFFFF  }
0xc3: {  	(tm) =	ssettm $0x7FFFFFFF  }
tec
execute0_lowered:
.L_overlay_start_1:
0x0: {  	(tag) =	ssettag $0x1  }
0x1: {  	s1 =	rddreg [dreg:$0x0]  }
0x2: {  	s0 =	rddreg [dreg:$0x1]  }
0x3: {  	s2 =	rddreg [dreg:$0x2]  }
0x4: {  	s4 =	simm.s32 $0x0;
	s3 =	srdreg.scid;
	s11 =	stileid.u32  }
0x5: {  	s19 =	simm.s32 $0x900;
	s20 =	simm.s32 $0x3;
	s21 =	simm.s32 $0x80  }
0x6: {  	s28 =	simm.s32 $0x1;
	s29 =	simm.s32 $0x4A00;
	s30 =	simm.s32 $0x2  }
0x7: {  	s31 =	simm.s32 $0x0;
	[smem:$0x7FF] =	sst s4;
	s3 =	sand.u32 $0x1, s3  }
0x8: {  	s5 =	sadd.s32 $0x35200, s0;
	s10 =	smul.u32 $0x14000, s11;
	s6 =	sadd.s32 $0x49400, s0  }
0x9: {  	s7 =	sadd.s32 $0x3200, s0;
	s8 =	smul.u32 $0x140000, s3;
	s9 =	sshll.u32 s3, $0x4  }
0xa: {  	_ =	strace $0x8000004A;
	s3 =	ssub.s32 $0x2, s3;
	s9 =	sor.u32 s11, s9  }
0xb: {  	s11 =	smul.u32 $0x50000, s11;
	s13 =	sshrl.u32 s3, $0x1;
	s26 =	sadd.s32 s10, s2  }
0xc: {  	s8 =	sadd.s32 s10, s8;
	s12 =	smul.u32 $0x28800, s9;
	s3 =	ssub.s32 s3, s13  }
0xd: {  	s8 =	sshrl.u32 s8, $0x3;
	s22 =	sshrl.u32 s11, $0x2;
	s3 =	smax.u32 s3, $0x1  }
0xe: {  	s0 =	sadd.s32 s8, s0;
	s8 =	smul.u32 $0x2880, s9;
	s23 =	sshrl.u32 s12, $0x3  }
0xf: {  	s9 =	sadd.s32 s22, s2;
	[dreg:$0x8] =	wrdreg s3;
	s22 =	simm.s32 $0x4900  }
0x10: {  	s11 =	sadd.s32 s6, s23;
	s0 =	sadd.s32 $0xEB400, s0;
	s15 =	sadd.s32 $0x4000, s9  }
0x11: {  	s16 =	sadd.s32 $0x8000, s9;
	s17 =	sadd.s32 $0xC000, s9;
	s18 =	sadd.s32 $0x10000, s9  }
0x12: {  	s24 =	sshrl.u32 s8, $0x3;
	s11 =	sadd.s32 $0x5000, s11;
	[dreg:$0x7] =	wrdreg s0  }
0x13: {  	s23 =	simm.s32 $0x4980;
	s25 =	sadd.s32 s1, s24;
	[dreg:$0x6] =	wrdreg s11  }
0x14: {  	s12 =	sadd.s32 s5, s24;
	s24 =	simm.s32 $0x5200;
	[dreg:$0x4] =	wrdreg s25  }
0x15: {  	v0 =	vimm.f32 $0.0e+00;
	[dreg:$0x5] =	wrdreg s12;
	s25 =	sshrl.u32 s26, $0x3;
	s26 =	simm.s32 $0x100  }
.LBB2_1:
0x16: {  	s0 =	simm.s32 $0x0;
	s3 =	simm.s32 $0x200  }
.LBB2_2:
0x17: {  	p0 =	sne.s32 s3, $0xFE00;
	[tilespmem:s0+$0x970] =	vst v0  }
0x18: {  	[tilespmem:s0+$0x900] =	vst v0  }
0x19: {  	[tilespmem:s0+$0x910] =	vst v0  }
.Ltmp0:
0x1a: {  	[tilespmem:s0+$0x920] =	vst v0;
	(pc) =	sbr.rel @p0 .LBB2_2-.Ltmp0, $4  }
0x1b: {  	[tilespmem:s0+$0x930] =	vst v0  }
0x1c: {  	[tilespmem:s0+$0x940] =	vst v0  }
0x1d: {  	[tilespmem:s0+$0x950] =	vst v0  }
0x1e: {  	[tilespmem:s0+$0x960] =	vst v0;
	s0 =	sshra.s32 s3, $0x2;
	s3 =	sadd.s32 $0x200, s3  }
0x1f: {  	[tilespmem:s0+$0x970] =	vst v0  }
0x20: {  	[tilespmem:s0+$0x900] =	vst v0  }
0x21: {  	[tilespmem:s0+$0x910] =	vst v0  }
0x22: {  	[tilespmem:s0+$0x920] =	vst v0  }
0x23: {  	[tilespmem:s0+$0x930] =	vst v0  }
0x24: {  	[tilespmem:s0+$0x940] =	vst v0  }
0x25: {  	[tilespmem:s0+$0x950] =	vst v0  }
0x26: {  	[tilespmem:s0+$0x960] =	vst v0  }
0x27: {  	[spmem:s9] =	stream.linear.scatter [tilespmem:s19], [sflag:$0x3], $0x4000, $0x38;
	[tilespmem:$0x1D200] =	vst v63  }
0x28: {  	_ =	swait.ge [sflag:s20], $0x4000  }
0x29: {  	[sflag:s20] =	ssyncset.done $0x0  }
0x2a: {  	[sflag:s20] =	ssyncadd.s32 $0xFFFFC000  }
0x2b: {  	[spmem:s15] =	stream.linear.scatter [tilespmem:s19], [sflag:$0x3], $0x4000, $0x38;
	[tilespmem:$0x1D200] =	vst v63  }
0x2c: {  	_ =	swait.ge [sflag:s20], $0x4000  }
0x2d: {  	[sflag:s20] =	ssyncset.done $0x0  }
0x2e: {  	[sflag:s20] =	ssyncadd.s32 $0xFFFFC000  }
0x2f: {  	[spmem:s16] =	stream.linear.scatter [tilespmem:s19], [sflag:$0x3], $0x4000, $0x38;
	[tilespmem:$0x1D200] =	vst v63  }
0x30: {  	_ =	swait.ge [sflag:s20], $0x4000  }
0x31: {  	[sflag:s20] =	ssyncset.done $0x0  }
0x32: {  	[sflag:s20] =	ssyncadd.s32 $0xFFFFC000  }
0x33: {  	[spmem:s17] =	stream.linear.scatter [tilespmem:s19], [sflag:$0x3], $0x4000, $0x38;
	[tilespmem:$0x1D200] =	vst v63  }
0x34: {  	_ =	swait.ge [sflag:s20], $0x4000  }
0x35: {  	[sflag:s20] =	ssyncset.done $0x0  }
0x36: {  	[sflag:s20] =	ssyncadd.s32 $0xFFFFC000  }
0x37: {  	[spmem:s18] =	stream.linear.scatter [tilespmem:s19], [sflag:$0x3], $0x4000, $0x38;
	[tilespmem:$0x1D200] =	vst v63  }
0x38: {  	_ =	swait.ge [sflag:s20], $0x4000  }
0x39: {  	[sflag:s20] =	ssyncset.done $0x0  }
0x3a: {  	[sflag:s20] =	ssyncadd.s32 $0xFFFFC000  }
0x3b: {  	[bflag:$0x0] =	sbarrier.arrive $0xFFFF  }
0x3c: {  	s13 =	rddreg [dreg:$0x4]  }
0x3d: {  	[tilespmem:s31], [sflag:$0x3] =	stream.linear.gather [hbm4b:s13+s31], $0x80, $0x38;
	[tilespmem:$0x1D200] =	vst v63  }
0x3e: {  	_ =	swait.ge [sflag:s20], $0x80  }
0x3f: {  	[sflag:s20] =	ssyncset.done $0x0  }
0x40: {  	s14 =	rddreg [dreg:$0x5];
	[sflag:s20] =	ssyncadd.s32 $0xFFFFFF80  }
0x41: {  	[tilespmem:s21], [sflag:$0x3] =	stream.linear.gather [hbm4b:s14+s31], $0x80, $0x38;
	[tilespmem:$0x1D200] =	vst v63  }
0x42: {  	_ =	swait.ge [sflag:s20], $0x80  }
0x43: {  	[sflag:s20] =	ssyncset.done $0x0  }
0x44: {  	s0 =	simm.s32 $0x0;
	[sflag:s20] =	ssyncadd.s32 $0xFFFFFF80  }
0x45: {  	[tilespmem:s19], [sflag:$0x1] =	stream.indirect.gather [hbm4b:s7+s21], $0x80, s31, s21, $0xb8;
	[tilespmem:$0x1D200] =	vst v63  }
.LBB2_4:
0x46: {  	s3 =	sshll.u32 s0, $0x8  }
0x47: {  	s10 =	sadd.s32 s8, s3  }
0x48: {  	s3 =	sadd.s32 $0x80, s10  }
0x49: {  	s11 =	sshrl.u32 s3, $0x3  }
0x4a: {  	s12 =	sadd.s32 s1, s11  }
0x4b: {  	[tilespmem:s22], [sflag:$0x3] =	stream.linear.gather [hbm4b:s12+s31], $0x80, $0x38;
	[tilespmem:$0x1D200] =	vst v63  }
0x4c: {  	_ =	swait.ge [sflag:s20], $0x80  }
0x4d: {  	[sflag:s20] =	ssyncset.done $0x0  }
0x4e: {  	s11 =	sadd.s32 s5, s11;
	[sflag:s20] =	ssyncadd.s32 $0xFFFFFF80  }
0x4f: {  	[tilespmem:s23], [sflag:$0x3] =	stream.linear.gather [hbm4b:s11+s31], $0x80, $0x38;
	[tilespmem:$0x1D200] =	vst v63  }
0x50: {  	_ =	swait.ge [sflag:s20], $0x80  }
0x51: {  	[sflag:s20] =	ssyncset.done $0x0  }
0x52: {  	s14 =	sshll.u32 s10, $0x1;
	[sflag:s20] =	ssyncadd.s32 $0xFFFFFF80  }
0x53: {  	[tilespmem:s24], [sflag:$0x2] =	stream.indirect.gather [hbm4b:s7+s21], $0x80, s22, s21, $0xb8;
	[tilespmem:$0x1D200] =	vst v63  }
0x54: {  	s11 =	sadd.s32 s6, s14  }
0x55: {  	[tilespmem:s26], [sflag:$0x3] =	stream.linear.gather [hbm4b:s11+s31], $0x800, $0x38;
	[tilespmem:$0x1D200] =	vst v63  }
0x56: {  	_ =	swait.ge [sflag:s20], $0x800  }
0x57: {  	[sflag:s20] =	ssyncset.done $0x0  }
0x58: {  	[sflag:s20] =	ssyncadd.s32 $0xFFFFF800  }
0x59: {  	_ =	swait.ge [sflag:s28], $0x4000  }
0x5a: {  	[sflag:s28] =	ssyncset.done $0x0  }
0x5b: {  	s11 =	simm.s32 $0x940;
	[sflag:s28] =	ssyncadd.s32 $0xFFFFC000  }
0x5c: {  	s13 =	simm.s32 $0x40;
	s12 =	simm.s32 $0x940;
	s14 =	simm.s32 $0x0;
	v1 =	vld [tilespmem:s11+$0xFFFFFFF0]  }
.LBB2_5:
0x5d: {  	p0 =	sne.s32 s13, $0x1FC0;
	v2 =	vld [tilespmem:s14+$0x100]  }
0x5e: {  	v3 =	vld [tilespmem:s11+$0xFFFFFFD0]  }
0x5f: {  	v4 =	vld [tilespmem:s11+$0xFFFFFFC0]  }
0x60: {  	v5 =	vld [tilespmem:s11+$0xFFFFFFE0]  }
0x61: {  	v6 =	vld [tilespmem:s11+$0x30]  }
0x62: {  	v7 =	vbroadcast v2, $0x0;
	v8 =	vbroadcast v2, $0x1;
	v9 =	vld [tilespmem:s11+$0x10]  }
0x63: {  	v10 =	vbroadcast v2, $0x2;
	v11 =	vbroadcast v2, $0x3;
	v12 =	vld [tilespmem:s11+$0x0]  }
0x64: {  	v4 =	vmul.f32 v7, v4;
	v3 =	vmul.f32 v3, v8;
	v7 =	vld [tilespmem:s11+$0x20]  }
0x65: {  	v1 =	vmul.f32 v1, v11;
	v5 =	vmul.f32 v5, v10  }
0x66: {  	v8 =	vbroadcast v2, $0x5;
	[tilespmem:s11+$0xFFFFFFC0] =	vst v4;
	v4 =	vbroadcast v2, $0x4  }
0x67: {  	[tilespmem:s11+$0xFFFFFFD0] =	vst v3;
	v3 =	vbroadcast v2, $0x6;
	v2 =	vbroadcast v2, $0x7  }
0x68: {  	[tilespmem:s11+$0xFFFFFFE0] =	vst v5;
	v4 =	vmul.f32 v12, v4;
	v5 =	vmul.f32 v9, v8  }
.Ltmp1:
0x69: {  	[tilespmem:s11+$0xFFFFFFF0] =	vst v1;
	v1 =	vmul.f32 v7, v3;
	v2 =	vmul.f32 v6, v2;
	(pc) =	sbr.rel @p0 .LBB2_5-.Ltmp1, $4  }
0x6a: {  	[tilespmem:s11+$0x0] =	vst v4  }
0x6b: {  	[tilespmem:s11+$0x10] =	vst v5  }
0x6c: {  	s11 =	sadd.s32 $0x80, s11;
	[tilespmem:s12+$0x20] =	vst v1  }
0x6d: {  	s14 =	sshra.s32 s13, $0x2;
	s13 =	sadd.s32 $0x40, s13;
	v1 =	vld [tilespmem:s11+$0xFFFFFFF0];
	[tilespmem:s12+$0x30] =	vst v2;
	s12 =	smov.u32 s11  }
0x6e: {  	v2 =	vld [tilespmem:s14+$0x100];
	_ =	sdelay $0x1  }
0x6f: {  	v3 =	vld [tilespmem:s11+$0xFFFFFFC0]  }
0x70: {  	v4 =	vld [tilespmem:s11+$0xFFFFFFD0]  }
0x71: {  	v5 =	vld [tilespmem:s11+$0xFFFFFFE0]  }
0x72: {  	v6 =	vbroadcast v2, $0x0  }
0x73: {  	v9 =	vld [tilespmem:s11+$0x10];
	v7 =	vbroadcast v2, $0x1  }
0x74: {  	v8 =	vld [tilespmem:s11+$0x0];
	v10 =	vbroadcast v2, $0x2;
	v3 =	vmul.f32 v6, v3  }
0x75: {  	v60 =	vld [tilespmem:s11+$0x20];
	v59 =	vbroadcast v2, $0x3;
	v4 =	vmul.f32 v4, v7  }
0x76: {  	v11 =	vld [tilespmem:s11+$0x30];
	v61 =	vbroadcast v2, $0x5;
	v5 =	vmul.f32 v5, v10;
	[tilespmem:s11+$0xFFFFFFC0] =	vst v3  }
0x77: {  	v1 =	vmul.f32 v1, v59;
	v3 =	vbroadcast v2, $0x4;
	[tilespmem:s11+$0xFFFFFFD0] =	vst v4  }
0x78: {  	v62 =	vbroadcast v2, $0x6;
	v63 =	vmul.f32 v9, v61;
	[tilespmem:s11+$0xFFFFFFE0] =	vst v5  }
0x79: {  	v2 =	vbroadcast v2, $0x7;
	[tilespmem:s11+$0xFFFFFFF0] =	vst v1;
	v3 =	vmul.f32 v8, v3  }
0x7a: {  	v1 =	vmul.f32 v60, v62;
	[tilespmem:s11+$0x10] =	vst v63  }
0x7b: {  	v2 =	vmul.f32 v11, v2;
	[tilespmem:s11+$0x0] =	vst v3  }
0x7c: {  	[tilespmem:s12+$0x20] =	vst v1  }
0x7d: {  	[tilespmem:s12+$0x30] =	vst v2  }
0x7e: {  	[spmem:s2] =	stream.indirect.scatter.add.f32 [tilespmem:s19], [sflag:$0x3], $0x80, s21, s21, $0xb8;
	[tilespmem:$0x1D200] =	vst v63  }
0x7f: {  	s10 =	sshrl.u32 s10, $0x3;
	_ =	swait.ge [sflag:s20], $0x4000  }
0x80: {  	s10 =	sadd.s32 $0x20, s10;
	[sflag:s20] =	ssyncset.done $0x0  }
0x81: {  	s14 =	simm.s32 $0x0;
	s13 =	sadd.s32 s1, s10;
	[sflag:s20] =	ssyncadd.s32 $0xFFFFC000  }
0x82: {  	[tilespmem:s14], [sflag:$0x3] =	stream.linear.gather [hbm4b:s13+s14], $0x80, $0x38;
	[tilespmem:$0x1D200] =	vst v63  }
0x83: {  	_ =	swait.ge [sflag:s20], $0x80  }
0x84: {  	[sflag:s20] =	ssyncset.done $0x0  }
0x85: {  	s10 =	sadd.s32 s5, s10;
	[sflag:s20] =	ssyncadd.s32 $0xFFFFFF80  }
0x86: {  	[tilespmem:s21], [sflag:$0x3] =	stream.linear.gather [hbm4b:s10+s14], $0x80, $0x38;
	[tilespmem:$0x1D200] =	vst v63  }
0x87: {  	_ =	swait.ge [sflag:s20], $0x80  }
0x88: {  	s3 =	sshll.u32 s3, $0x1;
	[sflag:s20] =	ssyncset.done $0x0  }
0x89: {  	s3 =	sand.u32 $0x1FFFFF00, s3;
	[sflag:s20] =	ssyncadd.s32 $0xFFFFFF80  }
0x8a: {  	[tilespmem:s19], [sflag:$0x1] =	stream.indirect.gather [hbm4b:s7+s21], $0x80, s14, s21, $0xb8;
	[tilespmem:$0x1D200] =	vst v63  }
0x8b: {  	s3 =	sadd.s32 s6, s3  }
0x8c: {  	[tilespmem:s29], [sflag:$0x3] =	stream.linear.gather [hbm4b:s3+s14], $0x800, $0x38;
	[tilespmem:$0x1D200] =	vst v63  }
0x8d: {  	_ =	swait.ge [sflag:s20], $0x800  }
0x8e: {  	[sflag:s20] =	ssyncset.done $0x0  }
0x8f: {  	[sflag:s20] =	ssyncadd.s32 $0xFFFFF800  }
0x90: {  	_ =	swait.ge [sflag:s30], $0x4000  }
0x91: {  	[sflag:s30] =	ssyncset.done $0x0  }
0x92: {  	s3 =	simm.s32 $0x5240;
	[sflag:s30] =	ssyncadd.s32 $0xFFFFC000  }
0x93: {  	s11 =	simm.s32 $0x40;
	s12 =	simm.s32 $0x0;
	s10 =	simm.s32 $0x5240;
	v1 =	vld [tilespmem:s3+$0xFFFFFFF0]  }
.LBB2_7:
0x94: {  	p0 =	sne.s32 s11, $0x1FC0;
	v2 =	vld [tilespmem:s12+$0x4A00]  }
0x95: {  	v3 =	vld [tilespmem:s3+$0xFFFFFFD0]  }
0x96: {  	v4 =	vld [tilespmem:s3+$0xFFFFFFC0]  }
0x97: {  	v5 =	vld [tilespmem:s3+$0xFFFFFFE0]  }
0x98: {  	v6 =	vld [tilespmem:s3+$0x30]  }
0x99: {  	v7 =	vbroadcast v2, $0x0;
	v8 =	vbroadcast v2, $0x1;
	v9 =	vld [tilespmem:s3+$0x10]  }
0x9a: {  	v10 =	vbroadcast v2, $0x2;
	v11 =	vbroadcast v2, $0x3;
	v12 =	vld [tilespmem:s3+$0x0]  }
0x9b: {  	v4 =	vmul.f32 v7, v4;
	v3 =	vmul.f32 v3, v8;
	v7 =	vld [tilespmem:s3+$0x20]  }
0x9c: {  	v1 =	vmul.f32 v1, v11;
	v5 =	vmul.f32 v5, v10  }
0x9d: {  	v8 =	vbroadcast v2, $0x5;
	[tilespmem:s3+$0xFFFFFFC0] =	vst v4;
	v4 =	vbroadcast v2, $0x4  }
0x9e: {  	[tilespmem:s3+$0xFFFFFFD0] =	vst v3;
	v3 =	vbroadcast v2, $0x6;
	v2 =	vbroadcast v2, $0x7  }
0x9f: {  	[tilespmem:s3+$0xFFFFFFE0] =	vst v5;
	v4 =	vmul.f32 v12, v4;
	v5 =	vmul.f32 v9, v8  }
.Ltmp2:
0xa0: {  	[tilespmem:s3+$0xFFFFFFF0] =	vst v1;
	v1 =	vmul.f32 v7, v3;
	v2 =	vmul.f32 v6, v2;
	(pc) =	sbr.rel @p0 .LBB2_7-.Ltmp2, $4  }
0xa1: {  	[tilespmem:s3+$0x0] =	vst v4  }
0xa2: {  	[tilespmem:s3+$0x10] =	vst v5  }
0xa3: {  	s3 =	sadd.s32 $0x80, s3;
	[tilespmem:s10+$0x20] =	vst v1  }
0xa4: {  	s12 =	sshra.s32 s11, $0x2;
	s11 =	sadd.s32 $0x40, s11;
	v1 =	vld [tilespmem:s3+$0xFFFFFFF0];
	[tilespmem:s10+$0x30] =	vst v2;
	s10 =	smov.u32 s3  }
0xa5: {  	v2 =	vld [tilespmem:s12+$0x4A00];
	_ =	sdelay $0x1  }
0xa6: {  	v3 =	vld [tilespmem:s3+$0xFFFFFFC0]  }
0xa7: {  	v4 =	vld [tilespmem:s3+$0xFFFFFFD0]  }
0xa8: {  	v5 =	vld [tilespmem:s3+$0xFFFFFFE0]  }
0xa9: {  	v6 =	vbroadcast v2, $0x0  }
0xaa: {  	v9 =	vld [tilespmem:s3+$0x10];
	v7 =	vbroadcast v2, $0x1  }
0xab: {  	v8 =	vld [tilespmem:s3+$0x0];
	v10 =	vbroadcast v2, $0x2;
	v3 =	vmul.f32 v6, v3  }
0xac: {  	v60 =	vld [tilespmem:s3+$0x20];
	v59 =	vbroadcast v2, $0x3;
	v4 =	vmul.f32 v4, v7  }
0xad: {  	v11 =	vld [tilespmem:s3+$0x30];
	v61 =	vbroadcast v2, $0x5;
	v5 =	vmul.f32 v5, v10;
	[tilespmem:s3+$0xFFFFFFC0] =	vst v3  }
0xae: {  	v1 =	vmul.f32 v1, v59;
	v3 =	vbroadcast v2, $0x4;
	[tilespmem:s3+$0xFFFFFFD0] =	vst v4  }
0xaf: {  	v62 =	vbroadcast v2, $0x6;
	v63 =	vmul.f32 v9, v61;
	[tilespmem:s3+$0xFFFFFFE0] =	vst v5  }
0xb0: {  	v2 =	vbroadcast v2, $0x7;
	[tilespmem:s3+$0xFFFFFFF0] =	vst v1;
	v3 =	vmul.f32 v8, v3  }
0xb1: {  	v1 =	vmul.f32 v60, v62;
	[tilespmem:s3+$0x10] =	vst v63  }
0xb2: {  	s0 =	sadd.s32 $0x1, s0;
	v2 =	vmul.f32 v11, v2;
	[tilespmem:s3+$0x0] =	vst v3  }
0xb3: {  	p0 =	sne.s32 s0, $0x28;
	[tilespmem:s10+$0x20] =	vst v1  }
.Ltmp3:
0xb4: {  	[tilespmem:s10+$0x30] =	vst v2;
	(pc) =	sbr.rel @p0 .LBB2_4-.Ltmp3, $4  }
0xb5: {  	[spmem:s2] =	stream.indirect.scatter.add.f32 [tilespmem:s24], [sflag:$0x3], $0x80, s23, s21, $0xb8;
	[tilespmem:$0x1D200] =	vst v63  }
0xb6: {  	_ =	swait.ge [sflag:s20], $0x4000  }
0xb7: {  	[sflag:s20] =	ssyncset.done $0x0  }
0xb8: {  	[sflag:s20] =	ssyncadd.s32 $0xFFFFC000  }
0xb9: {  	s0 =	simm.s32 $0x0;
	s3 =	rddreg [dreg:$0x6]  }
0xba: {  	[tilespmem:s26], [sflag:$0x3] =	stream.linear.gather [hbm4b:s3+s0], $0x800, $0x38;
	[tilespmem:$0x1D200] =	vst v63  }
0xbb: {  	_ =	swait.ge [sflag:s20], $0x800  }
0xbc: {  	[sflag:s20] =	ssyncset.done $0x0  }
0xbd: {  	[sflag:s20] =	ssyncadd.s32 $0xFFFFF800  }
0xbe: {  	_ =	swait.ge [sflag:s28], $0x4000  }
0xbf: {  	[sflag:s28] =	ssyncset.done $0x0  }
0xc0: {  	s0 =	simm.s32 $0x940;
	[sflag:s28] =	ssyncadd.s32 $0xFFFFC000  }
0xc1: {  	s11 =	simm.s32 $0x0;
	s10 =	simm.s32 $0x40;
	s3 =	simm.s32 $0x940;
	v1 =	vld [tilespmem:s0+$0xFFFFFFF0]  }
.LBB2_10:
0xc2: {  	p0 =	sne.s32 s10, $0x1FC0;
	v2 =	vld [tilespmem:s11+$0x100]  }
0xc3: {  	v3 =	vld [tilespmem:s0+$0xFFFFFFD0]  }
0xc4: {  	v4 =	vld [tilespmem:s0+$0xFFFFFFC0]  }
0xc5: {  	v5 =	vld [tilespmem:s0+$0xFFFFFFE0]  }
0xc6: {  	v6 =	vld [tilespmem:s0+$0x30]  }
0xc7: {  	v7 =	vbroadcast v2, $0x0;
	v8 =	vbroadcast v2, $0x1;
	v9 =	vld [tilespmem:s0+$0x10]  }
0xc8: {  	v10 =	vbroadcast v2, $0x2;
	v11 =	vbroadcast v2, $0x3;
	v12 =	vld [tilespmem:s0+$0x0]  }
0xc9: {  	v4 =	vmul.f32 v7, v4;
	v3 =	vmul.f32 v3, v8;
	v7 =	vld [tilespmem:s0+$0x20]  }
0xca: {  	v1 =	vmul.f32 v1, v11;
	v5 =	vmul.f32 v5, v10  }
0xcb: {  	v8 =	vbroadcast v2, $0x5;
	[tilespmem:s0+$0xFFFFFFC0] =	vst v4;
	v4 =	vbroadcast v2, $0x4  }
0xcc: {  	[tilespmem:s0+$0xFFFFFFD0] =	vst v3;
	v3 =	vbroadcast v2, $0x6;
	v2 =	vbroadcast v2, $0x7  }
0xcd: {  	[tilespmem:s0+$0xFFFFFFE0] =	vst v5;
	v4 =	vmul.f32 v12, v4;
	v5 =	vmul.f32 v9, v8  }
.Ltmp4:
0xce: {  	[tilespmem:s0+$0xFFFFFFF0] =	vst v1;
	v1 =	vmul.f32 v7, v3;
	v2 =	vmul.f32 v6, v2;
	(pc) =	sbr.rel @p0 .LBB2_10-.Ltmp4, $4  }
0xcf: {  	[tilespmem:s0+$0x0] =	vst v4  }
0xd0: {  	[tilespmem:s0+$0x10] =	vst v5  }
0xd1: {  	s0 =	sadd.s32 $0x80, s0;
	[tilespmem:s3+$0x20] =	vst v1  }
0xd2: {  	s11 =	sshra.s32 s10, $0x2;
	s10 =	sadd.s32 $0x40, s10;
	v1 =	vld [tilespmem:s0+$0xFFFFFFF0];
	[tilespmem:s3+$0x30] =	vst v2;
	s3 =	smov.u32 s0  }
0xd3: {  	v2 =	vld [tilespmem:s11+$0x100];
	_ =	sdelay $0x1  }
0xd4: {  	v3 =	vld [tilespmem:s0+$0xFFFFFFC0]  }
0xd5: {  	v4 =	vld [tilespmem:s0+$0xFFFFFFD0]  }
0xd6: {  	v5 =	vld [tilespmem:s0+$0xFFFFFFE0]  }
0xd7: {  	v6 =	vbroadcast v2, $0x0  }
0xd8: {  	v9 =	vld [tilespmem:s0+$0x10];
	v7 =	vbroadcast v2, $0x1  }
0xd9: {  	v8 =	vld [tilespmem:s0+$0x0];
	v10 =	vbroadcast v2, $0x2;
	v3 =	vmul.f32 v6, v3  }
0xda: {  	v60 =	vld [tilespmem:s0+$0x20];
	v59 =	vbroadcast v2, $0x3;
	v4 =	vmul.f32 v4, v7  }
0xdb: {  	v11 =	vld [tilespmem:s0+$0x30];
	v61 =	vbroadcast v2, $0x5;
	v5 =	vmul.f32 v5, v10;
	[tilespmem:s0+$0xFFFFFFC0] =	vst v3  }
0xdc: {  	v1 =	vmul.f32 v1, v59;
	v3 =	vbroadcast v2, $0x4;
	[tilespmem:s0+$0xFFFFFFD0] =	vst v4  }
0xdd: {  	v62 =	vbroadcast v2, $0x6;
	v63 =	vmul.f32 v9, v61;
	[tilespmem:s0+$0xFFFFFFE0] =	vst v5  }
0xde: {  	v2 =	vbroadcast v2, $0x7;
	[tilespmem:s0+$0xFFFFFFF0] =	vst v1;
	v3 =	vmul.f32 v8, v3  }
0xdf: {  	v1 =	vmul.f32 v60, v62;
	[tilespmem:s0+$0x10] =	vst v63  }
0xe0: {  	v2 =	vmul.f32 v11, v2;
	[tilespmem:s0+$0x0] =	vst v3  }
0xe1: {  	[tilespmem:s3+$0x20] =	vst v1  }
0xe2: {  	[tilespmem:s3+$0x30] =	vst v2  }
0xe3: {  	[spmem:s2] =	stream.indirect.scatter.add.f32 [tilespmem:s19], [sflag:$0x3], $0x80, s21, s21, $0xb8;
	[tilespmem:$0x1D200] =	vst v63  }
0xe4: {  	_ =	swait.ge [sflag:s20], $0x4000  }
0xe5: {  	[sflag:s20] =	ssyncset.done $0x0  }
0xe6: {  	s12 =	stileid.u32;
	[sflag:s20] =	ssyncadd.s32 $0xFFFFC000  }
0xe7: {  	s0 =	sshll.u32 s12, $0x6;
	[bflag:$0x0] =	sbarrier.arrive $0xFFFF  }
0xe8: {  	s0 =	sor.u32 $0x1C03, s0;
	s13 =	rddreg [dreg:$0x7]  }
0xe9: {  	[hbm:s13], [sflag:s0] =	dma.local [spmem:s25], $0x2800  }
0xea: {  	_ =	swait.ge [sflag:s20], $0x2800  }
0xeb: {  	s4 =	sadd.s32 $0x1, s4;
	s14 =	rddreg [dreg:$0x8]  }
0xec: {  	p0 =	sne.s32 s4, s14  }
.Ltmp5:
0xed: {  	_ = 	snop;
	(pc) =	sbr.rel @p0 .LBB2_1-.Ltmp5, $3  }
0xee: {  	_ =	sdelay $0x1  }
0xef: {  	[sflag:s20] =	ssyncset.done $0x0  }
0xf0: {  	[sflag:s20] =	ssyncadd.s32 $0xFFFFD800  }
0xf1: {  	_ =	sfence.sel $0x180000  }
0xf2: {  	[bflag:$0x0] =	sbarrier.arrive $0xFFFF  }
0xf3: {  	_ =	strace $0x9000004A  }
0xf4: {  	s0 =	stileid.u32;
	[bflag:$0x2] =	sbarrier.arrive $0xFFFF  }
0xf5: {  	p0 =	sne.s32 s0, $0x0;
	s0 =	rddreg [dreg:$0x3]  }
0xf6: {  	s0 =	sadd.s32 @!p0 $0x100000, s0  }
0xf7: {  	[sflag:s0] =	ssyncadd.tile.s32 @!p0 $0x1;
	_ =	shalt  }
.Lfunc_end2:
_tile_overlayer_lowered:
.L_overlay_start_2:
0xf8: {  	(tag) =	ssettag $0x2  }
0xf9: {  	s0 =	rddreg [dreg:$0x0];
	s2 =	stileid.u32  }
0xfa: {  	s1 =	rddreg [dreg:$0x1];
	p0 =	sne.s32 s2, $0x0  }
0xfb: {  	s3 =	rddreg [dreg:$0x2];
	[bflag:$0x3] =	sbarrier.arrive $0xFFFF;
	s2 =	simm.s32 @!p0 $0x1C03  }
0xfc: {  	[timem:s3], [sflag:s2] =	dma.local @!p0 [hbm:s0], s1  }
0xfd: {  	s0 =	simm.s32 @!p0 $0x3  }
0xfe: {  	_ =	swait.ge @!p0 [sflag:s0], s1  }
0xff: {  	s1 =	ssub.s32 @!p0 $0x0, s1;
	[sflag:s0] =	ssyncset.done @!p0 $0x0  }
0x100: {  	[sflag:s0] =	ssyncadd.s32 @!p0 s1  }
0x101: {  	[bflag:$0x3] =	sbarrier.arrive $0xFFFF  }
0x102: {  	_ =	shalt  }

// kernel: kernel.15.cloned.1.call-start
scs
__scs_entry_jumppad:
0x0: {  	(pc) =	sbr.rel $0x88, $3  }
0x1: {  	(tag) =	ssettag $0x0;
	lr =	simm.s32 $0x1  }
0x2: {  	[smem:$0x3F95] =	sst lr;
	_ =	strace $0xD0000000  }
0x3: {  	_ = 	snop  }
0x4: {  	_ = 	snop  }
0x5: {  	_ = 	snop  }
0x6: {  	_ = 	snop  }
0x7: {  	_ = 	snop  }
__scs_overlays_trampoline_lowered:
0x8: {  	[smem:$0x3FA4] =	sst s0  }
0x9: {  	[smem:$0x3FA5] =	sst s1  }
0xa: {  	[smem:$0x3FA6] =	sst s2  }
0xb: {  	[smem:$0x3FA7] =	sst s3  }
0xc: {  	[smem:$0x3FA8] =	sst s4  }
0xd: {  	[smem:$0x3FA9] =	sst s5  }
0xe: {  	[smem:$0x3FAA] =	sst s6  }
0xf: {  	[smem:$0x3FAB] =	sst s7  }
0x10: {  	[smem:$0x3FAC] =	sst s8  }
0x11: {  	[smem:$0x3FAD] =	sst s9;
	s0 =	simm.s32 @!p0 $0x0  }
0x12: {  	s1 =	sld [smem:$0x3F93];
	s0 =	simm.s32 @p0 $0x1  }
0x13: {  	[smem:$0x3FAE] =	sst s0;
	s0 =	simm.s32 @!p1 $0x0  }
0x14: {  	s2 =	sld [smem:$0x3F92];
	s0 =	simm.s32 @p1 $0x1  }
0x15: {  	[smem:$0x3FAF] =	sst s0;
	s0 =	simm.s32 @!p2 $0x0  }
0x16: {  	s3 =	sld [smem:$0x3FDB];
	s0 =	simm.s32 @p2 $0x1  }
0x17: {  	s4 =	simm.s32 $0x1BF5;
	[smem:$0x3FB1] =	sst s0  }
0x18: {  	s0 =	sld [smem:$0x3F94];
	_ =	swait.ge [sflag:s4], $0x0  }
0x19: {  	s7 =	sld [smem:$0x3F95]  }
0x1a: {  	s8 =	sadd.s32 $0xFFFFE003, lr  }
0x1b: {  	s9 =	sadd.s32 $0xFFFFFEF7, lr;
	s5 =	simm.s32 $0xFFFFFFFF;
	p2 =	slt.u32 s8, $0xFFFFF086  }
0x1c: {  	p1 =	slt.u32 s9, $0xF7A;
	s5 =	simm.s32 @!p2 $0x0  }
0x1d: {  	s5 =	simm.s32 @p1 $0x1;
	p0 =	seq.s32 s7, s2  }
0x1e: {  	s7 =	smul.u32 @!p0 $0xF7A, s2;
	p2 =	seq.s32 @!p0 s5, $0x0  }
0x1f: {  	s9 =	smul.u32 $0xF7A, s1;
	s8 =	simm.s32 @!p0 $0x1BF5;
	p2 =	por !p2, p0  }
0x20: {  	[sflag:s8] =	ssyncset.s32 @!p0 $0xFFFFF086;
	s6 =	sadd.s32 @!p0 s3, s7;
	s7 =	simm.s32 @!p0 $0x108  }
0x21: {  	s3 =	sadd.s32 s3, s9;
	s6 =	sadd.s32 @!p0 $0x88, s6;
	s7 =	simm.s32 @p2 $0x1082  }
0x22: {  	[simem:s7], [sflag:s8] =	dma.local @!p0 [hbm:s6], $0xF7A  }
0x23: {  	s9 =	sor.u32 $0xD0000000, s2;
	s6 =	simm.s32 $0x108;
	_ =	swait.ge @!p0 [sflag:s8], $0x0  }
0x24: {  	s3 =	sadd.s32 $0x88, s3;
	s6 =	simm.s32 @!p1 $0x1082;
	[sflag:s4] =	ssyncset.s32 $0xFFFFF086  }
0x25: {  	[simem:s6], [sflag:s4] =	dma.local [hbm:s3], $0xF7A  }
0x26: {  	[smem:$0x3F95] =	sst s1;
	(tag) =	ssettag s2;
	_ =	strace s9  }
0x27: {  	s1 =	sld [smem:$0x3FA5]  }
0x28: {  	s2 =	sld [smem:$0x3FA6]  }
0x29: {  	s4 =	sld [smem:$0x3FA8]  }
0x2a: {  	p0 =	seq.s32 s5, $0x0;
	s5 =	sld [smem:$0x3FA9]  }
0x2b: {  	s6 =	sld [smem:$0x3FAA]  }
0x2c: {  	s7 =	sld [smem:$0x3FAB]  }
0x2d: {  	s3 =	simm.s32 $0x108;
	s8 =	sld [smem:$0x3FAC]  }
0x2e: {  	s3 =	simm.s32 @!p0 $0x1082;
	s9 =	sld [smem:$0x3FAD]  }
0x2f: {  	lr =	sadd.s32 s0, s3;
	s0 =	sld [smem:$0x3FA4]  }
0x30: {  	s3 =	sld [smem:$0x3FA7]  }
0x31: {  	[smem:$0x3FB0] =	sst s10  }
0x32: {  	s10 =	sld [smem:$0x3FAE];
	_ =	sdelay $0x3  }
0x33: {  	p0 =	seq.s32 s10, $0x1;
	s10 =	sld [smem:$0x3FB0];
	_ =	sdelay $0x3  }
0x34: {  	[smem:$0x3FB0] =	sst s10  }
0x35: {  	s10 =	sld [smem:$0x3FAF];
	_ =	sdelay $0x3  }
0x36: {  	p1 =	seq.s32 s10, $0x1;
	s10 =	sld [smem:$0x3FB0];
	_ =	sdelay $0x3  }
0x37: {  	[smem:$0x3FB0] =	sst s10  }
0x38: {  	s10 =	sld [smem:$0x3FB1]  }
0x39: {  	_ = 	snop;
	(pc) =	sbr.ind lr, $3  }
0x3a: {  	_ = 	snop  }
0x3b: {  	_ = 	snop  }
0x3c: {  	p2 =	seq.s32 s10, $0x1;
	s10 =	sld [smem:$0x3FB0]  }
0x3d: {  	_ =	shalt  }
0x3e: {  	_ =	shalt  }
0x3f: {  	_ =	shalt  }
0x40: {  	_ =	shalt  }
0x41: {  	_ =	shalt  }
0x42: {  	_ =	shalt  }
0x43: {  	_ =	shalt  }
0x44: {  	_ =	shalt  }
0x45: {  	_ =	shalt  }
0x46: {  	_ =	shalt  }
0x47: {  	_ =	shalt  }
0x48: {  	_ =	shalt  }
0x49: {  	_ =	shalt  }
0x4a: {  	_ =	shalt  }
0x4b: {  	_ =	shalt  }
0x4c: {  	_ =	shalt  }
0x4d: {  	_ =	shalt  }
0x4e: {  	_ =	shalt  }
0x4f: {  	_ =	shalt  }
0x50: {  	_ =	shalt  }
0x51: {  	_ =	shalt  }
0x52: {  	_ =	shalt  }
0x53: {  	_ =	shalt  }
0x54: {  	_ =	shalt  }
0x55: {  	_ =	shalt  }
0x56: {  	_ =	shalt  }
0x57: {  	_ =	shalt  }
0x58: {  	_ =	shalt  }
0x59: {  	_ =	shalt  }
0x5a: {  	_ =	shalt  }
0x5b: {  	_ =	shalt  }
0x5c: {  	_ =	shalt  }
0x5d: {  	_ =	shalt  }
0x5e: {  	_ =	shalt  }
0x5f: {  	_ =	shalt  }
0x60: {  	_ =	shalt  }
0x61: {  	_ =	shalt  }
0x62: {  	_ =	shalt  }
0x63: {  	_ =	shalt  }
0x64: {  	_ =	shalt  }
0x65: {  	_ =	shalt  }
0x66: {  	_ =	shalt  }
0x67: {  	_ =	shalt  }
0x68: {  	_ =	shalt  }
0x69: {  	_ =	shalt  }
0x6a: {  	_ =	shalt  }
0x6b: {  	_ =	shalt  }
0x6c: {  	_ =	shalt  }
0x6d: {  	_ =	shalt  }
0x6e: {  	_ =	shalt  }
0x6f: {  	_ =	shalt  }
0x70: {  	_ =	shalt  }
0x71: {  	_ =	shalt  }
0x72: {  	_ =	shalt  }
0x73: {  	_ =	shalt  }
0x74: {  	_ =	shalt  }
0x75: {  	_ =	shalt  }
0x76: {  	_ =	shalt  }
0x77: {  	_ =	shalt  }
0x78: {  	_ =	shalt  }
0x79: {  	_ =	shalt  }
0x7a: {  	_ =	shalt  }
0x7b: {  	_ =	shalt  }
0x7c: {  	_ =	shalt  }
0x7d: {  	_ =	shalt  }
0x7e: {  	_ =	shalt  }
0x7f: {  	_ =	shalt  }
0x80: {  	_ =	shalt  }
0x81: {  	_ =	shalt  }
0x82: {  	_ =	shalt  }
0x83: {  	_ =	shalt  }
0x84: {  	_ =	shalt  }
0x85: {  	_ =	shalt  }
0x86: {  	_ =	shalt  }
0x87: {  	_ =	shalt  }
.Lfunc_end0:
.L_simem_size_0:
called_computation.2_lowered:
.L_overlay_start_0:
0x88: {  	s2 =	sld [smem:$0x3FD9]  }
0x89: {  	s3 =	sld [smem:$0x3FFE];
	_ =	sdelay $0x1  }
0x8a: {  	s1 =	srdreg.scid  }
0x8b: {  	s0 =	sand.u32 $0x1, s1  }
0x8c: {  	s17 =	sshll.u32 s0, $0xA;
	s2 =	sadd.s32 s3, s2  }
0x8d: {  	s2 =	sadd.s32 s2, s17  }
0x8e: {  	[smem:$0x3FBC] =	sst s2  }
0x8f: {  	_ = 	snop  }
0x90: {  	s2 =	sld [smem:$0x3FD0];
	(tm) =	ssettm $0x1  }
0x91: {  	s18 =	sld [smem:$0x3FFB];
	_ =	sdelay $0x3  }
0x92: {  	_ =	strace s18  }
0x93: {  	s3 =	sld [smem:$0x3FFC];
	_ =	sdelay $0x3  }
0x94: {  	_ =	strace s3  }
0x95: {  	s3 =	sld [smem:$0x3FFD];
	_ =	sdelay $0x3  }
0x96: {  	_ =	strace s3  }
0x97: {  	_ =	strace $0x8FFFFFFF  }
0x98: {  	s19 =	sld [smem:$0x3FDB];
	_ =	sdelay $0x1  }
0x99: {  	s4 =	simm.s32 $_scs_section_size  }
0x9a: {  	s5 =	simm.s32 $_size__tile_overlayer_lowered;
	s6 =	simm.s32 $_tile_overlayer_lowered  }
0x9b: {  	s22 =	simm.s32 $0x1BFF;
	s21 =	sshll.u32 s6, $0x1;
	s3 =	sadd.s32 s4, s19  }
0x9c: {  	s7 =	simm.s32 $0x0;
	s20 =	sshll.u32 s5, $0x1;
	s5 =	sadd.s32 s21, s3  }
0x9d: {  	[timem:s7], [sflag:s22] =	dma.local [hbm:s5], s20  }
0x9e: {  	_ =	swait.ge [sflag:s22], s20  }
0x9f: {  	s4 =	ssub.s32 $0x0, s20;
	[sflag:s22] =	ssyncset.done $0x0  }
0xa0: {  	[sflag:s22] =	ssyncadd.s32 s4;
	_ =	sdelay $0x1  }
0xa1: {  	s23 =	simm.s32 $0x1B8B  }
0xa2: {  	_ =	swait.ge [sflag:s23], $0x1  }
0xa3: {  	[sflag:s23] =	ssyncset.done $0x0  }
0xa4: {  	s25 =	simm.s32 $0x1B8E;
	s24 =	sld [smem:$0x3FFE];
	[sflag:s23] =	ssyncadd.s32 $0xFFFFFFFF  }
0xa5: {  	s26 =	simm.s32 $execute0_lowered;
	[smem:$0x3FD2] =	sst s25  }
0xa6: {  	s5 =	sshll.u32 s26, $0x1;
	_ =	strace $0x8000004C;
	[dreg:$0x1] =	wrdreg $0xFFFFFFFF  }
0xa7: {  	s28 =	simm.s32 $_size_execute0_lowered;
	s3 =	sadd.s32 s3, s5;
	[dreg:$0x0] =	wrdreg $0x0  }
0xa8: {  	s5 =	sshll.u32 s28, $0x1;
	[dreg:$0x2] =	wrdreg s3  }
0xa9: {  	[dreg:$0x3] =	wrdreg s5  }
0xaa: {  	[dreg:$0x4] =	wrdreg $0xC0  }
0xab: {  	_ =	task [dreg:s7], $0x5FFFF  }
0xac: {  	[dreg:$0x1] =	wrdreg $0xFFFFFFFF  }
0xad: {  	[dreg:$0x0] =	wrdreg $0x60  }
0xae: {  	[dreg:$0x2] =	wrdreg s2  }
0xaf: {  	[dreg:$0x3] =	wrdreg s24  }
0xb0: {  	[dreg:$0x4] =	wrdreg $0x32000  }
0xb1: {  	[dreg:$0x5] =	wrdreg $0x9  }
0xb2: {  	_ =	task.clear_ibuf [dreg:s7], $0x6FFFF;
	_ =	strace $0x9000004C  }
0xb3: {  	s29 =	simm.s32 $0x9;
	_ =	strace $0x8000004E  }
0xb4: {  	_ =	swait.ge [sflag:s29], $0x1  }
0xb5: {  	[sflag:s29] =	ssyncadd.s32 $0xFFFFFFFF  }
0xb6: {  	_ =	strace $0x9000004E  }
0xb7: {  	_ =	sfence  }
0xb8: {  	s30 =	sld [smem:$0x0];
	_ =	sdelay $0x2  }
0xb9: {  	s31 =	sshll.u32 s1, $0xD;
	s1 =	sshrl.u32 s1, $0x2  }
0xba: {  	s3 =	sand.u32 $0x4000, s31;
	s1 =	sadd.s32 s1, s30  }
0xbb: {  	s0 =	sor.u32 s3, s0;
	s1 =	sshll.u32 s1, $0x11  }
0xbc: {  	s0 =	sor.u32 s1, s0  }
0xbd: {  	s0 =	sadd.s32 $0x8F2B, s0  }
0xbe: {  	[sflag:s0] =	ssyncadd.remote.s32 $0x1  }
0xbf: {  	_ =	sfence.sel $0xFFFF  }
0xc0: {  	[dreg:$0x0] =	wrdreg $0xFFFFFFFF;
	(pc) =	sbr.abs _section_cstart, $3  }
0xc1: {  	[dreg:$0x1] =	wrdreg $0xFFFFFFFF  }
0xc2: {  	_ =	task.clear_ibuf [dreg:s7], $0x2FFFF;
	_ =	strace $0x9FFFFFFF  }
0xc3: {  	(tm) =	ssettm $0x7FFFFFFF  }
tec
execute0_lowered:
.L_overlay_start_1:
0x0: {  	(tag) =	ssettag $0x1  }
0x1: {  	s1 =	rddreg [dreg:$0x0]  }
0x2: {  	s0 =	rddreg [dreg:$0x1]  }
0x3: {  	s2 =	rddreg [dreg:$0x2];
	s3 =	simm.s32 $0x0;
	s4 =	srdreg.scid  }
0x4: {  	s15 =	stileid.u32;
	s20 =	simm.s32 $0x1100;
	s21 =	simm.s32 $0x5  }
0x5: {  	s22 =	simm.s32 $0x80;
	s23 =	simm.s32 $0x100;
	s28 =	simm.s32 $0x1980  }
0x6: {  	s29 =	simm.s32 $0x1A00;
	s30 =	simm.s32 $0x2200;
	s31 =	simm.s32 $0x1  }
0x7: {  	[smem:$0x7FF] =	sst s3;
	s5 =	sadd.s32 $0x35200, s0;
	s4 =	sand.u32 $0x1, s4  }
0x8: {  	s6 =	sadd.s32 $0x2B200, s0;
	s7 =	sadd.s32 $0x30200, s0;
	s10 =	smul.u32 $0x2800, s15  }
0x9: {  	s8 =	sadd.s32 $0x49400, s0;
	s12 =	smul.u32 $0xA000, s15;
	_ =	strace $0x8000004D  }
0xa: {  	s9 =	smul.u32 $0x28000, s4;
	s11 =	sshll.u32 s4, $0x4;
	s4 =	ssub.s32 $0x2, s4  }
0xb: {  	s11 =	sor.u32 s15, s11;
	s14 =	sshrl.u32 s4, $0x1;
	s12 =	sshrl.u32 s12, $0x2  }
0xc: {  	s19 =	sadd.s32 s10, s2;
	s13 =	sadd.s32 s10, s9;
	s9 =	smul.u32 $0x2880, s11  }
0xd: {  	s11 =	smul.u32 $0x28800, s11;
	s4 =	ssub.s32 s4, s14;
	s16 =	sadd.s32 s12, s2  }
0xe: {  	s10 =	simm.s32 $0x0;
	s4 =	smax.u32 s4, $0x1;
	[dreg:$0x4] =	wrdreg s16  }
0xf: {  	s13 =	sshrl.u32 s13, $0x3;
	s24 =	sadd.s32 $0x800, s16;
	[dreg:$0x9] =	wrdreg s4  }
0x10: {  	s25 =	sadd.s32 $0x1000, s16;
	s26 =	sadd.s32 $0x1800, s16;
	[dreg:$0xa] =	wrdreg s24  }
0x11: {  	s3 =	sadd.s32 $0x2000, s16;
	s0 =	sadd.s32 s13, s0;
	[dreg:$0xb] =	wrdreg s25  }
0x12: {  	s17 =	sshrl.u32 s9, $0x3;
	s11 =	sshrl.u32 s11, $0x3;
	[dreg:$0xc] =	wrdreg s26  }
0x13: {  	[dreg:$0xd] =	wrdreg s3;
	s24 =	simm.s32 $0x900;
	s18 =	sadd.s32 s1, s17  }
0x14: {  	s26 =	simm.s32 $0x1900;
	s12 =	sadd.s32 s5, s17;
	[dreg:$0x5] =	wrdreg s18  }
0x15: {  	s11 =	sadd.s32 s8, s11;
	s0 =	sadd.s32 $0x3F400, s0;
	[dreg:$0x6] =	wrdreg s12  }
0x16: {  	s4 =	simm.s32 $0x3;
	s11 =	sadd.s32 $0x5000, s11;
	[dreg:$0x8] =	wrdreg s0  }
0x17: {  	s0 =	sshrl.u32 s19, $0x3;
	s12 =	simm.s32 $0x2A00;
	[dreg:$0x7] =	wrdreg s11  }
0x18: {  	v0 =	vimm.f32 $0.0e+00;
	[dreg:$0xe] =	wrdreg s0;
	s0 =	simm.s32 $0x2;
	s11 =	simm.s32 $0x4  }
.LBB2_1:
0x19: {  	[dreg:$0xf] =	wrdreg s10;
	s10 =	simm.s32 $0x40;
	s13 =	simm.s32 $0x0  }
.LBB2_2:
0x1a: {  	p0 =	sne.s32 s10, $0x1FC0;
	[tilespmem:s13+$0x1100] =	vst v0;
	s13 =	smov.u32 s10;
	s10 =	sadd.s32 $0x40, s10  }
.Ltmp0:
0x1b: {  	(pc) =	sbr.rel @p0 .LBB2_2-.Ltmp0, $2  }
0x1c: {  	_ =	sdelay $0x2  }
0x1d: {  	s13 =	sshra.s32 s13, $0x2  }
0x1e: {  	[tilespmem:s13+$0x1100] =	vst v0;
	s3 =	rddreg [dreg:$0x4]  }
0x1f: {  	[spmem:s3] =	stream.linear.scatter [tilespmem:s20], [sflag:$0x5], $0x800, $0x38;
	[tilespmem:$0x5A00] =	vst v63  }
0x20: {  	_ =	swait.ge [sflag:s21], $0x800  }
0x21: {  	[sflag:s21] =	ssyncset.done $0x0  }
0x22: {  	s15 =	rddreg [dreg:$0xa];
	[sflag:s21] =	ssyncadd.s32 $0xFFFFF800  }
0x23: {  	[spmem:s15] =	stream.linear.scatter [tilespmem:s20], [sflag:$0x5], $0x800, $0x38;
	[tilespmem:$0x5A00] =	vst v63  }
0x24: {  	_ =	swait.ge [sflag:s21], $0x800  }
0x25: {  	[sflag:s21] =	ssyncset.done $0x0  }
0x26: {  	s16 =	rddreg [dreg:$0xb];
	[sflag:s21] =	ssyncadd.s32 $0xFFFFF800  }
0x27: {  	[spmem:s16] =	stream.linear.scatter [tilespmem:s20], [sflag:$0x5], $0x800, $0x38;
	[tilespmem:$0x5A00] =	vst v63  }
0x28: {  	_ =	swait.ge [sflag:s21], $0x800  }
0x29: {  	[sflag:s21] =	ssyncset.done $0x0  }
0x2a: {  	s17 =	rddreg [dreg:$0xc];
	[sflag:s21] =	ssyncadd.s32 $0xFFFFF800  }
0x2b: {  	[spmem:s17] =	stream.linear.scatter [tilespmem:s20], [sflag:$0x5], $0x800, $0x38;
	[tilespmem:$0x5A00] =	vst v63  }
0x2c: {  	_ =	swait.ge [sflag:s21], $0x800  }
0x2d: {  	[sflag:s21] =	ssyncset.done $0x0  }
0x2e: {  	s18 =	rddreg [dreg:$0xd];
	[sflag:s21] =	ssyncadd.s32 $0xFFFFF800  }
0x2f: {  	[spmem:s18] =	stream.linear.scatter [tilespmem:s20], [sflag:$0x5], $0x800, $0x38;
	[tilespmem:$0x5A00] =	vst v63  }
0x30: {  	_ =	swait.ge [sflag:s21], $0x800  }
0x31: {  	[sflag:s21] =	ssyncset.done $0x0  }
0x32: {  	[sflag:s21] =	ssyncadd.s32 $0xFFFFF800  }
0x33: {  	[bflag:$0x0] =	sbarrier.arrive $0xFFFF  }
0x34: {  	s14 =	simm.s32 $0x0;
	s19 =	rddreg [dreg:$0x5]  }
0x35: {  	[tilespmem:s14], [sflag:$0x5] =	stream.linear.gather [hbm4b:s19+s14], $0x80, $0x38;
	[tilespmem:$0x5A00] =	vst v63  }
0x36: {  	_ =	swait.ge [sflag:s21], $0x80  }
0x37: {  	[sflag:s21] =	ssyncset.done $0x0  }
0x38: {  	s25 =	rddreg [dreg:$0x6];
	[sflag:s21] =	ssyncadd.s32 $0xFFFFFF80  }
0x39: {  	[tilespmem:s22], [sflag:$0x5] =	stream.linear.gather [hbm4b:s25+s14], $0x80, $0x38;
	[tilespmem:$0x5A00] =	vst v63  }
0x3a: {  	_ =	swait.ge [sflag:s21], $0x80  }
0x3b: {  	[sflag:s21] =	ssyncset.done $0x0  }
0x3c: {  	[sflag:s21] =	ssyncadd.s32 $0xFFFFFF80  }
0x3d: {  	[tilespmem:s23], [sflag:$0x1] =	stream.indirect.gather [hbm4b:s6+s22], $0x10, s14, s22, $0xb8;
	[tilespmem:$0x5A00] =	vst v63  }
0x3e: {  	s15 =	simm.s32 $0x0  }
0x3f: {  	[tilespmem:s24], [sflag:$0x2] =	stream.indirect.gather [hbm4b:s7+s22], $0x10, s22, s22, $0xb8;
	[tilespmem:$0x5A00] =	vst v63  }
.LBB2_4:
0x40: {  	s10 =	sshll.u32 s15, $0x8  }
0x41: {  	s17 =	sadd.s32 s9, s10  }
0x42: {  	s16 =	sadd.s32 $0x80, s17  }
0x43: {  	s25 =	sshrl.u32 s16, $0x3  }
0x44: {  	s13 =	sadd.s32 s1, s25  }
0x45: {  	[tilespmem:s26], [sflag:$0x5] =	stream.linear.gather [hbm4b:s13+s14], $0x80, $0x38;
	[tilespmem:$0x5A00] =	vst v63  }
0x46: {  	_ =	swait.ge [sflag:s21], $0x80  }
0x47: {  	[sflag:s21] =	ssyncset.done $0x0  }
0x48: {  	s10 =	sadd.s32 s5, s25;
	[sflag:s21] =	ssyncadd.s32 $0xFFFFFF80  }
0x49: {  	[tilespmem:s28], [sflag:$0x5] =	stream.linear.gather [hbm4b:s10+s14], $0x80, $0x38;
	[tilespmem:$0x5A00] =	vst v63  }
0x4a: {  	_ =	swait.ge [sflag:s21], $0x80  }
0x4b: {  	[sflag:s21] =	ssyncset.done $0x0  }
0x4c: {  	[sflag:s21] =	ssyncadd.s32 $0xFFFFFF80  }
0x4d: {  	[tilespmem:s29], [sflag:$0x3] =	stream.indirect.gather [hbm4b:s6+s22], $0x10, s26, s22, $0xb8;
	[tilespmem:$0x5A00] =	vst v63  }
0x4e: {  	_ = 	snop  }
0x4f: {  	[tilespmem:s30], [sflag:$0x4] =	stream.indirect.gather [hbm4b:s7+s22], $0x10, s28, s22, $0xb8;
	[tilespmem:$0x5A00] =	vst v63  }
0x50: {  	_ =	swait.ge [sflag:s31], $0x800  }
0x51: {  	[sflag:s31] =	ssyncset.done $0x0  }
0x52: {  	[sflag:s31] =	ssyncadd.s32 $0xFFFFF800  }
0x53: {  	_ =	swait.ge [sflag:s0], $0x800  }
0x54: {  	[sflag:s0] =	ssyncset.done $0x0  }
0x55: {  	s18 =	simm.s32 $0x0;
	[sflag:s0] =	ssyncadd.s32 $0xFFFFF800  }
0x56: {  	v1 =	vld [tilespmem:s18+$0x100]  }
0x57: {  	v2 =	vld [tilespmem:s18+$0x900];
	_ =	sdelay $0x4  }
0x58: {  	v1 =	vadd.f32 v2, v1;
	_ =	sdelay $0x1  }
0x59: {  	s19 =	simm.s32 $0x10;
	v2 =	vmul.f32 $2.000000030e-01, v1  }
0x5a: {  	v3 =	vld [tilespmem:s19+$0x100];
	vm0 =	vgt.f32 v1, $0.0e+00  }
0x5b: {  	v4 =	vld [tilespmem:s19+$0x900];
	v1 =	vsel vm0, v1, v2  }
0x5c: {  	s10 =	simm.s32 $0x20;
	v1 =	vmul.f32 $1.442695020e+00, v1  }
0x5d: {  	v2 =	vld [tilespmem:s10+$0x100]  }
0x5e: {  	(erf) = vpow2.f32 v1;
	v1 =	vld [tilespmem:s10+$0x900];
	_ =	sdelay $0x1  }
0x5f: {  	v3 =	vadd.f32 v4, v3;
	_ =	sdelay $0x1  }
0x60: {  	v4 =	vmul.f32 $2.000000030e-01, v3  }
0x61: {  	vm14 =	vgt.f32 v3, $0.0e+00;
	v5 =	vadd.f32 v1, v2  }
0x62: {  	v1 =	vsel vm14, v3, v4  }
0x63: {  	s25 =	simm.s32 $0x30;
	v2 =	vmul.f32 $1.442695020e+00, v1;
	v3 =	vmul.f32 $2.000000030e-01, v5  }
0x64: {  	v1 =	vld [tilespmem:s25+$0x100]  }
0x65: {  	(erf) = vpow2.f32 v2;
	v2 =	vld [tilespmem:s25+$0x900]  }
0x66: {  	vm15 =	vgt.f32 v5, $0.0e+00  }
0x67: {  	s13 =	simm.s32 $0x100;
	v4 =	vsel vm15, v5, v3;
	v3 =	vpop (erf)  }
.LBB2_5:
0x68: {  	s3 =	sshra.s32 s13, $0x2  }
0x69: {  	v4 =	vmul.f32 $1.442695020e+00, v4;
	[tilespmem:s18+$0x1100] =	vst v3;
	s18 =	smov.u32 s19;
	s19 =	smov.u32 s10;
	p0 =	sne.s32 s13, $0x1FC0  }
.Ltmp1:
0x6a: {  	s13 =	sadd.s32 $0x40, s13;
	v3 =	vadd.f32 v2, v1;
	v1 =	vld [tilespmem:s3+$0x100];
	(pc) =	sbr.rel @p0 .LBB2_5-.Ltmp1, $4  }
0x6b: {  	s10 =	smov.u32 s25;
	s25 =	smov.u32 s3;
	v2 =	vld [tilespmem:s3+$0x900];
	(erf) = vpow2.f32 v4  }
0x6c: {  	v4 =	vmul.f32 $2.000000030e-01, v3  }
0x6d: {  	vm0 =	vgt.f32 v3, $0.0e+00  }
0x6e: {  	v4 =	vsel vm0, v3, v4;
	v3 =	vpop (erf)  }
0x6f: {  	_ = 	snop  }
0x70: {  	v1 =	vadd.f32 v2, v1;
	_ =	sdelay $0x1  }
0x71: {  	v2 =	vmul.f32 $2.000000030e-01, v1  }
0x72: {  	vm0 =	vgt.f32 v1, $0.0e+00  }
0x73: {  	v4 =	vmul.f32 $1.442695020e+00, v4;
	v1 =	vsel vm0, v1, v2  }
0x74: {  	v1 =	vmul.f32 $1.442695020e+00, v1  }
0x75: {  	(erf) = vpow2.f32 v4  }
0x76: {  	(erf) = vpow2.f32 v1;
	_ =	sdelay $0x6  }
0x77: {  	[tilespmem:s18+$0x1100] =	vst v3;
	v1 =	vpop (erf)  }
0x78: {  	[tilespmem:s19+$0x1100] =	vst v1;
	v1 =	vpop (erf)  }
0x79: {  	s3 =	sshll.u32 s17, $0x1;
	[tilespmem:s10+$0x1100] =	vst v1;
	v1 =	vpop (erf)  }
0x7a: {  	s3 =	sadd.s32 s8, s3;
	s19 =	simm.s32 $0x0;
	[tilespmem:s25+$0x1100] =	vst v1  }
0x7b: {  	[hbm4b:s3+s19] =	stream.linear.scatter [tilespmem:s20], [sflag:$0x5], $0x800, $0x38;
	[tilespmem:$0x5A00] =	vst v63  }
0x7c: {  	_ =	swait.ge [sflag:s21], $0x800  }
0x7d: {  	[sflag:s21] =	ssyncset.done $0x0  }
0x7e: {  	[sflag:s21] =	ssyncadd.s32 $0xFFFFF800  }
0x7f: {  	[spmem:s2] =	stream.indirect.scatter.add.f32 [tilespmem:s20], [sflag:$0x5], $0x10, s22, s22, $0xb8;
	[tilespmem:$0x5A00] =	vst v63  }
0x80: {  	s25 =	sshrl.u32 s17, $0x3;
	_ =	swait.ge [sflag:s21], $0x800  }
0x81: {  	s3 =	sadd.s32 $0x20, s25;
	[sflag:s21] =	ssyncset.done $0x0  }
0x82: {  	s13 =	sadd.s32 s1, s3;
	[sflag:s21] =	ssyncadd.s32 $0xFFFFF800  }
0x83: {  	[tilespmem:s19], [sflag:$0x5] =	stream.linear.gather [hbm4b:s13+s19], $0x80, $0x38;
	[tilespmem:$0x5A00] =	vst v63  }
0x84: {  	_ =	swait.ge [sflag:s21], $0x80  }
0x85: {  	[sflag:s21] =	ssyncset.done $0x0  }
0x86: {  	s3 =	sadd.s32 s5, s3;
	[sflag:s21] =	ssyncadd.s32 $0xFFFFFF80  }
0x87: {  	[tilespmem:s22], [sflag:$0x5] =	stream.linear.gather [hbm4b:s3+s19], $0x80, $0x38;
	[tilespmem:$0x5A00] =	vst v63  }
0x88: {  	_ =	swait.ge [sflag:s21], $0x80  }
0x89: {  	[sflag:s21] =	ssyncset.done $0x0  }
0x8a: {  	[sflag:s21] =	ssyncadd.s32 $0xFFFFFF80  }
0x8b: {  	[tilespmem:s23], [sflag:$0x1] =	stream.indirect.gather [hbm4b:s6+s22], $0x10, s19, s22, $0xb8;
	[tilespmem:$0x5A00] =	vst v63  }
0x8c: {  	_ = 	snop  }
0x8d: {  	[tilespmem:s24], [sflag:$0x2] =	stream.indirect.gather [hbm4b:s7+s22], $0x10, s22, s22, $0xb8;
	[tilespmem:$0x5A00] =	vst v63  }
0x8e: {  	_ =	swait.ge [sflag:s4], $0x800  }
0x8f: {  	[sflag:s4] =	ssyncset.done $0x0  }
0x90: {  	[sflag:s4] =	ssyncadd.s32 $0xFFFFF800  }
0x91: {  	_ =	swait.ge [sflag:s11], $0x800  }
0x92: {  	[sflag:s11] =	ssyncset.done $0x0  }
0x93: {  	s17 =	simm.s32 $0x0;
	[sflag:s11] =	ssyncadd.s32 $0xFFFFF800  }
0x94: {  	v1 =	vld [tilespmem:s17+$0x1A00]  }
0x95: {  	v2 =	vld [tilespmem:s17+$0x2200];
	_ =	sdelay $0x4  }
0x96: {  	v1 =	vadd.f32 v2, v1;
	_ =	sdelay $0x1  }
0x97: {  	s18 =	simm.s32 $0x10;
	v2 =	vmul.f32 $2.000000030e-01, v1  }
0x98: {  	v3 =	vld [tilespmem:s18+$0x1A00];
	vm13 =	vgt.f32 v1, $0.0e+00  }
0x99: {  	v4 =	vld [tilespmem:s18+$0x2200];
	v1 =	vsel vm13, v1, v2  }
0x9a: {  	s25 =	simm.s32 $0x20;
	v1 =	vmul.f32 $1.442695020e+00, v1  }
0x9b: {  	v2 =	vld [tilespmem:s25+$0x1A00]  }
0x9c: {  	(erf) = vpow2.f32 v1;
	v1 =	vld [tilespmem:s25+$0x2200];
	_ =	sdelay $0x1  }
0x9d: {  	v3 =	vadd.f32 v4, v3;
	_ =	sdelay $0x1  }
0x9e: {  	v4 =	vmul.f32 $2.000000030e-01, v3  }
0x9f: {  	vm14 =	vgt.f32 v3, $0.0e+00;
	v5 =	vadd.f32 v1, v2  }
0xa0: {  	v1 =	vsel vm14, v3, v4  }
0xa1: {  	s19 =	simm.s32 $0x30;
	v2 =	vmul.f32 $1.442695020e+00, v1;
	v3 =	vmul.f32 $2.000000030e-01, v5  }
0xa2: {  	v1 =	vld [tilespmem:s19+$0x1A00]  }
0xa3: {  	(erf) = vpow2.f32 v2;
	v2 =	vld [tilespmem:s19+$0x2200]  }
0xa4: {  	vm15 =	vgt.f32 v5, $0.0e+00  }
0xa5: {  	s10 =	simm.s32 $0x100;
	v4 =	vsel vm15, v5, v3;
	v3 =	vpop (erf)  }
.LBB2_7:
0xa6: {  	s3 =	sshra.s32 s10, $0x2  }
0xa7: {  	v4 =	vmul.f32 $1.442695020e+00, v4;
	[tilespmem:s17+$0x2A00] =	vst v3;
	s17 =	smov.u32 s18;
	s18 =	smov.u32 s25;
	p0 =	sne.s32 s10, $0x1FC0  }
.Ltmp2:
0xa8: {  	s10 =	sadd.s32 $0x40, s10;
	v3 =	vadd.f32 v2, v1;
	v1 =	vld [tilespmem:s3+$0x1A00];
	(pc) =	sbr.rel @p0 .LBB2_7-.Ltmp2, $4  }
0xa9: {  	s25 =	smov.u32 s19;
	s19 =	smov.u32 s3;
	v2 =	vld [tilespmem:s3+$0x2200];
	(erf) = vpow2.f32 v4  }
0xaa: {  	v4 =	vmul.f32 $2.000000030e-01, v3  }
0xab: {  	vm0 =	vgt.f32 v3, $0.0e+00  }
0xac: {  	v4 =	vsel vm0, v3, v4;
	v3 =	vpop (erf)  }
0xad: {  	_ = 	snop  }
0xae: {  	v1 =	vadd.f32 v2, v1;
	_ =	sdelay $0x1  }
0xaf: {  	v2 =	vmul.f32 $2.000000030e-01, v1  }
0xb0: {  	vm0 =	vgt.f32 v1, $0.0e+00  }
0xb1: {  	v1 =	vsel vm0, v1, v2;
	v2 =	vmul.f32 $1.442695020e+00, v4  }
0xb2: {  	v1 =	vmul.f32 $1.442695020e+00, v1  }
0xb3: {  	(erf) = vpow2.f32 v2  }
0xb4: {  	(erf) = vpow2.f32 v1;
	_ =	sdelay $0x6  }
0xb5: {  	[tilespmem:s17+$0x2A00] =	vst v3;
	v1 =	vpop (erf)  }
0xb6: {  	s3 =	sshll.u32 s16, $0x1;
	[tilespmem:s18+$0x2A00] =	vst v1;
	v1 =	vpop (erf)  }
0xb7: {  	s3 =	sand.u32 $0x1FFFFF00, s3;
	[tilespmem:s25+$0x2A00] =	vst v1;
	v1 =	vpop (erf)  }
0xb8: {  	s10 =	simm.s32 $0x0;
	s3 =	sadd.s32 s8, s3;
	[tilespmem:s19+$0x2A00] =	vst v1  }
0xb9: {  	[hbm4b:s3+s10] =	stream.linear.scatter [tilespmem:s12], [sflag:$0x5], $0x800, $0x38;
	[tilespmem:$0x5A00] =	vst v63  }
0xba: {  	s15 =	sadd.s32 $0x1, s15;
	_ =	swait.ge [sflag:s21], $0x800  }
0xbb: {  	p0 =	sne.s32 s15, $0x28;
	[sflag:s21] =	ssyncset.done $0x0  }
.Ltmp3:
0xbc: {  	[sflag:s21] =	ssyncadd.s32 $0xFFFFF800;
	(pc) =	sbr.rel @p0 .LBB2_4-.Ltmp3, $4  }
0xbd: {  	[spmem:s2] =	stream.indirect.scatter.add.f32 [tilespmem:s12], [sflag:$0x5], $0x10, s28, s22, $0xb8;
	[tilespmem:$0x5A00] =	vst v63  }
0xbe: {  	_ =	swait.ge [sflag:s21], $0x800  }
0xbf: {  	[sflag:s21] =	ssyncset.done $0x0  }
0xc0: {  	[sflag:s21] =	ssyncadd.s32 $0xFFFFF800  }
0xc1: {  	_ =	swait.ge [sflag:s31], $0x800  }
0xc2: {  	[sflag:s31] =	ssyncset.done $0x0  }
0xc3: {  	[sflag:s31] =	ssyncadd.s32 $0xFFFFF800  }
0xc4: {  	_ =	swait.ge [sflag:s0], $0x800  }
0xc5: {  	[sflag:s0] =	ssyncset.done $0x0  }
0xc6: {  	s14 =	simm.s32 $0x0;
	[sflag:s0] =	ssyncadd.s32 $0xFFFFF800  }
0xc7: {  	v1 =	vld [tilespmem:s14+$0x100]  }
0xc8: {  	v2 =	vld [tilespmem:s14+$0x900];
	_ =	sdelay $0x4  }
0xc9: {  	v1 =	vadd.f32 v2, v1;
	_ =	sdelay $0x1  }
0xca: {  	s15 =	simm.s32 $0x10;
	v2 =	vmul.f32 $2.000000030e-01, v1  }
0xcb: {  	v3 =	vld [tilespmem:s15+$0x100];
	vm0 =	vgt.f32 v1, $0.0e+00  }
0xcc: {  	v4 =	vld [tilespmem:s15+$0x900];
	v1 =	vsel vm0, v1, v2  }
0xcd: {  	s10 =	simm.s32 $0x20;
	v1 =	vmul.f32 $1.442695020e+00, v1  }
0xce: {  	v2 =	vld [tilespmem:s10+$0x100]  }
0xcf: {  	(erf) = vpow2.f32 v1;
	v1 =	vld [tilespmem:s10+$0x900];
	_ =	sdelay $0x1  }
0xd0: {  	v3 =	vadd.f32 v4, v3;
	_ =	sdelay $0x1  }
0xd1: {  	v4 =	vmul.f32 $2.000000030e-01, v3  }
0xd2: {  	vm14 =	vgt.f32 v3, $0.0e+00;
	v5 =	vadd.f32 v1, v2  }
0xd3: {  	v1 =	vsel vm14, v3, v4  }
0xd4: {  	s16 =	simm.s32 $0x30;
	v2 =	vmul.f32 $1.442695020e+00, v1;
	v3 =	vmul.f32 $2.000000030e-01, v5  }
0xd5: {  	v1 =	vld [tilespmem:s16+$0x100]  }
0xd6: {  	(erf) = vpow2.f32 v2;
	v2 =	vld [tilespmem:s16+$0x900]  }
0xd7: {  	vm15 =	vgt.f32 v5, $0.0e+00  }
0xd8: {  	s13 =	simm.s32 $0x100;
	v4 =	vsel vm15, v5, v3;
	v3 =	vpop (erf)  }
.LBB2_10:
0xd9: {  	s3 =	sshra.s32 s13, $0x2  }
0xda: {  	v4 =	vmul.f32 $1.442695020e+00, v4;
	[tilespmem:s14+$0x1100] =	vst v3;
	s14 =	smov.u32 s15;
	s15 =	smov.u32 s10;
	p0 =	sne.s32 s13, $0x1FC0  }
.Ltmp4:
0xdb: {  	s13 =	sadd.s32 $0x40, s13;
	v3 =	vadd.f32 v2, v1;
	v1 =	vld [tilespmem:s3+$0x100];
	(pc) =	sbr.rel @p0 .LBB2_10-.Ltmp4, $4  }
0xdc: {  	s10 =	smov.u32 s16;
	s16 =	smov.u32 s3;
	v2 =	vld [tilespmem:s3+$0x900];
	(erf) = vpow2.f32 v4  }
0xdd: {  	v4 =	vmul.f32 $2.000000030e-01, v3  }
0xde: {  	vm0 =	vgt.f32 v3, $0.0e+00  }
0xdf: {  	v4 =	vsel vm0, v3, v4;
	v3 =	vpop (erf)  }
0xe0: {  	_ = 	snop  }
0xe1: {  	v1 =	vadd.f32 v2, v1;
	_ =	sdelay $0x1  }
0xe2: {  	v2 =	vmul.f32 $2.000000030e-01, v1  }
0xe3: {  	vm0 =	vgt.f32 v1, $0.0e+00  }
0xe4: {  	v1 =	vsel vm0, v1, v2;
	v2 =	vmul.f32 $1.442695020e+00, v4  }
0xe5: {  	v1 =	vmul.f32 $1.442695020e+00, v1  }
0xe6: {  	(erf) = vpow2.f32 v2  }
0xe7: {  	(erf) = vpow2.f32 v1;
	_ =	sdelay $0x6  }
0xe8: {  	[tilespmem:s14+$0x1100] =	vst v3;
	v1 =	vpop (erf)  }
0xe9: {  	[tilespmem:s15+$0x1100] =	vst v1;
	v1 =	vpop (erf)  }
0xea: {  	[tilespmem:s10+$0x1100] =	vst v1;
	v1 =	vpop (erf)  }
0xeb: {  	s3 =	simm.s32 $0x0;
	[tilespmem:s16+$0x1100] =	vst v1;
	s16 =	rddreg [dreg:$0x7]  }
0xec: {  	[hbm4b:s16+s3] =	stream.linear.scatter [tilespmem:s20], [sflag:$0x5], $0x800, $0x38;
	[tilespmem:$0x5A00] =	vst v63  }
0xed: {  	_ =	swait.ge [sflag:s21], $0x800  }
0xee: {  	[sflag:s21] =	ssyncset.done $0x0  }
0xef: {  	[sflag:s21] =	ssyncadd.s32 $0xFFFFF800  }
0xf0: {  	[spmem:s2] =	stream.indirect.scatter.add.f32 [tilespmem:s20], [sflag:$0x5], $0x10, s22, s22, $0xb8;
	[tilespmem:$0x5A00] =	vst v63  }
0xf1: {  	_ =	swait.ge [sflag:s21], $0x800  }
0xf2: {  	[sflag:s21] =	ssyncset.done $0x0  }
0xf3: {  	[sflag:s21] =	ssyncadd.s32 $0xFFFFF800  }
0xf4: {  	s17 =	stileid.u32;
	[bflag:$0x0] =	sbarrier.arrive $0xFFFF  }
0xf5: {  	s3 =	sshll.u32 s17, $0x6;
	s18 =	rddreg [dreg:$0x8]  }
0xf6: {  	s3 =	sor.u32 $0x1C05, s3;
	s13 =	rddreg [dreg:$0xe]  }
0xf7: {  	[hbm:s18], [sflag:s3] =	dma.local [spmem:s13], $0x500  }
0xf8: {  	_ =	swait.ge [sflag:s21], $0x500  }
0xf9: {  	s19 =	rddreg [dreg:$0xf]  }
0xfa: {  	s25 =	rddreg [dreg:$0x9];
	s10 =	sadd.s32 $0x1, s19  }
0xfb: {  	p0 =	sne.s32 s10, s25  }
.Ltmp5:
0xfc: {  	_ = 	snop;
	(pc) =	sbr.rel @p0 .LBB2_1-.Ltmp5, $3  }
0xfd: {  	_ =	sdelay $0x1  }
0xfe: {  	[sflag:s21] =	ssyncset.done $0x0  }
0xff: {  	[sflag:s21] =	ssyncadd.s32 $0xFFFFFB00  }
0x100: {  	_ =	sfence.sel $0x180000  }
0x101: {  	[bflag:$0x0] =	sbarrier.arrive $0xFFFF  }
0x102: {  	_ =	strace $0x9000004D  }
0x103: {  	s0 =	stileid.u32;
	[bflag:$0x2] =	sbarrier.arrive $0xFFFF  }
0x104: {  	p0 =	sne.s32 s0, $0x0;
	s0 =	rddreg [dreg:$0x3]  }
0x105: {  	s0 =	sadd.s32 @!p0 $0x100000, s0  }
0x106: {  	[sflag:s0] =	ssyncadd.tile.s32 @!p0 $0x1;
	_ =	shalt  }
.Lfunc_end2:
_tile_overlayer_lowered:
.L_overlay_start_2:
0x107: {  	(tag) =	ssettag $0x2  }
0x108: {  	s0 =	rddreg [dreg:$0x0];
	s2 =	stileid.u32  }
0x109: {  	s1 =	rddreg [dreg:$0x1];
	p0 =	sne.s32 s2, $0x0  }
0x10a: {  	s3 =	rddreg [dreg:$0x2];
	[bflag:$0x3] =	sbarrier.arrive $0xFFFF;
	s2 =	simm.s32 @!p0 $0x1C05  }
0x10b: {  	[timem:s3], [sflag:s2] =	dma.local @!p0 [hbm:s0], s1  }
0x10c: {  	s0 =	simm.s32 @!p0 $0x5  }
0x10d: {  	_ =	swait.ge @!p0 [sflag:s0], s1  }
0x10e: {  	s1 =	ssub.s32 @!p0 $0x0, s1;
	[sflag:s0] =	ssyncset.done @!p0 $0x0  }
0x10f: {  	[sflag:s0] =	ssyncadd.s32 @!p0 s1  }
0x110: {  	[bflag:$0x3] =	sbarrier.arrive $0xFFFF  }
0x111: {  	_ =	shalt  }

// kernel: kernel.18.cloned.1.call-start
scs
__scs_entry_jumppad:
0x0: {  	(pc) =	sbr.rel $0x88, $3  }
0x1: {  	(tag) =	ssettag $0x0;
	lr =	simm.s32 $0x1  }
0x2: {  	[smem:$0x3F95] =	sst lr;
	_ =	strace $0xD0000000  }
0x3: {  	_ = 	snop  }
0x4: {  	_ = 	snop  }
0x5: {  	_ = 	snop  }
0x6: {  	_ = 	snop  }
0x7: {  	_ = 	snop  }
__scs_overlays_trampoline_lowered:
0x8: {  	[smem:$0x3FA4] =	sst s0  }
0x9: {  	[smem:$0x3FA5] =	sst s1  }
0xa: {  	[smem:$0x3FA6] =	sst s2  }
0xb: {  	[smem:$0x3FA7] =	sst s3  }
0xc: {  	[smem:$0x3FA8] =	sst s4  }
0xd: {  	[smem:$0x3FA9] =	sst s5  }
0xe: {  	[smem:$0x3FAA] =	sst s6  }
0xf: {  	[smem:$0x3FAB] =	sst s7  }
0x10: {  	[smem:$0x3FAC] =	sst s8  }
0x11: {  	[smem:$0x3FAD] =	sst s9;
	s0 =	simm.s32 @!p0 $0x0  }
0x12: {  	s1 =	sld [smem:$0x3F93];
	s0 =	simm.s32 @p0 $0x1  }
0x13: {  	[smem:$0x3FAE] =	sst s0;
	s0 =	simm.s32 @!p1 $0x0  }
0x14: {  	s2 =	sld [smem:$0x3F92];
	s0 =	simm.s32 @p1 $0x1  }
0x15: {  	[smem:$0x3FAF] =	sst s0;
	s0 =	simm.s32 @!p2 $0x0  }
0x16: {  	s3 =	sld [smem:$0x3FDB];
	s0 =	simm.s32 @p2 $0x1  }
0x17: {  	s4 =	simm.s32 $0x1BF5;
	[smem:$0x3FB1] =	sst s0  }
0x18: {  	s0 =	sld [smem:$0x3F94];
	_ =	swait.ge [sflag:s4], $0x0  }
0x19: {  	s7 =	sld [smem:$0x3F95]  }
0x1a: {  	s8 =	sadd.s32 $0xFFFFE003, lr  }
0x1b: {  	s9 =	sadd.s32 $0xFFFFFEF7, lr;
	s5 =	simm.s32 $0xFFFFFFFF;
	p2 =	slt.u32 s8, $0xFFFFF086  }
0x1c: {  	p1 =	slt.u32 s9, $0xF7A;
	s5 =	simm.s32 @!p2 $0x0  }
0x1d: {  	s5 =	simm.s32 @p1 $0x1;
	p0 =	seq.s32 s7, s2  }
0x1e: {  	s7 =	smul.u32 @!p0 $0xF7A, s2;
	p2 =	seq.s32 @!p0 s5, $0x0  }
0x1f: {  	s9 =	smul.u32 $0xF7A, s1;
	s8 =	simm.s32 @!p0 $0x1BF5;
	p2 =	por !p2, p0  }
0x20: {  	[sflag:s8] =	ssyncset.s32 @!p0 $0xFFFFF086;
	s6 =	sadd.s32 @!p0 s3, s7;
	s7 =	simm.s32 @!p0 $0x108  }
0x21: {  	s3 =	sadd.s32 s3, s9;
	s6 =	sadd.s32 @!p0 $0x88, s6;
	s7 =	simm.s32 @p2 $0x1082  }
0x22: {  	[simem:s7], [sflag:s8] =	dma.local @!p0 [hbm:s6], $0xF7A  }
0x23: {  	s9 =	sor.u32 $0xD0000000, s2;
	s6 =	simm.s32 $0x108;
	_ =	swait.ge @!p0 [sflag:s8], $0x0  }
0x24: {  	s3 =	sadd.s32 $0x88, s3;
	s6 =	simm.s32 @!p1 $0x1082;
	[sflag:s4] =	ssyncset.s32 $0xFFFFF086  }
0x25: {  	[simem:s6], [sflag:s4] =	dma.local [hbm:s3], $0xF7A  }
0x26: {  	[smem:$0x3F95] =	sst s1;
	(tag) =	ssettag s2;
	_ =	strace s9  }
0x27: {  	s1 =	sld [smem:$0x3FA5]  }
0x28: {  	s2 =	sld [smem:$0x3FA6]  }
0x29: {  	s4 =	sld [smem:$0x3FA8]  }
0x2a: {  	p0 =	seq.s32 s5, $0x0;
	s5 =	sld [smem:$0x3FA9]  }
0x2b: {  	s6 =	sld [smem:$0x3FAA]  }
0x2c: {  	s7 =	sld [smem:$0x3FAB]  }
0x2d: {  	s3 =	simm.s32 $0x108;
	s8 =	sld [smem:$0x3FAC]  }
0x2e: {  	s3 =	simm.s32 @!p0 $0x1082;
	s9 =	sld [smem:$0x3FAD]  }
0x2f: {  	lr =	sadd.s32 s0, s3;
	s0 =	sld [smem:$0x3FA4]  }
0x30: {  	s3 =	sld [smem:$0x3FA7]  }
0x31: {  	[smem:$0x3FB0] =	sst s10  }
0x32: {  	s10 =	sld [smem:$0x3FAE];
	_ =	sdelay $0x3  }
0x33: {  	p0 =	seq.s32 s10, $0x1;
	s10 =	sld [smem:$0x3FB0];
	_ =	sdelay $0x3  }
0x34: {  	[smem:$0x3FB0] =	sst s10  }
0x35: {  	s10 =	sld [smem:$0x3FAF];
	_ =	sdelay $0x3  }
0x36: {  	p1 =	seq.s32 s10, $0x1;
	s10 =	sld [smem:$0x3FB0];
	_ =	sdelay $0x3  }
0x37: {  	[smem:$0x3FB0] =	sst s10  }
0x38: {  	s10 =	sld [smem:$0x3FB1]  }
0x39: {  	_ = 	snop;
	(pc) =	sbr.ind lr, $3  }
0x3a: {  	_ = 	snop  }
0x3b: {  	_ = 	snop  }
0x3c: {  	p2 =	seq.s32 s10, $0x1;
	s10 =	sld [smem:$0x3FB0]  }
0x3d: {  	_ =	shalt  }
0x3e: {  	_ =	shalt  }
0x3f: {  	_ =	shalt  }
0x40: {  	_ =	shalt  }
0x41: {  	_ =	shalt  }
0x42: {  	_ =	shalt  }
0x43: {  	_ =	shalt  }
0x44: {  	_ =	shalt  }
0x45: {  	_ =	shalt  }
0x46: {  	_ =	shalt  }
0x47: {  	_ =	shalt  }
0x48: {  	_ =	shalt  }
0x49: {  	_ =	shalt  }
0x4a: {  	_ =	shalt  }
0x4b: {  	_ =	shalt  }
0x4c: {  	_ =	shalt  }
0x4d: {  	_ =	shalt  }
0x4e: {  	_ =	shalt  }
0x4f: {  	_ =	shalt  }
0x50: {  	_ =	shalt  }
0x51: {  	_ =	shalt  }
0x52: {  	_ =	shalt  }
0x53: {  	_ =	shalt  }
0x54: {  	_ =	shalt  }
0x55: {  	_ =	shalt  }
0x56: {  	_ =	shalt  }
0x57: {  	_ =	shalt  }
0x58: {  	_ =	shalt  }
0x59: {  	_ =	shalt  }
0x5a: {  	_ =	shalt  }
0x5b: {  	_ =	shalt  }
0x5c: {  	_ =	shalt  }
0x5d: {  	_ =	shalt  }
0x5e: {  	_ =	shalt  }
0x5f: {  	_ =	shalt  }
0x60: {  	_ =	shalt  }
0x61: {  	_ =	shalt  }
0x62: {  	_ =	shalt  }
0x63: {  	_ =	shalt  }
0x64: {  	_ =	shalt  }
0x65: {  	_ =	shalt  }
0x66: {  	_ =	shalt  }
0x67: {  	_ =	shalt  }
0x68: {  	_ =	shalt  }
0x69: {  	_ =	shalt  }
0x6a: {  	_ =	shalt  }
0x6b: {  	_ =	shalt  }
0x6c: {  	_ =	shalt  }
0x6d: {  	_ =	shalt  }
0x6e: {  	_ =	shalt  }
0x6f: {  	_ =	shalt  }
0x70: {  	_ =	shalt  }
0x71: {  	_ =	shalt  }
0x72: {  	_ =	shalt  }
0x73: {  	_ =	shalt  }
0x74: {  	_ =	shalt  }
0x75: {  	_ =	shalt  }
0x76: {  	_ =	shalt  }
0x77: {  	_ =	shalt  }
0x78: {  	_ =	shalt  }
0x79: {  	_ =	shalt  }
0x7a: {  	_ =	shalt  }
0x7b: {  	_ =	shalt  }
0x7c: {  	_ =	shalt  }
0x7d: {  	_ =	shalt  }
0x7e: {  	_ =	shalt  }
0x7f: {  	_ =	shalt  }
0x80: {  	_ =	shalt  }
0x81: {  	_ =	shalt  }
0x82: {  	_ =	shalt  }
0x83: {  	_ =	shalt  }
0x84: {  	_ =	shalt  }
0x85: {  	_ =	shalt  }
0x86: {  	_ =	shalt  }
0x87: {  	_ =	shalt  }
.Lfunc_end0:
.L_simem_size_0:
called_computation.3_lowered:
.L_overlay_start_0:
0x88: {  	s2 =	sld [smem:$0x3FD9]  }
0x89: {  	s3 =	sld [smem:$0x3FFE];
	_ =	sdelay $0x1  }
0x8a: {  	s1 =	srdreg.scid  }
0x8b: {  	s0 =	sand.u32 $0x1, s1  }
0x8c: {  	s17 =	sshll.u32 s0, $0xA;
	s2 =	sadd.s32 s3, s2  }
0x8d: {  	s2 =	sadd.s32 s2, s17  }
0x8e: {  	[smem:$0x3FBC] =	sst s2  }
0x8f: {  	_ = 	snop  }
0x90: {  	s2 =	sld [smem:$0x3FD0];
	(tm) =	ssettm $0x1  }
0x91: {  	s18 =	sld [smem:$0x3FFB];
	_ =	sdelay $0x3  }
0x92: {  	_ =	strace s18  }
0x93: {  	s3 =	sld [smem:$0x3FFC];
	_ =	sdelay $0x3  }
0x94: {  	_ =	strace s3  }
0x95: {  	s3 =	sld [smem:$0x3FFD];
	_ =	sdelay $0x3  }
0x96: {  	_ =	strace s3  }
0x97: {  	_ =	strace $0x8FFFFFFF  }
0x98: {  	s19 =	sld [smem:$0x3FDB];
	_ =	sdelay $0x1  }
0x99: {  	s4 =	simm.s32 $_scs_section_size  }
0x9a: {  	s5 =	simm.s32 $_size__tile_overlayer_lowered;
	s6 =	simm.s32 $_tile_overlayer_lowered  }
0x9b: {  	s22 =	simm.s32 $0x1BFF;
	s21 =	sshll.u32 s6, $0x1;
	s3 =	sadd.s32 s4, s19  }
0x9c: {  	s7 =	simm.s32 $0x0;
	s20 =	sshll.u32 s5, $0x1;
	s5 =	sadd.s32 s21, s3  }
0x9d: {  	[timem:s7], [sflag:s22] =	dma.local [hbm:s5], s20  }
0x9e: {  	_ =	swait.ge [sflag:s22], s20  }
0x9f: {  	s4 =	ssub.s32 $0x0, s20;
	[sflag:s22] =	ssyncset.done $0x0  }
0xa0: {  	[sflag:s22] =	ssyncadd.s32 s4;
	_ =	sdelay $0x1  }
0xa1: {  	s23 =	simm.s32 $0x1B8B  }
0xa2: {  	_ =	swait.ge [sflag:s23], $0x1  }
0xa3: {  	[sflag:s23] =	ssyncset.done $0x0  }
0xa4: {  	s25 =	simm.s32 $0x1B8E;
	s24 =	sld [smem:$0x3FFE];
	[sflag:s23] =	ssyncadd.s32 $0xFFFFFFFF  }
0xa5: {  	s26 =	simm.s32 $execute0_lowered;
	[smem:$0x3FD2] =	sst s25  }
0xa6: {  	s5 =	sshll.u32 s26, $0x1;
	_ =	strace $0x8000004F;
	[dreg:$0x1] =	wrdreg $0xFFFFFFFF  }
0xa7: {  	s28 =	simm.s32 $_size_execute0_lowered;
	s3 =	sadd.s32 s3, s5;
	[dreg:$0x0] =	wrdreg $0x0  }
0xa8: {  	s5 =	sshll.u32 s28, $0x1;
	[dreg:$0x2] =	wrdreg s3  }
0xa9: {  	[dreg:$0x3] =	wrdreg s5  }
0xaa: {  	[dreg:$0x4] =	wrdreg $0xC0  }
0xab: {  	_ =	task [dreg:s7], $0x5FFFF  }
0xac: {  	[dreg:$0x1] =	wrdreg $0xFFFFFFFF  }
0xad: {  	[dreg:$0x0] =	wrdreg $0x60  }
0xae: {  	[dreg:$0x2] =	wrdreg s2  }
0xaf: {  	[dreg:$0x3] =	wrdreg s24  }
0xb0: {  	[dreg:$0x4] =	wrdreg $0x92000  }
0xb1: {  	[dreg:$0x5] =	wrdreg $0x9  }
0xb2: {  	_ =	task.clear_ibuf [dreg:s7], $0x6FFFF;
	_ =	strace $0x9000004F  }
0xb3: {  	s29 =	simm.s32 $0x9;
	_ =	strace $0x80000051  }
0xb4: {  	_ =	swait.ge [sflag:s29], $0x1  }
0xb5: {  	[sflag:s29] =	ssyncadd.s32 $0xFFFFFFFF  }
0xb6: {  	_ =	strace $0x90000051  }
0xb7: {  	_ =	sfence  }
0xb8: {  	s30 =	sld [smem:$0x0];
	_ =	sdelay $0x2  }
0xb9: {  	s31 =	sshll.u32 s1, $0xD;
	s1 =	sshrl.u32 s1, $0x2  }
0xba: {  	s3 =	sand.u32 $0x4000, s31;
	s1 =	sadd.s32 s1, s30  }
0xbb: {  	s0 =	sor.u32 s3, s0;
	s1 =	sshll.u32 s1, $0x11  }
0xbc: {  	s0 =	sor.u32 s1, s0  }
0xbd: {  	s0 =	sadd.s32 $0x8F2B, s0  }
0xbe: {  	[sflag:s0] =	ssyncadd.remote.s32 $0x1  }
0xbf: {  	_ =	sfence.sel $0xFFFF  }
0xc0: {  	[dreg:$0x0] =	wrdreg $0xFFFFFFFF;
	(pc) =	sbr.abs _section_cstart, $3  }
0xc1: {  	[dreg:$0x1] =	wrdreg $0xFFFFFFFF  }
0xc2: {  	_ =	task.clear_ibuf [dreg:s7], $0x2FFFF;
	_ =	strace $0x9FFFFFFF  }
0xc3: {  	(tm) =	ssettm $0x7FFFFFFF  }
tec
execute0_lowered:
.L_overlay_start_1:
0x0: {  	(tag) =	ssettag $0x1  }
0x1: {  	s1 =	rddreg [dreg:$0x0]  }
0x2: {  	s0 =	rddreg [dreg:$0x1]  }
0x3: {  	s2 =	rddreg [dreg:$0x2]  }
0x4: {  	s4 =	simm.s32 $0x0;
	s3 =	srdreg.scid;
	s11 =	stileid.u32  }
0x5: {  	s19 =	simm.s32 $0x900;
	s20 =	simm.s32 $0x3;
	s21 =	simm.s32 $0x80  }
0x6: {  	s28 =	simm.s32 $0x1;
	s29 =	simm.s32 $0x4A00;
	s30 =	simm.s32 $0x2  }
0x7: {  	s31 =	simm.s32 $0x0;
	[smem:$0x7FF] =	sst s4;
	s3 =	sand.u32 $0x1, s3  }
0x8: {  	s5 =	sadd.s32 $0x35200, s0;
	s10 =	smul.u32 $0x14000, s11;
	s6 =	sadd.s32 $0x49400, s0  }
0x9: {  	s7 =	sadd.s32 $0x3200, s0;
	s8 =	smul.u32 $0x140000, s3;
	s9 =	sshll.u32 s3, $0x4  }
0xa: {  	_ =	strace $0x80000050;
	s3 =	ssub.s32 $0x2, s3;
	s9 =	sor.u32 s11, s9  }
0xb: {  	s11 =	smul.u32 $0x50000, s11;
	s13 =	sshrl.u32 s3, $0x1;
	s26 =	sadd.s32 s10, s2  }
0xc: {  	s8 =	sadd.s32 s10, s8;
	s12 =	smul.u32 $0x28800, s9;
	s3 =	ssub.s32 s3, s13  }
0xd: {  	s8 =	sshrl.u32 s8, $0x3;
	s22 =	sshrl.u32 s11, $0x2;
	s3 =	smax.u32 s3, $0x1  }
0xe: {  	s0 =	sadd.s32 s8, s0;
	s8 =	smul.u32 $0x2880, s9;
	s23 =	sshrl.u32 s12, $0x3  }
0xf: {  	s9 =	sadd.s32 s22, s2;
	[dreg:$0x8] =	wrdreg s3;
	s22 =	simm.s32 $0x4900  }
0x10: {  	s11 =	sadd.s32 s6, s23;
	s0 =	sadd.s32 $0xEB400, s0;
	s15 =	sadd.s32 $0x4000, s9  }
0x11: {  	s16 =	sadd.s32 $0x8000, s9;
	s17 =	sadd.s32 $0xC000, s9;
	s18 =	sadd.s32 $0x10000, s9  }
0x12: {  	s24 =	sshrl.u32 s8, $0x3;
	s11 =	sadd.s32 $0x5000, s11;
	[dreg:$0x7] =	wrdreg s0  }
0x13: {  	s23 =	simm.s32 $0x4980;
	s25 =	sadd.s32 s1, s24;
	[dreg:$0x6] =	wrdreg s11  }
0x14: {  	s12 =	sadd.s32 s5, s24;
	s24 =	simm.s32 $0x5200;
	[dreg:$0x4] =	wrdreg s25  }
0x15: {  	v0 =	vimm.f32 $0.0e+00;
	[dreg:$0x5] =	wrdreg s12;
	s25 =	sshrl.u32 s26, $0x3;
	s26 =	simm.s32 $0x100  }
.LBB2_1:
0x16: {  	s0 =	simm.s32 $0x0;
	s3 =	simm.s32 $0x200  }
.LBB2_2:
0x17: {  	p0 =	sne.s32 s3, $0xFE00;
	[tilespmem:s0+$0x970] =	vst v0  }
0x18: {  	[tilespmem:s0+$0x900] =	vst v0  }
0x19: {  	[tilespmem:s0+$0x910] =	vst v0  }
.Ltmp0:
0x1a: {  	[tilespmem:s0+$0x920] =	vst v0;
	(pc) =	sbr.rel @p0 .LBB2_2-.Ltmp0, $4  }
0x1b: {  	[tilespmem:s0+$0x930] =	vst v0  }
0x1c: {  	[tilespmem:s0+$0x940] =	vst v0  }
0x1d: {  	[tilespmem:s0+$0x950] =	vst v0  }
0x1e: {  	[tilespmem:s0+$0x960] =	vst v0;
	s0 =	sshra.s32 s3, $0x2;
	s3 =	sadd.s32 $0x200, s3  }
0x1f: {  	[tilespmem:s0+$0x970] =	vst v0  }
0x20: {  	[tilespmem:s0+$0x900] =	vst v0  }
0x21: {  	[tilespmem:s0+$0x910] =	vst v0  }
0x22: {  	[tilespmem:s0+$0x920] =	vst v0  }
0x23: {  	[tilespmem:s0+$0x930] =	vst v0  }
0x24: {  	[tilespmem:s0+$0x940] =	vst v0  }
0x25: {  	[tilespmem:s0+$0x950] =	vst v0  }
0x26: {  	[tilespmem:s0+$0x960] =	vst v0  }
0x27: {  	[spmem:s9] =	stream.linear.scatter [tilespmem:s19], [sflag:$0x3], $0x4000, $0x38;
	[tilespmem:$0x1D200] =	vst v63  }
0x28: {  	_ =	swait.ge [sflag:s20], $0x4000  }
0x29: {  	[sflag:s20] =	ssyncset.done $0x0  }
0x2a: {  	[sflag:s20] =	ssyncadd.s32 $0xFFFFC000  }
0x2b: {  	[spmem:s15] =	stream.linear.scatter [tilespmem:s19], [sflag:$0x3], $0x4000, $0x38;
	[tilespmem:$0x1D200] =	vst v63  }
0x2c: {  	_ =	swait.ge [sflag:s20], $0x4000  }
0x2d: {  	[sflag:s20] =	ssyncset.done $0x0  }
0x2e: {  	[sflag:s20] =	ssyncadd.s32 $0xFFFFC000  }
0x2f: {  	[spmem:s16] =	stream.linear.scatter [tilespmem:s19], [sflag:$0x3], $0x4000, $0x38;
	[tilespmem:$0x1D200] =	vst v63  }
0x30: {  	_ =	swait.ge [sflag:s20], $0x4000  }
0x31: {  	[sflag:s20] =	ssyncset.done $0x0  }
0x32: {  	[sflag:s20] =	ssyncadd.s32 $0xFFFFC000  }
0x33: {  	[spmem:s17] =	stream.linear.scatter [tilespmem:s19], [sflag:$0x3], $0x4000, $0x38;
	[tilespmem:$0x1D200] =	vst v63  }
0x34: {  	_ =	swait.ge [sflag:s20], $0x4000  }
0x35: {  	[sflag:s20] =	ssyncset.done $0x0  }
0x36: {  	[sflag:s20] =	ssyncadd.s32 $0xFFFFC000  }
0x37: {  	[spmem:s18] =	stream.linear.scatter [tilespmem:s19], [sflag:$0x3], $0x4000, $0x38;
	[tilespmem:$0x1D200] =	vst v63  }
0x38: {  	_ =	swait.ge [sflag:s20], $0x4000  }
0x39: {  	[sflag:s20] =	ssyncset.done $0x0  }
0x3a: {  	[sflag:s20] =	ssyncadd.s32 $0xFFFFC000  }
0x3b: {  	[bflag:$0x0] =	sbarrier.arrive $0xFFFF  }
0x3c: {  	s13 =	rddreg [dreg:$0x4]  }
0x3d: {  	[tilespmem:s31], [sflag:$0x3] =	stream.linear.gather [hbm4b:s13+s31], $0x80, $0x38;
	[tilespmem:$0x1D200] =	vst v63  }
0x3e: {  	_ =	swait.ge [sflag:s20], $0x80  }
0x3f: {  	[sflag:s20] =	ssyncset.done $0x0  }
0x40: {  	s14 =	rddreg [dreg:$0x5];
	[sflag:s20] =	ssyncadd.s32 $0xFFFFFF80  }
0x41: {  	[tilespmem:s21], [sflag:$0x3] =	stream.linear.gather [hbm4b:s14+s31], $0x80, $0x38;
	[tilespmem:$0x1D200] =	vst v63  }
0x42: {  	_ =	swait.ge [sflag:s20], $0x80  }
0x43: {  	[sflag:s20] =	ssyncset.done $0x0  }
0x44: {  	s0 =	simm.s32 $0x0;
	[sflag:s20] =	ssyncadd.s32 $0xFFFFFF80  }
0x45: {  	[tilespmem:s19], [sflag:$0x1] =	stream.indirect.gather [hbm4b:s7+s21], $0x80, s31, s21, $0xb8;
	[tilespmem:$0x1D200] =	vst v63  }
.LBB2_4:
0x46: {  	s3 =	sshll.u32 s0, $0x8  }
0x47: {  	s10 =	sadd.s32 s8, s3  }
0x48: {  	s3 =	sadd.s32 $0x80, s10  }
0x49: {  	s11 =	sshrl.u32 s3, $0x3  }
0x4a: {  	s12 =	sadd.s32 s1, s11  }
0x4b: {  	[tilespmem:s22], [sflag:$0x3] =	stream.linear.gather [hbm4b:s12+s31], $0x80, $0x38;
	[tilespmem:$0x1D200] =	vst v63  }
0x4c: {  	_ =	swait.ge [sflag:s20], $0x80  }
0x4d: {  	[sflag:s20] =	ssyncset.done $0x0  }
0x4e: {  	s11 =	sadd.s32 s5, s11;
	[sflag:s20] =	ssyncadd.s32 $0xFFFFFF80  }
0x4f: {  	[tilespmem:s23], [sflag:$0x3] =	stream.linear.gather [hbm4b:s11+s31], $0x80, $0x38;
	[tilespmem:$0x1D200] =	vst v63  }
0x50: {  	_ =	swait.ge [sflag:s20], $0x80  }
0x51: {  	[sflag:s20] =	ssyncset.done $0x0  }
0x52: {  	s14 =	sshll.u32 s10, $0x1;
	[sflag:s20] =	ssyncadd.s32 $0xFFFFFF80  }
0x53: {  	[tilespmem:s24], [sflag:$0x2] =	stream.indirect.gather [hbm4b:s7+s21], $0x80, s22, s21, $0xb8;
	[tilespmem:$0x1D200] =	vst v63  }
0x54: {  	s11 =	sadd.s32 s6, s14  }
0x55: {  	[tilespmem:s26], [sflag:$0x3] =	stream.linear.gather [hbm4b:s11+s31], $0x800, $0x38;
	[tilespmem:$0x1D200] =	vst v63  }
0x56: {  	_ =	swait.ge [sflag:s20], $0x800  }
0x57: {  	[sflag:s20] =	ssyncset.done $0x0  }
0x58: {  	[sflag:s20] =	ssyncadd.s32 $0xFFFFF800  }
0x59: {  	_ =	swait.ge [sflag:s28], $0x4000  }
0x5a: {  	[sflag:s28] =	ssyncset.done $0x0  }
0x5b: {  	s11 =	simm.s32 $0x940;
	[sflag:s28] =	ssyncadd.s32 $0xFFFFC000  }
0x5c: {  	s13 =	simm.s32 $0x40;
	s12 =	simm.s32 $0x940;
	s14 =	simm.s32 $0x0;
	v1 =	vld [tilespmem:s11+$0xFFFFFFF0]  }
.LBB2_5:
0x5d: {  	p0 =	sne.s32 s13, $0x1FC0;
	v2 =	vld [tilespmem:s14+$0x100]  }
0x5e: {  	v3 =	vld [tilespmem:s11+$0xFFFFFFD0]  }
0x5f: {  	v4 =	vld [tilespmem:s11+$0xFFFFFFC0]  }
0x60: {  	v5 =	vld [tilespmem:s11+$0xFFFFFFE0]  }
0x61: {  	v6 =	vld [tilespmem:s11+$0x30]  }
0x62: {  	v7 =	vbroadcast v2, $0x0;
	v8 =	vbroadcast v2, $0x1;
	v9 =	vld [tilespmem:s11+$0x10]  }
0x63: {  	v10 =	vbroadcast v2, $0x2;
	v11 =	vbroadcast v2, $0x3;
	v12 =	vld [tilespmem:s11+$0x0]  }
0x64: {  	v4 =	vmul.f32 v7, v4;
	v3 =	vmul.f32 v3, v8;
	v7 =	vld [tilespmem:s11+$0x20]  }
0x65: {  	v1 =	vmul.f32 v1, v11;
	v5 =	vmul.f32 v5, v10  }
0x66: {  	v8 =	vbroadcast v2, $0x5;
	[tilespmem:s11+$0xFFFFFFC0] =	vst v4;
	v4 =	vbroadcast v2, $0x4  }
0x67: {  	[tilespmem:s11+$0xFFFFFFD0] =	vst v3;
	v3 =	vbroadcast v2, $0x6;
	v2 =	vbroadcast v2, $0x7  }
0x68: {  	[tilespmem:s11+$0xFFFFFFE0] =	vst v5;
	v4 =	vmul.f32 v12, v4;
	v5 =	vmul.f32 v9, v8  }
.Ltmp1:
0x69: {  	[tilespmem:s11+$0xFFFFFFF0] =	vst v1;
	v1 =	vmul.f32 v7, v3;
	v2 =	vmul.f32 v6, v2;
	(pc) =	sbr.rel @p0 .LBB2_5-.Ltmp1, $4  }
0x6a: {  	[tilespmem:s11+$0x0] =	vst v4  }
0x6b: {  	[tilespmem:s11+$0x10] =	vst v5  }
0x6c: {  	s11 =	sadd.s32 $0x80, s11;
	[tilespmem:s12+$0x20] =	vst v1  }
0x6d: {  	s14 =	sshra.s32 s13, $0x2;
	s13 =	sadd.s32 $0x40, s13;
	v1 =	vld [tilespmem:s11+$0xFFFFFFF0];
	[tilespmem:s12+$0x30] =	vst v2;
	s12 =	smov.u32 s11  }
0x6e: {  	v2 =	vld [tilespmem:s14+$0x100];
	_ =	sdelay $0x1  }
0x6f: {  	v3 =	vld [tilespmem:s11+$0xFFFFFFC0]  }
0x70: {  	v4 =	vld [tilespmem:s11+$0xFFFFFFD0]  }
0x71: {  	v5 =	vld [tilespmem:s11+$0xFFFFFFE0]  }
0x72: {  	v6 =	vbroadcast v2, $0x0  }
0x73: {  	v9 =	vld [tilespmem:s11+$0x10];
	v7 =	vbroadcast v2, $0x1  }
0x74: {  	v8 =	vld [tilespmem:s11+$0x0];
	v10 =	vbroadcast v2, $0x2;
	v3 =	vmul.f32 v6, v3  }
0x75: {  	v60 =	vld [tilespmem:s11+$0x20];
	v59 =	vbroadcast v2, $0x3;
	v4 =	vmul.f32 v4, v7  }
0x76: {  	v11 =	vld [tilespmem:s11+$0x30];
	v61 =	vbroadcast v2, $0x5;
	v5 =	vmul.f32 v5, v10;
	[tilespmem:s11+$0xFFFFFFC0] =	vst v3  }
0x77: {  	v1 =	vmul.f32 v1, v59;
	v3 =	vbroadcast v2, $0x4;
	[tilespmem:s11+$0xFFFFFFD0] =	vst v4  }
0x78: {  	v62 =	vbroadcast v2, $0x6;
	v63 =	vmul.f32 v9, v61;
	[tilespmem:s11+$0xFFFFFFE0] =	vst v5  }
0x79: {  	v2 =	vbroadcast v2, $0x7;
	[tilespmem:s11+$0xFFFFFFF0] =	vst v1;
	v3 =	vmul.f32 v8, v3  }
0x7a: {  	v1 =	vmul.f32 v60, v62;
	[tilespmem:s11+$0x10] =	vst v63  }
0x7b: {  	v2 =	vmul.f32 v11, v2;
	[tilespmem:s11+$0x0] =	vst v3  }
0x7c: {  	[tilespmem:s12+$0x20] =	vst v1  }
0x7d: {  	[tilespmem:s12+$0x30] =	vst v2  }
0x7e: {  	[spmem:s2] =	stream.indirect.scatter.add.f32 [tilespmem:s19], [sflag:$0x3], $0x80, s21, s21, $0xb8;
	[tilespmem:$0x1D200] =	vst v63  }
0x7f: {  	s10 =	sshrl.u32 s10, $0x3;
	_ =	swait.ge [sflag:s20], $0x4000  }
0x80: {  	s10 =	sadd.s32 $0x20, s10;
	[sflag:s20] =	ssyncset.done $0x0  }
0x81: {  	s14 =	simm.s32 $0x0;
	s13 =	sadd.s32 s1, s10;
	[sflag:s20] =	ssyncadd.s32 $0xFFFFC000  }
0x82: {  	[tilespmem:s14], [sflag:$0x3] =	stream.linear.gather [hbm4b:s13+s14], $0x80, $0x38;
	[tilespmem:$0x1D200] =	vst v63  }
0x83: {  	_ =	swait.ge [sflag:s20], $0x80  }
0x84: {  	[sflag:s20] =	ssyncset.done $0x0  }
0x85: {  	s10 =	sadd.s32 s5, s10;
	[sflag:s20] =	ssyncadd.s32 $0xFFFFFF80  }
0x86: {  	[tilespmem:s21], [sflag:$0x3] =	stream.linear.gather [hbm4b:s10+s14], $0x80, $0x38;
	[tilespmem:$0x1D200] =	vst v63  }
0x87: {  	_ =	swait.ge [sflag:s20], $0x80  }
0x88: {  	s3 =	sshll.u32 s3, $0x1;
	[sflag:s20] =	ssyncset.done $0x0  }
0x89: {  	s3 =	sand.u32 $0x1FFFFF00, s3;
	[sflag:s20] =	ssyncadd.s32 $0xFFFFFF80  }
0x8a: {  	[tilespmem:s19], [sflag:$0x1] =	stream.indirect.gather [hbm4b:s7+s21], $0x80, s14, s21, $0xb8;
	[tilespmem:$0x1D200] =	vst v63  }
0x8b: {  	s3 =	sadd.s32 s6, s3  }
0x8c: {  	[tilespmem:s29], [sflag:$0x3] =	stream.linear.gather [hbm4b:s3+s14], $0x800, $0x38;
	[tilespmem:$0x1D200] =	vst v63  }
0x8d: {  	_ =	swait.ge [sflag:s20], $0x800  }
0x8e: {  	[sflag:s20] =	ssyncset.done $0x0  }
0x8f: {  	[sflag:s20] =	ssyncadd.s32 $0xFFFFF800  }
0x90: {  	_ =	swait.ge [sflag:s30], $0x4000  }
0x91: {  	[sflag:s30] =	ssyncset.done $0x0  }
0x92: {  	s3 =	simm.s32 $0x5240;
	[sflag:s30] =	ssyncadd.s32 $0xFFFFC000  }
0x93: {  	s11 =	simm.s32 $0x40;
	s12 =	simm.s32 $0x0;
	s10 =	simm.s32 $0x5240;
	v1 =	vld [tilespmem:s3+$0xFFFFFFF0]  }
.LBB2_7:
0x94: {  	p0 =	sne.s32 s11, $0x1FC0;
	v2 =	vld [tilespmem:s12+$0x4A00]  }
0x95: {  	v3 =	vld [tilespmem:s3+$0xFFFFFFD0]  }
0x96: {  	v4 =	vld [tilespmem:s3+$0xFFFFFFC0]  }
0x97: {  	v5 =	vld [tilespmem:s3+$0xFFFFFFE0]  }
0x98: {  	v6 =	vld [tilespmem:s3+$0x30]  }
0x99: {  	v7 =	vbroadcast v2, $0x0;
	v8 =	vbroadcast v2, $0x1;
	v9 =	vld [tilespmem:s3+$0x10]  }
0x9a: {  	v10 =	vbroadcast v2, $0x2;
	v11 =	vbroadcast v2, $0x3;
	v12 =	vld [tilespmem:s3+$0x0]  }
0x9b: {  	v4 =	vmul.f32 v7, v4;
	v3 =	vmul.f32 v3, v8;
	v7 =	vld [tilespmem:s3+$0x20]  }
0x9c: {  	v1 =	vmul.f32 v1, v11;
	v5 =	vmul.f32 v5, v10  }
0x9d: {  	v8 =	vbroadcast v2, $0x5;
	[tilespmem:s3+$0xFFFFFFC0] =	vst v4;
	v4 =	vbroadcast v2, $0x4  }
0x9e: {  	[tilespmem:s3+$0xFFFFFFD0] =	vst v3;
	v3 =	vbroadcast v2, $0x6;
	v2 =	vbroadcast v2, $0x7  }
0x9f: {  	[tilespmem:s3+$0xFFFFFFE0] =	vst v5;
	v4 =	vmul.f32 v12, v4;
	v5 =	vmul.f32 v9, v8  }
.Ltmp2:
0xa0: {  	[tilespmem:s3+$0xFFFFFFF0] =	vst v1;
	v1 =	vmul.f32 v7, v3;
	v2 =	vmul.f32 v6, v2;
	(pc) =	sbr.rel @p0 .LBB2_7-.Ltmp2, $4  }
0xa1: {  	[tilespmem:s3+$0x0] =	vst v4  }
0xa2: {  	[tilespmem:s3+$0x10] =	vst v5  }
0xa3: {  	s3 =	sadd.s32 $0x80, s3;
	[tilespmem:s10+$0x20] =	vst v1  }
0xa4: {  	s12 =	sshra.s32 s11, $0x2;
	s11 =	sadd.s32 $0x40, s11;
	v1 =	vld [tilespmem:s3+$0xFFFFFFF0];
	[tilespmem:s10+$0x30] =	vst v2;
	s10 =	smov.u32 s3  }
0xa5: {  	v2 =	vld [tilespmem:s12+$0x4A00];
	_ =	sdelay $0x1  }
0xa6: {  	v3 =	vld [tilespmem:s3+$0xFFFFFFC0]  }
0xa7: {  	v4 =	vld [tilespmem:s3+$0xFFFFFFD0]  }
0xa8: {  	v5 =	vld [tilespmem:s3+$0xFFFFFFE0]  }
0xa9: {  	v6 =	vbroadcast v2, $0x0  }
0xaa: {  	v9 =	vld [tilespmem:s3+$0x10];
	v7 =	vbroadcast v2, $0x1  }
0xab: {  	v8 =	vld [tilespmem:s3+$0x0];
	v10 =	vbroadcast v2, $0x2;
	v3 =	vmul.f32 v6, v3  }
0xac: {  	v60 =	vld [tilespmem:s3+$0x20];
	v59 =	vbroadcast v2, $0x3;
	v4 =	vmul.f32 v4, v7  }
0xad: {  	v11 =	vld [tilespmem:s3+$0x30];
	v61 =	vbroadcast v2, $0x5;
	v5 =	vmul.f32 v5, v10;
	[tilespmem:s3+$0xFFFFFFC0] =	vst v3  }
0xae: {  	v1 =	vmul.f32 v1, v59;
	v3 =	vbroadcast v2, $0x4;
	[tilespmem:s3+$0xFFFFFFD0] =	vst v4  }
0xaf: {  	v62 =	vbroadcast v2, $0x6;
	v63 =	vmul.f32 v9, v61;
	[tilespmem:s3+$0xFFFFFFE0] =	vst v5  }
0xb0: {  	v2 =	vbroadcast v2, $0x7;
	[tilespmem:s3+$0xFFFFFFF0] =	vst v1;
	v3 =	vmul.f32 v8, v3  }
0xb1: {  	v1 =	vmul.f32 v60, v62;
	[tilespmem:s3+$0x10] =	vst v63  }
0xb2: {  	s0 =	sadd.s32 $0x1, s0;
	v2 =	vmul.f32 v11, v2;
	[tilespmem:s3+$0x0] =	vst v3  }
0xb3: {  	p0 =	sne.s32 s0, $0x28;
	[tilespmem:s10+$0x20] =	vst v1  }
.Ltmp3:
0xb4: {  	[tilespmem:s10+$0x30] =	vst v2;
	(pc) =	sbr.rel @p0 .LBB2_4-.Ltmp3, $4  }
0xb5: {  	[spmem:s2] =	stream.indirect.scatter.add.f32 [tilespmem:s24], [sflag:$0x3], $0x80, s23, s21, $0xb8;
	[tilespmem:$0x1D200] =	vst v63  }
0xb6: {  	_ =	swait.ge [sflag:s20], $0x4000  }
0xb7: {  	[sflag:s20] =	ssyncset.done $0x0  }
0xb8: {  	[sflag:s20] =	ssyncadd.s32 $0xFFFFC000  }
0xb9: {  	s0 =	simm.s32 $0x0;
	s3 =	rddreg [dreg:$0x6]  }
0xba: {  	[tilespmem:s26], [sflag:$0x3] =	stream.linear.gather [hbm4b:s3+s0], $0x800, $0x38;
	[tilespmem:$0x1D200] =	vst v63  }
0xbb: {  	_ =	swait.ge [sflag:s20], $0x800  }
0xbc: {  	[sflag:s20] =	ssyncset.done $0x0  }
0xbd: {  	[sflag:s20] =	ssyncadd.s32 $0xFFFFF800  }
0xbe: {  	_ =	swait.ge [sflag:s28], $0x4000  }
0xbf: {  	[sflag:s28] =	ssyncset.done $0x0  }
0xc0: {  	s0 =	simm.s32 $0x940;
	[sflag:s28] =	ssyncadd.s32 $0xFFFFC000  }
0xc1: {  	s11 =	simm.s32 $0x0;
	s10 =	simm.s32 $0x40;
	s3 =	simm.s32 $0x940;
	v1 =	vld [tilespmem:s0+$0xFFFFFFF0]  }
.LBB2_10:
0xc2: {  	p0 =	sne.s32 s10, $0x1FC0;
	v2 =	vld [tilespmem:s11+$0x100]  }
0xc3: {  	v3 =	vld [tilespmem:s0+$0xFFFFFFD0]  }
0xc4: {  	v4 =	vld [tilespmem:s0+$0xFFFFFFC0]  }
0xc5: {  	v5 =	vld [tilespmem:s0+$0xFFFFFFE0]  }
0xc6: {  	v6 =	vld [tilespmem:s0+$0x30]  }
0xc7: {  	v7 =	vbroadcast v2, $0x0;
	v8 =	vbroadcast v2, $0x1;
	v9 =	vld [tilespmem:s0+$0x10]  }
0xc8: {  	v10 =	vbroadcast v2, $0x2;
	v11 =	vbroadcast v2, $0x3;
	v12 =	vld [tilespmem:s0+$0x0]  }
0xc9: {  	v4 =	vmul.f32 v7, v4;
	v3 =	vmul.f32 v3, v8;
	v7 =	vld [tilespmem:s0+$0x20]  }
0xca: {  	v1 =	vmul.f32 v1, v11;
	v5 =	vmul.f32 v5, v10  }
0xcb: {  	v8 =	vbroadcast v2, $0x5;
	[tilespmem:s0+$0xFFFFFFC0] =	vst v4;
	v4 =	vbroadcast v2, $0x4  }
0xcc: {  	[tilespmem:s0+$0xFFFFFFD0] =	vst v3;
	v3 =	vbroadcast v2, $0x6;
	v2 =	vbroadcast v2, $0x7  }
0xcd: {  	[tilespmem:s0+$0xFFFFFFE0] =	vst v5;
	v4 =	vmul.f32 v12, v4;
	v5 =	vmul.f32 v9, v8  }
.Ltmp4:
0xce: {  	[tilespmem:s0+$0xFFFFFFF0] =	vst v1;
	v1 =	vmul.f32 v7, v3;
	v2 =	vmul.f32 v6, v2;
	(pc) =	sbr.rel @p0 .LBB2_10-.Ltmp4, $4  }
0xcf: {  	[tilespmem:s0+$0x0] =	vst v4  }
0xd0: {  	[tilespmem:s0+$0x10] =	vst v5  }
0xd1: {  	s0 =	sadd.s32 $0x80, s0;
	[tilespmem:s3+$0x20] =	vst v1  }
0xd2: {  	s11 =	sshra.s32 s10, $0x2;
	s10 =	sadd.s32 $0x40, s10;
	v1 =	vld [tilespmem:s0+$0xFFFFFFF0];
	[tilespmem:s3+$0x30] =	vst v2;
	s3 =	smov.u32 s0  }
0xd3: {  	v2 =	vld [tilespmem:s11+$0x100];
	_ =	sdelay $0x1  }
0xd4: {  	v3 =	vld [tilespmem:s0+$0xFFFFFFC0]  }
0xd5: {  	v4 =	vld [tilespmem:s0+$0xFFFFFFD0]  }
0xd6: {  	v5 =	vld [tilespmem:s0+$0xFFFFFFE0]  }
0xd7: {  	v6 =	vbroadcast v2, $0x0  }
0xd8: {  	v9 =	vld [tilespmem:s0+$0x10];
	v7 =	vbroadcast v2, $0x1  }
0xd9: {  	v8 =	vld [tilespmem:s0+$0x0];
	v10 =	vbroadcast v2, $0x2;
	v3 =	vmul.f32 v6, v3  }
0xda: {  	v60 =	vld [tilespmem:s0+$0x20];
	v59 =	vbroadcast v2, $0x3;
	v4 =	vmul.f32 v4, v7  }
0xdb: {  	v11 =	vld [tilespmem:s0+$0x30];
	v61 =	vbroadcast v2, $0x5;
	v5 =	vmul.f32 v5, v10;
	[tilespmem:s0+$0xFFFFFFC0] =	vst v3  }
0xdc: {  	v1 =	vmul.f32 v1, v59;
	v3 =	vbroadcast v2, $0x4;
	[tilespmem:s0+$0xFFFFFFD0] =	vst v4  }
0xdd: {  	v62 =	vbroadcast v2, $0x6;
	v63 =	vmul.f32 v9, v61;
	[tilespmem:s0+$0xFFFFFFE0] =	vst v5  }
0xde: {  	v2 =	vbroadcast v2, $0x7;
	[tilespmem:s0+$0xFFFFFFF0] =	vst v1;
	v3 =	vmul.f32 v8, v3  }
0xdf: {  	v1 =	vmul.f32 v60, v62;
	[tilespmem:s0+$0x10] =	vst v63  }
0xe0: {  	v2 =	vmul.f32 v11, v2;
	[tilespmem:s0+$0x0] =	vst v3  }
0xe1: {  	[tilespmem:s3+$0x20] =	vst v1  }
0xe2: {  	[tilespmem:s3+$0x30] =	vst v2  }
0xe3: {  	[spmem:s2] =	stream.indirect.scatter.add.f32 [tilespmem:s19], [sflag:$0x3], $0x80, s21, s21, $0xb8;
	[tilespmem:$0x1D200] =	vst v63  }
0xe4: {  	_ =	swait.ge [sflag:s20], $0x4000  }
0xe5: {  	[sflag:s20] =	ssyncset.done $0x0  }
0xe6: {  	s12 =	stileid.u32;
	[sflag:s20] =	ssyncadd.s32 $0xFFFFC000  }
0xe7: {  	s0 =	sshll.u32 s12, $0x6;
	[bflag:$0x0] =	sbarrier.arrive $0xFFFF  }
0xe8: {  	s0 =	sor.u32 $0x1C03, s0;
	s13 =	rddreg [dreg:$0x7]  }
0xe9: {  	[hbm:s13], [sflag:s0] =	dma.local [spmem:s25], $0x2800  }
0xea: {  	_ =	swait.ge [sflag:s20], $0x2800  }
0xeb: {  	s4 =	sadd.s32 $0x1, s4;
	s14 =	rddreg [dreg:$0x8]  }
0xec: {  	p0 =	sne.s32 s4, s14  }
.Ltmp5:
0xed: {  	_ = 	snop;
	(pc) =	sbr.rel @p0 .LBB2_1-.Ltmp5, $3  }
0xee: {  	_ =	sdelay $0x1  }
0xef: {  	[sflag:s20] =	ssyncset.done $0x0  }
0xf0: {  	[sflag:s20] =	ssyncadd.s32 $0xFFFFD800  }
0xf1: {  	_ =	sfence.sel $0x180000  }
0xf2: {  	[bflag:$0x0] =	sbarrier.arrive $0xFFFF  }
0xf3: {  	_ =	strace $0x90000050  }
0xf4: {  	s0 =	stileid.u32;
	[bflag:$0x2] =	sbarrier.arrive $0xFFFF  }
0xf5: {  	p0 =	sne.s32 s0, $0x0;
	s0 =	rddreg [dreg:$0x3]  }
0xf6: {  	s0 =	sadd.s32 @!p0 $0x100000, s0  }
0xf7: {  	[sflag:s0] =	ssyncadd.tile.s32 @!p0 $0x1;
	_ =	shalt  }
.Lfunc_end2:
_tile_overlayer_lowered:
.L_overlay_start_2:
0xf8: {  	(tag) =	ssettag $0x2  }
0xf9: {  	s0 =	rddreg [dreg:$0x0];
	s2 =	stileid.u32  }
0xfa: {  	s1 =	rddreg [dreg:$0x1];
	p0 =	sne.s32 s2, $0x0  }
0xfb: {  	s3 =	rddreg [dreg:$0x2];
	[bflag:$0x3] =	sbarrier.arrive $0xFFFF;
	s2 =	simm.s32 @!p0 $0x1C03  }
0xfc: {  	[timem:s3], [sflag:s2] =	dma.local @!p0 [hbm:s0], s1  }
0xfd: {  	s0 =	simm.s32 @!p0 $0x3  }
0xfe: {  	_ =	swait.ge @!p0 [sflag:s0], s1  }
0xff: {  	s1 =	ssub.s32 @!p0 $0x0, s1;
	[sflag:s0] =	ssyncset.done @!p0 $0x0  }
0x100: {  	[sflag:s0] =	ssyncadd.s32 @!p0 s1  }
0x101: {  	[bflag:$0x3] =	sbarrier.arrive $0xFFFF  }
0x102: {  	_ =	shalt  }

// kernel: kernel.9.cloned.1.call-start
scs
__scs_entry_jumppad:
0x0: {  	(pc) =	sbr.rel $0x88, $3  }
0x1: {  	(tag) =	ssettag $0x0;
	lr =	simm.s32 $0x1  }
0x2: {  	[smem:$0x3F95] =	sst lr;
	_ =	strace $0xD0000000  }
0x3: {  	_ = 	snop  }
0x4: {  	_ = 	snop  }
0x5: {  	_ = 	snop  }
0x6: {  	_ = 	snop  }
0x7: {  	_ = 	snop  }
__scs_overlays_trampoline_lowered:
0x8: {  	[smem:$0x3FA4] =	sst s0  }
0x9: {  	[smem:$0x3FA5] =	sst s1  }
0xa: {  	[smem:$0x3FA6] =	sst s2  }
0xb: {  	[smem:$0x3FA7] =	sst s3  }
0xc: {  	[smem:$0x3FA8] =	sst s4  }
0xd: {  	[smem:$0x3FA9] =	sst s5  }
0xe: {  	[smem:$0x3FAA] =	sst s6  }
0xf: {  	[smem:$0x3FAB] =	sst s7  }
0x10: {  	[smem:$0x3FAC] =	sst s8  }
0x11: {  	[smem:$0x3FAD] =	sst s9;
	s0 =	simm.s32 @!p0 $0x0  }
0x12: {  	s1 =	sld [smem:$0x3F93];
	s0 =	simm.s32 @p0 $0x1  }
0x13: {  	[smem:$0x3FAE] =	sst s0;
	s0 =	simm.s32 @!p1 $0x0  }
0x14: {  	s2 =	sld [smem:$0x3F92];
	s0 =	simm.s32 @p1 $0x1  }
0x15: {  	[smem:$0x3FAF] =	sst s0;
	s0 =	simm.s32 @!p2 $0x0  }
0x16: {  	s3 =	sld [smem:$0x3FDB];
	s0 =	simm.s32 @p2 $0x1  }
0x17: {  	s4 =	simm.s32 $0x1BF5;
	[smem:$0x3FB1] =	sst s0  }
0x18: {  	s0 =	sld [smem:$0x3F94];
	_ =	swait.ge [sflag:s4], $0x0  }
0x19: {  	s7 =	sld [smem:$0x3F95]  }
0x1a: {  	s8 =	sadd.s32 $0xFFFFE003, lr  }
0x1b: {  	s9 =	sadd.s32 $0xFFFFFEF7, lr;
	s5 =	simm.s32 $0xFFFFFFFF;
	p2 =	slt.u32 s8, $0xFFFFF086  }
0x1c: {  	p1 =	slt.u32 s9, $0xF7A;
	s5 =	simm.s32 @!p2 $0x0  }
0x1d: {  	s5 =	simm.s32 @p1 $0x1;
	p0 =	seq.s32 s7, s2  }
0x1e: {  	s7 =	smul.u32 @!p0 $0xF7A, s2;
	p2 =	seq.s32 @!p0 s5, $0x0  }
0x1f: {  	s9 =	smul.u32 $0xF7A, s1;
	s8 =	simm.s32 @!p0 $0x1BF5;
	p2 =	por !p2, p0  }
0x20: {  	[sflag:s8] =	ssyncset.s32 @!p0 $0xFFFFF086;
	s6 =	sadd.s32 @!p0 s3, s7;
	s7 =	simm.s32 @!p0 $0x108  }
0x21: {  	s3 =	sadd.s32 s3, s9;
	s6 =	sadd.s32 @!p0 $0x88, s6;
	s7 =	simm.s32 @p2 $0x1082  }
0x22: {  	[simem:s7], [sflag:s8] =	dma.local @!p0 [hbm:s6], $0xF7A  }
0x23: {  	s9 =	sor.u32 $0xD0000000, s2;
	s6 =	simm.s32 $0x108;
	_ =	swait.ge @!p0 [sflag:s8], $0x0  }
0x24: {  	s3 =	sadd.s32 $0x88, s3;
	s6 =	simm.s32 @!p1 $0x1082;
	[sflag:s4] =	ssyncset.s32 $0xFFFFF086  }
0x25: {  	[simem:s6], [sflag:s4] =	dma.local [hbm:s3], $0xF7A  }
0x26: {  	[smem:$0x3F95] =	sst s1;
	(tag) =	ssettag s2;
	_ =	strace s9  }
0x27: {  	s1 =	sld [smem:$0x3FA5]  }
0x28: {  	s2 =	sld [smem:$0x3FA6]  }
0x29: {  	s4 =	sld [smem:$0x3FA8]  }
0x2a: {  	p0 =	seq.s32 s5, $0x0;
	s5 =	sld [smem:$0x3FA9]  }
0x2b: {  	s6 =	sld [smem:$0x3FAA]  }
0x2c: {  	s7 =	sld [smem:$0x3FAB]  }
0x2d: {  	s3 =	simm.s32 $0x108;
	s8 =	sld [smem:$0x3FAC]  }
0x2e: {  	s3 =	simm.s32 @!p0 $0x1082;
	s9 =	sld [smem:$0x3FAD]  }
0x2f: {  	lr =	sadd.s32 s0, s3;
	s0 =	sld [smem:$0x3FA4]  }
0x30: {  	s3 =	sld [smem:$0x3FA7]  }
0x31: {  	[smem:$0x3FB0] =	sst s10  }
0x32: {  	s10 =	sld [smem:$0x3FAE];
	_ =	sdelay $0x3  }
0x33: {  	p0 =	seq.s32 s10, $0x1;
	s10 =	sld [smem:$0x3FB0];
	_ =	sdelay $0x3  }
0x34: {  	[smem:$0x3FB0] =	sst s10  }
0x35: {  	s10 =	sld [smem:$0x3FAF];
	_ =	sdelay $0x3  }
0x36: {  	p1 =	seq.s32 s10, $0x1;
	s10 =	sld [smem:$0x3FB0];
	_ =	sdelay $0x3  }
0x37: {  	[smem:$0x3FB0] =	sst s10  }
0x38: {  	s10 =	sld [smem:$0x3FB1]  }
0x39: {  	_ = 	snop;
	(pc) =	sbr.ind lr, $3  }
0x3a: {  	_ = 	snop  }
0x3b: {  	_ = 	snop  }
0x3c: {  	p2 =	seq.s32 s10, $0x1;
	s10 =	sld [smem:$0x3FB0]  }
0x3d: {  	_ =	shalt  }
0x3e: {  	_ =	shalt  }
0x3f: {  	_ =	shalt  }
0x40: {  	_ =	shalt  }
0x41: {  	_ =	shalt  }
0x42: {  	_ =	shalt  }
0x43: {  	_ =	shalt  }
0x44: {  	_ =	shalt  }
0x45: {  	_ =	shalt  }
0x46: {  	_ =	shalt  }
0x47: {  	_ =	shalt  }
0x48: {  	_ =	shalt  }
0x49: {  	_ =	shalt  }
0x4a: {  	_ =	shalt  }
0x4b: {  	_ =	shalt  }
0x4c: {  	_ =	shalt  }
0x4d: {  	_ =	shalt  }
0x4e: {  	_ =	shalt  }
0x4f: {  	_ =	shalt  }
0x50: {  	_ =	shalt  }
0x51: {  	_ =	shalt  }
0x52: {  	_ =	shalt  }
0x53: {  	_ =	shalt  }
0x54: {  	_ =	shalt  }
0x55: {  	_ =	shalt  }
0x56: {  	_ =	shalt  }
0x57: {  	_ =	shalt  }
0x58: {  	_ =	shalt  }
0x59: {  	_ =	shalt  }
0x5a: {  	_ =	shalt  }
0x5b: {  	_ =	shalt  }
0x5c: {  	_ =	shalt  }
0x5d: {  	_ =	shalt  }
0x5e: {  	_ =	shalt  }
0x5f: {  	_ =	shalt  }
0x60: {  	_ =	shalt  }
0x61: {  	_ =	shalt  }
0x62: {  	_ =	shalt  }
0x63: {  	_ =	shalt  }
0x64: {  	_ =	shalt  }
0x65: {  	_ =	shalt  }
0x66: {  	_ =	shalt  }
0x67: {  	_ =	shalt  }
0x68: {  	_ =	shalt  }
0x69: {  	_ =	shalt  }
0x6a: {  	_ =	shalt  }
0x6b: {  	_ =	shalt  }
0x6c: {  	_ =	shalt  }
0x6d: {  	_ =	shalt  }
0x6e: {  	_ =	shalt  }
0x6f: {  	_ =	shalt  }
0x70: {  	_ =	shalt  }
0x71: {  	_ =	shalt  }
0x72: {  	_ =	shalt  }
0x73: {  	_ =	shalt  }
0x74: {  	_ =	shalt  }
0x75: {  	_ =	shalt  }
0x76: {  	_ =	shalt  }
0x77: {  	_ =	shalt  }
0x78: {  	_ =	shalt  }
0x79: {  	_ =	shalt  }
0x7a: {  	_ =	shalt  }
0x7b: {  	_ =	shalt  }
0x7c: {  	_ =	shalt  }
0x7d: {  	_ =	shalt  }
0x7e: {  	_ =	shalt  }
0x7f: {  	_ =	shalt  }
0x80: {  	_ =	shalt  }
0x81: {  	_ =	shalt  }
0x82: {  	_ =	shalt  }
0x83: {  	_ =	shalt  }
0x84: {  	_ =	shalt  }
0x85: {  	_ =	shalt  }
0x86: {  	_ =	shalt  }
0x87: {  	_ =	shalt  }
.Lfunc_end0:
.L_simem_size_0:
called_computation_lowered:
.L_overlay_start_0:
0x88: {  	s2 =	sld [smem:$0x3FD9]  }
0x89: {  	s3 =	sld [smem:$0x3FFE];
	_ =	sdelay $0x1  }
0x8a: {  	s1 =	srdreg.scid  }
0x8b: {  	s0 =	sand.u32 $0x1, s1  }
0x8c: {  	s17 =	sshll.u32 s0, $0xA;
	s2 =	sadd.s32 s3, s2  }
0x8d: {  	s2 =	sadd.s32 s2, s17  }
0x8e: {  	[smem:$0x3FBC] =	sst s2  }
0x8f: {  	_ = 	snop  }
0x90: {  	s2 =	sld [smem:$0x3FD0];
	(tm) =	ssettm $0x1  }
0x91: {  	s18 =	sld [smem:$0x3FFB];
	_ =	sdelay $0x3  }
0x92: {  	_ =	strace s18  }
0x93: {  	s3 =	sld [smem:$0x3FFC];
	_ =	sdelay $0x3  }
0x94: {  	_ =	strace s3  }
0x95: {  	s3 =	sld [smem:$0x3FFD];
	_ =	sdelay $0x3  }
0x96: {  	_ =	strace s3  }
0x97: {  	_ =	strace $0x8FFFFFFF  }
0x98: {  	s19 =	sld [smem:$0x3FDB];
	_ =	sdelay $0x1  }
0x99: {  	s4 =	simm.s32 $_scs_section_size  }
0x9a: {  	s5 =	simm.s32 $_size__tile_overlayer_lowered;
	s6 =	simm.s32 $_tile_overlayer_lowered  }
0x9b: {  	s22 =	simm.s32 $0x1BFF;
	s21 =	sshll.u32 s6, $0x1;
	s3 =	sadd.s32 s4, s19  }
0x9c: {  	s7 =	simm.s32 $0x0;
	s20 =	sshll.u32 s5, $0x1;
	s5 =	sadd.s32 s21, s3  }
0x9d: {  	[timem:s7], [sflag:s22] =	dma.local [hbm:s5], s20  }
0x9e: {  	_ =	swait.ge [sflag:s22], s20  }
0x9f: {  	s4 =	ssub.s32 $0x0, s20;
	[sflag:s22] =	ssyncset.done $0x0  }
0xa0: {  	[sflag:s22] =	ssyncadd.s32 s4;
	_ =	sdelay $0x1  }
0xa1: {  	s23 =	simm.s32 $0x1B8B  }
0xa2: {  	_ =	swait.ge [sflag:s23], $0x1  }
0xa3: {  	[sflag:s23] =	ssyncset.done $0x0  }
0xa4: {  	s25 =	simm.s32 $0x1B8E;
	s24 =	sld [smem:$0x3FFE];
	[sflag:s23] =	ssyncadd.s32 $0xFFFFFFFF  }
0xa5: {  	s26 =	simm.s32 $execute0_lowered;
	[smem:$0x3FD2] =	sst s25  }
0xa6: {  	s5 =	sshll.u32 s26, $0x1;
	_ =	strace $0x80000046;
	[dreg:$0x1] =	wrdreg $0xFFFFFFFF  }
0xa7: {  	s28 =	simm.s32 $_size_execute0_lowered;
	s3 =	sadd.s32 s3, s5;
	[dreg:$0x0] =	wrdreg $0x0  }
0xa8: {  	s5 =	sshll.u32 s28, $0x1;
	[dreg:$0x2] =	wrdreg s3  }
0xa9: {  	[dreg:$0x3] =	wrdreg s5  }
0xaa: {  	[dreg:$0x4] =	wrdreg $0xC0  }
0xab: {  	_ =	task [dreg:s7], $0x5FFFF  }
0xac: {  	[dreg:$0x1] =	wrdreg $0xFFFFFFFF  }
0xad: {  	[dreg:$0x0] =	wrdreg $0x60  }
0xae: {  	[dreg:$0x2] =	wrdreg s2  }
0xaf: {  	[dreg:$0x3] =	wrdreg s24  }
0xb0: {  	[dreg:$0x4] =	wrdreg $0x32000  }
0xb1: {  	[dreg:$0x5] =	wrdreg $0x9  }
0xb2: {  	_ =	task.clear_ibuf [dreg:s7], $0x6FFFF;
	_ =	strace $0x90000046  }
0xb3: {  	s29 =	simm.s32 $0x9;
	_ =	strace $0x80000048  }
0xb4: {  	_ =	swait.ge [sflag:s29], $0x1  }
0xb5: {  	[sflag:s29] =	ssyncadd.s32 $0xFFFFFFFF  }
0xb6: {  	_ =	strace $0x90000048  }
0xb7: {  	_ =	sfence  }
0xb8: {  	s30 =	sld [smem:$0x0];
	_ =	sdelay $0x2  }
0xb9: {  	s31 =	sshll.u32 s1, $0xD;
	s1 =	sshrl.u32 s1, $0x2  }
0xba: {  	s3 =	sand.u32 $0x4000, s31;
	s1 =	sadd.s32 s1, s30  }
0xbb: {  	s0 =	sor.u32 s3, s0;
	s1 =	sshll.u32 s1, $0x11  }
0xbc: {  	s0 =	sor.u32 s1, s0  }
0xbd: {  	s0 =	sadd.s32 $0x8F2B, s0  }
0xbe: {  	[sflag:s0] =	ssyncadd.remote.s32 $0x1  }
0xbf: {  	_ =	sfence.sel $0xFFFF  }
0xc0: {  	[dreg:$0x0] =	wrdreg $0xFFFFFFFF;
	(pc) =	sbr.abs _section_cstart, $3  }
0xc1: {  	[dreg:$0x1] =	wrdreg $0xFFFFFFFF  }
0xc2: {  	_ =	task.clear_ibuf [dreg:s7], $0x2FFFF;
	_ =	strace $0x9FFFFFFF  }
0xc3: {  	(tm) =	ssettm $0x7FFFFFFF  }
tec
execute0_lowered:
.L_overlay_start_1:
0x0: {  	(tag) =	ssettag $0x1  }
0x1: {  	s1 =	rddreg [dreg:$0x0]  }
0x2: {  	s0 =	rddreg [dreg:$0x1]  }
0x3: {  	s2 =	rddreg [dreg:$0x2];
	s3 =	simm.s32 $0x0;
	s4 =	srdreg.scid  }
0x4: {  	s15 =	stileid.u32;
	s20 =	simm.s32 $0x1100;
	s21 =	simm.s32 $0x5  }
0x5: {  	s22 =	simm.s32 $0x80;
	s23 =	simm.s32 $0x100;
	s28 =	simm.s32 $0x1980  }
0x6: {  	s29 =	simm.s32 $0x1A00;
	s30 =	simm.s32 $0x2200;
	s31 =	simm.s32 $0x1  }
0x7: {  	[smem:$0x7FF] =	sst s3;
	s5 =	sadd.s32 $0x35200, s0;
	s4 =	sand.u32 $0x1, s4  }
0x8: {  	s6 =	sadd.s32 $0x2B200, s0;
	s7 =	sadd.s32 $0x30200, s0;
	s10 =	smul.u32 $0x2800, s15  }
0x9: {  	s8 =	sadd.s32 $0x49400, s0;
	s12 =	smul.u32 $0xA000, s15;
	_ =	strace $0x80000047  }
0xa: {  	s9 =	smul.u32 $0x28000, s4;
	s11 =	sshll.u32 s4, $0x4;
	s4 =	ssub.s32 $0x2, s4  }
0xb: {  	s11 =	sor.u32 s15, s11;
	s14 =	sshrl.u32 s4, $0x1;
	s12 =	sshrl.u32 s12, $0x2  }
0xc: {  	s19 =	sadd.s32 s10, s2;
	s13 =	sadd.s32 s10, s9;
	s9 =	smul.u32 $0x2880, s11  }
0xd: {  	s11 =	smul.u32 $0x28800, s11;
	s4 =	ssub.s32 s4, s14;
	s16 =	sadd.s32 s12, s2  }
0xe: {  	s10 =	simm.s32 $0x0;
	s4 =	smax.u32 s4, $0x1;
	[dreg:$0x4] =	wrdreg s16  }
0xf: {  	s13 =	sshrl.u32 s13, $0x3;
	s24 =	sadd.s32 $0x800, s16;
	[dreg:$0x9] =	wrdreg s4  }
0x10: {  	s25 =	sadd.s32 $0x1000, s16;
	s26 =	sadd.s32 $0x1800, s16;
	[dreg:$0xa] =	wrdreg s24  }
0x11: {  	s3 =	sadd.s32 $0x2000, s16;
	s0 =	sadd.s32 s13, s0;
	[dreg:$0xb] =	wrdreg s25  }
0x12: {  	s17 =	sshrl.u32 s9, $0x3;
	s11 =	sshrl.u32 s11, $0x3;
	[dreg:$0xc] =	wrdreg s26  }
0x13: {  	[dreg:$0xd] =	wrdreg s3;
	s24 =	simm.s32 $0x900;
	s18 =	sadd.s32 s1, s17  }
0x14: {  	s26 =	simm.s32 $0x1900;
	s12 =	sadd.s32 s5, s17;
	[dreg:$0x5] =	wrdreg s18  }
0x15: {  	s11 =	sadd.s32 s8, s11;
	s0 =	sadd.s32 $0x3F400, s0;
	[dreg:$0x6] =	wrdreg s12  }
0x16: {  	s4 =	simm.s32 $0x3;
	s11 =	sadd.s32 $0x5000, s11;
	[dreg:$0x8] =	wrdreg s0  }
0x17: {  	s0 =	sshrl.u32 s19, $0x3;
	s12 =	simm.s32 $0x2A00;
	[dreg:$0x7] =	wrdreg s11  }
0x18: {  	v0 =	vimm.f32 $0.0e+00;
	[dreg:$0xe] =	wrdreg s0;
	s0 =	simm.s32 $0x2;
	s11 =	simm.s32 $0x4  }
.LBB2_1:
0x19: {  	[dreg:$0xf] =	wrdreg s10;
	s10 =	simm.s32 $0x40;
	s13 =	simm.s32 $0x0  }
.LBB2_2:
0x1a: {  	p0 =	sne.s32 s10, $0x1FC0;
	[tilespmem:s13+$0x1100] =	vst v0;
	s13 =	smov.u32 s10;
	s10 =	sadd.s32 $0x40, s10  }
.Ltmp0:
0x1b: {  	(pc) =	sbr.rel @p0 .LBB2_2-.Ltmp0, $2  }
0x1c: {  	_ =	sdelay $0x2  }
0x1d: {  	s13 =	sshra.s32 s13, $0x2  }
0x1e: {  	[tilespmem:s13+$0x1100] =	vst v0;
	s3 =	rddreg [dreg:$0x4]  }
0x1f: {  	[spmem:s3] =	stream.linear.scatter [tilespmem:s20], [sflag:$0x5], $0x800, $0x38;
	[tilespmem:$0x5A00] =	vst v63  }
0x20: {  	_ =	swait.ge [sflag:s21], $0x800  }
0x21: {  	[sflag:s21] =	ssyncset.done $0x0  }
0x22: {  	s15 =	rddreg [dreg:$0xa];
	[sflag:s21] =	ssyncadd.s32 $0xFFFFF800  }
0x23: {  	[spmem:s15] =	stream.linear.scatter [tilespmem:s20], [sflag:$0x5], $0x800, $0x38;
	[tilespmem:$0x5A00] =	vst v63  }
0x24: {  	_ =	swait.ge [sflag:s21], $0x800  }
0x25: {  	[sflag:s21] =	ssyncset.done $0x0  }
0x26: {  	s16 =	rddreg [dreg:$0xb];
	[sflag:s21] =	ssyncadd.s32 $0xFFFFF800  }
0x27: {  	[spmem:s16] =	stream.linear.scatter [tilespmem:s20], [sflag:$0x5], $0x800, $0x38;
	[tilespmem:$0x5A00] =	vst v63  }
0x28: {  	_ =	swait.ge [sflag:s21], $0x800  }
0x29: {  	[sflag:s21] =	ssyncset.done $0x0  }
0x2a: {  	s17 =	rddreg [dreg:$0xc];
	[sflag:s21] =	ssyncadd.s32 $0xFFFFF800  }
0x2b: {  	[spmem:s17] =	stream.linear.scatter [tilespmem:s20], [sflag:$0x5], $0x800, $0x38;
	[tilespmem:$0x5A00] =	vst v63  }
0x2c: {  	_ =	swait.ge [sflag:s21], $0x800  }
0x2d: {  	[sflag:s21] =	ssyncset.done $0x0  }
0x2e: {  	s18 =	rddreg [dreg:$0xd];
	[sflag:s21] =	ssyncadd.s32 $0xFFFFF800  }
0x2f: {  	[spmem:s18] =	stream.linear.scatter [tilespmem:s20], [sflag:$0x5], $0x800, $0x38;
	[tilespmem:$0x5A00] =	vst v63  }
0x30: {  	_ =	swait.ge [sflag:s21], $0x800  }
0x31: {  	[sflag:s21] =	ssyncset.done $0x0  }
0x32: {  	[sflag:s21] =	ssyncadd.s32 $0xFFFFF800  }
0x33: {  	[bflag:$0x0] =	sbarrier.arrive $0xFFFF  }
0x34: {  	s14 =	simm.s32 $0x0;
	s19 =	rddreg [dreg:$0x5]  }
0x35: {  	[tilespmem:s14], [sflag:$0x5] =	stream.linear.gather [hbm4b:s19+s14], $0x80, $0x38;
	[tilespmem:$0x5A00] =	vst v63  }
0x36: {  	_ =	swait.ge [sflag:s21], $0x80  }
0x37: {  	[sflag:s21] =	ssyncset.done $0x0  }
0x38: {  	s25 =	rddreg [dreg:$0x6];
	[sflag:s21] =	ssyncadd.s32 $0xFFFFFF80  }
0x39: {  	[tilespmem:s22], [sflag:$0x5] =	stream.linear.gather [hbm4b:s25+s14], $0x80, $0x38;
	[tilespmem:$0x5A00] =	vst v63  }
0x3a: {  	_ =	swait.ge [sflag:s21], $0x80  }
0x3b: {  	[sflag:s21] =	ssyncset.done $0x0  }
0x3c: {  	[sflag:s21] =	ssyncadd.s32 $0xFFFFFF80  }
0x3d: {  	[tilespmem:s23], [sflag:$0x1] =	stream.indirect.gather [hbm4b:s6+s22], $0x10, s14, s22, $0xb8;
	[tilespmem:$0x5A00] =	vst v63  }
0x3e: {  	s15 =	simm.s32 $0x0  }
0x3f: {  	[tilespmem:s24], [sflag:$0x2] =	stream.indirect.gather [hbm4b:s7+s22], $0x10, s22, s22, $0xb8;
	[tilespmem:$0x5A00] =	vst v63  }
.LBB2_4:
0x40: {  	s10 =	sshll.u32 s15, $0x8  }
0x41: {  	s17 =	sadd.s32 s9, s10  }
0x42: {  	s16 =	sadd.s32 $0x80, s17  }
0x43: {  	s25 =	sshrl.u32 s16, $0x3  }
0x44: {  	s13 =	sadd.s32 s1, s25  }
0x45: {  	[tilespmem:s26], [sflag:$0x5] =	stream.linear.gather [hbm4b:s13+s14], $0x80, $0x38;
	[tilespmem:$0x5A00] =	vst v63  }
0x46: {  	_ =	swait.ge [sflag:s21], $0x80  }
0x47: {  	[sflag:s21] =	ssyncset.done $0x0  }
0x48: {  	s10 =	sadd.s32 s5, s25;
	[sflag:s21] =	ssyncadd.s32 $0xFFFFFF80  }
0x49: {  	[tilespmem:s28], [sflag:$0x5] =	stream.linear.gather [hbm4b:s10+s14], $0x80, $0x38;
	[tilespmem:$0x5A00] =	vst v63  }
0x4a: {  	_ =	swait.ge [sflag:s21], $0x80  }
0x4b: {  	[sflag:s21] =	ssyncset.done $0x0  }
0x4c: {  	[sflag:s21] =	ssyncadd.s32 $0xFFFFFF80  }
0x4d: {  	[tilespmem:s29], [sflag:$0x3] =	stream.indirect.gather [hbm4b:s6+s22], $0x10, s26, s22, $0xb8;
	[tilespmem:$0x5A00] =	vst v63  }
0x4e: {  	_ = 	snop  }
0x4f: {  	[tilespmem:s30], [sflag:$0x4] =	stream.indirect.gather [hbm4b:s7+s22], $0x10, s28, s22, $0xb8;
	[tilespmem:$0x5A00] =	vst v63  }
0x50: {  	_ =	swait.ge [sflag:s31], $0x800  }
0x51: {  	[sflag:s31] =	ssyncset.done $0x0  }
0x52: {  	[sflag:s31] =	ssyncadd.s32 $0xFFFFF800  }
0x53: {  	_ =	swait.ge [sflag:s0], $0x800  }
0x54: {  	[sflag:s0] =	ssyncset.done $0x0  }
0x55: {  	s18 =	simm.s32 $0x0;
	[sflag:s0] =	ssyncadd.s32 $0xFFFFF800  }
0x56: {  	v1 =	vld [tilespmem:s18+$0x100]  }
0x57: {  	v2 =	vld [tilespmem:s18+$0x900];
	_ =	sdelay $0x4  }
0x58: {  	v1 =	vadd.f32 v2, v1;
	_ =	sdelay $0x1  }
0x59: {  	s19 =	simm.s32 $0x10;
	v2 =	vmul.f32 $2.000000030e-01, v1  }
0x5a: {  	v3 =	vld [tilespmem:s19+$0x100];
	vm0 =	vgt.f32 v1, $0.0e+00  }
0x5b: {  	v4 =	vld [tilespmem:s19+$0x900];
	v1 =	vsel vm0, v1, v2  }
0x5c: {  	s10 =	simm.s32 $0x20;
	v1 =	vmul.f32 $1.442695020e+00, v1  }
0x5d: {  	v2 =	vld [tilespmem:s10+$0x100]  }
0x5e: {  	(erf) = vpow2.f32 v1;
	v1 =	vld [tilespmem:s10+$0x900];
	_ =	sdelay $0x1  }
0x5f: {  	v3 =	vadd.f32 v4, v3;
	_ =	sdelay $0x1  }
0x60: {  	v4 =	vmul.f32 $2.000000030e-01, v3  }
0x61: {  	vm14 =	vgt.f32 v3, $0.0e+00;
	v5 =	vadd.f32 v1, v2  }
0x62: {  	v1 =	vsel vm14, v3, v4  }
0x63: {  	s25 =	simm.s32 $0x30;
	v2 =	vmul.f32 $1.442695020e+00, v1;
	v3 =	vmul.f32 $2.000000030e-01, v5  }
0x64: {  	v1 =	vld [tilespmem:s25+$0x100]  }
0x65: {  	(erf) = vpow2.f32 v2;
	v2 =	vld [tilespmem:s25+$0x900]  }
0x66: {  	vm15 =	vgt.f32 v5, $0.0e+00  }
0x67: {  	s13 =	simm.s32 $0x100;
	v4 =	vsel vm15, v5, v3;
	v3 =	vpop (erf)  }
.LBB2_5:
0x68: {  	s3 =	sshra.s32 s13, $0x2  }
0x69: {  	v4 =	vmul.f32 $1.442695020e+00, v4;
	[tilespmem:s18+$0x1100] =	vst v3;
	s18 =	smov.u32 s19;
	s19 =	smov.u32 s10;
	p0 =	sne.s32 s13, $0x1FC0  }
.Ltmp1:
0x6a: {  	s13 =	sadd.s32 $0x40, s13;
	v3 =	vadd.f32 v2, v1;
	v1 =	vld [tilespmem:s3+$0x100];
	(pc) =	sbr.rel @p0 .LBB2_5-.Ltmp1, $4  }
0x6b: {  	s10 =	smov.u32 s25;
	s25 =	smov.u32 s3;
	v2 =	vld [tilespmem:s3+$0x900];
	(erf) = vpow2.f32 v4  }
0x6c: {  	v4 =	vmul.f32 $2.000000030e-01, v3  }
0x6d: {  	vm0 =	vgt.f32 v3, $0.0e+00  }
0x6e: {  	v4 =	vsel vm0, v3, v4;
	v3 =	vpop (erf)  }
0x6f: {  	_ = 	snop  }
0x70: {  	v1 =	vadd.f32 v2, v1;
	_ =	sdelay $0x1  }
0x71: {  	v2 =	vmul.f32 $2.000000030e-01, v1  }
0x72: {  	vm0 =	vgt.f32 v1, $0.0e+00  }
0x73: {  	v4 =	vmul.f32 $1.442695020e+00, v4;
	v1 =	vsel vm0, v1, v2  }
0x74: {  	v1 =	vmul.f32 $1.442695020e+00, v1  }
0x75: {  	(erf) = vpow2.f32 v4  }
0x76: {  	(erf) = vpow2.f32 v1;
	_ =	sdelay $0x6  }
0x77: {  	[tilespmem:s18+$0x1100] =	vst v3;
	v1 =	vpop (erf)  }
0x78: {  	[tilespmem:s19+$0x1100] =	vst v1;
	v1 =	vpop (erf)  }
0x79: {  	s3 =	sshll.u32 s17, $0x1;
	[tilespmem:s10+$0x1100] =	vst v1;
	v1 =	vpop (erf)  }
0x7a: {  	s3 =	sadd.s32 s8, s3;
	s19 =	simm.s32 $0x0;
	[tilespmem:s25+$0x1100] =	vst v1  }
0x7b: {  	[hbm4b:s3+s19] =	stream.linear.scatter [tilespmem:s20], [sflag:$0x5], $0x800, $0x38;
	[tilespmem:$0x5A00] =	vst v63  }
0x7c: {  	_ =	swait.ge [sflag:s21], $0x800  }
0x7d: {  	[sflag:s21] =	ssyncset.done $0x0  }
0x7e: {  	[sflag:s21] =	ssyncadd.s32 $0xFFFFF800  }
0x7f: {  	[spmem:s2] =	stream.indirect.scatter.add.f32 [tilespmem:s20], [sflag:$0x5], $0x10, s22, s22, $0xb8;
	[tilespmem:$0x5A00] =	vst v63  }
0x80: {  	s25 =	sshrl.u32 s17, $0x3;
	_ =	swait.ge [sflag:s21], $0x800  }
0x81: {  	s3 =	sadd.s32 $0x20, s25;
	[sflag:s21] =	ssyncset.done $0x0  }
0x82: {  	s13 =	sadd.s32 s1, s3;
	[sflag:s21] =	ssyncadd.s32 $0xFFFFF800  }
0x83: {  	[tilespmem:s19], [sflag:$0x5] =	stream.linear.gather [hbm4b:s13+s19], $0x80, $0x38;
	[tilespmem:$0x5A00] =	vst v63  }
0x84: {  	_ =	swait.ge [sflag:s21], $0x80  }
0x85: {  	[sflag:s21] =	ssyncset.done $0x0  }
0x86: {  	s3 =	sadd.s32 s5, s3;
	[sflag:s21] =	ssyncadd.s32 $0xFFFFFF80  }
0x87: {  	[tilespmem:s22], [sflag:$0x5] =	stream.linear.gather [hbm4b:s3+s19], $0x80, $0x38;
	[tilespmem:$0x5A00] =	vst v63  }
0x88: {  	_ =	swait.ge [sflag:s21], $0x80  }
0x89: {  	[sflag:s21] =	ssyncset.done $0x0  }
0x8a: {  	[sflag:s21] =	ssyncadd.s32 $0xFFFFFF80  }
0x8b: {  	[tilespmem:s23], [sflag:$0x1] =	stream.indirect.gather [hbm4b:s6+s22], $0x10, s19, s22, $0xb8;
	[tilespmem:$0x5A00] =	vst v63  }
0x8c: {  	_ = 	snop  }
0x8d: {  	[tilespmem:s24], [sflag:$0x2] =	stream.indirect.gather [hbm4b:s7+s22], $0x10, s22, s22, $0xb8;
	[tilespmem:$0x5A00] =	vst v63  }
0x8e: {  	_ =	swait.ge [sflag:s4], $0x800  }
0x8f: {  	[sflag:s4] =	ssyncset.done $0x0  }
0x90: {  	[sflag:s4] =	ssyncadd.s32 $0xFFFFF800  }
0x91: {  	_ =	swait.ge [sflag:s11], $0x800  }
0x92: {  	[sflag:s11] =	ssyncset.done $0x0  }
0x93: {  	s17 =	simm.s32 $0x0;
	[sflag:s11] =	ssyncadd.s32 $0xFFFFF800  }
0x94: {  	v1 =	vld [tilespmem:s17+$0x1A00]  }
0x95: {  	v2 =	vld [tilespmem:s17+$0x2200];
	_ =	sdelay $0x4  }
0x96: {  	v1 =	vadd.f32 v2, v1;
	_ =	sdelay $0x1  }
0x97: {  	s18 =	simm.s32 $0x10;
	v2 =	vmul.f32 $2.000000030e-01, v1  }
0x98: {  	v3 =	vld [tilespmem:s18+$0x1A00];
	vm13 =	vgt.f32 v1, $0.0e+00  }
0x99: {  	v4 =	vld [tilespmem:s18+$0x2200];
	v1 =	vsel vm13, v1, v2  }
0x9a: {  	s25 =	simm.s32 $0x20;
	v1 =	vmul.f32 $1.442695020e+00, v1  }
0x9b: {  	v2 =	vld [tilespmem:s25+$0x1A00]  }
0x9c: {  	(erf) = vpow2.f32 v1;
	v1 =	vld [tilespmem:s25+$0x2200];
	_ =	sdelay $0x1  }
0x9d: {  	v3 =	vadd.f32 v4, v3;
	_ =	sdelay $0x1  }
0x9e: {  	v4 =	vmul.f32 $2.000000030e-01, v3  }
0x9f: {  	vm14 =	vgt.f32 v3, $0.0e+00;
	v5 =	vadd.f32 v1, v2  }
0xa0: {  	v1 =	vsel vm14, v3, v4  }
0xa1: {  	s19 =	simm.s32 $0x30;
	v2 =	vmul.f32 $1.442695020e+00, v1;
	v3 =	vmul.f32 $2.000000030e-01, v5  }
0xa2: {  	v1 =	vld [tilespmem:s19+$0x1A00]  }
0xa3: {  	(erf) = vpow2.f32 v2;
	v2 =	vld [tilespmem:s19+$0x2200]  }
0xa4: {  	vm15 =	vgt.f32 v5, $0.0e+00  }
0xa5: {  	s10 =	simm.s32 $0x100;
	v4 =	vsel vm15, v5, v3;
	v3 =	vpop (erf)  }
.LBB2_7:
0xa6: {  	s3 =	sshra.s32 s10, $0x2  }
0xa7: {  	v4 =	vmul.f32 $1.442695020e+00, v4;
	[tilespmem:s17+$0x2A00] =	vst v3;
	s17 =	smov.u32 s18;
	s18 =	smov.u32 s25;
	p0 =	sne.s32 s10, $0x1FC0  }
.Ltmp2:
0xa8: {  	s10 =	sadd.s32 $0x40, s10;
	v3 =	vadd.f32 v2, v1;
	v1 =	vld [tilespmem:s3+$0x1A00];
	(pc) =	sbr.rel @p0 .LBB2_7-.Ltmp2, $4  }
0xa9: {  	s25 =	smov.u32 s19;
	s19 =	smov.u32 s3;
	v2 =	vld [tilespmem:s3+$0x2200];
	(erf) = vpow2.f32 v4  }
0xaa: {  	v4 =	vmul.f32 $2.000000030e-01, v3  }
0xab: {  	vm0 =	vgt.f32 v3, $0.0e+00  }
0xac: {  	v4 =	vsel vm0, v3, v4;
	v3 =	vpop (erf)  }
0xad: {  	_ = 	snop  }
0xae: {  	v1 =	vadd.f32 v2, v1;
	_ =	sdelay $0x1  }
0xaf: {  	v2 =	vmul.f32 $2.000000030e-01, v1  }
0xb0: {  	vm0 =	vgt.f32 v1, $0.0e+00  }
0xb1: {  	v1 =	vsel vm0, v1, v2;
	v2 =	vmul.f32 $1.442695020e+00, v4  }
0xb2: {  	v1 =	vmul.f32 $1.442695020e+00, v1  }
0xb3: {  	(erf) = vpow2.f32 v2  }
0xb4: {  	(erf) = vpow2.f32 v1;
	_ =	sdelay $0x6  }
0xb5: {  	[tilespmem:s17+$0x2A00] =	vst v3;
	v1 =	vpop (erf)  }
0xb6: {  	s3 =	sshll.u32 s16, $0x1;
	[tilespmem:s18+$0x2A00] =	vst v1;
	v1 =	vpop (erf)  }
0xb7: {  	s3 =	sand.u32 $0x1FFFFF00, s3;
	[tilespmem:s25+$0x2A00] =	vst v1;
	v1 =	vpop (erf)  }
0xb8: {  	s10 =	simm.s32 $0x0;
	s3 =	sadd.s32 s8, s3;
	[tilespmem:s19+$0x2A00] =	vst v1  }
0xb9: {  	[hbm4b:s3+s10] =	stream.linear.scatter [tilespmem:s12], [sflag:$0x5], $0x800, $0x38;
	[tilespmem:$0x5A00] =	vst v63  }
0xba: {  	s15 =	sadd.s32 $0x1, s15;
	_ =	swait.ge [sflag:s21], $0x800  }
0xbb: {  	p0 =	sne.s32 s15, $0x28;
	[sflag:s21] =	ssyncset.done $0x0  }
.Ltmp3:
0xbc: {  	[sflag:s21] =	ssyncadd.s32 $0xFFFFF800;
	(pc) =	sbr.rel @p0 .LBB2_4-.Ltmp3, $4  }
0xbd: {  	[spmem:s2] =	stream.indirect.scatter.add.f32 [tilespmem:s12], [sflag:$0x5], $0x10, s28, s22, $0xb8;
	[tilespmem:$0x5A00] =	vst v63  }
0xbe: {  	_ =	swait.ge [sflag:s21], $0x800  }
0xbf: {  	[sflag:s21] =	ssyncset.done $0x0  }
0xc0: {  	[sflag:s21] =	ssyncadd.s32 $0xFFFFF800  }
0xc1: {  	_ =	swait.ge [sflag:s31], $0x800  }
0xc2: {  	[sflag:s31] =	ssyncset.done $0x0  }
0xc3: {  	[sflag:s31] =	ssyncadd.s32 $0xFFFFF800  }
0xc4: {  	_ =	swait.ge [sflag:s0], $0x800  }
0xc5: {  	[sflag:s0] =	ssyncset.done $0x0  }
0xc6: {  	s14 =	simm.s32 $0x0;
	[sflag:s0] =	ssyncadd.s32 $0xFFFFF800  }
0xc7: {  	v1 =	vld [tilespmem:s14+$0x100]  }
0xc8: {  	v2 =	vld [tilespmem:s14+$0x900];
	_ =	sdelay $0x4  }
0xc9: {  	v1 =	vadd.f32 v2, v1;
	_ =	sdelay $0x1  }
0xca: {  	s15 =	simm.s32 $0x10;
	v2 =	vmul.f32 $2.000000030e-01, v1  }
0xcb: {  	v3 =	vld [tilespmem:s15+$0x100];
	vm0 =	vgt.f32 v1, $0.0e+00  }
0xcc: {  	v4 =	vld [tilespmem:s15+$0x900];
	v1 =	vsel vm0, v1, v2  }
0xcd: {  	s10 =	simm.s32 $0x20;
	v1 =	vmul.f32 $1.442695020e+00, v1  }
0xce: {  	v2 =	vld [tilespmem:s10+$0x100]  }
0xcf: {  	(erf) = vpow2.f32 v1;
	v1 =	vld [tilespmem:s10+$0x900];
	_ =	sdelay $0x1  }
0xd0: {  	v3 =	vadd.f32 v4, v3;
	_ =	sdelay $0x1  }
0xd1: {  	v4 =	vmul.f32 $2.000000030e-01, v3  }
0xd2: {  	vm14 =	vgt.f32 v3, $0.0e+00;
	v5 =	vadd.f32 v1, v2  }
0xd3: {  	v1 =	vsel vm14, v3, v4  }
0xd4: {  	s16 =	simm.s32 $0x30;
	v2 =	vmul.f32 $1.442695020e+00, v1;
	v3 =	vmul.f32 $2.000000030e-01, v5  }
0xd5: {  	v1 =	vld [tilespmem:s16+$0x100]  }
0xd6: {  	(erf) = vpow2.f32 v2;
	v2 =	vld [tilespmem:s16+$0x900]  }
0xd7: {  	vm15 =	vgt.f32 v5, $0.0e+00  }
0xd8: {  	s13 =	simm.s32 $0x100;
	v4 =	vsel vm15, v5, v3;
	v3 =	vpop (erf)  }
.LBB2_10:
0xd9: {  	s3 =	sshra.s32 s13, $0x2  }
0xda: {  	v4 =	vmul.f32 $1.442695020e+00, v4;
	[tilespmem:s14+$0x1100] =	vst v3;
	s14 =	smov.u32 s15;
	s15 =	smov.u32 s10;
	p0 =	sne.s32 s13, $0x1FC0  }
.Ltmp4:
0xdb: {  	s13 =	sadd.s32 $0x40, s13;
	v3 =	vadd.f32 v2, v1;
	v1 =	vld [tilespmem:s3+$0x100];
	(pc) =	sbr.rel @p0 .LBB2_10-.Ltmp4, $4  }
0xdc: {  	s10 =	smov.u32 s16;
	s16 =	smov.u32 s3;
	v2 =	vld [tilespmem:s3+$0x900];
	(erf) = vpow2.f32 v4  }
0xdd: {  	v4 =	vmul.f32 $2.000000030e-01, v3  }
0xde: {  	vm0 =	vgt.f32 v3, $0.0e+00  }
0xdf: {  	v4 =	vsel vm0, v3, v4;
	v3 =	vpop (erf)  }
0xe0: {  	_ = 	snop  }
0xe1: {  	v1 =	vadd.f32 v2, v1;
	_ =	sdelay $0x1  }
0xe2: {  	v2 =	vmul.f32 $2.000000030e-01, v1  }
0xe3: {  	vm0 =	vgt.f32 v1, $0.0e+00  }
0xe4: {  	v1 =	vsel vm0, v1, v2;
	v2 =	vmul.f32 $1.442695020e+00, v4  }
0xe5: {  	v1 =	vmul.f32 $1.442695020e+00, v1  }
0xe6: {  	(erf) = vpow2.f32 v2  }
0xe7: {  	(erf) = vpow2.f32 v1;
	_ =	sdelay $0x6  }
0xe8: {  	[tilespmem:s14+$0x1100] =	vst v3;
	v1 =	vpop (erf)  }
0xe9: {  	[tilespmem:s15+$0x1100] =	vst v1;
	v1 =	vpop (erf)  }
0xea: {  	[tilespmem:s10+$0x1100] =	vst v1;
	v1 =	vpop (erf)  }
0xeb: {  	s3 =	simm.s32 $0x0;
	[tilespmem:s16+$0x1100] =	vst v1;
	s16 =	rddreg [dreg:$0x7]  }
0xec: {  	[hbm4b:s16+s3] =	stream.linear.scatter [tilespmem:s20], [sflag:$0x5], $0x800, $0x38;
	[tilespmem:$0x5A00] =	vst v63  }
0xed: {  	_ =	swait.ge [sflag:s21], $0x800  }
0xee: {  	[sflag:s21] =	ssyncset.done $0x0  }
0xef: {  	[sflag:s21] =	ssyncadd.s32 $0xFFFFF800  }
0xf0: {  	[spmem:s2] =	stream.indirect.scatter.add.f32 [tilespmem:s20], [sflag:$0x5], $0x10, s22, s22, $0xb8;
	[tilespmem:$0x5A00] =	vst v63  }
0xf1: {  	_ =	swait.ge [sflag:s21], $0x800  }
0xf2: {  	[sflag:s21] =	ssyncset.done $0x0  }
0xf3: {  	[sflag:s21] =	ssyncadd.s32 $0xFFFFF800  }
0xf4: {  	s17 =	stileid.u32;
	[bflag:$0x0] =	sbarrier.arrive $0xFFFF  }
0xf5: {  	s3 =	sshll.u32 s17, $0x6;
	s18 =	rddreg [dreg:$0x8]  }
0xf6: {  	s3 =	sor.u32 $0x1C05, s3;
	s13 =	rddreg [dreg:$0xe]  }
0xf7: {  	[hbm:s18], [sflag:s3] =	dma.local [spmem:s13], $0x500  }
0xf8: {  	_ =	swait.ge [sflag:s21], $0x500  }
0xf9: {  	s19 =	rddreg [dreg:$0xf]  }
0xfa: {  	s25 =	rddreg [dreg:$0x9];
	s10 =	sadd.s32 $0x1, s19  }
0xfb: {  	p0 =	sne.s32 s10, s25  }
.Ltmp5:
0xfc: {  	_ = 	snop;
	(pc) =	sbr.rel @p0 .LBB2_1-.Ltmp5, $3  }
0xfd: {  	_ =	sdelay $0x1  }
0xfe: {  	[sflag:s21] =	ssyncset.done $0x0  }
0xff: {  	[sflag:s21] =	ssyncadd.s32 $0xFFFFFB00  }
0x100: {  	_ =	sfence.sel $0x180000  }
0x101: {  	[bflag:$0x0] =	sbarrier.arrive $0xFFFF  }
0x102: {  	_ =	strace $0x90000047  }
0x103: {  	s0 =	stileid.u32;
	[bflag:$0x2] =	sbarrier.arrive $0xFFFF  }
0x104: {  	p0 =	sne.s32 s0, $0x0;
	s0 =	rddreg [dreg:$0x3]  }
0x105: {  	s0 =	sadd.s32 @!p0 $0x100000, s0  }
0x106: {  	[sflag:s0] =	ssyncadd.tile.s32 @!p0 $0x1;
	_ =	shalt  }
.Lfunc_end2:
_tile_overlayer_lowered:
.L_overlay_start_2:
0x107: {  	(tag) =	ssettag $0x2  }
0x108: {  	s0 =	rddreg [dreg:$0x0];
	s2 =	stileid.u32  }
0x109: {  	s1 =	rddreg [dreg:$0x1];
	p0 =	sne.s32 s2, $0x0  }
0x10a: {  	s3 =	rddreg [dreg:$0x2];
	[bflag:$0x3] =	sbarrier.arrive $0xFFFF;
	s2 =	simm.s32 @!p0 $0x1C05  }
0x10b: {  	[timem:s3], [sflag:s2] =	dma.local @!p0 [hbm:s0], s1  }
0x10c: {  	s0 =	simm.s32 @!p0 $0x5  }
0x10d: {  	_ =	swait.ge @!p0 [sflag:s0], s1  }
0x10e: {  	s1 =	ssub.s32 @!p0 $0x0, s1;
	[sflag:s0] =	ssyncset.done @!p0 $0x0  }
0x10f: {  	[sflag:s0] =	ssyncadd.s32 @!p0 s1  }
0x110: {  	[bflag:$0x3] =	sbarrier.arrive $0xFFFF  }
0x111: {  	_ =	shalt  }

</sc_bundles>
